<compile_context>
chip_gen: v7x
topology: tpu7x:2x2x1
jax: 0.10.2.dev20260603
libtpu: 0.0.44.dev20260713+nightly
codegen_flags: <defaults>
</compile_context>

<pallas_src>
import dataclasses
import functools

import jax
import jax.numpy as jnp
from jax import lax
from jax.experimental import pallas as pl
from jax.experimental.pallas import tpu as pltpu
from jax.experimental.pallas import tpu_sc as plsc

_NC = 2
_NS = 16
_NW = _NC * _NS


def _sc_params():
    cp = pltpu.CompilerParams()
    if "needs_layout_passes" in pltpu.CompilerParams.__dataclass_fields__:
        cp = dataclasses.replace(cp, needs_layout_passes=False)
    return cp


def _dense_multi(pairs, addend, bias, relu, out_widths):
    N_ = pairs[0][0].shape[0]
    Dout = pairs[0][1].shape[1]
    BN = 1000
    n_in = len(pairs)
    has_add = addend is not None
    has_bias = bias is not None
    n_out = len(out_widths)

    def body(*refs):
        in_refs = refs[:-n_out]
        out_refs = refs[-n_out:]
        acc = None
        for i in range(n_in):
            d = jnp.dot(in_refs[2 * i][...], in_refs[2 * i + 1][...],
                        preferred_element_type=jnp.float32)
            acc = d if acc is None else acc + d
        idx = 2 * n_in
        if has_add:
            acc = acc + in_refs[idx][...]
            idx += 1
        if has_bias:
            acc = acc + in_refs[idx][...]
        if relu:
            acc = jnp.maximum(acc, 0.0)
        off = 0
        for o_ref, w in zip(out_refs, out_widths):
            o_ref[...] = acc[:, off:off + w]
            off += w

    in_specs = []
    args = []
    for (x, w) in pairs:
        kin = x.shape[1]
        in_specs.append(pl.BlockSpec((BN, kin), lambda i: (i, 0)))
        args.append(x)
        in_specs.append(pl.BlockSpec(w.shape, lambda i: (0, 0)))
        args.append(w)
    if has_add:
        in_specs.append(pl.BlockSpec((BN, Dout), lambda i: (i, 0)))
        args.append(addend)
    if has_bias:
        in_specs.append(pl.BlockSpec((1, Dout), lambda i: (0, 0)))
        args.append(bias.reshape(1, -1))
    out_specs = [pl.BlockSpec((BN, w), lambda i: (i, 0)) for w in out_widths]
    out_shape = [jax.ShapeDtypeStruct((N_, w), jnp.float32) for w in out_widths]
    res = pl.pallas_call(
        body,
        grid=(N_ // BN,),
        in_specs=in_specs,
        out_specs=out_specs,
        out_shape=out_shape,
    )(*args)
    return res if n_out > 1 else res[0]


_SEG_C = 40
_SEG_NBUF = 5


def _seg_sum_sc(table0, table1, row, col, w, zeros, edge_split):
    N_, D_ = table0.shape
    C = _SEG_C
    E_ = row.shape[0]
    per_t = E_ // (_NW if edge_split else _NS)
    nch = per_t // C
    assert nch % _SEG_NBUF == 0 and C % 8 == 0
    mesh = plsc.VectorSubcoreMesh(core_axis_name="c", subcore_axis_name="s")

    out_sds = jax.ShapeDtypeStruct((N_, D_), jnp.float32)
    NB = _SEG_NBUF

    @functools.partial(
        pl.kernel, mesh=mesh,
        out_type=(out_sds, out_sds),
        scratch_types=[
            pltpu.VMEM_SHARED((N_, D_), jnp.float32),
        ] + [pltpu.VMEM((C, D_), jnp.float32) for _ in range(NB)]
          + [pltpu.VMEM((C,), jnp.int32) for _ in range(NB)]
          + [pltpu.VMEM((C,), jnp.int32) for _ in range(NB)]
          + [pltpu.VMEM((C,), jnp.float32) for _ in range(NB)]
          + [pltpu.SemaphoreType.DMA for _ in range(3 * NB)],
        compiler_params=_sc_params(),
    )
    def seg(t0_hbm, t1_hbm, row_hbm, col_hbm, w_hbm, z_hbm, o0_hbm, o1_hbm,
            acc, *bufs_sems):
        gbuf = bufs_sems[:NB]
        idxb = bufs_sems[NB:2 * NB]
        cidb = bufs_sems[2 * NB:3 * NB]
        wvb = bufs_sems[3 * NB:4 * NB]
        semg = bufs_sems[4 * NB:5 * NB]
        semi = bufs_sems[5 * NB:6 * NB]
        sems = bufs_sems[6 * NB:]
        cid = lax.axis_index("c")
        sid = lax.axis_index("s")
        wid = sid * _NC + cid
        base = (wid if edge_split else sid) * per_t

        @pl.when(sid == 0)
        def _zero():
            pltpu.sync_copy(z_hbm, acc)

        plsc.subcore_barrier()

        def pipe(table_ref, out_ref):
            def i_start(cc, b):
                off = base + cc * C
                pltpu.async_copy(row_hbm.at[pl.ds(off, C)], idxb[b], semi[b])
                pltpu.async_copy(col_hbm.at[pl.ds(off, C)], cidb[b], semi[b])
                pltpu.async_copy(w_hbm.at[pl.ds(off, C)], wvb[b], semi[b])

            def i_wait(cc, b):
                off = base + cc * C
                pltpu.make_async_copy(
                    row_hbm.at[pl.ds(off, C)], idxb[b], semi[b]).wait()
                pltpu.make_async_copy(
                    col_hbm.at[pl.ds(off, C)], cidb[b], semi[b]).wait()
                pltpu.make_async_copy(
                    w_hbm.at[pl.ds(off, C)], wvb[b], semi[b]).wait()

            def g_start(cc, b):
                pltpu.async_copy(table_ref.at[cidb[b]], gbuf[b], semg[b])

            def g_wait(cc, b):
                pltpu.make_async_copy(
                    table_ref.at[cidb[b]], gbuf[b], semg[b]).wait()

            def s_start(cc, b):
                pltpu.async_copy(gbuf[b], acc.at[idxb[b]], sems[b], add=True)

            def s_wait(cc, b):
                pltpu.make_async_copy(
                    gbuf[b], acc.at[idxb[b]], sems[b]).wait()

            i_start(0, 0)
            i_start(1, 1)
            i_wait(0, 0)
            g_start(0, 0)

            @pl.loop(0, nch, step=NB)
            def _ring(ci):
                for t in range(NB):
                    cc = ci + t
                    b = t
                    b1 = (t + 1) % NB
                    b2 = (t + 2) % NB

                    @pl.when(cc >= 3)
                    def _():
                        s_wait(cc - 3, b2)

                    @pl.when(cc + 2 < nch)
                    def _():
                        i_start(cc + 2, b2)

                    @pl.when(cc + 1 < nch)
                    def _():
                        i_wait(cc + 1, b1)
                        g_start(cc + 1, b1)

                    g_wait(cc, b)
                    buf = gbuf[b]

                    @pl.loop(0, C, unroll=2)
                    def _scale(e):
                        ws = plsc.load_gather(
                            wvb[b], [jnp.full((16,), e, jnp.int32)])
                        for g in range(D_ // 16):
                            sl = pl.ds(16 * g, 16)
                            buf[e, sl] = buf[e, sl] * ws

                    s_start(cc, b)

            s_wait(nch - 3, (nch - 3) % NB)
            s_wait(nch - 2, (nch - 2) % NB)
            s_wait(nch - 1, (nch - 1) % NB)
            plsc.subcore_barrier()

            @pl.when(sid == 0)
            def _writeback():
                pltpu.sync_copy(acc, out_ref)

        @pl.when(cid == 0)
        def _c0():
            pipe(t0_hbm, o0_hbm)

        @pl.when(cid == 1)
        def _c1():
            pipe(t1_hbm, o1_hbm)

    return seg(table0, table1, row, col, w, zeros)


def _edge_head_sc(P, Q, row, col, w2, b2v):
    E_ = row.shape[0]
    H_ = P.shape[1]
    C = 80
    G = C // 16
    per_w = E_ // _NW
    n_chunks = per_w // C
    mesh = plsc.VectorSubcoreMesh(core_axis_name="c", subcore_axis_name="s")

    @functools.partial(
        pl.kernel, mesh=mesh,
        out_type=jax.ShapeDtypeStruct((E_,), jnp.float32),
        scratch_types=[
            pltpu.VMEM((per_w,), jnp.int32),
            pltpu.VMEM((per_w,), jnp.int32),
            pltpu.VMEM((C, H_), jnp.float32),
            pltpu.VMEM((C, H_), jnp.float32),
            pltpu.VMEM((C, H_), jnp.float32),
            pltpu.VMEM((C, H_), jnp.float32),
            pltpu.VMEM((H_,), jnp.float32),
            pltpu.VMEM((16,), jnp.float32),
            pltpu.VMEM((per_w,), jnp.float32),
            pltpu.SemaphoreType.DMA,
            pltpu.SemaphoreType.DMA,
            pltpu.SemaphoreType.DMA,
            pltpu.SemaphoreType.DMA,
        ],
        compiler_params=_sc_params(),
    )
    def head(p_hbm, q_hbm, row_hbm, col_hbm, w2_hbm, b2_hbm, out_hbm,
             ridxs, cidxs, pb0, qb0, pb1, qb1, w2v, b2v_v, obuf,
             semp0, semq0, semp1, semq1):
        wid = lax.axis_index("s") * _NC + lax.axis_index("c")
        base = wid * per_w
        pltpu.sync_copy(row_hbm.at[pl.ds(base, per_w)], ridxs)
        pltpu.sync_copy(col_hbm.at[pl.ds(base, per_w)], cidxs)
        pltpu.sync_copy(w2_hbm, w2v)
        pltpu.sync_copy(b2_hbm, b2v_v)

        bufs = ((pb0, qb0, semp0, semq0), (pb1, qb1, semp1, semq1))

        def start(ci, b):
            pb, qb, sp, sq = bufs[b]
            pltpu.make_async_copy(
                p_hbm.at[ridxs.at[pl.ds(ci * C, C)]], pb, sp).start()
            pltpu.make_async_copy(
                q_hbm.at[cidxs.at[pl.ds(ci * C, C)]], qb, sq).start()

        def wait(ci, b):
            pb, qb, sp, sq = bufs[b]
            pltpu.make_async_copy(
                p_hbm.at[ridxs.at[pl.ds(ci * C, C)]], pb, sp).wait()
            pltpu.make_async_copy(
                q_hbm.at[cidxs.at[pl.ds(ci * C, C)]], qb, sq).wait()

        def compute(ci, b):
            pb, qb, _, _ = bufs[b]
            eids = tuple(lax.iota(jnp.int32, 16) + (16 * g) for g in range(G))
            init = tuple(b2v_v[...] for _ in range(G))

            @pl.loop(0, H_, init_carry=init, unroll=4)
            def _feat(kk, accs):
                kkv = jnp.full((16,), kk, jnp.int32)
                wk = plsc.load_gather(w2v, [kkv])
                out = []
                for g in range(G):
                    pk = plsc.load_gather(pb, [eids[g], kkv])
                    qk = plsc.load_gather(qb, [eids[g], kkv])
                    hv = jnp.maximum(pk + qk, 0.0)
                    out.append(accs[g] + hv * wk)
                return tuple(out)

            accs = _feat
            for g in range(G):
                s = accs[g]
                obuf[pl.ds(ci * C + 16 * g, 16)] = 1.0 / (1.0 + jnp.exp(-s))

        start(0, 0)

        @pl.loop(0, n_chunks - 1, step=2)
        def _pair(ci):
            start(ci + 1, 1)
            wait(ci, 0)
            compute(ci, 0)

            @pl.when(ci + 2 < n_chunks)
            def _():
                start(ci + 2, 0)

            wait(ci + 1, 1)
            compute(ci + 1, 1)

        wait(n_chunks - 1, 0)
        compute(n_chunks - 1, 0)
        pltpu.sync_copy(obuf, out_hbm.at[pl.ds(base, per_w)])

    return head(P, Q, row, col, w2, b2v)


def _edge_head_tc(PR, QC, w2row, b2):
    E_, H_ = PR.shape
    BE = 512

    def body(pr_ref, qc_ref, w2_ref, b2_ref, o_ref):
        h = jnp.maximum(pr_ref[...] + qc_ref[...], 0.0)
        s = jnp.sum(h * w2_ref[...], axis=1) + b2_ref[0, 0]
        o_ref[...] = jax.nn.sigmoid(s)

    return pl.pallas_call(
        body,
        grid=(E_ // BE,),
        in_specs=[
            pl.BlockSpec((BE, H_), lambda i: (i, 0)),
            pl.BlockSpec((BE, H_), lambda i: (i, 0)),
            pl.BlockSpec((1, H_), lambda i: (0, 0)),
            pl.BlockSpec((1, 1), lambda i: (0, 0)),
        ],
        out_specs=pl.BlockSpec((BE,), lambda i: (i,)),
        out_shape=jax.ShapeDtypeStruct((E_,), jnp.float32),
    )(PR, QC, w2row, b2.reshape(1, 1))


def kernel(X, edge_index, edge_weight,
           pass_W1, pass_b1, self_W1, self_b1,
           pass_W2, pass_b2, self_W2, self_b2,
           lin_W1, lin_b1, lin_W2, lin_b2):
    N_ = X.shape[0]
    H_ = pass_W1.shape[1]
    row = edge_index[0]
    col = edge_index[1]
    zeros = jnp.zeros((N_, 128), jnp.float32)

    msgs1 = edge_weight[:, None] * jnp.take(X, col, axis=0)
    agg1 = jax.ops.segment_sum(msgs1, row, num_segments=N_)
    X1a, X1b = _dense_multi([(agg1, pass_W1), (X, self_W1)], None,
                            pass_b1 + self_b1, True, [128, 128])

    h0, h1 = _seg_sum_sc(X1a, X1b, row, col, edge_weight, zeros,
                         edge_split=False)
    pre2 = _dense_multi([(X1a, self_W2[:128]), (X1b, self_W2[128:])], None,
                        pass_b2 + self_b2, False, [H_])
    X2a, X2b = _dense_multi([(h0, pass_W2[:128]), (h1, pass_W2[128:])], pre2,
                            None, True, [128, 128])

    W_pq = jnp.concatenate([lin_W1[:H_], lin_W1[H_:]], axis=1)
    b_pq = jnp.concatenate([lin_b1, jnp.zeros_like(lin_b1)])
    P, Q = _dense_multi([(X2a, W_pq[:128]), (X2b, W_pq[128:])], None, b_pq,
                        False, [H_, H_])

    PR = jnp.take(P, row, axis=0)
    QC = jnp.take(Q, col, axis=0)
    return _edge_head_tc(PR, QC, lin_W2[:, 0].reshape(1, -1), lin_b2[0])

# --- scband reference (transcript-rebuilt; emitter-appended) ---
"""Pipeline reference for scband-gcnedge-56152402428474 (READ-ONLY COPY).

The authoritative reference and input builder live on the scoring server;
editing this copy changes nothing except your own understanding.
"""

import jax, jax.numpy as jnp
import numpy as np

N = 10000
E = 320000
D = 128
H = 256
L = 256


def setup_inputs(seed: int = 0) -> dict:
    key = jax.random.key(seed)
    ks = jax.random.split(key, 20)
    X = jax.random.normal(ks[0], (N, D), dtype=jnp.float32)
    edge_index = jax.random.randint(ks[1], (2, E), 0, N, dtype=jnp.int32)
    edge_weight = jax.random.uniform(ks[2], (E,), dtype=jnp.float32)
    def lin(k, fan_in, fan_out):
        kw, kb = jax.random.split(k)
        bound = 1.0 / np.sqrt(fan_in)
        W = jax.random.uniform(kw, (fan_in, fan_out), minval=-bound, maxval=bound, dtype=jnp.float32)
        b = jax.random.uniform(kb, (fan_out,), minval=-bound, maxval=bound, dtype=jnp.float32)
        return W, b
    pass_W1, pass_b1 = lin(ks[3], D, H)
    self_W1, self_b1 = lin(ks[4], D, H)
    pass_W2, pass_b2 = lin(ks[5], H, H)
    self_W2, self_b2 = lin(ks[6], H, H)
    lin_W1, lin_b1 = lin(ks[7], 2 * H, L)
    lin_W2, lin_b2 = lin(ks[8], L, 1)
    return {
        "X": X, "edge_index": edge_index, "edge_weight": edge_weight,
        "pass_W1": pass_W1, "pass_b1": pass_b1, "self_W1": self_W1, "self_b1": self_b1,
        "pass_W2": pass_W2, "pass_b2": pass_b2, "self_W2": self_W2, "self_b2": self_b2,
        "lin_W1": lin_W1, "lin_b1": lin_b1, "lin_W2": lin_W2, "lin_b2": lin_b2,
    }


def reference(X, edge_index, edge_weight,
              pass_W1, pass_b1, self_W1, self_b1,
              pass_W2, pass_b2, self_W2, self_b2,
              lin_W1, lin_b1, lin_W2, lin_b2):
    row = edge_index[0]
    col = edge_index[1]

    def gcn_conv(Xc, pW, pb, sW, sb):
        # torch.sparse.mm(A, X): out[i] = sum_{edges (i,j)} A[i,j] * X[j]
        msgs = edge_weight[:, None] * jnp.take(Xc, col, axis=0)
        agg = jax.ops.segment_sum(msgs, row, num_segments=N)
        return agg @ pW + pb + Xc @ sW + sb

    X1 = jax.nn.relu(gcn_conv(X, pass_W1, pass_b1, self_W1, self_b1))
    X2 = jax.nn.relu(gcn_conv(X1, pass_W2, pass_b2, self_W2, self_b2))
    SX = jnp.concatenate([jnp.take(X2, row, axis=0), jnp.take(X2, col, axis=0)], axis=-1)
    SX = jax.nn.relu(SX @ lin_W1 + lin_b1)
    SX = SX @ lin_W2 + lin_b2
    return jax.nn.sigmoid(SX)[:, 0]

if __name__ == "__main__":
    import jax
    _d = setup_inputs()
    print(jax.jit(kernel)(*tuple(_d.values())))

</pallas_src>

<mosaic_0001>
#map = affine_map<(d0, d1) -> (0, 0)>
#map1 = affine_map<(d0, d1) -> (0)>
module attributes {stable_mosaic.version = 14 : i64} {
  func.func @seg(%arg0: i32, %arg1: i32, %arg2: memref<10000x128xf32, #tpu.memory_space<hbm>>, %arg3: memref<10000x128xf32, #tpu.memory_space<hbm>>, %arg4: memref<320000xi32, #tpu.memory_space<hbm>>, %arg5: memref<320000xi32, #tpu.memory_space<hbm>>, %arg6: memref<320000xf32, #tpu.memory_space<hbm>>, %arg7: memref<10000x128xf32, #tpu.memory_space<hbm>>, %arg8: memref<10000x128xf32, #tpu.memory_space<hbm>>, %arg9: memref<10000x128xf32, #tpu.memory_space<hbm>>, %arg10: memref<10000x128xf32, #tpu.memory_space<vmem_shared>>, %arg11: memref<40x128xf32, #tpu.memory_space<vmem>>, %arg12: memref<40x128xf32, #tpu.memory_space<vmem>>, %arg13: memref<40x128xf32, #tpu.memory_space<vmem>>, %arg14: memref<40x128xf32, #tpu.memory_space<vmem>>, %arg15: memref<40x128xf32, #tpu.memory_space<vmem>>, %arg16: memref<40xi32, #tpu.memory_space<vmem>>, %arg17: memref<40xi32, #tpu.memory_space<vmem>>, %arg18: memref<40xi32, #tpu.memory_space<vmem>>, %arg19: memref<40xi32, #tpu.memory_space<vmem>>, %arg20: memref<40xi32, #tpu.memory_space<vmem>>, %arg21: memref<40xi32, #tpu.memory_space<vmem>>, %arg22: memref<40xi32, #tpu.memory_space<vmem>>, %arg23: memref<40xi32, #tpu.memory_space<vmem>>, %arg24: memref<40xi32, #tpu.memory_space<vmem>>, %arg25: memref<40xi32, #tpu.memory_space<vmem>>, %arg26: memref<40xf32, #tpu.memory_space<vmem>>, %arg27: memref<40xf32, #tpu.memory_space<vmem>>, %arg28: memref<40xf32, #tpu.memory_space<vmem>>, %arg29: memref<40xf32, #tpu.memory_space<vmem>>, %arg30: memref<40xf32, #tpu.memory_space<vmem>>, %arg31: memref<!tpu.dma_semaphore, #tpu.memory_space<semaphore_mem>>, %arg32: memref<!tpu.dma_semaphore, #tpu.memory_space<semaphore_mem>>, %arg33: memref<!tpu.dma_semaphore, #tpu.memory_space<semaphore_mem>>, %arg34: memref<!tpu.dma_semaphore, #tpu.memory_space<semaphore_mem>>, %arg35: memref<!tpu.dma_semaphore, #tpu.memory_space<semaphore_mem>>, %arg36: memref<!tpu.dma_semaphore, #tpu.memory_space<semaphore_mem>>, %arg37: memref<!tpu.dma_semaphore, #tpu.memory_space<semaphore_mem>>, %arg38: memref<!tpu.dma_semaphore, #tpu.memory_space<semaphore_mem>>, %arg39: memref<!tpu.dma_semaphore, #tpu.memory_space<semaphore_mem>>, %arg40: memref<!tpu.dma_semaphore, #tpu.memory_space<semaphore_mem>>, %arg41: memref<!tpu.dma_semaphore, #tpu.memory_space<semaphore_mem>>, %arg42: memref<!tpu.dma_semaphore, #tpu.memory_space<semaphore_mem>>, %arg43: memref<!tpu.dma_semaphore, #tpu.memory_space<semaphore_mem>>, %arg44: memref<!tpu.dma_semaphore, #tpu.memory_space<semaphore_mem>>, %arg45: memref<!tpu.dma_semaphore, #tpu.memory_space<semaphore_mem>>) attributes {dimension_semantics = [#tpu.dimension_semantics<core_parallel>, #tpu.dimension_semantics<subcore_parallel>], iteration_bounds = array<i64: 2, 16>, scalar_prefetch = 0 : i64, scratch_operands = 36 : i64, tpu.core_type = #tpu.core_type<sc_vector_subcore>, window_params = [{transform_indices = #map}, {transform_indices = #map}, {transform_indices = #map1}, {transform_indices = #map1}, {transform_indices = #map1}, {transform_indices = #map}, {transform_indices = #map}, {transform_indices = #map}]} {
    %mul3A = arith.constant 2 : i32
    %mul3A_0 = arith.muli %arg1, %mul3A : i32
    %add3A = arith.addi %mul3A_0, %arg0 : i32
    %mul3A_1 = arith.constant 20000 : i32
    %mul3A_2 = arith.muli %arg1, %mul3A_1 : i32
    %eq3A = arith.constant 0 : i32
    %eq3A_3 = arith.cmpi eq, %arg1, %eq3A : i32
    %convert_element_type3A = arith.extui %eq3A_3 : i1 to i32
    %cond3A = arith.constant 0 : i32
    %cond3A_4 = arith.cmpi ne, %convert_element_type3A, %cond3A : i32
    scf.if %cond3A_4 {
      "tpu.region"() ({
        %run_scoped3A = tpu.sem_alloc : memref<!tpu.dma_semaphore, #tpu.memory_space<semaphore_mem>>
        tpu.enqueue_dma source(%arg7 : memref<10000x128xf32, #tpu.memory_space<hbm>>) target(%arg10 : memref<10000x128xf32, #tpu.memory_space<vmem_shared>>) target_semaphore(%run_scoped3A : memref<!tpu.dma_semaphore, #tpu.memory_space<semaphore_mem>>)
        tpu.wait_dma2 semaphore(%run_scoped3A : memref<!tpu.dma_semaphore, #tpu.memory_space<semaphore_mem>>) src(%arg7 : memref<10000x128xf32, #tpu.memory_space<hbm>>) dst(%arg10 : memref<10000x128xf32, #tpu.memory_space<vmem_shared>>)
        tpu.yield
      }) : () -> ()
    } else {
    }
    %barrier3A = arith.constant 0 : index
    tpu.barrier barrier_id(%barrier3A)
    %eq3A_5 = arith.constant 0 : i32
    %eq3A_6 = arith.cmpi eq, %arg0, %eq3A_5 : i32
    %convert_element_type3A_7 = arith.extui %eq3A_6 : i1 to i32
    %cond3A_8 = arith.constant 0 : i32
    %cond3A_9 = arith.cmpi ne, %convert_element_type3A_7, %cond3A_8 : i32
    scf.if %cond3A_9 {
      %add3A_15 = arith.constant 0 : i32
      %add3A_16 = arith.addi %mul3A_2, %add3A_15 : i32
      %dma_start3A = tpu.memref_slice %arg4[%add3A_16] : memref<320000xi32, #tpu.memory_space<hbm>> -> memref<40xi32, #tpu.memory_space<hbm>>
      %dma_start3A_17 = tpu.memref_slice %arg4[%add3A_16] : memref<320000xi32, #tpu.memory_space<hbm>> -> memref<40xi32, #tpu.memory_space<hbm>>
      tpu.enqueue_dma source(%dma_start3A_17 : memref<40xi32, #tpu.memory_space<hbm>>) target(%arg16 : memref<40xi32, #tpu.memory_space<vmem>>) target_semaphore(%arg36 : memref<!tpu.dma_semaphore, #tpu.memory_space<semaphore_mem>>)
      %dma_start3A_18 = tpu.memref_slice %arg5[%add3A_16] : memref<320000xi32, #tpu.memory_space<hbm>> -> memref<40xi32, #tpu.memory_space<hbm>>
      %dma_start3A_19 = tpu.memref_slice %arg5[%add3A_16] : memref<320000xi32, #tpu.memory_space<hbm>> -> memref<40xi32, #tpu.memory_space<hbm>>
      tpu.enqueue_dma source(%dma_start3A_19 : memref<40xi32, #tpu.memory_space<hbm>>) target(%arg21 : memref<40xi32, #tpu.memory_space<vmem>>) target_semaphore(%arg36 : memref<!tpu.dma_semaphore, #tpu.memory_space<semaphore_mem>>)
      %dma_start3A_20 = tpu.memref_slice %arg6[%add3A_16] : memref<320000xf32, #tpu.memory_space<hbm>> -> memref<40xf32, #tpu.memory_space<hbm>>
      %dma_start3A_21 = tpu.memref_slice %arg6[%add3A_16] : memref<320000xf32, #tpu.memory_space<hbm>> -> memref<40xf32, #tpu.memory_space<hbm>>
      tpu.enqueue_dma source(%dma_start3A_21 : memref<40xf32, #tpu.memory_space<hbm>>) target(%arg26 : memref<40xf32, #tpu.memory_space<vmem>>) target_semaphore(%arg36 : memref<!tpu.dma_semaphore, #tpu.memory_space<semaphore_mem>>)
      %add3A_22 = arith.constant 40 : i32
      %add3A_23 = arith.addi %mul3A_2, %add3A_22 : i32
      %dma_start3A_24 = tpu.memref_slice %arg4[%add3A_23] : memref<320000xi32, #tpu.memory_space<hbm>> -> memref<40xi32, #tpu.memory_space<hbm>>
      %dma_start3A_25 = tpu.memref_slice %arg4[%add3A_23] : memref<320000xi32, #tpu.memory_space<hbm>> -> memref<40xi32, #tpu.memory_space<hbm>>
      tpu.enqueue_dma source(%dma_start3A_25 : memref<40xi32, #tpu.memory_space<hbm>>) target(%arg17 : memref<40xi32, #tpu.memory_space<vmem>>) target_semaphore(%arg37 : memref<!tpu.dma_semaphore, #tpu.memory_space<semaphore_mem>>)
      %dma_start3A_26 = tpu.memref_slice %arg5[%add3A_23] : memref<320000xi32, #tpu.memory_space<hbm>> -> memref<40xi32, #tpu.memory_space<hbm>>
      %dma_start3A_27 = tpu.memref_slice %arg5[%add3A_23] : memref<320000xi32, #tpu.memory_space<hbm>> -> memref<40xi32, #tpu.memory_space<hbm>>
      tpu.enqueue_dma source(%dma_start3A_27 : memref<40xi32, #tpu.memory_space<hbm>>) target(%arg22 : memref<40xi32, #tpu.memory_space<vmem>>) target_semaphore(%arg37 : memref<!tpu.dma_semaphore, #tpu.memory_space<semaphore_mem>>)
      %dma_start3A_28 = tpu.memref_slice %arg6[%add3A_23] : memref<320000xf32, #tpu.memory_space<hbm>> -> memref<40xf32, #tpu.memory_space<hbm>>
      %dma_start3A_29 = tpu.memref_slice %arg6[%add3A_23] : memref<320000xf32, #tpu.memory_space<hbm>> -> memref<40xf32, #tpu.memory_space<hbm>>
      tpu.enqueue_dma source(%dma_start3A_29 : memref<40xf32, #tpu.memory_space<hbm>>) target(%arg27 : memref<40xf32, #tpu.memory_space<vmem>>) target_semaphore(%arg37 : memref<!tpu.dma_semaphore, #tpu.memory_space<semaphore_mem>>)
      %add3A_30 = arith.constant 0 : i32
      %add3A_31 = arith.addi %mul3A_2, %add3A_30 : i32
      %dma_wait3A = tpu.memref_slice %arg4[%add3A_31] : memref<320000xi32, #tpu.memory_space<hbm>> -> memref<40xi32, #tpu.memory_space<hbm>>
      %dma_wait3A_32 = tpu.memref_slice %arg4[%add3A_31] : memref<320000xi32, #tpu.memory_space<hbm>> -> memref<40xi32, #tpu.memory_space<hbm>>
      tpu.wait_dma2 semaphore(%arg36 : memref<!tpu.dma_semaphore, #tpu.memory_space<semaphore_mem>>) src(%dma_wait3A_32 : memref<40xi32, #tpu.memory_space<hbm>>) dst(%arg16 : memref<40xi32, #tpu.memory_space<vmem>>)
      %dma_wait3A_33 = tpu.memref_slice %arg5[%add3A_31] : memref<320000xi32, #tpu.memory_space<hbm>> -> memref<40xi32, #tpu.memory_space<hbm>>
      %dma_wait3A_34 = tpu.memref_slice %arg5[%add3A_31] : memref<320000xi32, #tpu.memory_space<hbm>> -> memref<40xi32, #tpu.memory_space<hbm>>
      tpu.wait_dma2 semaphore(%arg36 : memref<!tpu.dma_semaphore, #tpu.memory_space<semaphore_mem>>) src(%dma_wait3A_34 : memref<40xi32, #tpu.memory_space<hbm>>) dst(%arg21 : memref<40xi32, #tpu.memory_space<vmem>>)
      %dma_wait3A_35 = tpu.memref_slice %arg6[%add3A_31] : memref<320000xf32, #tpu.memory_space<hbm>> -> memref<40xf32, #tpu.memory_space<hbm>>
      %dma_wait3A_36 = tpu.memref_slice %arg6[%add3A_31] : memref<320000xf32, #tpu.memory_space<hbm>> -> memref<40xf32, #tpu.memory_space<hbm>>
      tpu.wait_dma2 semaphore(%arg36 : memref<!tpu.dma_semaphore, #tpu.memory_space<semaphore_mem>>) src(%dma_wait3A_36 : memref<40xf32, #tpu.memory_space<hbm>>) dst(%arg26 : memref<40xf32, #tpu.memory_space<vmem>>)
      %dma_start3A_37 = arith.constant 0 : i32
      %dma_start3A_38 = arith.constant 0 : i32
      %dma_start3A_39 = tpu.memref_slice %arg2[%dma_start3A_37, %dma_start3A_38] : memref<10000x128xf32, #tpu.memory_space<hbm>> -> memref<10000x128xf32, #tpu.memory_space<hbm>>
      tpu.enqueue_indirect_dma source(%dma_start3A_39 : memref<10000x128xf32, #tpu.memory_space<hbm>>) target(%arg11 : memref<40x128xf32, #tpu.memory_space<vmem>>) offsets(%arg21 : memref<40xi32, #tpu.memory_space<vmem>>) semaphore(%arg31 : memref<!tpu.dma_semaphore, #tpu.memory_space<semaphore_mem>>)
      %scan3A = arith.constant 0 : i32
      %scan3A_40 = arith.constant 100 : i32
      %scan3A_41 = arith.addi %scan3A, %scan3A_40 : i32
      %scan3A_42 = arith.constant 1 : i32
      scf.for %scan3A_59 = %scan3A to %scan3A_41 step %scan3A_42  : i32 {
        %mul3A_60 = arith.constant 5 : i32
        %mul3A_61 = arith.muli %scan3A_59, %mul3A_60 : i32
        %add3A_62 = arith.constant 0 : i32
        %add3A_63 = arith.addi %add3A_62, %mul3A_61 : i32
        %add3A_64 = arith.constant 0 : i32
        %add3A_65 = arith.addi %add3A_63, %add3A_64 : i32
        %ge3A = arith.constant 3 : i32
        %ge3A_66 = arith.cmpi sge, %add3A_65, %ge3A : i32
        %convert_element_type3A_67 = arith.extui %ge3A_66 : i1 to i32
        %cond3A_68 = arith.constant 0 : i32
        %cond3A_69 = arith.cmpi ne, %convert_element_type3A_67, %cond3A_68 : i32
        scf.if %cond3A_69 {
          %sub3A = arith.constant 3 : i32
          %sub3A_222 = arith.subi %add3A_65, %sub3A : i32
          %dma_wait3A_223 = arith.constant 0 : i32
          %dma_wait3A_224 = arith.constant 0 : i32
          %dma_wait3A_225 = tpu.memref_slice %arg10[%dma_wait3A_223, %dma_wait3A_224] : memref<10000x128xf32, #tpu.memory_space<vmem_shared>> -> memref<10000x128xf32, #tpu.memory_space<vmem_shared>>
          tpu.wait_indirect_dma semaphore(%arg43 : memref<!tpu.dma_semaphore, #tpu.memory_space<semaphore_mem>>) src(%arg13 : memref<40x128xf32, #tpu.memory_space<vmem>>) dst(%dma_wait3A_225 : memref<10000x128xf32, #tpu.memory_space<vmem_shared>>)
        } else {
        }
        %add3A_70 = arith.constant 2 : i32
        %add3A_71 = arith.addi %add3A_65, %add3A_70 : i32
        %lt3A = arith.constant 500 : i32
        %lt3A_72 = arith.cmpi slt, %add3A_71, %lt3A : i32
        %convert_element_type3A_73 = arith.extui %lt3A_72 : i1 to i32
        %cond3A_74 = arith.constant 0 : i32
        %cond3A_75 = arith.cmpi ne, %convert_element_type3A_73, %cond3A_74 : i32
        scf.if %cond3A_75 {
          %add3A_222 = arith.constant 2 : i32
          %add3A_223 = arith.addi %add3A_65, %add3A_222 : i32
          %mul3A_224 = arith.constant 40 : i32
          %mul3A_225 = arith.muli %add3A_223, %mul3A_224 : i32
          %add3A_226 = arith.addi %mul3A_2, %mul3A_225 : i32
          %dma_start3A_227 = tpu.memref_slice %arg4[%add3A_226] : memref<320000xi32, #tpu.memory_space<hbm>> -> memref<40xi32, #tpu.memory_space<hbm>>
          %dma_start3A_228 = tpu.memref_slice %arg4[%add3A_226] : memref<320000xi32, #tpu.memory_space<hbm>> -> memref<40xi32, #tpu.memory_space<hbm>>
          tpu.enqueue_dma source(%dma_start3A_228 : memref<40xi32, #tpu.memory_space<hbm>>) target(%arg18 : memref<40xi32, #tpu.memory_space<vmem>>) target_semaphore(%arg38 : memref<!tpu.dma_semaphore, #tpu.memory_space<semaphore_mem>>)
          %dma_start3A_229 = tpu.memref_slice %arg5[%add3A_226] : memref<320000xi32, #tpu.memory_space<hbm>> -> memref<40xi32, #tpu.memory_space<hbm>>
          %dma_start3A_230 = tpu.memref_slice %arg5[%add3A_226] : memref<320000xi32, #tpu.memory_space<hbm>> -> memref<40xi32, #tpu.memory_space<hbm>>
          tpu.enqueue_dma source(%dma_start3A_230 : memref<40xi32, #tpu.memory_space<hbm>>) target(%arg23 : memref<40xi32, #tpu.memory_space<vmem>>) target_semaphore(%arg38 : memref<!tpu.dma_semaphore, #tpu.memory_space<semaphore_mem>>)
          %dma_start3A_231 = tpu.memref_slice %arg6[%add3A_226] : memref<320000xf32, #tpu.memory_space<hbm>> -> memref<40xf32, #tpu.memory_space<hbm>>
          %dma_start3A_232 = tpu.memref_slice %arg6[%add3A_226] : memref<320000xf32, #tpu.memory_space<hbm>> -> memref<40xf32, #tpu.memory_space<hbm>>
          tpu.enqueue_dma source(%dma_start3A_232 : memref<40xf32, #tpu.memory_space<hbm>>) target(%arg28 : memref<40xf32, #tpu.memory_space<vmem>>) target_semaphore(%arg38 : memref<!tpu.dma_semaphore, #tpu.memory_space<semaphore_mem>>)
        } else {
        }
        %add3A_76 = arith.constant 1 : i32
        %add3A_77 = arith.addi %add3A_65, %add3A_76 : i32
        %lt3A_78 = arith.constant 500 : i32
        %lt3A_79 = arith.cmpi slt, %add3A_77, %lt3A_78 : i32
        %convert_element_type3A_80 = arith.extui %lt3A_79 : i1 to i32
        %cond3A_81 = arith.constant 0 : i32
        %cond3A_82 = arith.cmpi ne, %convert_element_type3A_80, %cond3A_81 : i32
        scf.if %cond3A_82 {
          %add3A_222 = arith.constant 1 : i32
          %add3A_223 = arith.addi %add3A_65, %add3A_222 : i32
          %mul3A_224 = arith.constant 40 : i32
          %mul3A_225 = arith.muli %add3A_223, %mul3A_224 : i32
          %add3A_226 = arith.addi %mul3A_2, %mul3A_225 : i32
          %dma_wait3A_227 = tpu.memref_slice %arg4[%add3A_226] : memref<320000xi32, #tpu.memory_space<hbm>> -> memref<40xi32, #tpu.memory_space<hbm>>
          %dma_wait3A_228 = tpu.memref_slice %arg4[%add3A_226] : memref<320000xi32, #tpu.memory_space<hbm>> -> memref<40xi32, #tpu.memory_space<hbm>>
          tpu.wait_dma2 semaphore(%arg37 : memref<!tpu.dma_semaphore, #tpu.memory_space<semaphore_mem>>) src(%dma_wait3A_228 : memref<40xi32, #tpu.memory_space<hbm>>) dst(%arg17 : memref<40xi32, #tpu.memory_space<vmem>>)
          %dma_wait3A_229 = tpu.memref_slice %arg5[%add3A_226] : memref<320000xi32, #tpu.memory_space<hbm>> -> memref<40xi32, #tpu.memory_space<hbm>>
          %dma_wait3A_230 = tpu.memref_slice %arg5[%add3A_226] : memref<320000xi32, #tpu.memory_space<hbm>> -> memref<40xi32, #tpu.memory_space<hbm>>
          tpu.wait_dma2 semaphore(%arg37 : memref<!tpu.dma_semaphore, #tpu.memory_space<semaphore_mem>>) src(%dma_wait3A_230 : memref<40xi32, #tpu.memory_space<hbm>>) dst(%arg22 : memref<40xi32, #tpu.memory_space<vmem>>)
          %dma_wait3A_231 = tpu.memref_slice %arg6[%add3A_226] : memref<320000xf32, #tpu.memory_space<hbm>> -> memref<40xf32, #tpu.memory_space<hbm>>
          %dma_wait3A_232 = tpu.memref_slice %arg6[%add3A_226] : memref<320000xf32, #tpu.memory_space<hbm>> -> memref<40xf32, #tpu.memory_space<hbm>>
          tpu.wait_dma2 semaphore(%arg37 : memref<!tpu.dma_semaphore, #tpu.memory_space<semaphore_mem>>) src(%dma_wait3A_232 : memref<40xf32, #tpu.memory_space<hbm>>) dst(%arg27 : memref<40xf32, #tpu.memory_space<vmem>>)
          %add3A_233 = arith.constant 1 : i32
          %add3A_234 = arith.addi %add3A_65, %add3A_233 : i32
          %dma_start3A_235 = arith.constant 0 : i32
          %dma_start3A_236 = arith.constant 0 : i32
          %dma_start3A_237 = tpu.memref_slice %arg2[%dma_start3A_235, %dma_start3A_236] : memref<10000x128xf32, #tpu.memory_space<hbm>> -> memref<10000x128xf32, #tpu.memory_space<hbm>>
          tpu.enqueue_indirect_dma source(%dma_start3A_237 : memref<10000x128xf32, #tpu.memory_space<hbm>>) target(%arg12 : memref<40x128xf32, #tpu.memory_space<vmem>>) offsets(%arg22 : memref<40xi32, #tpu.memory_space<vmem>>) semaphore(%arg32 : memref<!tpu.dma_semaphore, #tpu.memory_space<semaphore_mem>>)
        } else {
        }
        %dma_wait3A_83 = arith.constant 0 : i32
        %dma_wait3A_84 = arith.constant 0 : i32
        %dma_wait3A_85 = tpu.memref_slice %arg2[%dma_wait3A_83, %dma_wait3A_84] : memref<10000x128xf32, #tpu.memory_space<hbm>> -> memref<10000x128xf32, #tpu.memory_space<hbm>>
        tpu.wait_indirect_dma semaphore(%arg31 : memref<!tpu.dma_semaphore, #tpu.memory_space<semaphore_mem>>) src(%dma_wait3A_85 : memref<10000x128xf32, #tpu.memory_space<hbm>>) dst(%arg11 : memref<40x128xf32, #tpu.memory_space<vmem>>)
        %scan3A_86 = arith.constant 0 : i32
        %scan3A_87 = arith.constant 40 : i32
        %scan3A_88 = arith.addi %scan3A_86, %scan3A_87 : i32
        %scan3A_89 = arith.constant 2 : i32
        scf.for %scan3A_222 = %scan3A_86 to %scan3A_88 step %scan3A_89  : i32 {
          %mul3A_223 = arith.constant 1 : i32
          %mul3A_224 = arith.muli %scan3A_222, %mul3A_223 : i32
          %add3A_225 = arith.constant 0 : i32
          %add3A_226 = arith.addi %add3A_225, %mul3A_224 : i32
          %broadcast_in_dim3A = vector.broadcast %add3A_226 : i32 to vector<16xi32>
          %gather3A = tpu.vector_load_idx %arg26[%broadcast_in_dim3A] : memref<40xf32, #tpu.memory_space<vmem>>[vector<16xi32>], vector<16xf32>,
          %get3A = arith.index_cast %add3A_226 : i32 to index
          %get3A_227 = arith.constant 0 : index
          %get3A_228 = tpu.vector_load %arg11[%get3A, %get3A_227] {strides = array<i32>} : memref<40x128xf32, #tpu.memory_space<vmem>>, vector<16xf32>,
          %mul3A_229 = arith.mulf %get3A_228, %gather3A : vector<16xf32>
          %swap3A = arith.index_cast %add3A_226 : i32 to index
          %swap3A_230 = arith.constant 0 : index
          %swap3A_231 = tpu.vector_load %arg11[%swap3A, %swap3A_230] {strides = array<i32>} : memref<40x128xf32, #tpu.memory_space<vmem>>, vector<16xf32>,
          tpu.vector_store %arg11[%swap3A, %swap3A_230], %mul3A_229 {strides = array<i32>} : memref<40x128xf32, #tpu.memory_space<vmem>>, vector<16xf32>,
          %get3A_232 = arith.index_cast %add3A_226 : i32 to index
          %get3A_233 = arith.constant 16 : index
          %get3A_234 = tpu.vector_load %arg11[%get3A_232, %get3A_233] {strides = array<i32>} : memref<40x128xf32, #tpu.memory_space<vmem>>, vector<16xf32>,
          %mul3A_235 = arith.mulf %get3A_234, %gather3A : vector<16xf32>
          %swap3A_236 = arith.index_cast %add3A_226 : i32 to index
          %swap3A_237 = arith.constant 16 : index
          %swap3A_238 = tpu.vector_load %arg11[%swap3A_236, %swap3A_237] {strides = array<i32>} : memref<40x128xf32, #tpu.memory_space<vmem>>, vector<16xf32>,
          tpu.vector_store %arg11[%swap3A_236, %swap3A_237], %mul3A_235 {strides = array<i32>} : memref<40x128xf32, #tpu.memory_space<vmem>>, vector<16xf32>,
          %get3A_239 = arith.index_cast %add3A_226 : i32 to index
          %get3A_240 = arith.constant 32 : index
          %get3A_241 = tpu.vector_load %arg11[%get3A_239, %get3A_240] {strides = array<i32>} : memref<40x128xf32, #tpu.memory_space<vmem>>, vector<16xf32>,
          %mul3A_242 = arith.mulf %get3A_241, %gather3A : vector<16xf32>
          %swap3A_243 = arith.index_cast %add3A_226 : i32 to index
          %swap3A_244 = arith.constant 32 : index
          %swap3A_245 = tpu.vector_load %arg11[%swap3A_243, %swap3A_244] {strides = array<i32>} : memref<40x128xf32, #tpu.memory_space<vmem>>, vector<16xf32>,
          tpu.vector_store %arg11[%swap3A_243, %swap3A_244], %mul3A_242 {strides = array<i32>} : memref<40x128xf32, #tpu.memory_space<vmem>>, vector<16xf32>,
          %get3A_246 = arith.index_cast %add3A_226 : i32 to index
          %get3A_247 = arith.constant 48 : index
          %get3A_248 = tpu.vector_load %arg11[%get3A_246, %get3A_247] {strides = array<i32>} : memref<40x128xf32, #tpu.memory_space<vmem>>, vector<16xf32>,
          %mul3A_249 = arith.mulf %get3A_248, %gather3A : vector<16xf32>
          %swap3A_250 = arith.index_cast %add3A_226 : i32 to index
          %swap3A_251 = arith.constant 48 : index
          %swap3A_252 = tpu.vector_load %arg11[%swap3A_250, %swap3A_251] {strides = array<i32>} : memref<40x128xf32, #tpu.memory_space<vmem>>, vector<16xf32>,
          tpu.vector_store %arg11[%swap3A_250, %swap3A_251], %mul3A_249 {strides = array<i32>} : memref<40x128xf32, #tpu.memory_space<vmem>>, vector<16xf32>,
          %get3A_253 = arith.index_cast %add3A_226 : i32 to index
          %get3A_254 = arith.constant 64 : index
          %get3A_255 = tpu.vector_load %arg11[%get3A_253, %get3A_254] {strides = array<i32>} : memref<40x128xf32, #tpu.memory_space<vmem>>, vector<16xf32>,
          %mul3A_256 = arith.mulf %get3A_255, %gather3A : vector<16xf32>
          %swap3A_257 = arith.index_cast %add3A_226 : i32 to index
          %swap3A_258 = arith.constant 64 : index
          %swap3A_259 = tpu.vector_load %arg11[%swap3A_257, %swap3A_258] {strides = array<i32>} : memref<40x128xf32, #tpu.memory_space<vmem>>, vector<16xf32>,
          tpu.vector_store %arg11[%swap3A_257, %swap3A_258], %mul3A_256 {strides = array<i32>} : memref<40x128xf32, #tpu.memory_space<vmem>>, vector<16xf32>,
          %get3A_260 = arith.index_cast %add3A_226 : i32 to index
          %get3A_261 = arith.constant 80 : index
          %get3A_262 = tpu.vector_load %arg11[%get3A_260, %get3A_261] {strides = array<i32>} : memref<40x128xf32, #tpu.memory_space<vmem>>, vector<16xf32>,
          %mul3A_263 = arith.mulf %get3A_262, %gather3A : vector<16xf32>
          %swap3A_264 = arith.index_cast %add3A_226 : i32 to index
          %swap3A_265 = arith.constant 80 : index
          %swap3A_266 = tpu.vector_load %arg11[%swap3A_264, %swap3A_265] {strides = array<i32>} : memref<40x128xf32, #tpu.memory_space<vmem>>, vector<16xf32>,
          tpu.vector_store %arg11[%swap3A_264, %swap3A_265], %mul3A_263 {strides = array<i32>} : memref<40x128xf32, #tpu.memory_space<vmem>>, vector<16xf32>,
          %get3A_267 = arith.index_cast %add3A_226 : i32 to index
          %get3A_268 = arith.constant 96 : index
          %get3A_269 = tpu.vector_load %arg11[%get3A_267, %get3A_268] {strides = array<i32>} : memref<40x128xf32, #tpu.memory_space<vmem>>, vector<16xf32>,
          %mul3A_270 = arith.mulf %get3A_269, %gather3A : vector<16xf32>
          %swap3A_271 = arith.index_cast %add3A_226 : i32 to index
          %swap3A_272 = arith.constant 96 : index
          %swap3A_273 = tpu.vector_load %arg11[%swap3A_271, %swap3A_272] {strides = array<i32>} : memref<40x128xf32, #tpu.memory_space<vmem>>, vector<16xf32>,
          tpu.vector_store %arg11[%swap3A_271, %swap3A_272], %mul3A_270 {strides = array<i32>} : memref<40x128xf32, #tpu.memory_space<vmem>>, vector<16xf32>,
          %get3A_274 = arith.index_cast %add3A_226 : i32 to index
          %get3A_275 = arith.constant 112 : index
          %get3A_276 = tpu.vector_load %arg11[%get3A_274, %get3A_275] {strides = array<i32>} : memref<40x128xf32, #tpu.memory_space<vmem>>, vector<16xf32>,
          %mul3A_277 = arith.mulf %get3A_276, %gather3A : vector<16xf32>
          %swap3A_278 = arith.index_cast %add3A_226 : i32 to index
          %swap3A_279 = arith.constant 112 : index
          %swap3A_280 = tpu.vector_load %arg11[%swap3A_278, %swap3A_279] {strides = array<i32>} : memref<40x128xf32, #tpu.memory_space<vmem>>, vector<16xf32>,
          tpu.vector_store %arg11[%swap3A_278, %swap3A_279], %mul3A_277 {strides = array<i32>} : memref<40x128xf32, #tpu.memory_space<vmem>>, vector<16xf32>,
          %scan3A_281 = arith.constant 1 : i32
          %scan3A_282 = arith.addi %scan3A_222, %scan3A_281 : i32
          %mul3A_283 = arith.constant 1 : i32
          %mul3A_284 = arith.muli %scan3A_282, %mul3A_283 : i32
          %add3A_285 = arith.constant 0 : i32
          %add3A_286 = arith.addi %add3A_285, %mul3A_284 : i32
          %broadcast_in_dim3A_287 = vector.broadcast %add3A_286 : i32 to vector<16xi32>
          %gather3A_288 = tpu.vector_load_idx %arg26[%broadcast_in_dim3A_287] : memref<40xf32, #tpu.memory_space<vmem>>[vector<16xi32>], vector<16xf32>,
          %get3A_289 = arith.index_cast %add3A_286 : i32 to index
          %get3A_290 = arith.constant 0 : index
          %get3A_291 = tpu.vector_load %arg11[%get3A_289, %get3A_290] {strides = array<i32>} : memref<40x128xf32, #tpu.memory_space<vmem>>, vector<16xf32>,
          %mul3A_292 = arith.mulf %get3A_291, %gather3A_288 : vector<16xf32>
          %swap3A_293 = arith.index_cast %add3A_286 : i32 to index
          %swap3A_294 = arith.constant 0 : index
          %swap3A_295 = tpu.vector_load %arg11[%swap3A_293, %swap3A_294] {strides = array<i32>} : memref<40x128xf32, #tpu.memory_space<vmem>>, vector<16xf32>,
          tpu.vector_store %arg11[%swap3A_293, %swap3A_294], %mul3A_292 {strides = array<i32>} : memref<40x128xf32, #tpu.memory_space<vmem>>, vector<16xf32>,
          %get3A_296 = arith.index_cast %add3A_286 : i32 to index
          %get3A_297 = arith.constant 16 : index
          %get3A_298 = tpu.vector_load %arg11[%get3A_296, %get3A_297] {strides = array<i32>} : memref<40x128xf32, #tpu.memory_space<vmem>>, vector<16xf32>,
          %mul3A_299 = arith.mulf %get3A_298, %gather3A_288 : vector<16xf32>
          %swap3A_300 = arith.index_cast %add3A_286 : i32 to index
          %swap3A_301 = arith.constant 16 : index
          %swap3A_302 = tpu.vector_load %arg11[%swap3A_300, %swap3A_301] {strides = array<i32>} : memref<40x128xf32, #tpu.memory_space<vmem>>, vector<16xf32>,
          tpu.vector_store %arg11[%swap3A_300, %swap3A_301], %mul3A_299 {strides = array<i32>} : memref<40x128xf32, #tpu.memory_space<vmem>>, vector<16xf32>,
          %get3A_303 = arith.index_cast %add3A_286 : i32 to index
          %get3A_304 = arith.constant 32 : index
          %get3A_305 = tpu.vector_load %arg11[%get3A_303, %get3A_304] {strides = array<i32>} : memref<40x128xf32, #tpu.memory_space<vmem>>, vector<16xf32>,
          %mul3A_306 = arith.mulf %get3A_305, %gather3A_288 : vector<16xf32>
          %swap3A_307 = arith.index_cast %add3A_286 : i32 to index
          %swap3A_308 = arith.constant 32 : index
          %swap3A_309 = tpu.vector_load %arg11[%swap3A_307, %swap3A_308] {strides = array<i32>} : memref<40x128xf32, #tpu.memory_space<vmem>>, vector<16xf32>,
          tpu.vector_store %arg11[%swap3A_307, %swap3A_308], %mul3A_306 {strides = array<i32>} : memref<40x128xf32, #tpu.memory_space<vmem>>, vector<16xf32>,
          %get3A_310 = arith.index_cast %add3A_286 : i32 to index
          %get3A_311 = arith.constant 48 : index
          %get3A_312 = tpu.vector_load %arg11[%get3A_310, %get3A_311] {strides = array<i32>} : memref<40x128xf32, #tpu.memory_space<vmem>>, vector<16xf32>,
          %mul3A_313 = arith.mulf %get3A_312, %gather3A_288 : vector<16xf32>
          %swap3A_314 = arith.index_cast %add3A_286 : i32 to index
          %swap3A_315 = arith.constant 48 : index
          %swap3A_316 = tpu.vector_load %arg11[%swap3A_314, %swap3A_315] {strides = array<i32>} : memref<40x128xf32, #tpu.memory_space<vmem>>, vector<16xf32>,
          tpu.vector_store %arg11[%swap3A_314, %swap3A_315], %mul3A_313 {strides = array<i32>} : memref<40x128xf32, #tpu.memory_space<vmem>>, vector<16xf32>,
          %get3A_317 = arith.index_cast %add3A_286 : i32 to index
          %get3A_318 = arith.constant 64 : index
          %get3A_319 = tpu.vector_load %arg11[%get3A_317, %get3A_318] {strides = array<i32>} : memref<40x128xf32, #tpu.memory_space<vmem>>, vector<16xf32>,
          %mul3A_320 = arith.mulf %get3A_319, %gather3A_288 : vector<16xf32>
          %swap3A_321 = arith.index_cast %add3A_286 : i32 to index
          %swap3A_322 = arith.constant 64 : index
          %swap3A_323 = tpu.vector_load %arg11[%swap3A_321, %swap3A_322] {strides = array<i32>} : memref<40x128xf32, #tpu.memory_space<vmem>>, vector<16xf32>,
          tpu.vector_store %arg11[%swap3A_321, %swap3A_322], %mul3A_320 {strides = array<i32>} : memref<40x128xf32, #tpu.memory_space<vmem>>, vector<16xf32>,
          %get3A_324 = arith.index_cast %add3A_286 : i32 to index
          %get3A_325 = arith.constant 80 : index
          %get3A_326 = tpu.vector_load %arg11[%get3A_324, %get3A_325] {strides = array<i32>} : memref<40x128xf32, #tpu.memory_space<vmem>>, vector<16xf32>,
          %mul3A_327 = arith.mulf %get3A_326, %gather3A_288 : vector<16xf32>
          %swap3A_328 = arith.index_cast %add3A_286 : i32 to index
          %swap3A_329 = arith.constant 80 : index
          %swap3A_330 = tpu.vector_load %arg11[%swap3A_328, %swap3A_329] {strides = array<i32>} : memref<40x128xf32, #tpu.memory_space<vmem>>, vector<16xf32>,
          tpu.vector_store %arg11[%swap3A_328, %swap3A_329], %mul3A_327 {strides = array<i32>} : memref<40x128xf32, #tpu.memory_space<vmem>>, vector<16xf32>,
          %get3A_331 = arith.index_cast %add3A_286 : i32 to index
          %get3A_332 = arith.constant 96 : index
          %get3A_333 = tpu.vector_load %arg11[%get3A_331, %get3A_332] {strides = array<i32>} : memref<40x128xf32, #tpu.memory_space<vmem>>, vector<16xf32>,
          %mul3A_334 = arith.mulf %get3A_333, %gather3A_288 : vector<16xf32>
          %swap3A_335 = arith.index_cast %add3A_286 : i32 to index
          %swap3A_336 = arith.constant 96 : index
          %swap3A_337 = tpu.vector_load %arg11[%swap3A_335, %swap3A_336] {strides = array<i32>} : memref<40x128xf32, #tpu.memory_space<vmem>>, vector<16xf32>,
          tpu.vector_store %arg11[%swap3A_335, %swap3A_336], %mul3A_334 {strides = array<i32>} : memref<40x128xf32, #tpu.memory_space<vmem>>, vector<16xf32>,
          %get3A_338 = arith.index_cast %add3A_286 : i32 to index
          %get3A_339 = arith.constant 112 : index
          %get3A_340 = tpu.vector_load %arg11[%get3A_338, %get3A_339] {strides = array<i32>} : memref<40x128xf32, #tpu.memory_space<vmem>>, vector<16xf32>,
          %mul3A_341 = arith.mulf %get3A_340, %gather3A_288 : vector<16xf32>
          %swap3A_342 = arith.index_cast %add3A_286 : i32 to index
          %swap3A_343 = arith.constant 112 : index
          %swap3A_344 = tpu.vector_load %arg11[%swap3A_342, %swap3A_343] {strides = array<i32>} : memref<40x128xf32, #tpu.memory_space<vmem>>, vector<16xf32>,
          tpu.vector_store %arg11[%swap3A_342, %swap3A_343], %mul3A_341 {strides = array<i32>} : memref<40x128xf32, #tpu.memory_space<vmem>>, vector<16xf32>,
        }
        %scan3A_90 = arith.constant 40 : i32
        %dma_start3A_91 = arith.constant 0 : i32
        %dma_start3A_92 = arith.constant 0 : i32
        %dma_start3A_93 = tpu.memref_slice %arg10[%dma_start3A_91, %dma_start3A_92] : memref<10000x128xf32, #tpu.memory_space<vmem_shared>> -> memref<10000x128xf32, #tpu.memory_space<vmem_shared>>
        tpu.enqueue_indirect_dma source(%arg11 : memref<40x128xf32, #tpu.memory_space<vmem>>) target(%dma_start3A_93 : memref<10000x128xf32, #tpu.memory_space<vmem_shared>>) offsets(%arg16 : memref<40xi32, #tpu.memory_space<vmem>>) semaphore(%arg41 : memref<!tpu.dma_semaphore, #tpu.memory_space<semaphore_mem>>) {add = true}
        %add3A_94 = arith.constant 1 : i32
        %add3A_95 = arith.addi %add3A_63, %add3A_94 : i32
        %ge3A_96 = arith.constant 3 : i32
        %ge3A_97 = arith.cmpi sge, %add3A_95, %ge3A_96 : i32
        %convert_element_type3A_98 = arith.extui %ge3A_97 : i1 to i32
        %cond3A_99 = arith.constant 0 : i32
        %cond3A_100 = arith.cmpi ne, %convert_element_type3A_98, %cond3A_99 : i32
        scf.if %cond3A_100 {
          %sub3A = arith.constant 3 : i32
          %sub3A_222 = arith.subi %add3A_95, %sub3A : i32
          %dma_wait3A_223 = arith.constant 0 : i32
          %dma_wait3A_224 = arith.constant 0 : i32
          %dma_wait3A_225 = tpu.memref_slice %arg10[%dma_wait3A_223, %dma_wait3A_224] : memref<10000x128xf32, #tpu.memory_space<vmem_shared>> -> memref<10000x128xf32, #tpu.memory_space<vmem_shared>>
          tpu.wait_indirect_dma semaphore(%arg44 : memref<!tpu.dma_semaphore, #tpu.memory_space<semaphore_mem>>) src(%arg14 : memref<40x128xf32, #tpu.memory_space<vmem>>) dst(%dma_wait3A_225 : memref<10000x128xf32, #tpu.memory_space<vmem_shared>>)
        } else {
        }
        %add3A_101 = arith.constant 2 : i32
        %add3A_102 = arith.addi %add3A_95, %add3A_101 : i32
        %lt3A_103 = arith.constant 500 : i32
        %lt3A_104 = arith.cmpi slt, %add3A_102, %lt3A_103 : i32
        %convert_element_type3A_105 = arith.extui %lt3A_104 : i1 to i32
        %cond3A_106 = arith.constant 0 : i32
        %cond3A_107 = arith.cmpi ne, %convert_element_type3A_105, %cond3A_106 : i32
        scf.if %cond3A_107 {
          %add3A_222 = arith.constant 2 : i32
          %add3A_223 = arith.addi %add3A_95, %add3A_222 : i32
          %mul3A_224 = arith.constant 40 : i32
          %mul3A_225 = arith.muli %add3A_223, %mul3A_224 : i32
          %add3A_226 = arith.addi %mul3A_2, %mul3A_225 : i32
          %dma_start3A_227 = tpu.memref_slice %arg4[%add3A_226] : memref<320000xi32, #tpu.memory_space<hbm>> -> memref<40xi32, #tpu.memory_space<hbm>>
          %dma_start3A_228 = tpu.memref_slice %arg4[%add3A_226] : memref<320000xi32, #tpu.memory_space<hbm>> -> memref<40xi32, #tpu.memory_space<hbm>>
          tpu.enqueue_dma source(%dma_start3A_228 : memref<40xi32, #tpu.memory_space<hbm>>) target(%arg19 : memref<40xi32, #tpu.memory_space<vmem>>) target_semaphore(%arg39 : memref<!tpu.dma_semaphore, #tpu.memory_space<semaphore_mem>>)
          %dma_start3A_229 = tpu.memref_slice %arg5[%add3A_226] : memref<320000xi32, #tpu.memory_space<hbm>> -> memref<40xi32, #tpu.memory_space<hbm>>
          %dma_start3A_230 = tpu.memref_slice %arg5[%add3A_226] : memref<320000xi32, #tpu.memory_space<hbm>> -> memref<40xi32, #tpu.memory_space<hbm>>
          tpu.enqueue_dma source(%dma_start3A_230 : memref<40xi32, #tpu.memory_space<hbm>>) target(%arg24 : memref<40xi32, #tpu.memory_space<vmem>>) target_semaphore(%arg39 : memref<!tpu.dma_semaphore, #tpu.memory_space<semaphore_mem>>)
          %dma_start3A_231 = tpu.memref_slice %arg6[%add3A_226] : memref<320000xf32, #tpu.memory_space<hbm>> -> memref<40xf32, #tpu.memory_space<hbm>>
          %dma_start3A_232 = tpu.memref_slice %arg6[%add3A_226] : memref<320000xf32, #tpu.memory_space<hbm>> -> memref<40xf32, #tpu.memory_space<hbm>>
          tpu.enqueue_dma source(%dma_start3A_232 : memref<40xf32, #tpu.memory_space<hbm>>) target(%arg29 : memref<40xf32, #tpu.memory_space<vmem>>) target_semaphore(%arg39 : memref<!tpu.dma_semaphore, #tpu.memory_space<semaphore_mem>>)
        } else {
        }
        %add3A_108 = arith.constant 1 : i32
        %add3A_109 = arith.addi %add3A_95, %add3A_108 : i32
        %lt3A_110 = arith.constant 500 : i32
        %lt3A_111 = arith.cmpi slt, %add3A_109, %lt3A_110 : i32
        %convert_element_type3A_112 = arith.extui %lt3A_111 : i1 to i32
        %cond3A_113 = arith.constant 0 : i32
        %cond3A_114 = arith.cmpi ne, %convert_element_type3A_112, %cond3A_113 : i32
        scf.if %cond3A_114 {
          %add3A_222 = arith.constant 1 : i32
          %add3A_223 = arith.addi %add3A_95, %add3A_222 : i32
          %mul3A_224 = arith.constant 40 : i32
          %mul3A_225 = arith.muli %add3A_223, %mul3A_224 : i32
          %add3A_226 = arith.addi %mul3A_2, %mul3A_225 : i32
          %dma_wait3A_227 = tpu.memref_slice %arg4[%add3A_226] : memref<320000xi32, #tpu.memory_space<hbm>> -> memref<40xi32, #tpu.memory_space<hbm>>
          %dma_wait3A_228 = tpu.memref_slice %arg4[%add3A_226] : memref<320000xi32, #tpu.memory_space<hbm>> -> memref<40xi32, #tpu.memory_space<hbm>>
          tpu.wait_dma2 semaphore(%arg38 : memref<!tpu.dma_semaphore, #tpu.memory_space<semaphore_mem>>) src(%dma_wait3A_228 : memref<40xi32, #tpu.memory_space<hbm>>) dst(%arg18 : memref<40xi32, #tpu.memory_space<vmem>>)
          %dma_wait3A_229 = tpu.memref_slice %arg5[%add3A_226] : memref<320000xi32, #tpu.memory_space<hbm>> -> memref<40xi32, #tpu.memory_space<hbm>>
          %dma_wait3A_230 = tpu.memref_slice %arg5[%add3A_226] : memref<320000xi32, #tpu.memory_space<hbm>> -> memref<40xi32, #tpu.memory_space<hbm>>
          tpu.wait_dma2 semaphore(%arg38 : memref<!tpu.dma_semaphore, #tpu.memory_space<semaphore_mem>>) src(%dma_wait3A_230 : memref<40xi32, #tpu.memory_space<hbm>>) dst(%arg23 : memref<40xi32, #tpu.memory_space<vmem>>)
          %dma_wait3A_231 = tpu.memref_slice %arg6[%add3A_226] : memref<320000xf32, #tpu.memory_space<hbm>> -> memref<40xf32, #tpu.memory_space<hbm>>
          %dma_wait3A_232 = tpu.memref_slice %arg6[%add3A_226] : memref<320000xf32, #tpu.memory_space<hbm>> -> memref<40xf32, #tpu.memory_space<hbm>>
          tpu.wait_dma2 semaphore(%arg38 : memref<!tpu.dma_semaphore, #tpu.memory_space<semaphore_mem>>) src(%dma_wait3A_232 : memref<40xf32, #tpu.memory_space<hbm>>) dst(%arg28 : memref<40xf32, #tpu.memory_space<vmem>>)
          %add3A_233 = arith.constant 1 : i32
          %add3A_234 = arith.addi %add3A_95, %add3A_233 : i32
          %dma_start3A_235 = arith.constant 0 : i32
          %dma_start3A_236 = arith.constant 0 : i32
          %dma_start3A_237 = tpu.memref_slice %arg2[%dma_start3A_235, %dma_start3A_236] : memref<10000x128xf32, #tpu.memory_space<hbm>> -> memref<10000x128xf32, #tpu.memory_space<hbm>>
          tpu.enqueue_indirect_dma source(%dma_start3A_237 : memref<10000x128xf32, #tpu.memory_space<hbm>>) target(%arg13 : memref<40x128xf32, #tpu.memory_space<vmem>>) offsets(%arg23 : memref<40xi32, #tpu.memory_space<vmem>>) semaphore(%arg33 : memref<!tpu.dma_semaphore, #tpu.memory_space<semaphore_mem>>)
        } else {
        }
        %dma_wait3A_115 = arith.constant 0 : i32
        %dma_wait3A_116 = arith.constant 0 : i32
        %dma_wait3A_117 = tpu.memref_slice %arg2[%dma_wait3A_115, %dma_wait3A_116] : memref<10000x128xf32, #tpu.memory_space<hbm>> -> memref<10000x128xf32, #tpu.memory_space<hbm>>
        tpu.wait_indirect_dma semaphore(%arg32 : memref<!tpu.dma_semaphore, #tpu.memory_space<semaphore_mem>>) src(%dma_wait3A_117 : memref<10000x128xf32, #tpu.memory_space<hbm>>) dst(%arg12 : memref<40x128xf32, #tpu.memory_space<vmem>>)
        %scan3A_118 = arith.constant 0 : i32
        %scan3A_119 = arith.constant 40 : i32
        %scan3A_120 = arith.addi %scan3A_118, %scan3A_119 : i32
        %scan3A_121 = arith.constant 2 : i32
        scf.for %scan3A_222 = %scan3A_118 to %scan3A_120 step %scan3A_121  : i32 {
          %mul3A_223 = arith.constant 1 : i32
          %mul3A_224 = arith.muli %scan3A_222, %mul3A_223 : i32
          %add3A_225 = arith.constant 0 : i32
          %add3A_226 = arith.addi %add3A_225, %mul3A_224 : i32
          %broadcast_in_dim3A = vector.broadcast %add3A_226 : i32 to vector<16xi32>
          %gather3A = tpu.vector_load_idx %arg27[%broadcast_in_dim3A] : memref<40xf32, #tpu.memory_space<vmem>>[vector<16xi32>], vector<16xf32>,
          %get3A = arith.index_cast %add3A_226 : i32 to index
          %get3A_227 = arith.constant 0 : index
          %get3A_228 = tpu.vector_load %arg12[%get3A, %get3A_227] {strides = array<i32>} : memref<40x128xf32, #tpu.memory_space<vmem>>, vector<16xf32>,
          %mul3A_229 = arith.mulf %get3A_228, %gather3A : vector<16xf32>
          %swap3A = arith.index_cast %add3A_226 : i32 to index
          %swap3A_230 = arith.constant 0 : index
          %swap3A_231 = tpu.vector_load %arg12[%swap3A, %swap3A_230] {strides = array<i32>} : memref<40x128xf32, #tpu.memory_space<vmem>>, vector<16xf32>,
          tpu.vector_store %arg12[%swap3A, %swap3A_230], %mul3A_229 {strides = array<i32>} : memref<40x128xf32, #tpu.memory_space<vmem>>, vector<16xf32>,
          %get3A_232 = arith.index_cast %add3A_226 : i32 to index
          %get3A_233 = arith.constant 16 : index
          %get3A_234 = tpu.vector_load %arg12[%get3A_232, %get3A_233] {strides = array<i32>} : memref<40x128xf32, #tpu.memory_space<vmem>>, vector<16xf32>,
          %mul3A_235 = arith.mulf %get3A_234, %gather3A : vector<16xf32>
          %swap3A_236 = arith.index_cast %add3A_226 : i32 to index
          %swap3A_237 = arith.constant 16 : index
          %swap3A_238 = tpu.vector_load %arg12[%swap3A_236, %swap3A_237] {strides = array<i32>} : memref<40x128xf32, #tpu.memory_space<vmem>>, vector<16xf32>,
          tpu.vector_store %arg12[%swap3A_236, %swap3A_237], %mul3A_235 {strides = array<i32>} : memref<40x128xf32, #tpu.memory_space<vmem>>, vector<16xf32>,
          %get3A_239 = arith.index_cast %add3A_226 : i32 to index
          %get3A_240 = arith.constant 32 : index
          %get3A_241 = tpu.vector_load %arg12[%get3A_239, %get3A_240] {strides = array<i32>} : memref<40x128xf32, #tpu.memory_space<vmem>>, vector<16xf32>,
          %mul3A_242 = arith.mulf %get3A_241, %gather3A : vector<16xf32>
          %swap3A_243 = arith.index_cast %add3A_226 : i32 to index
          %swap3A_244 = arith.constant 32 : index
          %swap3A_245 = tpu.vector_load %arg12[%swap3A_243, %swap3A_244] {strides = array<i32>} : memref<40x128xf32, #tpu.memory_space<vmem>>, vector<16xf32>,
          tpu.vector_store %arg12[%swap3A_243, %swap3A_244], %mul3A_242 {strides = array<i32>} : memref<40x128xf32, #tpu.memory_space<vmem>>, vector<16xf32>,
          %get3A_246 = arith.index_cast %add3A_226 : i32 to index
          %get3A_247 = arith.constant 48 : index
          %get3A_248 = tpu.vector_load %arg12[%get3A_246, %get3A_247] {strides = array<i32>} : memref<40x128xf32, #tpu.memory_space<vmem>>, vector<16xf32>,
          %mul3A_249 = arith.mulf %get3A_248, %gather3A : vector<16xf32>
          %swap3A_250 = arith.index_cast %add3A_226 : i32 to index
          %swap3A_251 = arith.constant 48 : index
          %swap3A_252 = tpu.vector_load %arg12[%swap3A_250, %swap3A_251] {strides = array<i32>} : memref<40x128xf32, #tpu.memory_space<vmem>>, vector<16xf32>,
          tpu.vector_store %arg12[%swap3A_250, %swap3A_251], %mul3A_249 {strides = array<i32>} : memref<40x128xf32, #tpu.memory_space<vmem>>, vector<16xf32>,
          %get3A_253 = arith.index_cast %add3A_226 : i32 to index
          %get3A_254 = arith.constant 64 : index
          %get3A_255 = tpu.vector_load %arg12[%get3A_253, %get3A_254] {strides = array<i32>} : memref<40x128xf32, #tpu.memory_space<vmem>>, vector<16xf32>,
          %mul3A_256 = arith.mulf %get3A_255, %gather3A : vector<16xf32>
          %swap3A_257 = arith.index_cast %add3A_226 : i32 to index
          %swap3A_258 = arith.constant 64 : index
          %swap3A_259 = tpu.vector_load %arg12[%swap3A_257, %swap3A_258] {strides = array<i32>} : memref<40x128xf32, #tpu.memory_space<vmem>>, vector<16xf32>,
          tpu.vector_store %arg12[%swap3A_257, %swap3A_258], %mul3A_256 {strides = array<i32>} : memref<40x128xf32, #tpu.memory_space<vmem>>, vector<16xf32>,
          %get3A_260 = arith.index_cast %add3A_226 : i32 to index
          %get3A_261 = arith.constant 80 : index
          %get3A_262 = tpu.vector_load %arg12[%get3A_260, %get3A_261] {strides = array<i32>} : memref<40x128xf32, #tpu.memory_space<vmem>>, vector<16xf32>,
          %mul3A_263 = arith.mulf %get3A_262, %gather3A : vector<16xf32>
          %swap3A_264 = arith.index_cast %add3A_226 : i32 to index
          %swap3A_265 = arith.constant 80 : index
          %swap3A_266 = tpu.vector_load %arg12[%swap3A_264, %swap3A_265] {strides = array<i32>} : memref<40x128xf32, #tpu.memory_space<vmem>>, vector<16xf32>,
          tpu.vector_store %arg12[%swap3A_264, %swap3A_265], %mul3A_263 {strides = array<i32>} : memref<40x128xf32, #tpu.memory_space<vmem>>, vector<16xf32>,
          %get3A_267 = arith.index_cast %add3A_226 : i32 to index
          %get3A_268 = arith.constant 96 : index
          %get3A_269 = tpu.vector_load %arg12[%get3A_267, %get3A_268] {strides = array<i32>} : memref<40x128xf32, #tpu.memory_space<vmem>>, vector<16xf32>,
          %mul3A_270 = arith.mulf %get3A_269, %gather3A : vector<16xf32>
          %swap3A_271 = arith.index_cast %add3A_226 : i32 to index
          %swap3A_272 = arith.constant 96 : index
          %swap3A_273 = tpu.vector_load %arg12[%swap3A_271, %swap3A_272] {strides = array<i32>} : memref<40x128xf32, #tpu.memory_space<vmem>>, vector<16xf32>,
          tpu.vector_store %arg12[%swap3A_271, %swap3A_272], %mul3A_270 {strides = array<i32>} : memref<40x128xf32, #tpu.memory_space<vmem>>, vector<16xf32>,
          %get3A_274 = arith.index_cast %add3A_226 : i32 to index
          %get3A_275 = arith.constant 112 : index
          %get3A_276 = tpu.vector_load %arg12[%get3A_274, %get3A_275] {strides = array<i32>} : memref<40x128xf32, #tpu.memory_space<vmem>>, vector<16xf32>,
          %mul3A_277 = arith.mulf %get3A_276, %gather3A : vector<16xf32>
          %swap3A_278 = arith.index_cast %add3A_226 : i32 to index
          %swap3A_279 = arith.constant 112 : index
          %swap3A_280 = tpu.vector_load %arg12[%swap3A_278, %swap3A_279] {strides = array<i32>} : memref<40x128xf32, #tpu.memory_space<vmem>>, vector<16xf32>,
          tpu.vector_store %arg12[%swap3A_278, %swap3A_279], %mul3A_277 {strides = array<i32>} : memref<40x128xf32, #tpu.memory_space<vmem>>, vector<16xf32>,
          %scan3A_281 = arith.constant 1 : i32
          %scan3A_282 = arith.addi %scan3A_222, %scan3A_281 : i32
          %mul3A_283 = arith.constant 1 : i32
          %mul3A_284 = arith.muli %scan3A_282, %mul3A_283 : i32
          %add3A_285 = arith.constant 0 : i32
          %add3A_286 = arith.addi %add3A_285, %mul3A_284 : i32
          %broadcast_in_dim3A_287 = vector.broadcast %add3A_286 : i32 to vector<16xi32>
          %gather3A_288 = tpu.vector_load_idx %arg27[%broadcast_in_dim3A_287] : memref<40xf32, #tpu.memory_space<vmem>>[vector<16xi32>], vector<16xf32>,
          %get3A_289 = arith.index_cast %add3A_286 : i32 to index
          %get3A_290 = arith.constant 0 : index
          %get3A_291 = tpu.vector_load %arg12[%get3A_289, %get3A_290] {strides = array<i32>} : memref<40x128xf32, #tpu.memory_space<vmem>>, vector<16xf32>,
          %mul3A_292 = arith.mulf %get3A_291, %gather3A_288 : vector<16xf32>
          %swap3A_293 = arith.index_cast %add3A_286 : i32 to index
          %swap3A_294 = arith.constant 0 : index
          %swap3A_295 = tpu.vector_load %arg12[%swap3A_293, %swap3A_294] {strides = array<i32>} : memref<40x128xf32, #tpu.memory_space<vmem>>, vector<16xf32>,
          tpu.vector_store %arg12[%swap3A_293, %swap3A_294], %mul3A_292 {strides = array<i32>} : memref<40x128xf32, #tpu.memory_space<vmem>>, vector<16xf32>,
          %get3A_296 = arith.index_cast %add3A_286 : i32 to index
          %get3A_297 = arith.constant 16 : index
          %get3A_298 = tpu.vector_load %arg12[%get3A_296, %get3A_297] {strides = array<i32>} : memref<40x128xf32, #tpu.memory_space<vmem>>, vector<16xf32>,
          %mul3A_299 = arith.mulf %get3A_298, %gather3A_288 : vector<16xf32>
          %swap3A_300 = arith.index_cast %add3A_286 : i32 to index
          %swap3A_301 = arith.constant 16 : index
          %swap3A_302 = tpu.vector_load %arg12[%swap3A_300, %swap3A_301] {strides = array<i32>} : memref<40x128xf32, #tpu.memory_space<vmem>>, vector<16xf32>,
          tpu.vector_store %arg12[%swap3A_300, %swap3A_301], %mul3A_299 {strides = array<i32>} : memref<40x128xf32, #tpu.memory_space<vmem>>, vector<16xf32>,
          %get3A_303 = arith.index_cast %add3A_286 : i32 to index
          %get3A_304 = arith.constant 32 : index
          %get3A_305 = tpu.vector_load %arg12[%get3A_303, %get3A_304] {strides = array<i32>} : memref<40x128xf32, #tpu.memory_space<vmem>>, vector<16xf32>,
          %mul3A_306 = arith.mulf %get3A_305, %gather3A_288 : vector<16xf32>
          %swap3A_307 = arith.index_cast %add3A_286 : i32 to index
          %swap3A_308 = arith.constant 32 : index
          %swap3A_309 = tpu.vector_load %arg12[%swap3A_307, %swap3A_308] {strides = array<i32>} : memref<40x128xf32, #tpu.memory_space<vmem>>, vector<16xf32>,
          tpu.vector_store %arg12[%swap3A_307, %swap3A_308], %mul3A_306 {strides = array<i32>} : memref<40x128xf32, #tpu.memory_space<vmem>>, vector<16xf32>,
          %get3A_310 = arith.index_cast %add3A_286 : i32 to index
          %get3A_311 = arith.constant 48 : index
          %get3A_312 = tpu.vector_load %arg12[%get3A_310, %get3A_311] {strides = array<i32>} : memref<40x128xf32, #tpu.memory_space<vmem>>, vector<16xf32>,
          %mul3A_313 = arith.mulf %get3A_312, %gather3A_288 : vector<16xf32>
          %swap3A_314 = arith.index_cast %add3A_286 : i32 to index
          %swap3A_315 = arith.constant 48 : index
          %swap3A_316 = tpu.vector_load %arg12[%swap3A_314, %swap3A_315] {strides = array<i32>} : memref<40x128xf32, #tpu.memory_space<vmem>>, vector<16xf32>,
          tpu.vector_store %arg12[%swap3A_314, %swap3A_315], %mul3A_313 {strides = array<i32>} : memref<40x128xf32, #tpu.memory_space<vmem>>, vector<16xf32>,
          %get3A_317 = arith.index_cast %add3A_286 : i32 to index
          %get3A_318 = arith.constant 64 : index
          %get3A_319 = tpu.vector_load %arg12[%get3A_317, %get3A_318] {strides = array<i32>} : memref<40x128xf32, #tpu.memory_space<vmem>>, vector<16xf32>,
          %mul3A_320 = arith.mulf %get3A_319, %gather3A_288 : vector<16xf32>
          %swap3A_321 = arith.index_cast %add3A_286 : i32 to index
          %swap3A_322 = arith.constant 64 : index
          %swap3A_323 = tpu.vector_load %arg12[%swap3A_321, %swap3A_322] {strides = array<i32>} : memref<40x128xf32, #tpu.memory_space<vmem>>, vector<16xf32>,
          tpu.vector_store %arg12[%swap3A_321, %swap3A_322], %mul3A_320 {strides = array<i32>} : memref<40x128xf32, #tpu.memory_space<vmem>>, vector<16xf32>,
          %get3A_324 = arith.index_cast %add3A_286 : i32 to index
          %get3A_325 = arith.constant 80 : index
          %get3A_326 = tpu.vector_load %arg12[%get3A_324, %get3A_325] {strides = array<i32>} : memref<40x128xf32, #tpu.memory_space<vmem>>, vector<16xf32>,
          %mul3A_327 = arith.mulf %get3A_326, %gather3A_288 : vector<16xf32>
          %swap3A_328 = arith.index_cast %add3A_286 : i32 to index
          %swap3A_329 = arith.constant 80 : index
          %swap3A_330 = tpu.vector_load %arg12[%swap3A_328, %swap3A_329] {strides = array<i32>} : memref<40x128xf32, #tpu.memory_space<vmem>>, vector<16xf32>,
          tpu.vector_store %arg12[%swap3A_328, %swap3A_329], %mul3A_327 {strides = array<i32>} : memref<40x128xf32, #tpu.memory_space<vmem>>, vector<16xf32>,
          %get3A_331 = arith.index_cast %add3A_286 : i32 to index
          %get3A_332 = arith.constant 96 : index
          %get3A_333 = tpu.vector_load %arg12[%get3A_331, %get3A_332] {strides = array<i32>} : memref<40x128xf32, #tpu.memory_space<vmem>>, vector<16xf32>,
          %mul3A_334 = arith.mulf %get3A_333, %gather3A_288 : vector<16xf32>
          %swap3A_335 = arith.index_cast %add3A_286 : i32 to index
          %swap3A_336 = arith.constant 96 : index
          %swap3A_337 = tpu.vector_load %arg12[%swap3A_335, %swap3A_336] {strides = array<i32>} : memref<40x128xf32, #tpu.memory_space<vmem>>, vector<16xf32>,
          tpu.vector_store %arg12[%swap3A_335, %swap3A_336], %mul3A_334 {strides = array<i32>} : memref<40x128xf32, #tpu.memory_space<vmem>>, vector<16xf32>,
          %get3A_338 = arith.index_cast %add3A_286 : i32 to index
          %get3A_339 = arith.constant 112 : index
          %get3A_340 = tpu.vector_load %arg12[%get3A_338, %get3A_339] {strides = array<i32>} : memref<40x128xf32, #tpu.memory_space<vmem>>, vector<16xf32>,
          %mul3A_341 = arith.mulf %get3A_340, %gather3A_288 : vector<16xf32>
          %swap3A_342 = arith.index_cast %add3A_286 : i32 to index
          %swap3A_343 = arith.constant 112 : index
          %swap3A_344 = tpu.vector_load %arg12[%swap3A_342, %swap3A_343] {strides = array<i32>} : memref<40x128xf32, #tpu.memory_space<vmem>>, vector<16xf32>,
          tpu.vector_store %arg12[%swap3A_342, %swap3A_343], %mul3A_341 {strides = array<i32>} : memref<40x128xf32, #tpu.memory_space<vmem>>, vector<16xf32>,
        }
        %scan3A_122 = arith.constant 40 : i32
        %dma_start3A_123 = arith.constant 0 : i32
        %dma_start3A_124 = arith.constant 0 : i32
        %dma_start3A_125 = tpu.memref_slice %arg10[%dma_start3A_123, %dma_start3A_124] : memref<10000x128xf32, #tpu.memory_space<vmem_shared>> -> memref<10000x128xf32, #tpu.memory_space<vmem_shared>>
        tpu.enqueue_indirect_dma source(%arg12 : memref<40x128xf32, #tpu.memory_space<vmem>>) target(%dma_start3A_125 : memref<10000x128xf32, #tpu.memory_space<vmem_shared>>) offsets(%arg17 : memref<40xi32, #tpu.memory_space<vmem>>) semaphore(%arg42 : memref<!tpu.dma_semaphore, #tpu.memory_space<semaphore_mem>>) {add = true}
        %add3A_126 = arith.constant 2 : i32
        %add3A_127 = arith.addi %add3A_63, %add3A_126 : i32
        %ge3A_128 = arith.constant 3 : i32
        %ge3A_129 = arith.cmpi sge, %add3A_127, %ge3A_128 : i32
        %convert_element_type3A_130 = arith.extui %ge3A_129 : i1 to i32
        %cond3A_131 = arith.constant 0 : i32
        %cond3A_132 = arith.cmpi ne, %convert_element_type3A_130, %cond3A_131 : i32
        scf.if %cond3A_132 {
          %sub3A = arith.constant 3 : i32
          %sub3A_222 = arith.subi %add3A_127, %sub3A : i32
          %dma_wait3A_223 = arith.constant 0 : i32
          %dma_wait3A_224 = arith.constant 0 : i32
          %dma_wait3A_225 = tpu.memref_slice %arg10[%dma_wait3A_223, %dma_wait3A_224] : memref<10000x128xf32, #tpu.memory_space<vmem_shared>> -> memref<10000x128xf32, #tpu.memory_space<vmem_shared>>
          tpu.wait_indirect_dma semaphore(%arg45 : memref<!tpu.dma_semaphore, #tpu.memory_space<semaphore_mem>>) src(%arg15 : memref<40x128xf32, #tpu.memory_space<vmem>>) dst(%dma_wait3A_225 : memref<10000x128xf32, #tpu.memory_space<vmem_shared>>)
        } else {
        }
        %add3A_133 = arith.constant 2 : i32
        %add3A_134 = arith.addi %add3A_127, %add3A_133 : i32
        %lt3A_135 = arith.constant 500 : i32
        %lt3A_136 = arith.cmpi slt, %add3A_134, %lt3A_135 : i32
        %convert_element_type3A_137 = arith.extui %lt3A_136 : i1 to i32
        %cond3A_138 = arith.constant 0 : i32
        %cond3A_139 = arith.cmpi ne, %convert_element_type3A_137, %cond3A_138 : i32
        scf.if %cond3A_139 {
          %add3A_222 = arith.constant 2 : i32
          %add3A_223 = arith.addi %add3A_127, %add3A_222 : i32
          %mul3A_224 = arith.constant 40 : i32
          %mul3A_225 = arith.muli %add3A_223, %mul3A_224 : i32
          %add3A_226 = arith.addi %mul3A_2, %mul3A_225 : i32
          %dma_start3A_227 = tpu.memref_slice %arg4[%add3A_226] : memref<320000xi32, #tpu.memory_space<hbm>> -> memref<40xi32, #tpu.memory_space<hbm>>
          %dma_start3A_228 = tpu.memref_slice %arg4[%add3A_226] : memref<320000xi32, #tpu.memory_space<hbm>> -> memref<40xi32, #tpu.memory_space<hbm>>
          tpu.enqueue_dma source(%dma_start3A_228 : memref<40xi32, #tpu.memory_space<hbm>>) target(%arg20 : memref<40xi32, #tpu.memory_space<vmem>>) target_semaphore(%arg40 : memref<!tpu.dma_semaphore, #tpu.memory_space<semaphore_mem>>)
          %dma_start3A_229 = tpu.memref_slice %arg5[%add3A_226] : memref<320000xi32, #tpu.memory_space<hbm>> -> memref<40xi32, #tpu.memory_space<hbm>>
          %dma_start3A_230 = tpu.memref_slice %arg5[%add3A_226] : memref<320000xi32, #tpu.memory_space<hbm>> -> memref<40xi32, #tpu.memory_space<hbm>>
          tpu.enqueue_dma source(%dma_start3A_230 : memref<40xi32, #tpu.memory_space<hbm>>) target(%arg25 : memref<40xi32, #tpu.memory_space<vmem>>) target_semaphore(%arg40 : memref<!tpu.dma_semaphore, #tpu.memory_space<semaphore_mem>>)
          %dma_start3A_231 = tpu.memref_slice %arg6[%add3A_226] : memref<320000xf32, #tpu.memory_space<hbm>> -> memref<40xf32, #tpu.memory_space<hbm>>
          %dma_start3A_232 = tpu.memref_slice %arg6[%add3A_226] : memref<320000xf32, #tpu.memory_space<hbm>> -> memref<40xf32, #tpu.memory_space<hbm>>
          tpu.enqueue_dma source(%dma_start3A_232 : memref<40xf32, #tpu.memory_space<hbm>>) target(%arg30 : memref<40xf32, #tpu.memory_space<vmem>>) target_semaphore(%arg40 : memref<!tpu.dma_semaphore, #tpu.memory_space<semaphore_mem>>)
        } else {
        }
        %add3A_140 = arith.constant 1 : i32
        %add3A_141 = arith.addi %add3A_127, %add3A_140 : i32
        %lt3A_142 = arith.constant 500 : i32
        %lt3A_143 = arith.cmpi slt, %add3A_141, %lt3A_142 : i32
        %convert_element_type3A_144 = arith.extui %lt3A_143 : i1 to i32
        %cond3A_145 = arith.constant 0 : i32
        %cond3A_146 = arith.cmpi ne, %convert_element_type3A_144, %cond3A_145 : i32
        scf.if %cond3A_146 {
          %add3A_222 = arith.constant 1 : i32
          %add3A_223 = arith.addi %add3A_127, %add3A_222 : i32
          %mul3A_224 = arith.constant 40 : i32
          %mul3A_225 = arith.muli %add3A_223, %mul3A_224 : i32
          %add3A_226 = arith.addi %mul3A_2, %mul3A_225 : i32
          %dma_wait3A_227 = tpu.memref_slice %arg4[%add3A_226] : memref<320000xi32, #tpu.memory_space<hbm>> -> memref<40xi32, #tpu.memory_space<hbm>>
          %dma_wait3A_228 = tpu.memref_slice %arg4[%add3A_226] : memref<320000xi32, #tpu.memory_space<hbm>> -> memref<40xi32, #tpu.memory_space<hbm>>
          tpu.wait_dma2 semaphore(%arg39 : memref<!tpu.dma_semaphore, #tpu.memory_space<semaphore_mem>>) src(%dma_wait3A_228 : memref<40xi32, #tpu.memory_space<hbm>>) dst(%arg19 : memref<40xi32, #tpu.memory_space<vmem>>)
          %dma_wait3A_229 = tpu.memref_slice %arg5[%add3A_226] : memref<320000xi32, #tpu.memory_space<hbm>> -> memref<40xi32, #tpu.memory_space<hbm>>
          %dma_wait3A_230 = tpu.memref_slice %arg5[%add3A_226] : memref<320000xi32, #tpu.memory_space<hbm>> -> memref<40xi32, #tpu.memory_space<hbm>>
          tpu.wait_dma2 semaphore(%arg39 : memref<!tpu.dma_semaphore, #tpu.memory_space<semaphore_mem>>) src(%dma_wait3A_230 : memref<40xi32, #tpu.memory_space<hbm>>) dst(%arg24 : memref<40xi32, #tpu.memory_space<vmem>>)
          %dma_wait3A_231 = tpu.memref_slice %arg6[%add3A_226] : memref<320000xf32, #tpu.memory_space<hbm>> -> memref<40xf32, #tpu.memory_space<hbm>>
          %dma_wait3A_232 = tpu.memref_slice %arg6[%add3A_226] : memref<320000xf32, #tpu.memory_space<hbm>> -> memref<40xf32, #tpu.memory_space<hbm>>
          tpu.wait_dma2 semaphore(%arg39 : memref<!tpu.dma_semaphore, #tpu.memory_space<semaphore_mem>>) src(%dma_wait3A_232 : memref<40xf32, #tpu.memory_space<hbm>>) dst(%arg29 : memref<40xf32, #tpu.memory_space<vmem>>)
          %add3A_233 = arith.constant 1 : i32
          %add3A_234 = arith.addi %add3A_127, %add3A_233 : i32
          %dma_start3A_235 = arith.constant 0 : i32
          %dma_start3A_236 = arith.constant 0 : i32
          %dma_start3A_237 = tpu.memref_slice %arg2[%dma_start3A_235, %dma_start3A_236] : memref<10000x128xf32, #tpu.memory_space<hbm>> -> memref<10000x128xf32, #tpu.memory_space<hbm>>
          tpu.enqueue_indirect_dma source(%dma_start3A_237 : memref<10000x128xf32, #tpu.memory_space<hbm>>) target(%arg14 : memref<40x128xf32, #tpu.memory_space<vmem>>) offsets(%arg24 : memref<40xi32, #tpu.memory_space<vmem>>) semaphore(%arg34 : memref<!tpu.dma_semaphore, #tpu.memory_space<semaphore_mem>>)
        } else {
        }
        %dma_wait3A_147 = arith.constant 0 : i32
        %dma_wait3A_148 = arith.constant 0 : i32
        %dma_wait3A_149 = tpu.memref_slice %arg2[%dma_wait3A_147, %dma_wait3A_148] : memref<10000x128xf32, #tpu.memory_space<hbm>> -> memref<10000x128xf32, #tpu.memory_space<hbm>>
        tpu.wait_indirect_dma semaphore(%arg33 : memref<!tpu.dma_semaphore, #tpu.memory_space<semaphore_mem>>) src(%dma_wait3A_149 : memref<10000x128xf32, #tpu.memory_space<hbm>>) dst(%arg13 : memref<40x128xf32, #tpu.memory_space<vmem>>)
        %scan3A_150 = arith.constant 0 : i32
        %scan3A_151 = arith.constant 40 : i32
        %scan3A_152 = arith.addi %scan3A_150, %scan3A_151 : i32
        %scan3A_153 = arith.constant 2 : i32
        scf.for %scan3A_222 = %scan3A_150 to %scan3A_152 step %scan3A_153  : i32 {
          %mul3A_223 = arith.constant 1 : i32
          %mul3A_224 = arith.muli %scan3A_222, %mul3A_223 : i32
          %add3A_225 = arith.constant 0 : i32
          %add3A_226 = arith.addi %add3A_225, %mul3A_224 : i32
          %broadcast_in_dim3A = vector.broadcast %add3A_226 : i32 to vector<16xi32>
          %gather3A = tpu.vector_load_idx %arg28[%broadcast_in_dim3A] : memref<40xf32, #tpu.memory_space<vmem>>[vector<16xi32>], vector<16xf32>,
          %get3A = arith.index_cast %add3A_226 : i32 to index
          %get3A_227 = arith.constant 0 : index
          %get3A_228 = tpu.vector_load %arg13[%get3A, %get3A_227] {strides = array<i32>} : memref<40x128xf32, #tpu.memory_space<vmem>>, vector<16xf32>,
          %mul3A_229 = arith.mulf %get3A_228, %gather3A : vector<16xf32>
          %swap3A = arith.index_cast %add3A_226 : i32 to index
          %swap3A_230 = arith.constant 0 : index
          %swap3A_231 = tpu.vector_load %arg13[%swap3A, %swap3A_230] {strides = array<i32>} : memref<40x128xf32, #tpu.memory_space<vmem>>, vector<16xf32>,
          tpu.vector_store %arg13[%swap3A, %swap3A_230], %mul3A_229 {strides = array<i32>} : memref<40x128xf32, #tpu.memory_space<vmem>>, vector<16xf32>,
          %get3A_232 = arith.index_cast %add3A_226 : i32 to index
          %get3A_233 = arith.constant 16 : index
          %get3A_234 = tpu.vector_load %arg13[%get3A_232, %get3A_233] {strides = array<i32>} : memref<40x128xf32, #tpu.memory_space<vmem>>, vector<16xf32>,
          %mul3A_235 = arith.mulf %get3A_234, %gather3A : vector<16xf32>
          %swap3A_236 = arith.index_cast %add3A_226 : i32 to index
          %swap3A_237 = arith.constant 16 : index
          %swap3A_238 = tpu.vector_load %arg13[%swap3A_236, %swap3A_237] {strides = array<i32>} : memref<40x128xf32, #tpu.memory_space<vmem>>, vector<16xf32>,
          tpu.vector_store %arg13[%swap3A_236, %swap3A_237], %mul3A_235 {strides = array<i32>} : memref<40x128xf32, #tpu.memory_space<vmem>>, vector<16xf32>,
          %get3A_239 = arith.index_cast %add3A_226 : i32 to index
          %get3A_240 = arith.constant 32 : index
          %get3A_241 = tpu.vector_load %arg13[%get3A_239, %get3A_240] {strides = array<i32>} : memref<40x128xf32, #tpu.memory_space<vmem>>, vector<16xf32>,
          %mul3A_242 = arith.mulf %get3A_241, %gather3A : vector<16xf32>
          %swap3A_243 = arith.index_cast %add3A_226 : i32 to index
          %swap3A_244 = arith.constant 32 : index
          %swap3A_245 = tpu.vector_load %arg13[%swap3A_243, %swap3A_244] {strides = array<i32>} : memref<40x128xf32, #tpu.memory_space<vmem>>, vector<16xf32>,
          tpu.vector_store %arg13[%swap3A_243, %swap3A_244], %mul3A_242 {strides = array<i32>} : memref<40x128xf32, #tpu.memory_space<vmem>>, vector<16xf32>,
          %get3A_246 = arith.index_cast %add3A_226 : i32 to index
          %get3A_247 = arith.constant 48 : index
          %get3A_248 = tpu.vector_load %arg13[%get3A_246, %get3A_247] {strides = array<i32>} : memref<40x128xf32, #tpu.memory_space<vmem>>, vector<16xf32>,
          %mul3A_249 = arith.mulf %get3A_248, %gather3A : vector<16xf32>
          %swap3A_250 = arith.index_cast %add3A_226 : i32 to index
          %swap3A_251 = arith.constant 48 : index
          %swap3A_252 = tpu.vector_load %arg13[%swap3A_250, %swap3A_251] {strides = array<i32>} : memref<40x128xf32, #tpu.memory_space<vmem>>, vector<16xf32>,
          tpu.vector_store %arg13[%swap3A_250, %swap3A_251], %mul3A_249 {strides = array<i32>} : memref<40x128xf32, #tpu.memory_space<vmem>>, vector<16xf32>,
          %get3A_253 = arith.index_cast %add3A_226 : i32 to index
          %get3A_254 = arith.constant 64 : index
          %get3A_255 = tpu.vector_load %arg13[%get3A_253, %get3A_254] {strides = array<i32>} : memref<40x128xf32, #tpu.memory_space<vmem>>, vector<16xf32>,
          %mul3A_256 = arith.mulf %get3A_255, %gather3A : vector<16xf32>
          %swap3A_257 = arith.index_cast %add3A_226 : i32 to index
          %swap3A_258 = arith.constant 64 : index
          %swap3A_259 = tpu.vector_load %arg13[%swap3A_257, %swap3A_258] {strides = array<i32>} : memref<40x128xf32, #tpu.memory_space<vmem>>, vector<16xf32>,
          tpu.vector_store %arg13[%swap3A_257, %swap3A_258], %mul3A_256 {strides = array<i32>} : memref<40x128xf32, #tpu.memory_space<vmem>>, vector<16xf32>,
          %get3A_260 = arith.index_cast %add3A_226 : i32 to index
          %get3A_261 = arith.constant 80 : index
          %get3A_262 = tpu.vector_load %arg13[%get3A_260, %get3A_261] {strides = array<i32>} : memref<40x128xf32, #tpu.memory_space<vmem>>, vector<16xf32>,
          %mul3A_263 = arith.mulf %get3A_262, %gather3A : vector<16xf32>
          %swap3A_264 = arith.index_cast %add3A_226 : i32 to index
          %swap3A_265 = arith.constant 80 : index
          %swap3A_266 = tpu.vector_load %arg13[%swap3A_264, %swap3A_265] {strides = array<i32>} : memref<40x128xf32, #tpu.memory_space<vmem>>, vector<16xf32>,
          tpu.vector_store %arg13[%swap3A_264, %swap3A_265], %mul3A_263 {strides = array<i32>} : memref<40x128xf32, #tpu.memory_space<vmem>>, vector<16xf32>,
          %get3A_267 = arith.index_cast %add3A_226 : i32 to index
          %get3A_268 = arith.constant 96 : index
          %get3A_269 = tpu.vector_load %arg13[%get3A_267, %get3A_268] {strides = array<i32>} : memref<40x128xf32, #tpu.memory_space<vmem>>, vector<16xf32>,
          %mul3A_270 = arith.mulf %get3A_269, %gather3A : vector<16xf32>
          %swap3A_271 = arith.index_cast %add3A_226 : i32 to index
          %swap3A_272 = arith.constant 96 : index
          %swap3A_273 = tpu.vector_load %arg13[%swap3A_271, %swap3A_272] {strides = array<i32>} : memref<40x128xf32, #tpu.memory_space<vmem>>, vector<16xf32>,
          tpu.vector_store %arg13[%swap3A_271, %swap3A_272], %mul3A_270 {strides = array<i32>} : memref<40x128xf32, #tpu.memory_space<vmem>>, vector<16xf32>,
          %get3A_274 = arith.index_cast %add3A_226 : i32 to index
          %get3A_275 = arith.constant 112 : index
          %get3A_276 = tpu.vector_load %arg13[%get3A_274, %get3A_275] {strides = array<i32>} : memref<40x128xf32, #tpu.memory_space<vmem>>, vector<16xf32>,
          %mul3A_277 = arith.mulf %get3A_276, %gather3A : vector<16xf32>
          %swap3A_278 = arith.index_cast %add3A_226 : i32 to index
          %swap3A_279 = arith.constant 112 : index
          %swap3A_280 = tpu.vector_load %arg13[%swap3A_278, %swap3A_279] {strides = array<i32>} : memref<40x128xf32, #tpu.memory_space<vmem>>, vector<16xf32>,
          tpu.vector_store %arg13[%swap3A_278, %swap3A_279], %mul3A_277 {strides = array<i32>} : memref<40x128xf32, #tpu.memory_space<vmem>>, vector<16xf32>,
          %scan3A_281 = arith.constant 1 : i32
          %scan3A_282 = arith.addi %scan3A_222, %scan3A_281 : i32
          %mul3A_283 = arith.constant 1 : i32
          %mul3A_284 = arith.muli %scan3A_282, %mul3A_283 : i32
          %add3A_285 = arith.constant 0 : i32
          %add3A_286 = arith.addi %add3A_285, %mul3A_284 : i32
          %broadcast_in_dim3A_287 = vector.broadcast %add3A_286 : i32 to vector<16xi32>
          %gather3A_288 = tpu.vector_load_idx %arg28[%broadcast_in_dim3A_287] : memref<40xf32, #tpu.memory_space<vmem>>[vector<16xi32>], vector<16xf32>,
          %get3A_289 = arith.index_cast %add3A_286 : i32 to index
          %get3A_290 = arith.constant 0 : index
          %get3A_291 = tpu.vector_load %arg13[%get3A_289, %get3A_290] {strides = array<i32>} : memref<40x128xf32, #tpu.memory_space<vmem>>, vector<16xf32>,
          %mul3A_292 = arith.mulf %get3A_291, %gather3A_288 : vector<16xf32>
          %swap3A_293 = arith.index_cast %add3A_286 : i32 to index
          %swap3A_294 = arith.constant 0 : index
          %swap3A_295 = tpu.vector_load %arg13[%swap3A_293, %swap3A_294] {strides = array<i32>} : memref<40x128xf32, #tpu.memory_space<vmem>>, vector<16xf32>,
          tpu.vector_store %arg13[%swap3A_293, %swap3A_294], %mul3A_292 {strides = array<i32>} : memref<40x128xf32, #tpu.memory_space<vmem>>, vector<16xf32>,
          %get3A_296 = arith.index_cast %add3A_286 : i32 to index
          %get3A_297 = arith.constant 16 : index
          %get3A_298 = tpu.vector_load %arg13[%get3A_296, %get3A_297] {strides = array<i32>} : memref<40x128xf32, #tpu.memory_space<vmem>>, vector<16xf32>,
          %mul3A_299 = arith.mulf %get3A_298, %gather3A_288 : vector<16xf32>
          %swap3A_300 = arith.index_cast %add3A_286 : i32 to index
          %swap3A_301 = arith.constant 16 : index
          %swap3A_302 = tpu.vector_load %arg13[%swap3A_300, %swap3A_301] {strides = array<i32>} : memref<40x128xf32, #tpu.memory_space<vmem>>, vector<16xf32>,
          tpu.vector_store %arg13[%swap3A_300, %swap3A_301], %mul3A_299 {strides = array<i32>} : memref<40x128xf32, #tpu.memory_space<vmem>>, vector<16xf32>,
          %get3A_303 = arith.index_cast %add3A_286 : i32 to index
          %get3A_304 = arith.constant 32 : index
          %get3A_305 = tpu.vector_load %arg13[%get3A_303, %get3A_304] {strides = array<i32>} : memref<40x128xf32, #tpu.memory_space<vmem>>, vector<16xf32>,
          %mul3A_306 = arith.mulf %get3A_305, %gather3A_288 : vector<16xf32>
          %swap3A_307 = arith.index_cast %add3A_286 : i32 to index
          %swap3A_308 = arith.constant 32 : index
          %swap3A_309 = tpu.vector_load %arg13[%swap3A_307, %swap3A_308] {strides = array<i32>} : memref<40x128xf32, #tpu.memory_space<vmem>>, vector<16xf32>,
          tpu.vector_store %arg13[%swap3A_307, %swap3A_308], %mul3A_306 {strides = array<i32>} : memref<40x128xf32, #tpu.memory_space<vmem>>, vector<16xf32>,
          %get3A_310 = arith.index_cast %add3A_286 : i32 to index
          %get3A_311 = arith.constant 48 : index
          %get3A_312 = tpu.vector_load %arg13[%get3A_310, %get3A_311] {strides = array<i32>} : memref<40x128xf32, #tpu.memory_space<vmem>>, vector<16xf32>,
          %mul3A_313 = arith.mulf %get3A_312, %gather3A_288 : vector<16xf32>
          %swap3A_314 = arith.index_cast %add3A_286 : i32 to index
          %swap3A_315 = arith.constant 48 : index
          %swap3A_316 = tpu.vector_load %arg13[%swap3A_314, %swap3A_315] {strides = array<i32>} : memref<40x128xf32, #tpu.memory_space<vmem>>, vector<16xf32>,
          tpu.vector_store %arg13[%swap3A_314, %swap3A_315], %mul3A_313 {strides = array<i32>} : memref<40x128xf32, #tpu.memory_space<vmem>>, vector<16xf32>,
          %get3A_317 = arith.index_cast %add3A_286 : i32 to index
          %get3A_318 = arith.constant 64 : index
          %get3A_319 = tpu.vector_load %arg13[%get3A_317, %get3A_318] {strides = array<i32>} : memref<40x128xf32, #tpu.memory_space<vmem>>, vector<16xf32>,
          %mul3A_320 = arith.mulf %get3A_319, %gather3A_288 : vector<16xf32>
          %swap3A_321 = arith.index_cast %add3A_286 : i32 to index
          %swap3A_322 = arith.constant 64 : index
          %swap3A_323 = tpu.vector_load %arg13[%swap3A_321, %swap3A_322] {strides = array<i32>} : memref<40x128xf32, #tpu.memory_space<vmem>>, vector<16xf32>,
          tpu.vector_store %arg13[%swap3A_321, %swap3A_322], %mul3A_320 {strides = array<i32>} : memref<40x128xf32, #tpu.memory_space<vmem>>, vector<16xf32>,
          %get3A_324 = arith.index_cast %add3A_286 : i32 to index
          %get3A_325 = arith.constant 80 : index
          %get3A_326 = tpu.vector_load %arg13[%get3A_324, %get3A_325] {strides = array<i32>} : memref<40x128xf32, #tpu.memory_space<vmem>>, vector<16xf32>,
          %mul3A_327 = arith.mulf %get3A_326, %gather3A_288 : vector<16xf32>
          %swap3A_328 = arith.index_cast %add3A_286 : i32 to index
          %swap3A_329 = arith.constant 80 : index
          %swap3A_330 = tpu.vector_load %arg13[%swap3A_328, %swap3A_329] {strides = array<i32>} : memref<40x128xf32, #tpu.memory_space<vmem>>, vector<16xf32>,
          tpu.vector_store %arg13[%swap3A_328, %swap3A_329], %mul3A_327 {strides = array<i32>} : memref<40x128xf32, #tpu.memory_space<vmem>>, vector<16xf32>,
          %get3A_331 = arith.index_cast %add3A_286 : i32 to index
          %get3A_332 = arith.constant 96 : index
          %get3A_333 = tpu.vector_load %arg13[%get3A_331, %get3A_332] {strides = array<i32>} : memref<40x128xf32, #tpu.memory_space<vmem>>, vector<16xf32>,
          %mul3A_334 = arith.mulf %get3A_333, %gather3A_288 : vector<16xf32>
          %swap3A_335 = arith.index_cast %add3A_286 : i32 to index
          %swap3A_336 = arith.constant 96 : index
          %swap3A_337 = tpu.vector_load %arg13[%swap3A_335, %swap3A_336] {strides = array<i32>} : memref<40x128xf32, #tpu.memory_space<vmem>>, vector<16xf32>,
          tpu.vector_store %arg13[%swap3A_335, %swap3A_336], %mul3A_334 {strides = array<i32>} : memref<40x128xf32, #tpu.memory_space<vmem>>, vector<16xf32>,
          %get3A_338 = arith.index_cast %add3A_286 : i32 to index
          %get3A_339 = arith.constant 112 : index
          %get3A_340 = tpu.vector_load %arg13[%get3A_338, %get3A_339] {strides = array<i32>} : memref<40x128xf32, #tpu.memory_space<vmem>>, vector<16xf32>,
          %mul3A_341 = arith.mulf %get3A_340, %gather3A_288 : vector<16xf32>
          %swap3A_342 = arith.index_cast %add3A_286 : i32 to index
          %swap3A_343 = arith.constant 112 : index
          %swap3A_344 = tpu.vector_load %arg13[%swap3A_342, %swap3A_343] {strides = array<i32>} : memref<40x128xf32, #tpu.memory_space<vmem>>, vector<16xf32>,
          tpu.vector_store %arg13[%swap3A_342, %swap3A_343], %mul3A_341 {strides = array<i32>} : memref<40x128xf32, #tpu.memory_space<vmem>>, vector<16xf32>,
        }
        %scan3A_154 = arith.constant 40 : i32
        %dma_start3A_155 = arith.constant 0 : i32
        %dma_start3A_156 = arith.constant 0 : i32
        %dma_start3A_157 = tpu.memref_slice %arg10[%dma_start3A_155, %dma_start3A_156] : memref<10000x128xf32, #tpu.memory_space<vmem_shared>> -> memref<10000x128xf32, #tpu.memory_space<vmem_shared>>
        tpu.enqueue_indirect_dma source(%arg13 : memref<40x128xf32, #tpu.memory_space<vmem>>) target(%dma_start3A_157 : memref<10000x128xf32, #tpu.memory_space<vmem_shared>>) offsets(%arg18 : memref<40xi32, #tpu.memory_space<vmem>>) semaphore(%arg43 : memref<!tpu.dma_semaphore, #tpu.memory_space<semaphore_mem>>) {add = true}
        %add3A_158 = arith.constant 3 : i32
        %add3A_159 = arith.addi %add3A_63, %add3A_158 : i32
        %ge3A_160 = arith.constant 3 : i32
        %ge3A_161 = arith.cmpi sge, %add3A_159, %ge3A_160 : i32
        %convert_element_type3A_162 = arith.extui %ge3A_161 : i1 to i32
        %cond3A_163 = arith.constant 0 : i32
        %cond3A_164 = arith.cmpi ne, %convert_element_type3A_162, %cond3A_163 : i32
        scf.if %cond3A_164 {
          %sub3A = arith.constant 3 : i32
          %sub3A_222 = arith.subi %add3A_159, %sub3A : i32
          %dma_wait3A_223 = arith.constant 0 : i32
          %dma_wait3A_224 = arith.constant 0 : i32
          %dma_wait3A_225 = tpu.memref_slice %arg10[%dma_wait3A_223, %dma_wait3A_224] : memref<10000x128xf32, #tpu.memory_space<vmem_shared>> -> memref<10000x128xf32, #tpu.memory_space<vmem_shared>>
          tpu.wait_indirect_dma semaphore(%arg41 : memref<!tpu.dma_semaphore, #tpu.memory_space<semaphore_mem>>) src(%arg11 : memref<40x128xf32, #tpu.memory_space<vmem>>) dst(%dma_wait3A_225 : memref<10000x128xf32, #tpu.memory_space<vmem_shared>>)
        } else {
        }
        %add3A_165 = arith.constant 2 : i32
        %add3A_166 = arith.addi %add3A_159, %add3A_165 : i32
        %lt3A_167 = arith.constant 500 : i32
        %lt3A_168 = arith.cmpi slt, %add3A_166, %lt3A_167 : i32
        %convert_element_type3A_169 = arith.extui %lt3A_168 : i1 to i32
        %cond3A_170 = arith.constant 0 : i32
        %cond3A_171 = arith.cmpi ne, %convert_element_type3A_169, %cond3A_170 : i32
        scf.if %cond3A_171 {
          %add3A_222 = arith.constant 2 : i32
          %add3A_223 = arith.addi %add3A_159, %add3A_222 : i32
          %mul3A_224 = arith.constant 40 : i32
          %mul3A_225 = arith.muli %add3A_223, %mul3A_224 : i32
          %add3A_226 = arith.addi %mul3A_2, %mul3A_225 : i32
          %dma_start3A_227 = tpu.memref_slice %arg4[%add3A_226] : memref<320000xi32, #tpu.memory_space<hbm>> -> memref<40xi32, #tpu.memory_space<hbm>>
          %dma_start3A_228 = tpu.memref_slice %arg4[%add3A_226] : memref<320000xi32, #tpu.memory_space<hbm>> -> memref<40xi32, #tpu.memory_space<hbm>>
          tpu.enqueue_dma source(%dma_start3A_228 : memref<40xi32, #tpu.memory_space<hbm>>) target(%arg16 : memref<40xi32, #tpu.memory_space<vmem>>) target_semaphore(%arg36 : memref<!tpu.dma_semaphore, #tpu.memory_space<semaphore_mem>>)
          %dma_start3A_229 = tpu.memref_slice %arg5[%add3A_226] : memref<320000xi32, #tpu.memory_space<hbm>> -> memref<40xi32, #tpu.memory_space<hbm>>
          %dma_start3A_230 = tpu.memref_slice %arg5[%add3A_226] : memref<320000xi32, #tpu.memory_space<hbm>> -> memref<40xi32, #tpu.memory_space<hbm>>
          tpu.enqueue_dma source(%dma_start3A_230 : memref<40xi32, #tpu.memory_space<hbm>>) target(%arg21 : memref<40xi32, #tpu.memory_space<vmem>>) target_semaphore(%arg36 : memref<!tpu.dma_semaphore, #tpu.memory_space<semaphore_mem>>)
          %dma_start3A_231 = tpu.memref_slice %arg6[%add3A_226] : memref<320000xf32, #tpu.memory_space<hbm>> -> memref<40xf32, #tpu.memory_space<hbm>>
          %dma_start3A_232 = tpu.memref_slice %arg6[%add3A_226] : memref<320000xf32, #tpu.memory_space<hbm>> -> memref<40xf32, #tpu.memory_space<hbm>>
          tpu.enqueue_dma source(%dma_start3A_232 : memref<40xf32, #tpu.memory_space<hbm>>) target(%arg26 : memref<40xf32, #tpu.memory_space<vmem>>) target_semaphore(%arg36 : memref<!tpu.dma_semaphore, #tpu.memory_space<semaphore_mem>>)
        } else {
        }
        %add3A_172 = arith.constant 1 : i32
        %add3A_173 = arith.addi %add3A_159, %add3A_172 : i32
        %lt3A_174 = arith.constant 500 : i32
        %lt3A_175 = arith.cmpi slt, %add3A_173, %lt3A_174 : i32
        %convert_element_type3A_176 = arith.extui %lt3A_175 : i1 to i32
        %cond3A_177 = arith.constant 0 : i32
        %cond3A_178 = arith.cmpi ne, %convert_element_type3A_176, %cond3A_177 : i32
        scf.if %cond3A_178 {
          %add3A_222 = arith.constant 1 : i32
          %add3A_223 = arith.addi %add3A_159, %add3A_222 : i32
          %mul3A_224 = arith.constant 40 : i32
          %mul3A_225 = arith.muli %add3A_223, %mul3A_224 : i32
          %add3A_226 = arith.addi %mul3A_2, %mul3A_225 : i32
          %dma_wait3A_227 = tpu.memref_slice %arg4[%add3A_226] : memref<320000xi32, #tpu.memory_space<hbm>> -> memref<40xi32, #tpu.memory_space<hbm>>
          %dma_wait3A_228 = tpu.memref_slice %arg4[%add3A_226] : memref<320000xi32, #tpu.memory_space<hbm>> -> memref<40xi32, #tpu.memory_space<hbm>>
          tpu.wait_dma2 semaphore(%arg40 : memref<!tpu.dma_semaphore, #tpu.memory_space<semaphore_mem>>) src(%dma_wait3A_228 : memref<40xi32, #tpu.memory_space<hbm>>) dst(%arg20 : memref<40xi32, #tpu.memory_space<vmem>>)
          %dma_wait3A_229 = tpu.memref_slice %arg5[%add3A_226] : memref<320000xi32, #tpu.memory_space<hbm>> -> memref<40xi32, #tpu.memory_space<hbm>>
          %dma_wait3A_230 = tpu.memref_slice %arg5[%add3A_226] : memref<320000xi32, #tpu.memory_space<hbm>> -> memref<40xi32, #tpu.memory_space<hbm>>
          tpu.wait_dma2 semaphore(%arg40 : memref<!tpu.dma_semaphore, #tpu.memory_space<semaphore_mem>>) src(%dma_wait3A_230 : memref<40xi32, #tpu.memory_space<hbm>>) dst(%arg25 : memref<40xi32, #tpu.memory_space<vmem>>)
          %dma_wait3A_231 = tpu.memref_slice %arg6[%add3A_226] : memref<320000xf32, #tpu.memory_space<hbm>> -> memref<40xf32, #tpu.memory_space<hbm>>
          %dma_wait3A_232 = tpu.memref_slice %arg6[%add3A_226] : memref<320000xf32, #tpu.memory_space<hbm>> -> memref<40xf32, #tpu.memory_space<hbm>>
          tpu.wait_dma2 semaphore(%arg40 : memref<!tpu.dma_semaphore, #tpu.memory_space<semaphore_mem>>) src(%dma_wait3A_232 : memref<40xf32, #tpu.memory_space<hbm>>) dst(%arg30 : memref<40xf32, #tpu.memory_space<vmem>>)
          %add3A_233 = arith.constant 1 : i32
          %add3A_234 = arith.addi %add3A_159, %add3A_233 : i32
          %dma_start3A_235 = arith.constant 0 : i32
          %dma_start3A_236 = arith.constant 0 : i32
          %dma_start3A_237 = tpu.memref_slice %arg2[%dma_start3A_235, %dma_start3A_236] : memref<10000x128xf32, #tpu.memory_space<hbm>> -> memref<10000x128xf32, #tpu.memory_space<hbm>>
          tpu.enqueue_indirect_dma source(%dma_start3A_237 : memref<10000x128xf32, #tpu.memory_space<hbm>>) target(%arg15 : memref<40x128xf32, #tpu.memory_space<vmem>>) offsets(%arg25 : memref<40xi32, #tpu.memory_space<vmem>>) semaphore(%arg35 : memref<!tpu.dma_semaphore, #tpu.memory_space<semaphore_mem>>)
        } else {
        }
        %dma_wait3A_179 = arith.constant 0 : i32
        %dma_wait3A_180 = arith.constant 0 : i32
        %dma_wait3A_181 = tpu.memref_slice %arg2[%dma_wait3A_179, %dma_wait3A_180] : memref<10000x128xf32, #tpu.memory_space<hbm>> -> memref<10000x128xf32, #tpu.memory_space<hbm>>
        tpu.wait_indirect_dma semaphore(%arg34 : memref<!tpu.dma_semaphore, #tpu.memory_space<semaphore_mem>>) src(%dma_wait3A_181 : memref<10000x128xf32, #tpu.memory_space<hbm>>) dst(%arg14 : memref<40x128xf32, #tpu.memory_space<vmem>>)
        %scan3A_182 = arith.constant 0 : i32
        %scan3A_183 = arith.constant 40 : i32
        %scan3A_184 = arith.addi %scan3A_182, %scan3A_183 : i32
        %scan3A_185 = arith.constant 2 : i32
        scf.for %scan3A_222 = %scan3A_182 to %scan3A_184 step %scan3A_185  : i32 {
          %mul3A_223 = arith.constant 1 : i32
          %mul3A_224 = arith.muli %scan3A_222, %mul3A_223 : i32
          %add3A_225 = arith.constant 0 : i32
          %add3A_226 = arith.addi %add3A_225, %mul3A_224 : i32
          %broadcast_in_dim3A = vector.broadcast %add3A_226 : i32 to vector<16xi32>
          %gather3A = tpu.vector_load_idx %arg29[%broadcast_in_dim3A] : memref<40xf32, #tpu.memory_space<vmem>>[vector<16xi32>], vector<16xf32>,
          %get3A = arith.index_cast %add3A_226 : i32 to index
          %get3A_227 = arith.constant 0 : index
          %get3A_228 = tpu.vector_load %arg14[%get3A, %get3A_227] {strides = array<i32>} : memref<40x128xf32, #tpu.memory_space<vmem>>, vector<16xf32>,
          %mul3A_229 = arith.mulf %get3A_228, %gather3A : vector<16xf32>
          %swap3A = arith.index_cast %add3A_226 : i32 to index
          %swap3A_230 = arith.constant 0 : index
          %swap3A_231 = tpu.vector_load %arg14[%swap3A, %swap3A_230] {strides = array<i32>} : memref<40x128xf32, #tpu.memory_space<vmem>>, vector<16xf32>,
          tpu.vector_store %arg14[%swap3A, %swap3A_230], %mul3A_229 {strides = array<i32>} : memref<40x128xf32, #tpu.memory_space<vmem>>, vector<16xf32>,
          %get3A_232 = arith.index_cast %add3A_226 : i32 to index
          %get3A_233 = arith.constant 16 : index
          %get3A_234 = tpu.vector_load %arg14[%get3A_232, %get3A_233] {strides = array<i32>} : memref<40x128xf32, #tpu.memory_space<vmem>>, vector<16xf32>,
          %mul3A_235 = arith.mulf %get3A_234, %gather3A : vector<16xf32>
          %swap3A_236 = arith.index_cast %add3A_226 : i32 to index
          %swap3A_237 = arith.constant 16 : index
          %swap3A_238 = tpu.vector_load %arg14[%swap3A_236, %swap3A_237] {strides = array<i32>} : memref<40x128xf32, #tpu.memory_space<vmem>>, vector<16xf32>,
          tpu.vector_store %arg14[%swap3A_236, %swap3A_237], %mul3A_235 {strides = array<i32>} : memref<40x128xf32, #tpu.memory_space<vmem>>, vector<16xf32>,
          %get3A_239 = arith.index_cast %add3A_226 : i32 to index
          %get3A_240 = arith.constant 32 : index
          %get3A_241 = tpu.vector_load %arg14[%get3A_239, %get3A_240] {strides = array<i32>} : memref<40x128xf32, #tpu.memory_space<vmem>>, vector<16xf32>,
          %mul3A_242 = arith.mulf %get3A_241, %gather3A : vector<16xf32>
          %swap3A_243 = arith.index_cast %add3A_226 : i32 to index
          %swap3A_244 = arith.constant 32 : index
          %swap3A_245 = tpu.vector_load %arg14[%swap3A_243, %swap3A_244] {strides = array<i32>} : memref<40x128xf32, #tpu.memory_space<vmem>>, vector<16xf32>,
          tpu.vector_store %arg14[%swap3A_243, %swap3A_244], %mul3A_242 {strides = array<i32>} : memref<40x128xf32, #tpu.memory_space<vmem>>, vector<16xf32>,
          %get3A_246 = arith.index_cast %add3A_226 : i32 to index
          %get3A_247 = arith.constant 48 : index
          %get3A_248 = tpu.vector_load %arg14[%get3A_246, %get3A_247] {strides = array<i32>} : memref<40x128xf32, #tpu.memory_space<vmem>>, vector<16xf32>,
          %mul3A_249 = arith.mulf %get3A_248, %gather3A : vector<16xf32>
          %swap3A_250 = arith.index_cast %add3A_226 : i32 to index
          %swap3A_251 = arith.constant 48 : index
          %swap3A_252 = tpu.vector_load %arg14[%swap3A_250, %swap3A_251] {strides = array<i32>} : memref<40x128xf32, #tpu.memory_space<vmem>>, vector<16xf32>,
          tpu.vector_store %arg14[%swap3A_250, %swap3A_251], %mul3A_249 {strides = array<i32>} : memref<40x128xf32, #tpu.memory_space<vmem>>, vector<16xf32>,
          %get3A_253 = arith.index_cast %add3A_226 : i32 to index
          %get3A_254 = arith.constant 64 : index
          %get3A_255 = tpu.vector_load %arg14[%get3A_253, %get3A_254] {strides = array<i32>} : memref<40x128xf32, #tpu.memory_space<vmem>>, vector<16xf32>,
          %mul3A_256 = arith.mulf %get3A_255, %gather3A : vector<16xf32>
          %swap3A_257 = arith.index_cast %add3A_226 : i32 to index
          %swap3A_258 = arith.constant 64 : index
          %swap3A_259 = tpu.vector_load %arg14[%swap3A_257, %swap3A_258] {strides = array<i32>} : memref<40x128xf32, #tpu.memory_space<vmem>>, vector<16xf32>,
          tpu.vector_store %arg14[%swap3A_257, %swap3A_258], %mul3A_256 {strides = array<i32>} : memref<40x128xf32, #tpu.memory_space<vmem>>, vector<16xf32>,
          %get3A_260 = arith.index_cast %add3A_226 : i32 to index
          %get3A_261 = arith.constant 80 : index
          %get3A_262 = tpu.vector_load %arg14[%get3A_260, %get3A_261] {strides = array<i32>} : memref<40x128xf32, #tpu.memory_space<vmem>>, vector<16xf32>,
          %mul3A_263 = arith.mulf %get3A_262, %gather3A : vector<16xf32>
          %swap3A_264 = arith.index_cast %add3A_226 : i32 to index
          %swap3A_265 = arith.constant 80 : index
          %swap3A_266 = tpu.vector_load %arg14[%swap3A_264, %swap3A_265] {strides = array<i32>} : memref<40x128xf32, #tpu.memory_space<vmem>>, vector<16xf32>,
          tpu.vector_store %arg14[%swap3A_264, %swap3A_265], %mul3A_263 {strides = array<i32>} : memref<40x128xf32, #tpu.memory_space<vmem>>, vector<16xf32>,
          %get3A_267 = arith.index_cast %add3A_226 : i32 to index
          %get3A_268 = arith.constant 96 : index
          %get3A_269 = tpu.vector_load %arg14[%get3A_267, %get3A_268] {strides = array<i32>} : memref<40x128xf32, #tpu.memory_space<vmem>>, vector<16xf32>,
          %mul3A_270 = arith.mulf %get3A_269, %gather3A : vector<16xf32>
          %swap3A_271 = arith.index_cast %add3A_226 : i32 to index
          %swap3A_272 = arith.constant 96 : index
          %swap3A_273 = tpu.vector_load %arg14[%swap3A_271, %swap3A_272] {strides = array<i32>} : memref<40x128xf32, #tpu.memory_space<vmem>>, vector<16xf32>,
          tpu.vector_store %arg14[%swap3A_271, %swap3A_272], %mul3A_270 {strides = array<i32>} : memref<40x128xf32, #tpu.memory_space<vmem>>, vector<16xf32>,
          %get3A_274 = arith.index_cast %add3A_226 : i32 to index
          %get3A_275 = arith.constant 112 : index
          %get3A_276 = tpu.vector_load %arg14[%get3A_274, %get3A_275] {strides = array<i32>} : memref<40x128xf32, #tpu.memory_space<vmem>>, vector<16xf32>,
          %mul3A_277 = arith.mulf %get3A_276, %gather3A : vector<16xf32>
          %swap3A_278 = arith.index_cast %add3A_226 : i32 to index
          %swap3A_279 = arith.constant 112 : index
          %swap3A_280 = tpu.vector_load %arg14[%swap3A_278, %swap3A_279] {strides = array<i32>} : memref<40x128xf32, #tpu.memory_space<vmem>>, vector<16xf32>,
          tpu.vector_store %arg14[%swap3A_278, %swap3A_279], %mul3A_277 {strides = array<i32>} : memref<40x128xf32, #tpu.memory_space<vmem>>, vector<16xf32>,
          %scan3A_281 = arith.constant 1 : i32
          %scan3A_282 = arith.addi %scan3A_222, %scan3A_281 : i32
          %mul3A_283 = arith.constant 1 : i32
          %mul3A_284 = arith.muli %scan3A_282, %mul3A_283 : i32
          %add3A_285 = arith.constant 0 : i32
          %add3A_286 = arith.addi %add3A_285, %mul3A_284 : i32
          %broadcast_in_dim3A_287 = vector.broadcast %add3A_286 : i32 to vector<16xi32>
          %gather3A_288 = tpu.vector_load_idx %arg29[%broadcast_in_dim3A_287] : memref<40xf32, #tpu.memory_space<vmem>>[vector<16xi32>], vector<16xf32>,
          %get3A_289 = arith.index_cast %add3A_286 : i32 to index
          %get3A_290 = arith.constant 0 : index
          %get3A_291 = tpu.vector_load %arg14[%get3A_289, %get3A_290] {strides = array<i32>} : memref<40x128xf32, #tpu.memory_space<vmem>>, vector<16xf32>,
          %mul3A_292 = arith.mulf %get3A_291, %gather3A_288 : vector<16xf32>
          %swap3A_293 = arith.index_cast %add3A_286 : i32 to index
          %swap3A_294 = arith.constant 0 : index
          %swap3A_295 = tpu.vector_load %arg14[%swap3A_293, %swap3A_294] {strides = array<i32>} : memref<40x128xf32, #tpu.memory_space<vmem>>, vector<16xf32>,
          tpu.vector_store %arg14[%swap3A_293, %swap3A_294], %mul3A_292 {strides = array<i32>} : memref<40x128xf32, #tpu.memory_space<vmem>>, vector<16xf32>,
          %get3A_296 = arith.index_cast %add3A_286 : i32 to index
          %get3A_297 = arith.constant 16 : index
          %get3A_298 = tpu.vector_load %arg14[%get3A_296, %get3A_297] {strides = array<i32>} : memref<40x128xf32, #tpu.memory_space<vmem>>, vector<16xf32>,
          %mul3A_299 = arith.mulf %get3A_298, %gather3A_288 : vector<16xf32>
          %swap3A_300 = arith.index_cast %add3A_286 : i32 to index
          %swap3A_301 = arith.constant 16 : index
          %swap3A_302 = tpu.vector_load %arg14[%swap3A_300, %swap3A_301] {strides = array<i32>} : memref<40x128xf32, #tpu.memory_space<vmem>>, vector<16xf32>,
          tpu.vector_store %arg14[%swap3A_300, %swap3A_301], %mul3A_299 {strides = array<i32>} : memref<40x128xf32, #tpu.memory_space<vmem>>, vector<16xf32>,
          %get3A_303 = arith.index_cast %add3A_286 : i32 to index
          %get3A_304 = arith.constant 32 : index
          %get3A_305 = tpu.vector_load %arg14[%get3A_303, %get3A_304] {strides = array<i32>} : memref<40x128xf32, #tpu.memory_space<vmem>>, vector<16xf32>,
          %mul3A_306 = arith.mulf %get3A_305, %gather3A_288 : vector<16xf32>
          %swap3A_307 = arith.index_cast %add3A_286 : i32 to index
          %swap3A_308 = arith.constant 32 : index
          %swap3A_309 = tpu.vector_load %arg14[%swap3A_307, %swap3A_308] {strides = array<i32>} : memref<40x128xf32, #tpu.memory_space<vmem>>, vector<16xf32>,
          tpu.vector_store %arg14[%swap3A_307, %swap3A_308], %mul3A_306 {strides = array<i32>} : memref<40x128xf32, #tpu.memory_space<vmem>>, vector<16xf32>,
          %get3A_310 = arith.index_cast %add3A_286 : i32 to index
          %get3A_311 = arith.constant 48 : index
          %get3A_312 = tpu.vector_load %arg14[%get3A_310, %get3A_311] {strides = array<i32>} : memref<40x128xf32, #tpu.memory_space<vmem>>, vector<16xf32>,
          %mul3A_313 = arith.mulf %get3A_312, %gather3A_288 : vector<16xf32>
          %swap3A_314 = arith.index_cast %add3A_286 : i32 to index
          %swap3A_315 = arith.constant 48 : index
          %swap3A_316 = tpu.vector_load %arg14[%swap3A_314, %swap3A_315] {strides = array<i32>} : memref<40x128xf32, #tpu.memory_space<vmem>>, vector<16xf32>,
          tpu.vector_store %arg14[%swap3A_314, %swap3A_315], %mul3A_313 {strides = array<i32>} : memref<40x128xf32, #tpu.memory_space<vmem>>, vector<16xf32>,
          %get3A_317 = arith.index_cast %add3A_286 : i32 to index
          %get3A_318 = arith.constant 64 : index
          %get3A_319 = tpu.vector_load %arg14[%get3A_317, %get3A_318] {strides = array<i32>} : memref<40x128xf32, #tpu.memory_space<vmem>>, vector<16xf32>,
          %mul3A_320 = arith.mulf %get3A_319, %gather3A_288 : vector<16xf32>
          %swap3A_321 = arith.index_cast %add3A_286 : i32 to index
          %swap3A_322 = arith.constant 64 : index
          %swap3A_323 = tpu.vector_load %arg14[%swap3A_321, %swap3A_322] {strides = array<i32>} : memref<40x128xf32, #tpu.memory_space<vmem>>, vector<16xf32>,
          tpu.vector_store %arg14[%swap3A_321, %swap3A_322], %mul3A_320 {strides = array<i32>} : memref<40x128xf32, #tpu.memory_space<vmem>>, vector<16xf32>,
          %get3A_324 = arith.index_cast %add3A_286 : i32 to index
          %get3A_325 = arith.constant 80 : index
          %get3A_326 = tpu.vector_load %arg14[%get3A_324, %get3A_325] {strides = array<i32>} : memref<40x128xf32, #tpu.memory_space<vmem>>, vector<16xf32>,
          %mul3A_327 = arith.mulf %get3A_326, %gather3A_288 : vector<16xf32>
          %swap3A_328 = arith.index_cast %add3A_286 : i32 to index
          %swap3A_329 = arith.constant 80 : index
          %swap3A_330 = tpu.vector_load %arg14[%swap3A_328, %swap3A_329] {strides = array<i32>} : memref<40x128xf32, #tpu.memory_space<vmem>>, vector<16xf32>,
          tpu.vector_store %arg14[%swap3A_328, %swap3A_329], %mul3A_327 {strides = array<i32>} : memref<40x128xf32, #tpu.memory_space<vmem>>, vector<16xf32>,
          %get3A_331 = arith.index_cast %add3A_286 : i32 to index
          %get3A_332 = arith.constant 96 : index
          %get3A_333 = tpu.vector_load %arg14[%get3A_331, %get3A_332] {strides = array<i32>} : memref<40x128xf32, #tpu.memory_space<vmem>>, vector<16xf32>,
          %mul3A_334 = arith.mulf %get3A_333, %gather3A_288 : vector<16xf32>
          %swap3A_335 = arith.index_cast %add3A_286 : i32 to index
          %swap3A_336 = arith.constant 96 : index
          %swap3A_337 = tpu.vector_load %arg14[%swap3A_335, %swap3A_336] {strides = array<i32>} : memref<40x128xf32, #tpu.memory_space<vmem>>, vector<16xf32>,
          tpu.vector_store %arg14[%swap3A_335, %swap3A_336], %mul3A_334 {strides = array<i32>} : memref<40x128xf32, #tpu.memory_space<vmem>>, vector<16xf32>,
          %get3A_338 = arith.index_cast %add3A_286 : i32 to index
          %get3A_339 = arith.constant 112 : index
          %get3A_340 = tpu.vector_load %arg14[%get3A_338, %get3A_339] {strides = array<i32>} : memref<40x128xf32, #tpu.memory_space<vmem>>, vector<16xf32>,
          %mul3A_341 = arith.mulf %get3A_340, %gather3A_288 : vector<16xf32>
          %swap3A_342 = arith.index_cast %add3A_286 : i32 to index
          %swap3A_343 = arith.constant 112 : index
          %swap3A_344 = tpu.vector_load %arg14[%swap3A_342, %swap3A_343] {strides = array<i32>} : memref<40x128xf32, #tpu.memory_space<vmem>>, vector<16xf32>,
          tpu.vector_store %arg14[%swap3A_342, %swap3A_343], %mul3A_341 {strides = array<i32>} : memref<40x128xf32, #tpu.memory_space<vmem>>, vector<16xf32>,
        }
        %scan3A_186 = arith.constant 40 : i32
        %dma_start3A_187 = arith.constant 0 : i32
        %dma_start3A_188 = arith.constant 0 : i32
        %dma_start3A_189 = tpu.memref_slice %arg10[%dma_start3A_187, %dma_start3A_188] : memref<10000x128xf32, #tpu.memory_space<vmem_shared>> -> memref<10000x128xf32, #tpu.memory_space<vmem_shared>>
        tpu.enqueue_indirect_dma source(%arg14 : memref<40x128xf32, #tpu.memory_space<vmem>>) target(%dma_start3A_189 : memref<10000x128xf32, #tpu.memory_space<vmem_shared>>) offsets(%arg19 : memref<40xi32, #tpu.memory_space<vmem>>) semaphore(%arg44 : memref<!tpu.dma_semaphore, #tpu.memory_space<semaphore_mem>>) {add = true}
        %add3A_190 = arith.constant 4 : i32
        %add3A_191 = arith.addi %add3A_63, %add3A_190 : i32
        %ge3A_192 = arith.constant 3 : i32
        %ge3A_193 = arith.cmpi sge, %add3A_191, %ge3A_192 : i32
        %convert_element_type3A_194 = arith.extui %ge3A_193 : i1 to i32
        %cond3A_195 = arith.constant 0 : i32
        %cond3A_196 = arith.cmpi ne, %convert_element_type3A_194, %cond3A_195 : i32
        scf.if %cond3A_196 {
          %sub3A = arith.constant 3 : i32
          %sub3A_222 = arith.subi %add3A_191, %sub3A : i32
          %dma_wait3A_223 = arith.constant 0 : i32
          %dma_wait3A_224 = arith.constant 0 : i32
          %dma_wait3A_225 = tpu.memref_slice %arg10[%dma_wait3A_223, %dma_wait3A_224] : memref<10000x128xf32, #tpu.memory_space<vmem_shared>> -> memref<10000x128xf32, #tpu.memory_space<vmem_shared>>
          tpu.wait_indirect_dma semaphore(%arg42 : memref<!tpu.dma_semaphore, #tpu.memory_space<semaphore_mem>>) src(%arg12 : memref<40x128xf32, #tpu.memory_space<vmem>>) dst(%dma_wait3A_225 : memref<10000x128xf32, #tpu.memory_space<vmem_shared>>)
        } else {
        }
        %add3A_197 = arith.constant 2 : i32
        %add3A_198 = arith.addi %add3A_191, %add3A_197 : i32
        %lt3A_199 = arith.constant 500 : i32
        %lt3A_200 = arith.cmpi slt, %add3A_198, %lt3A_199 : i32
        %convert_element_type3A_201 = arith.extui %lt3A_200 : i1 to i32
        %cond3A_202 = arith.constant 0 : i32
        %cond3A_203 = arith.cmpi ne, %convert_element_type3A_201, %cond3A_202 : i32
        scf.if %cond3A_203 {
          %add3A_222 = arith.constant 2 : i32
          %add3A_223 = arith.addi %add3A_191, %add3A_222 : i32
          %mul3A_224 = arith.constant 40 : i32
          %mul3A_225 = arith.muli %add3A_223, %mul3A_224 : i32
          %add3A_226 = arith.addi %mul3A_2, %mul3A_225 : i32
          %dma_start3A_227 = tpu.memref_slice %arg4[%add3A_226] : memref<320000xi32, #tpu.memory_space<hbm>> -> memref<40xi32, #tpu.memory_space<hbm>>
          %dma_start3A_228 = tpu.memref_slice %arg4[%add3A_226] : memref<320000xi32, #tpu.memory_space<hbm>> -> memref<40xi32, #tpu.memory_space<hbm>>
          tpu.enqueue_dma source(%dma_start3A_228 : memref<40xi32, #tpu.memory_space<hbm>>) target(%arg17 : memref<40xi32, #tpu.memory_space<vmem>>) target_semaphore(%arg37 : memref<!tpu.dma_semaphore, #tpu.memory_space<semaphore_mem>>)
          %dma_start3A_229 = tpu.memref_slice %arg5[%add3A_226] : memref<320000xi32, #tpu.memory_space<hbm>> -> memref<40xi32, #tpu.memory_space<hbm>>
          %dma_start3A_230 = tpu.memref_slice %arg5[%add3A_226] : memref<320000xi32, #tpu.memory_space<hbm>> -> memref<40xi32, #tpu.memory_space<hbm>>
          tpu.enqueue_dma source(%dma_start3A_230 : memref<40xi32, #tpu.memory_space<hbm>>) target(%arg22 : memref<40xi32, #tpu.memory_space<vmem>>) target_semaphore(%arg37 : memref<!tpu.dma_semaphore, #tpu.memory_space<semaphore_mem>>)
          %dma_start3A_231 = tpu.memref_slice %arg6[%add3A_226] : memref<320000xf32, #tpu.memory_space<hbm>> -> memref<40xf32, #tpu.memory_space<hbm>>
          %dma_start3A_232 = tpu.memref_slice %arg6[%add3A_226] : memref<320000xf32, #tpu.memory_space<hbm>> -> memref<40xf32, #tpu.memory_space<hbm>>
          tpu.enqueue_dma source(%dma_start3A_232 : memref<40xf32, #tpu.memory_space<hbm>>) target(%arg27 : memref<40xf32, #tpu.memory_space<vmem>>) target_semaphore(%arg37 : memref<!tpu.dma_semaphore, #tpu.memory_space<semaphore_mem>>)
        } else {
        }
        %add3A_204 = arith.constant 1 : i32
        %add3A_205 = arith.addi %add3A_191, %add3A_204 : i32
        %lt3A_206 = arith.constant 500 : i32
        %lt3A_207 = arith.cmpi slt, %add3A_205, %lt3A_206 : i32
        %convert_element_type3A_208 = arith.extui %lt3A_207 : i1 to i32
        %cond3A_209 = arith.constant 0 : i32
        %cond3A_210 = arith.cmpi ne, %convert_element_type3A_208, %cond3A_209 : i32
        scf.if %cond3A_210 {
          %add3A_222 = arith.constant 1 : i32
          %add3A_223 = arith.addi %add3A_191, %add3A_222 : i32
          %mul3A_224 = arith.constant 40 : i32
          %mul3A_225 = arith.muli %add3A_223, %mul3A_224 : i32
          %add3A_226 = arith.addi %mul3A_2, %mul3A_225 : i32
          %dma_wait3A_227 = tpu.memref_slice %arg4[%add3A_226] : memref<320000xi32, #tpu.memory_space<hbm>> -> memref<40xi32, #tpu.memory_space<hbm>>
          %dma_wait3A_228 = tpu.memref_slice %arg4[%add3A_226] : memref<320000xi32, #tpu.memory_space<hbm>> -> memref<40xi32, #tpu.memory_space<hbm>>
          tpu.wait_dma2 semaphore(%arg36 : memref<!tpu.dma_semaphore, #tpu.memory_space<semaphore_mem>>) src(%dma_wait3A_228 : memref<40xi32, #tpu.memory_space<hbm>>) dst(%arg16 : memref<40xi32, #tpu.memory_space<vmem>>)
          %dma_wait3A_229 = tpu.memref_slice %arg5[%add3A_226] : memref<320000xi32, #tpu.memory_space<hbm>> -> memref<40xi32, #tpu.memory_space<hbm>>
          %dma_wait3A_230 = tpu.memref_slice %arg5[%add3A_226] : memref<320000xi32, #tpu.memory_space<hbm>> -> memref<40xi32, #tpu.memory_space<hbm>>
          tpu.wait_dma2 semaphore(%arg36 : memref<!tpu.dma_semaphore, #tpu.memory_space<semaphore_mem>>) src(%dma_wait3A_230 : memref<40xi32, #tpu.memory_space<hbm>>) dst(%arg21 : memref<40xi32, #tpu.memory_space<vmem>>)
          %dma_wait3A_231 = tpu.memref_slice %arg6[%add3A_226] : memref<320000xf32, #tpu.memory_space<hbm>> -> memref<40xf32, #tpu.memory_space<hbm>>
          %dma_wait3A_232 = tpu.memref_slice %arg6[%add3A_226] : memref<320000xf32, #tpu.memory_space<hbm>> -> memref<40xf32, #tpu.memory_space<hbm>>
          tpu.wait_dma2 semaphore(%arg36 : memref<!tpu.dma_semaphore, #tpu.memory_space<semaphore_mem>>) src(%dma_wait3A_232 : memref<40xf32, #tpu.memory_space<hbm>>) dst(%arg26 : memref<40xf32, #tpu.memory_space<vmem>>)
          %add3A_233 = arith.constant 1 : i32
          %add3A_234 = arith.addi %add3A_191, %add3A_233 : i32
          %dma_start3A_235 = arith.constant 0 : i32
          %dma_start3A_236 = arith.constant 0 : i32
          %dma_start3A_237 = tpu.memref_slice %arg2[%dma_start3A_235, %dma_start3A_236] : memref<10000x128xf32, #tpu.memory_space<hbm>> -> memref<10000x128xf32, #tpu.memory_space<hbm>>
          tpu.enqueue_indirect_dma source(%dma_start3A_237 : memref<10000x128xf32, #tpu.memory_space<hbm>>) target(%arg11 : memref<40x128xf32, #tpu.memory_space<vmem>>) offsets(%arg21 : memref<40xi32, #tpu.memory_space<vmem>>) semaphore(%arg31 : memref<!tpu.dma_semaphore, #tpu.memory_space<semaphore_mem>>)
        } else {
        }
        %dma_wait3A_211 = arith.constant 0 : i32
        %dma_wait3A_212 = arith.constant 0 : i32
        %dma_wait3A_213 = tpu.memref_slice %arg2[%dma_wait3A_211, %dma_wait3A_212] : memref<10000x128xf32, #tpu.memory_space<hbm>> -> memref<10000x128xf32, #tpu.memory_space<hbm>>
        tpu.wait_indirect_dma semaphore(%arg35 : memref<!tpu.dma_semaphore, #tpu.memory_space<semaphore_mem>>) src(%dma_wait3A_213 : memref<10000x128xf32, #tpu.memory_space<hbm>>) dst(%arg15 : memref<40x128xf32, #tpu.memory_space<vmem>>)
        %scan3A_214 = arith.constant 0 : i32
        %scan3A_215 = arith.constant 40 : i32
        %scan3A_216 = arith.addi %scan3A_214, %scan3A_215 : i32
        %scan3A_217 = arith.constant 2 : i32
        scf.for %scan3A_222 = %scan3A_214 to %scan3A_216 step %scan3A_217  : i32 {
          %mul3A_223 = arith.constant 1 : i32
          %mul3A_224 = arith.muli %scan3A_222, %mul3A_223 : i32
          %add3A_225 = arith.constant 0 : i32
          %add3A_226 = arith.addi %add3A_225, %mul3A_224 : i32
          %broadcast_in_dim3A = vector.broadcast %add3A_226 : i32 to vector<16xi32>
          %gather3A = tpu.vector_load_idx %arg30[%broadcast_in_dim3A] : memref<40xf32, #tpu.memory_space<vmem>>[vector<16xi32>], vector<16xf32>,
          %get3A = arith.index_cast %add3A_226 : i32 to index
          %get3A_227 = arith.constant 0 : index
          %get3A_228 = tpu.vector_load %arg15[%get3A, %get3A_227] {strides = array<i32>} : memref<40x128xf32, #tpu.memory_space<vmem>>, vector<16xf32>,
          %mul3A_229 = arith.mulf %get3A_228, %gather3A : vector<16xf32>
          %swap3A = arith.index_cast %add3A_226 : i32 to index
          %swap3A_230 = arith.constant 0 : index
          %swap3A_231 = tpu.vector_load %arg15[%swap3A, %swap3A_230] {strides = array<i32>} : memref<40x128xf32, #tpu.memory_space<vmem>>, vector<16xf32>,
          tpu.vector_store %arg15[%swap3A, %swap3A_230], %mul3A_229 {strides = array<i32>} : memref<40x128xf32, #tpu.memory_space<vmem>>, vector<16xf32>,
          %get3A_232 = arith.index_cast %add3A_226 : i32 to index
          %get3A_233 = arith.constant 16 : index
          %get3A_234 = tpu.vector_load %arg15[%get3A_232, %get3A_233] {strides = array<i32>} : memref<40x128xf32, #tpu.memory_space<vmem>>, vector<16xf32>,
          %mul3A_235 = arith.mulf %get3A_234, %gather3A : vector<16xf32>
          %swap3A_236 = arith.index_cast %add3A_226 : i32 to index
          %swap3A_237 = arith.constant 16 : index
          %swap3A_238 = tpu.vector_load %arg15[%swap3A_236, %swap3A_237] {strides = array<i32>} : memref<40x128xf32, #tpu.memory_space<vmem>>, vector<16xf32>,
          tpu.vector_store %arg15[%swap3A_236, %swap3A_237], %mul3A_235 {strides = array<i32>} : memref<40x128xf32, #tpu.memory_space<vmem>>, vector<16xf32>,
          %get3A_239 = arith.index_cast %add3A_226 : i32 to index
          %get3A_240 = arith.constant 32 : index
          %get3A_241 = tpu.vector_load %arg15[%get3A_239, %get3A_240] {strides = array<i32>} : memref<40x128xf32, #tpu.memory_space<vmem>>, vector<16xf32>,
          %mul3A_242 = arith.mulf %get3A_241, %gather3A : vector<16xf32>
          %swap3A_243 = arith.index_cast %add3A_226 : i32 to index
          %swap3A_244 = arith.constant 32 : index
          %swap3A_245 = tpu.vector_load %arg15[%swap3A_243, %swap3A_244] {strides = array<i32>} : memref<40x128xf32, #tpu.memory_space<vmem>>, vector<16xf32>,
          tpu.vector_store %arg15[%swap3A_243, %swap3A_244], %mul3A_242 {strides = array<i32>} : memref<40x128xf32, #tpu.memory_space<vmem>>, vector<16xf32>,
          %get3A_246 = arith.index_cast %add3A_226 : i32 to index
          %get3A_247 = arith.constant 48 : index
          %get3A_248 = tpu.vector_load %arg15[%get3A_246, %get3A_247] {strides = array<i32>} : memref<40x128xf32, #tpu.memory_space<vmem>>, vector<16xf32>,
          %mul3A_249 = arith.mulf %get3A_248, %gather3A : vector<16xf32>
          %swap3A_250 = arith.index_cast %add3A_226 : i32 to index
          %swap3A_251 = arith.constant 48 : index
          %swap3A_252 = tpu.vector_load %arg15[%swap3A_250, %swap3A_251] {strides = array<i32>} : memref<40x128xf32, #tpu.memory_space<vmem>>, vector<16xf32>,
          tpu.vector_store %arg15[%swap3A_250, %swap3A_251], %mul3A_249 {strides = array<i32>} : memref<40x128xf32, #tpu.memory_space<vmem>>, vector<16xf32>,
          %get3A_253 = arith.index_cast %add3A_226 : i32 to index
          %get3A_254 = arith.constant 64 : index
          %get3A_255 = tpu.vector_load %arg15[%get3A_253, %get3A_254] {strides = array<i32>} : memref<40x128xf32, #tpu.memory_space<vmem>>, vector<16xf32>,
          %mul3A_256 = arith.mulf %get3A_255, %gather3A : vector<16xf32>
          %swap3A_257 = arith.index_cast %add3A_226 : i32 to index
          %swap3A_258 = arith.constant 64 : index
          %swap3A_259 = tpu.vector_load %arg15[%swap3A_257, %swap3A_258] {strides = array<i32>} : memref<40x128xf32, #tpu.memory_space<vmem>>, vector<16xf32>,
          tpu.vector_store %arg15[%swap3A_257, %swap3A_258], %mul3A_256 {strides = array<i32>} : memref<40x128xf32, #tpu.memory_space<vmem>>, vector<16xf32>,
          %get3A_260 = arith.index_cast %add3A_226 : i32 to index
          %get3A_261 = arith.constant 80 : index
          %get3A_262 = tpu.vector_load %arg15[%get3A_260, %get3A_261] {strides = array<i32>} : memref<40x128xf32, #tpu.memory_space<vmem>>, vector<16xf32>,
          %mul3A_263 = arith.mulf %get3A_262, %gather3A : vector<16xf32>
          %swap3A_264 = arith.index_cast %add3A_226 : i32 to index
          %swap3A_265 = arith.constant 80 : index
          %swap3A_266 = tpu.vector_load %arg15[%swap3A_264, %swap3A_265] {strides = array<i32>} : memref<40x128xf32, #tpu.memory_space<vmem>>, vector<16xf32>,
          tpu.vector_store %arg15[%swap3A_264, %swap3A_265], %mul3A_263 {strides = array<i32>} : memref<40x128xf32, #tpu.memory_space<vmem>>, vector<16xf32>,
          %get3A_267 = arith.index_cast %add3A_226 : i32 to index
          %get3A_268 = arith.constant 96 : index
          %get3A_269 = tpu.vector_load %arg15[%get3A_267, %get3A_268] {strides = array<i32>} : memref<40x128xf32, #tpu.memory_space<vmem>>, vector<16xf32>,
          %mul3A_270 = arith.mulf %get3A_269, %gather3A : vector<16xf32>
          %swap3A_271 = arith.index_cast %add3A_226 : i32 to index
          %swap3A_272 = arith.constant 96 : index
          %swap3A_273 = tpu.vector_load %arg15[%swap3A_271, %swap3A_272] {strides = array<i32>} : memref<40x128xf32, #tpu.memory_space<vmem>>, vector<16xf32>,
          tpu.vector_store %arg15[%swap3A_271, %swap3A_272], %mul3A_270 {strides = array<i32>} : memref<40x128xf32, #tpu.memory_space<vmem>>, vector<16xf32>,
          %get3A_274 = arith.index_cast %add3A_226 : i32 to index
          %get3A_275 = arith.constant 112 : index
          %get3A_276 = tpu.vector_load %arg15[%get3A_274, %get3A_275] {strides = array<i32>} : memref<40x128xf32, #tpu.memory_space<vmem>>, vector<16xf32>,
          %mul3A_277 = arith.mulf %get3A_276, %gather3A : vector<16xf32>
          %swap3A_278 = arith.index_cast %add3A_226 : i32 to index
          %swap3A_279 = arith.constant 112 : index
          %swap3A_280 = tpu.vector_load %arg15[%swap3A_278, %swap3A_279] {strides = array<i32>} : memref<40x128xf32, #tpu.memory_space<vmem>>, vector<16xf32>,
          tpu.vector_store %arg15[%swap3A_278, %swap3A_279], %mul3A_277 {strides = array<i32>} : memref<40x128xf32, #tpu.memory_space<vmem>>, vector<16xf32>,
          %scan3A_281 = arith.constant 1 : i32
          %scan3A_282 = arith.addi %scan3A_222, %scan3A_281 : i32
          %mul3A_283 = arith.constant 1 : i32
          %mul3A_284 = arith.muli %scan3A_282, %mul3A_283 : i32
          %add3A_285 = arith.constant 0 : i32
          %add3A_286 = arith.addi %add3A_285, %mul3A_284 : i32
          %broadcast_in_dim3A_287 = vector.broadcast %add3A_286 : i32 to vector<16xi32>
          %gather3A_288 = tpu.vector_load_idx %arg30[%broadcast_in_dim3A_287] : memref<40xf32, #tpu.memory_space<vmem>>[vector<16xi32>], vector<16xf32>,
          %get3A_289 = arith.index_cast %add3A_286 : i32 to index
          %get3A_290 = arith.constant 0 : index
          %get3A_291 = tpu.vector_load %arg15[%get3A_289, %get3A_290] {strides = array<i32>} : memref<40x128xf32, #tpu.memory_space<vmem>>, vector<16xf32>,
          %mul3A_292 = arith.mulf %get3A_291, %gather3A_288 : vector<16xf32>
          %swap3A_293 = arith.index_cast %add3A_286 : i32 to index
          %swap3A_294 = arith.constant 0 : index
          %swap3A_295 = tpu.vector_load %arg15[%swap3A_293, %swap3A_294] {strides = array<i32>} : memref<40x128xf32, #tpu.memory_space<vmem>>, vector<16xf32>,
          tpu.vector_store %arg15[%swap3A_293, %swap3A_294], %mul3A_292 {strides = array<i32>} : memref<40x128xf32, #tpu.memory_space<vmem>>, vector<16xf32>,
          %get3A_296 = arith.index_cast %add3A_286 : i32 to index
          %get3A_297 = arith.constant 16 : index
          %get3A_298 = tpu.vector_load %arg15[%get3A_296, %get3A_297] {strides = array<i32>} : memref<40x128xf32, #tpu.memory_space<vmem>>, vector<16xf32>,
          %mul3A_299 = arith.mulf %get3A_298, %gather3A_288 : vector<16xf32>
          %swap3A_300 = arith.index_cast %add3A_286 : i32 to index
          %swap3A_301 = arith.constant 16 : index
          %swap3A_302 = tpu.vector_load %arg15[%swap3A_300, %swap3A_301] {strides = array<i32>} : memref<40x128xf32, #tpu.memory_space<vmem>>, vector<16xf32>,
          tpu.vector_store %arg15[%swap3A_300, %swap3A_301], %mul3A_299 {strides = array<i32>} : memref<40x128xf32, #tpu.memory_space<vmem>>, vector<16xf32>,
          %get3A_303 = arith.index_cast %add3A_286 : i32 to index
          %get3A_304 = arith.constant 32 : index
          %get3A_305 = tpu.vector_load %arg15[%get3A_303, %get3A_304] {strides = array<i32>} : memref<40x128xf32, #tpu.memory_space<vmem>>, vector<16xf32>,
          %mul3A_306 = arith.mulf %get3A_305, %gather3A_288 : vector<16xf32>
          %swap3A_307 = arith.index_cast %add3A_286 : i32 to index
          %swap3A_308 = arith.constant 32 : index
          %swap3A_309 = tpu.vector_load %arg15[%swap3A_307, %swap3A_308] {strides = array<i32>} : memref<40x128xf32, #tpu.memory_space<vmem>>, vector<16xf32>,
          tpu.vector_store %arg15[%swap3A_307, %swap3A_308], %mul3A_306 {strides = array<i32>} : memref<40x128xf32, #tpu.memory_space<vmem>>, vector<16xf32>,
          %get3A_310 = arith.index_cast %add3A_286 : i32 to index
          %get3A_311 = arith.constant 48 : index
          %get3A_312 = tpu.vector_load %arg15[%get3A_310, %get3A_311] {strides = array<i32>} : memref<40x128xf32, #tpu.memory_space<vmem>>, vector<16xf32>,
          %mul3A_313 = arith.mulf %get3A_312, %gather3A_288 : vector<16xf32>
          %swap3A_314 = arith.index_cast %add3A_286 : i32 to index
          %swap3A_315 = arith.constant 48 : index
          %swap3A_316 = tpu.vector_load %arg15[%swap3A_314, %swap3A_315] {strides = array<i32>} : memref<40x128xf32, #tpu.memory_space<vmem>>, vector<16xf32>,
          tpu.vector_store %arg15[%swap3A_314, %swap3A_315], %mul3A_313 {strides = array<i32>} : memref<40x128xf32, #tpu.memory_space<vmem>>, vector<16xf32>,
          %get3A_317 = arith.index_cast %add3A_286 : i32 to index
          %get3A_318 = arith.constant 64 : index
          %get3A_319 = tpu.vector_load %arg15[%get3A_317, %get3A_318] {strides = array<i32>} : memref<40x128xf32, #tpu.memory_space<vmem>>, vector<16xf32>,
          %mul3A_320 = arith.mulf %get3A_319, %gather3A_288 : vector<16xf32>
          %swap3A_321 = arith.index_cast %add3A_286 : i32 to index
          %swap3A_322 = arith.constant 64 : index
          %swap3A_323 = tpu.vector_load %arg15[%swap3A_321, %swap3A_322] {strides = array<i32>} : memref<40x128xf32, #tpu.memory_space<vmem>>, vector<16xf32>,
          tpu.vector_store %arg15[%swap3A_321, %swap3A_322], %mul3A_320 {strides = array<i32>} : memref<40x128xf32, #tpu.memory_space<vmem>>, vector<16xf32>,
          %get3A_324 = arith.index_cast %add3A_286 : i32 to index
          %get3A_325 = arith.constant 80 : index
          %get3A_326 = tpu.vector_load %arg15[%get3A_324, %get3A_325] {strides = array<i32>} : memref<40x128xf32, #tpu.memory_space<vmem>>, vector<16xf32>,
          %mul3A_327 = arith.mulf %get3A_326, %gather3A_288 : vector<16xf32>
          %swap3A_328 = arith.index_cast %add3A_286 : i32 to index
          %swap3A_329 = arith.constant 80 : index
          %swap3A_330 = tpu.vector_load %arg15[%swap3A_328, %swap3A_329] {strides = array<i32>} : memref<40x128xf32, #tpu.memory_space<vmem>>, vector<16xf32>,
          tpu.vector_store %arg15[%swap3A_328, %swap3A_329], %mul3A_327 {strides = array<i32>} : memref<40x128xf32, #tpu.memory_space<vmem>>, vector<16xf32>,
          %get3A_331 = arith.index_cast %add3A_286 : i32 to index
          %get3A_332 = arith.constant 96 : index
          %get3A_333 = tpu.vector_load %arg15[%get3A_331, %get3A_332] {strides = array<i32>} : memref<40x128xf32, #tpu.memory_space<vmem>>, vector<16xf32>,
          %mul3A_334 = arith.mulf %get3A_333, %gather3A_288 : vector<16xf32>
          %swap3A_335 = arith.index_cast %add3A_286 : i32 to index
          %swap3A_336 = arith.constant 96 : index
          %swap3A_337 = tpu.vector_load %arg15[%swap3A_335, %swap3A_336] {strides = array<i32>} : memref<40x128xf32, #tpu.memory_space<vmem>>, vector<16xf32>,
          tpu.vector_store %arg15[%swap3A_335, %swap3A_336], %mul3A_334 {strides = array<i32>} : memref<40x128xf32, #tpu.memory_space<vmem>>, vector<16xf32>,
          %get3A_338 = arith.index_cast %add3A_286 : i32 to index
          %get3A_339 = arith.constant 112 : index
          %get3A_340 = tpu.vector_load %arg15[%get3A_338, %get3A_339] {strides = array<i32>} : memref<40x128xf32, #tpu.memory_space<vmem>>, vector<16xf32>,
          %mul3A_341 = arith.mulf %get3A_340, %gather3A_288 : vector<16xf32>
          %swap3A_342 = arith.index_cast %add3A_286 : i32 to index
          %swap3A_343 = arith.constant 112 : index
          %swap3A_344 = tpu.vector_load %arg15[%swap3A_342, %swap3A_343] {strides = array<i32>} : memref<40x128xf32, #tpu.memory_space<vmem>>, vector<16xf32>,
          tpu.vector_store %arg15[%swap3A_342, %swap3A_343], %mul3A_341 {strides = array<i32>} : memref<40x128xf32, #tpu.memory_space<vmem>>, vector<16xf32>,
        }
        %scan3A_218 = arith.constant 40 : i32
        %dma_start3A_219 = arith.constant 0 : i32
        %dma_start3A_220 = arith.constant 0 : i32
        %dma_start3A_221 = tpu.memref_slice %arg10[%dma_start3A_219, %dma_start3A_220] : memref<10000x128xf32, #tpu.memory_space<vmem_shared>> -> memref<10000x128xf32, #tpu.memory_space<vmem_shared>>
        tpu.enqueue_indirect_dma source(%arg15 : memref<40x128xf32, #tpu.memory_space<vmem>>) target(%dma_start3A_221 : memref<10000x128xf32, #tpu.memory_space<vmem_shared>>) offsets(%arg20 : memref<40xi32, #tpu.memory_space<vmem>>) semaphore(%arg45 : memref<!tpu.dma_semaphore, #tpu.memory_space<semaphore_mem>>) {add = true}
      }
      %scan3A_43 = arith.constant 100 : i32
      %dma_wait3A_44 = arith.constant 0 : i32
      %dma_wait3A_45 = arith.constant 0 : i32
      %dma_wait3A_46 = tpu.memref_slice %arg10[%dma_wait3A_44, %dma_wait3A_45] : memref<10000x128xf32, #tpu.memory_space<vmem_shared>> -> memref<10000x128xf32, #tpu.memory_space<vmem_shared>>
      tpu.wait_indirect_dma semaphore(%arg43 : memref<!tpu.dma_semaphore, #tpu.memory_space<semaphore_mem>>) src(%arg13 : memref<40x128xf32, #tpu.memory_space<vmem>>) dst(%dma_wait3A_46 : memref<10000x128xf32, #tpu.memory_space<vmem_shared>>)
      %dma_wait3A_47 = arith.constant 0 : i32
      %dma_wait3A_48 = arith.constant 0 : i32
      %dma_wait3A_49 = tpu.memref_slice %arg10[%dma_wait3A_47, %dma_wait3A_48] : memref<10000x128xf32, #tpu.memory_space<vmem_shared>> -> memref<10000x128xf32, #tpu.memory_space<vmem_shared>>
      tpu.wait_indirect_dma semaphore(%arg44 : memref<!tpu.dma_semaphore, #tpu.memory_space<semaphore_mem>>) src(%arg14 : memref<40x128xf32, #tpu.memory_space<vmem>>) dst(%dma_wait3A_49 : memref<10000x128xf32, #tpu.memory_space<vmem_shared>>)
      %dma_wait3A_50 = arith.constant 0 : i32
      %dma_wait3A_51 = arith.constant 0 : i32
      %dma_wait3A_52 = tpu.memref_slice %arg10[%dma_wait3A_50, %dma_wait3A_51] : memref<10000x128xf32, #tpu.memory_space<vmem_shared>> -> memref<10000x128xf32, #tpu.memory_space<vmem_shared>>
      tpu.wait_indirect_dma semaphore(%arg45 : memref<!tpu.dma_semaphore, #tpu.memory_space<semaphore_mem>>) src(%arg15 : memref<40x128xf32, #tpu.memory_space<vmem>>) dst(%dma_wait3A_52 : memref<10000x128xf32, #tpu.memory_space<vmem_shared>>)
      %barrier3A_53 = arith.constant 0 : index
      tpu.barrier barrier_id(%barrier3A_53)
      %eq3A_54 = arith.constant 0 : i32
      %eq3A_55 = arith.cmpi eq, %arg1, %eq3A_54 : i32
      %convert_element_type3A_56 = arith.extui %eq3A_55 : i1 to i32
      %cond3A_57 = arith.constant 0 : i32
      %cond3A_58 = arith.cmpi ne, %convert_element_type3A_56, %cond3A_57 : i32
      scf.if %cond3A_58 {
        "tpu.region"() ({
          %run_scoped3A = tpu.sem_alloc : memref<!tpu.dma_semaphore, #tpu.memory_space<semaphore_mem>>
          tpu.enqueue_dma source(%arg10 : memref<10000x128xf32, #tpu.memory_space<vmem_shared>>) target(%arg8 : memref<10000x128xf32, #tpu.memory_space<hbm>>) target_semaphore(%run_scoped3A : memref<!tpu.dma_semaphore, #tpu.memory_space<semaphore_mem>>)
          tpu.wait_dma2 semaphore(%run_scoped3A : memref<!tpu.dma_semaphore, #tpu.memory_space<semaphore_mem>>) src(%arg10 : memref<10000x128xf32, #tpu.memory_space<vmem_shared>>) dst(%arg8 : memref<10000x128xf32, #tpu.memory_space<hbm>>)
          tpu.yield
        }) : () -> ()
      } else {
      }
    } else {
    }
    %eq3A_10 = arith.constant 1 : i32
    %eq3A_11 = arith.cmpi eq, %arg0, %eq3A_10 : i32
    %convert_element_type3A_12 = arith.extui %eq3A_11 : i1 to i32
    %cond3A_13 = arith.constant 0 : i32
    %cond3A_14 = arith.cmpi ne, %convert_element_type3A_12, %cond3A_13 : i32
    scf.if %cond3A_14 {
      %add3A_15 = arith.constant 0 : i32
      %add3A_16 = arith.addi %mul3A_2, %add3A_15 : i32
      %dma_start3A = tpu.memref_slice %arg4[%add3A_16] : memref<320000xi32, #tpu.memory_space<hbm>> -> memref<40xi32, #tpu.memory_space<hbm>>
      %dma_start3A_17 = tpu.memref_slice %arg4[%add3A_16] : memref<320000xi32, #tpu.memory_space<hbm>> -> memref<40xi32, #tpu.memory_space<hbm>>
      tpu.enqueue_dma source(%dma_start3A_17 : memref<40xi32, #tpu.memory_space<hbm>>) target(%arg16 : memref<40xi32, #tpu.memory_space<vmem>>) target_semaphore(%arg36 : memref<!tpu.dma_semaphore, #tpu.memory_space<semaphore_mem>>)
      %dma_start3A_18 = tpu.memref_slice %arg5[%add3A_16] : memref<320000xi32, #tpu.memory_space<hbm>> -> memref<40xi32, #tpu.memory_space<hbm>>
      %dma_start3A_19 = tpu.memref_slice %arg5[%add3A_16] : memref<320000xi32, #tpu.memory_space<hbm>> -> memref<40xi32, #tpu.memory_space<hbm>>
      tpu.enqueue_dma source(%dma_start3A_19 : memref<40xi32, #tpu.memory_space<hbm>>) target(%arg21 : memref<40xi32, #tpu.memory_space<vmem>>) target_semaphore(%arg36 : memref<!tpu.dma_semaphore, #tpu.memory_space<semaphore_mem>>)
      %dma_start3A_20 = tpu.memref_slice %arg6[%add3A_16] : memref<320000xf32, #tpu.memory_space<hbm>> -> memref<40xf32, #tpu.memory_space<hbm>>
      %dma_start3A_21 = tpu.memref_slice %arg6[%add3A_16] : memref<320000xf32, #tpu.memory_space<hbm>> -> memref<40xf32, #tpu.memory_space<hbm>>
      tpu.enqueue_dma source(%dma_start3A_21 : memref<40xf32, #tpu.memory_space<hbm>>) target(%arg26 : memref<40xf32, #tpu.memory_space<vmem>>) target_semaphore(%arg36 : memref<!tpu.dma_semaphore, #tpu.memory_space<semaphore_mem>>)
      %add3A_22 = arith.constant 40 : i32
      %add3A_23 = arith.addi %mul3A_2, %add3A_22 : i32
      %dma_start3A_24 = tpu.memref_slice %arg4[%add3A_23] : memref<320000xi32, #tpu.memory_space<hbm>> -> memref<40xi32, #tpu.memory_space<hbm>>
      %dma_start3A_25 = tpu.memref_slice %arg4[%add3A_23] : memref<320000xi32, #tpu.memory_space<hbm>> -> memref<40xi32, #tpu.memory_space<hbm>>
      tpu.enqueue_dma source(%dma_start3A_25 : memref<40xi32, #tpu.memory_space<hbm>>) target(%arg17 : memref<40xi32, #tpu.memory_space<vmem>>) target_semaphore(%arg37 : memref<!tpu.dma_semaphore, #tpu.memory_space<semaphore_mem>>)
      %dma_start3A_26 = tpu.memref_slice %arg5[%add3A_23] : memref<320000xi32, #tpu.memory_space<hbm>> -> memref<40xi32, #tpu.memory_space<hbm>>
      %dma_start3A_27 = tpu.memref_slice %arg5[%add3A_23] : memref<320000xi32, #tpu.memory_space<hbm>> -> memref<40xi32, #tpu.memory_space<hbm>>
      tpu.enqueue_dma source(%dma_start3A_27 : memref<40xi32, #tpu.memory_space<hbm>>) target(%arg22 : memref<40xi32, #tpu.memory_space<vmem>>) target_semaphore(%arg37 : memref<!tpu.dma_semaphore, #tpu.memory_space<semaphore_mem>>)
      %dma_start3A_28 = tpu.memref_slice %arg6[%add3A_23] : memref<320000xf32, #tpu.memory_space<hbm>> -> memref<40xf32, #tpu.memory_space<hbm>>
      %dma_start3A_29 = tpu.memref_slice %arg6[%add3A_23] : memref<320000xf32, #tpu.memory_space<hbm>> -> memref<40xf32, #tpu.memory_space<hbm>>
      tpu.enqueue_dma source(%dma_start3A_29 : memref<40xf32, #tpu.memory_space<hbm>>) target(%arg27 : memref<40xf32, #tpu.memory_space<vmem>>) target_semaphore(%arg37 : memref<!tpu.dma_semaphore, #tpu.memory_space<semaphore_mem>>)
      %add3A_30 = arith.constant 0 : i32
      %add3A_31 = arith.addi %mul3A_2, %add3A_30 : i32
      %dma_wait3A = tpu.memref_slice %arg4[%add3A_31] : memref<320000xi32, #tpu.memory_space<hbm>> -> memref<40xi32, #tpu.memory_space<hbm>>
      %dma_wait3A_32 = tpu.memref_slice %arg4[%add3A_31] : memref<320000xi32, #tpu.memory_space<hbm>> -> memref<40xi32, #tpu.memory_space<hbm>>
      tpu.wait_dma2 semaphore(%arg36 : memref<!tpu.dma_semaphore, #tpu.memory_space<semaphore_mem>>) src(%dma_wait3A_32 : memref<40xi32, #tpu.memory_space<hbm>>) dst(%arg16 : memref<40xi32, #tpu.memory_space<vmem>>)
      %dma_wait3A_33 = tpu.memref_slice %arg5[%add3A_31] : memref<320000xi32, #tpu.memory_space<hbm>> -> memref<40xi32, #tpu.memory_space<hbm>>
      %dma_wait3A_34 = tpu.memref_slice %arg5[%add3A_31] : memref<320000xi32, #tpu.memory_space<hbm>> -> memref<40xi32, #tpu.memory_space<hbm>>
      tpu.wait_dma2 semaphore(%arg36 : memref<!tpu.dma_semaphore, #tpu.memory_space<semaphore_mem>>) src(%dma_wait3A_34 : memref<40xi32, #tpu.memory_space<hbm>>) dst(%arg21 : memref<40xi32, #tpu.memory_space<vmem>>)
      %dma_wait3A_35 = tpu.memref_slice %arg6[%add3A_31] : memref<320000xf32, #tpu.memory_space<hbm>> -> memref<40xf32, #tpu.memory_space<hbm>>
      %dma_wait3A_36 = tpu.memref_slice %arg6[%add3A_31] : memref<320000xf32, #tpu.memory_space<hbm>> -> memref<40xf32, #tpu.memory_space<hbm>>
      tpu.wait_dma2 semaphore(%arg36 : memref<!tpu.dma_semaphore, #tpu.memory_space<semaphore_mem>>) src(%dma_wait3A_36 : memref<40xf32, #tpu.memory_space<hbm>>) dst(%arg26 : memref<40xf32, #tpu.memory_space<vmem>>)
      %dma_start3A_37 = arith.constant 0 : i32
      %dma_start3A_38 = arith.constant 0 : i32
      %dma_start3A_39 = tpu.memref_slice %arg3[%dma_start3A_37, %dma_start3A_38] : memref<10000x128xf32, #tpu.memory_space<hbm>> -> memref<10000x128xf32, #tpu.memory_space<hbm>>
      tpu.enqueue_indirect_dma source(%dma_start3A_39 : memref<10000x128xf32, #tpu.memory_space<hbm>>) target(%arg11 : memref<40x128xf32, #tpu.memory_space<vmem>>) offsets(%arg21 : memref<40xi32, #tpu.memory_space<vmem>>) semaphore(%arg31 : memref<!tpu.dma_semaphore, #tpu.memory_space<semaphore_mem>>)
      %scan3A = arith.constant 0 : i32
      %scan3A_40 = arith.constant 100 : i32
      %scan3A_41 = arith.addi %scan3A, %scan3A_40 : i32
      %scan3A_42 = arith.constant 1 : i32
      scf.for %scan3A_59 = %scan3A to %scan3A_41 step %scan3A_42  : i32 {
        %mul3A_60 = arith.constant 5 : i32
        %mul3A_61 = arith.muli %scan3A_59, %mul3A_60 : i32
        %add3A_62 = arith.constant 0 : i32
        %add3A_63 = arith.addi %add3A_62, %mul3A_61 : i32
        %add3A_64 = arith.constant 0 : i32
        %add3A_65 = arith.addi %add3A_63, %add3A_64 : i32
        %ge3A = arith.constant 3 : i32
        %ge3A_66 = arith.cmpi sge, %add3A_65, %ge3A : i32
        %convert_element_type3A_67 = arith.extui %ge3A_66 : i1 to i32
        %cond3A_68 = arith.constant 0 : i32
        %cond3A_69 = arith.cmpi ne, %convert_element_type3A_67, %cond3A_68 : i32
        scf.if %cond3A_69 {
          %sub3A = arith.constant 3 : i32
          %sub3A_222 = arith.subi %add3A_65, %sub3A : i32
          %dma_wait3A_223 = arith.constant 0 : i32
          %dma_wait3A_224 = arith.constant 0 : i32
          %dma_wait3A_225 = tpu.memref_slice %arg10[%dma_wait3A_223, %dma_wait3A_224] : memref<10000x128xf32, #tpu.memory_space<vmem_shared>> -> memref<10000x128xf32, #tpu.memory_space<vmem_shared>>
          tpu.wait_indirect_dma semaphore(%arg43 : memref<!tpu.dma_semaphore, #tpu.memory_space<semaphore_mem>>) src(%arg13 : memref<40x128xf32, #tpu.memory_space<vmem>>) dst(%dma_wait3A_225 : memref<10000x128xf32, #tpu.memory_space<vmem_shared>>)
        } else {
        }
        %add3A_70 = arith.constant 2 : i32
        %add3A_71 = arith.addi %add3A_65, %add3A_70 : i32
        %lt3A = arith.constant 500 : i32
        %lt3A_72 = arith.cmpi slt, %add3A_71, %lt3A : i32
        %convert_element_type3A_73 = arith.extui %lt3A_72 : i1 to i32
        %cond3A_74 = arith.constant 0 : i32
        %cond3A_75 = arith.cmpi ne, %convert_element_type3A_73, %cond3A_74 : i32
        scf.if %cond3A_75 {
          %add3A_222 = arith.constant 2 : i32
          %add3A_223 = arith.addi %add3A_65, %add3A_222 : i32
          %mul3A_224 = arith.constant 40 : i32
          %mul3A_225 = arith.muli %add3A_223, %mul3A_224 : i32
          %add3A_226 = arith.addi %mul3A_2, %mul3A_225 : i32
          %dma_start3A_227 = tpu.memref_slice %arg4[%add3A_226] : memref<320000xi32, #tpu.memory_space<hbm>> -> memref<40xi32, #tpu.memory_space<hbm>>
          %dma_start3A_228 = tpu.memref_slice %arg4[%add3A_226] : memref<320000xi32, #tpu.memory_space<hbm>> -> memref<40xi32, #tpu.memory_space<hbm>>
          tpu.enqueue_dma source(%dma_start3A_228 : memref<40xi32, #tpu.memory_space<hbm>>) target(%arg18 : memref<40xi32, #tpu.memory_space<vmem>>) target_semaphore(%arg38 : memref<!tpu.dma_semaphore, #tpu.memory_space<semaphore_mem>>)
          %dma_start3A_229 = tpu.memref_slice %arg5[%add3A_226] : memref<320000xi32, #tpu.memory_space<hbm>> -> memref<40xi32, #tpu.memory_space<hbm>>
          %dma_start3A_230 = tpu.memref_slice %arg5[%add3A_226] : memref<320000xi32, #tpu.memory_space<hbm>> -> memref<40xi32, #tpu.memory_space<hbm>>
          tpu.enqueue_dma source(%dma_start3A_230 : memref<40xi32, #tpu.memory_space<hbm>>) target(%arg23 : memref<40xi32, #tpu.memory_space<vmem>>) target_semaphore(%arg38 : memref<!tpu.dma_semaphore, #tpu.memory_space<semaphore_mem>>)
          %dma_start3A_231 = tpu.memref_slice %arg6[%add3A_226] : memref<320000xf32, #tpu.memory_space<hbm>> -> memref<40xf32, #tpu.memory_space<hbm>>
          %dma_start3A_232 = tpu.memref_slice %arg6[%add3A_226] : memref<320000xf32, #tpu.memory_space<hbm>> -> memref<40xf32, #tpu.memory_space<hbm>>
          tpu.enqueue_dma source(%dma_start3A_232 : memref<40xf32, #tpu.memory_space<hbm>>) target(%arg28 : memref<40xf32, #tpu.memory_space<vmem>>) target_semaphore(%arg38 : memref<!tpu.dma_semaphore, #tpu.memory_space<semaphore_mem>>)
        } else {
        }
        %add3A_76 = arith.constant 1 : i32
        %add3A_77 = arith.addi %add3A_65, %add3A_76 : i32
        %lt3A_78 = arith.constant 500 : i32
        %lt3A_79 = arith.cmpi slt, %add3A_77, %lt3A_78 : i32
        %convert_element_type3A_80 = arith.extui %lt3A_79 : i1 to i32
        %cond3A_81 = arith.constant 0 : i32
        %cond3A_82 = arith.cmpi ne, %convert_element_type3A_80, %cond3A_81 : i32
        scf.if %cond3A_82 {
          %add3A_222 = arith.constant 1 : i32
          %add3A_223 = arith.addi %add3A_65, %add3A_222 : i32
          %mul3A_224 = arith.constant 40 : i32
          %mul3A_225 = arith.muli %add3A_223, %mul3A_224 : i32
          %add3A_226 = arith.addi %mul3A_2, %mul3A_225 : i32
          %dma_wait3A_227 = tpu.memref_slice %arg4[%add3A_226] : memref<320000xi32, #tpu.memory_space<hbm>> -> memref<40xi32, #tpu.memory_space<hbm>>
          %dma_wait3A_228 = tpu.memref_slice %arg4[%add3A_226] : memref<320000xi32, #tpu.memory_space<hbm>> -> memref<40xi32, #tpu.memory_space<hbm>>
          tpu.wait_dma2 semaphore(%arg37 : memref<!tpu.dma_semaphore, #tpu.memory_space<semaphore_mem>>) src(%dma_wait3A_228 : memref<40xi32, #tpu.memory_space<hbm>>) dst(%arg17 : memref<40xi32, #tpu.memory_space<vmem>>)
          %dma_wait3A_229 = tpu.memref_slice %arg5[%add3A_226] : memref<320000xi32, #tpu.memory_space<hbm>> -> memref<40xi32, #tpu.memory_space<hbm>>
          %dma_wait3A_230 = tpu.memref_slice %arg5[%add3A_226] : memref<320000xi32, #tpu.memory_space<hbm>> -> memref<40xi32, #tpu.memory_space<hbm>>
          tpu.wait_dma2 semaphore(%arg37 : memref<!tpu.dma_semaphore, #tpu.memory_space<semaphore_mem>>) src(%dma_wait3A_230 : memref<40xi32, #tpu.memory_space<hbm>>) dst(%arg22 : memref<40xi32, #tpu.memory_space<vmem>>)
          %dma_wait3A_231 = tpu.memref_slice %arg6[%add3A_226] : memref<320000xf32, #tpu.memory_space<hbm>> -> memref<40xf32, #tpu.memory_space<hbm>>
          %dma_wait3A_232 = tpu.memref_slice %arg6[%add3A_226] : memref<320000xf32, #tpu.memory_space<hbm>> -> memref<40xf32, #tpu.memory_space<hbm>>
          tpu.wait_dma2 semaphore(%arg37 : memref<!tpu.dma_semaphore, #tpu.memory_space<semaphore_mem>>) src(%dma_wait3A_232 : memref<40xf32, #tpu.memory_space<hbm>>) dst(%arg27 : memref<40xf32, #tpu.memory_space<vmem>>)
          %add3A_233 = arith.constant 1 : i32
          %add3A_234 = arith.addi %add3A_65, %add3A_233 : i32
          %dma_start3A_235 = arith.constant 0 : i32
          %dma_start3A_236 = arith.constant 0 : i32
          %dma_start3A_237 = tpu.memref_slice %arg3[%dma_start3A_235, %dma_start3A_236] : memref<10000x128xf32, #tpu.memory_space<hbm>> -> memref<10000x128xf32, #tpu.memory_space<hbm>>
          tpu.enqueue_indirect_dma source(%dma_start3A_237 : memref<10000x128xf32, #tpu.memory_space<hbm>>) target(%arg12 : memref<40x128xf32, #tpu.memory_space<vmem>>) offsets(%arg22 : memref<40xi32, #tpu.memory_space<vmem>>) semaphore(%arg32 : memref<!tpu.dma_semaphore, #tpu.memory_space<semaphore_mem>>)
        } else {
        }
        %dma_wait3A_83 = arith.constant 0 : i32
        %dma_wait3A_84 = arith.constant 0 : i32
        %dma_wait3A_85 = tpu.memref_slice %arg3[%dma_wait3A_83, %dma_wait3A_84] : memref<10000x128xf32, #tpu.memory_space<hbm>> -> memref<10000x128xf32, #tpu.memory_space<hbm>>
        tpu.wait_indirect_dma semaphore(%arg31 : memref<!tpu.dma_semaphore, #tpu.memory_space<semaphore_mem>>) src(%dma_wait3A_85 : memref<10000x128xf32, #tpu.memory_space<hbm>>) dst(%arg11 : memref<40x128xf32, #tpu.memory_space<vmem>>)
        %scan3A_86 = arith.constant 0 : i32
        %scan3A_87 = arith.constant 40 : i32
        %scan3A_88 = arith.addi %scan3A_86, %scan3A_87 : i32
        %scan3A_89 = arith.constant 2 : i32
        scf.for %scan3A_222 = %scan3A_86 to %scan3A_88 step %scan3A_89  : i32 {
          %mul3A_223 = arith.constant 1 : i32
          %mul3A_224 = arith.muli %scan3A_222, %mul3A_223 : i32
          %add3A_225 = arith.constant 0 : i32
          %add3A_226 = arith.addi %add3A_225, %mul3A_224 : i32
          %broadcast_in_dim3A = vector.broadcast %add3A_226 : i32 to vector<16xi32>
          %gather3A = tpu.vector_load_idx %arg26[%broadcast_in_dim3A] : memref<40xf32, #tpu.memory_space<vmem>>[vector<16xi32>], vector<16xf32>,
          %get3A = arith.index_cast %add3A_226 : i32 to index
          %get3A_227 = arith.constant 0 : index
          %get3A_228 = tpu.vector_load %arg11[%get3A, %get3A_227] {strides = array<i32>} : memref<40x128xf32, #tpu.memory_space<vmem>>, vector<16xf32>,
          %mul3A_229 = arith.mulf %get3A_228, %gather3A : vector<16xf32>
          %swap3A = arith.index_cast %add3A_226 : i32 to index
          %swap3A_230 = arith.constant 0 : index
          %swap3A_231 = tpu.vector_load %arg11[%swap3A, %swap3A_230] {strides = array<i32>} : memref<40x128xf32, #tpu.memory_space<vmem>>, vector<16xf32>,
          tpu.vector_store %arg11[%swap3A, %swap3A_230], %mul3A_229 {strides = array<i32>} : memref<40x128xf32, #tpu.memory_space<vmem>>, vector<16xf32>,
          %get3A_232 = arith.index_cast %add3A_226 : i32 to index
          %get3A_233 = arith.constant 16 : index
          %get3A_234 = tpu.vector_load %arg11[%get3A_232, %get3A_233] {strides = array<i32>} : memref<40x128xf32, #tpu.memory_space<vmem>>, vector<16xf32>,
          %mul3A_235 = arith.mulf %get3A_234, %gather3A : vector<16xf32>
          %swap3A_236 = arith.index_cast %add3A_226 : i32 to index
          %swap3A_237 = arith.constant 16 : index
          %swap3A_238 = tpu.vector_load %arg11[%swap3A_236, %swap3A_237] {strides = array<i32>} : memref<40x128xf32, #tpu.memory_space<vmem>>, vector<16xf32>,
          tpu.vector_store %arg11[%swap3A_236, %swap3A_237], %mul3A_235 {strides = array<i32>} : memref<40x128xf32, #tpu.memory_space<vmem>>, vector<16xf32>,
          %get3A_239 = arith.index_cast %add3A_226 : i32 to index
          %get3A_240 = arith.constant 32 : index
          %get3A_241 = tpu.vector_load %arg11[%get3A_239, %get3A_240] {strides = array<i32>} : memref<40x128xf32, #tpu.memory_space<vmem>>, vector<16xf32>,
          %mul3A_242 = arith.mulf %get3A_241, %gather3A : vector<16xf32>
          %swap3A_243 = arith.index_cast %add3A_226 : i32 to index
          %swap3A_244 = arith.constant 32 : index
          %swap3A_245 = tpu.vector_load %arg11[%swap3A_243, %swap3A_244] {strides = array<i32>} : memref<40x128xf32, #tpu.memory_space<vmem>>, vector<16xf32>,
          tpu.vector_store %arg11[%swap3A_243, %swap3A_244], %mul3A_242 {strides = array<i32>} : memref<40x128xf32, #tpu.memory_space<vmem>>, vector<16xf32>,
          %get3A_246 = arith.index_cast %add3A_226 : i32 to index
          %get3A_247 = arith.constant 48 : index
          %get3A_248 = tpu.vector_load %arg11[%get3A_246, %get3A_247] {strides = array<i32>} : memref<40x128xf32, #tpu.memory_space<vmem>>, vector<16xf32>,
          %mul3A_249 = arith.mulf %get3A_248, %gather3A : vector<16xf32>
          %swap3A_250 = arith.index_cast %add3A_226 : i32 to index
          %swap3A_251 = arith.constant 48 : index
          %swap3A_252 = tpu.vector_load %arg11[%swap3A_250, %swap3A_251] {strides = array<i32>} : memref<40x128xf32, #tpu.memory_space<vmem>>, vector<16xf32>,
          tpu.vector_store %arg11[%swap3A_250, %swap3A_251], %mul3A_249 {strides = array<i32>} : memref<40x128xf32, #tpu.memory_space<vmem>>, vector<16xf32>,
          %get3A_253 = arith.index_cast %add3A_226 : i32 to index
          %get3A_254 = arith.constant 64 : index
          %get3A_255 = tpu.vector_load %arg11[%get3A_253, %get3A_254] {strides = array<i32>} : memref<40x128xf32, #tpu.memory_space<vmem>>, vector<16xf32>,
          %mul3A_256 = arith.mulf %get3A_255, %gather3A : vector<16xf32>
          %swap3A_257 = arith.index_cast %add3A_226 : i32 to index
          %swap3A_258 = arith.constant 64 : index
          %swap3A_259 = tpu.vector_load %arg11[%swap3A_257, %swap3A_258] {strides = array<i32>} : memref<40x128xf32, #tpu.memory_space<vmem>>, vector<16xf32>,
          tpu.vector_store %arg11[%swap3A_257, %swap3A_258], %mul3A_256 {strides = array<i32>} : memref<40x128xf32, #tpu.memory_space<vmem>>, vector<16xf32>,
          %get3A_260 = arith.index_cast %add3A_226 : i32 to index
          %get3A_261 = arith.constant 80 : index
          %get3A_262 = tpu.vector_load %arg11[%get3A_260, %get3A_261] {strides = array<i32>} : memref<40x128xf32, #tpu.memory_space<vmem>>, vector<16xf32>,
          %mul3A_263 = arith.mulf %get3A_262, %gather3A : vector<16xf32>
          %swap3A_264 = arith.index_cast %add3A_226 : i32 to index
          %swap3A_265 = arith.constant 80 : index
          %swap3A_266 = tpu.vector_load %arg11[%swap3A_264, %swap3A_265] {strides = array<i32>} : memref<40x128xf32, #tpu.memory_space<vmem>>, vector<16xf32>,
          tpu.vector_store %arg11[%swap3A_264, %swap3A_265], %mul3A_263 {strides = array<i32>} : memref<40x128xf32, #tpu.memory_space<vmem>>, vector<16xf32>,
          %get3A_267 = arith.index_cast %add3A_226 : i32 to index
          %get3A_268 = arith.constant 96 : index
          %get3A_269 = tpu.vector_load %arg11[%get3A_267, %get3A_268] {strides = array<i32>} : memref<40x128xf32, #tpu.memory_space<vmem>>, vector<16xf32>,
          %mul3A_270 = arith.mulf %get3A_269, %gather3A : vector<16xf32>
          %swap3A_271 = arith.index_cast %add3A_226 : i32 to index
          %swap3A_272 = arith.constant 96 : index
          %swap3A_273 = tpu.vector_load %arg11[%swap3A_271, %swap3A_272] {strides = array<i32>} : memref<40x128xf32, #tpu.memory_space<vmem>>, vector<16xf32>,
          tpu.vector_store %arg11[%swap3A_271, %swap3A_272], %mul3A_270 {strides = array<i32>} : memref<40x128xf32, #tpu.memory_space<vmem>>, vector<16xf32>,
          %get3A_274 = arith.index_cast %add3A_226 : i32 to index
          %get3A_275 = arith.constant 112 : index
          %get3A_276 = tpu.vector_load %arg11[%get3A_274, %get3A_275] {strides = array<i32>} : memref<40x128xf32, #tpu.memory_space<vmem>>, vector<16xf32>,
          %mul3A_277 = arith.mulf %get3A_276, %gather3A : vector<16xf32>
          %swap3A_278 = arith.index_cast %add3A_226 : i32 to index
          %swap3A_279 = arith.constant 112 : index
          %swap3A_280 = tpu.vector_load %arg11[%swap3A_278, %swap3A_279] {strides = array<i32>} : memref<40x128xf32, #tpu.memory_space<vmem>>, vector<16xf32>,
          tpu.vector_store %arg11[%swap3A_278, %swap3A_279], %mul3A_277 {strides = array<i32>} : memref<40x128xf32, #tpu.memory_space<vmem>>, vector<16xf32>,
          %scan3A_281 = arith.constant 1 : i32
          %scan3A_282 = arith.addi %scan3A_222, %scan3A_281 : i32
          %mul3A_283 = arith.constant 1 : i32
          %mul3A_284 = arith.muli %scan3A_282, %mul3A_283 : i32
          %add3A_285 = arith.constant 0 : i32
          %add3A_286 = arith.addi %add3A_285, %mul3A_284 : i32
          %broadcast_in_dim3A_287 = vector.broadcast %add3A_286 : i32 to vector<16xi32>
          %gather3A_288 = tpu.vector_load_idx %arg26[%broadcast_in_dim3A_287] : memref<40xf32, #tpu.memory_space<vmem>>[vector<16xi32>], vector<16xf32>,
          %get3A_289 = arith.index_cast %add3A_286 : i32 to index
          %get3A_290 = arith.constant 0 : index
          %get3A_291 = tpu.vector_load %arg11[%get3A_289, %get3A_290] {strides = array<i32>} : memref<40x128xf32, #tpu.memory_space<vmem>>, vector<16xf32>,
          %mul3A_292 = arith.mulf %get3A_291, %gather3A_288 : vector<16xf32>
          %swap3A_293 = arith.index_cast %add3A_286 : i32 to index
          %swap3A_294 = arith.constant 0 : index
          %swap3A_295 = tpu.vector_load %arg11[%swap3A_293, %swap3A_294] {strides = array<i32>} : memref<40x128xf32, #tpu.memory_space<vmem>>, vector<16xf32>,
          tpu.vector_store %arg11[%swap3A_293, %swap3A_294], %mul3A_292 {strides = array<i32>} : memref<40x128xf32, #tpu.memory_space<vmem>>, vector<16xf32>,
          %get3A_296 = arith.index_cast %add3A_286 : i32 to index
          %get3A_297 = arith.constant 16 : index
          %get3A_298 = tpu.vector_load %arg11[%get3A_296, %get3A_297] {strides = array<i32>} : memref<40x128xf32, #tpu.memory_space<vmem>>, vector<16xf32>,
          %mul3A_299 = arith.mulf %get3A_298, %gather3A_288 : vector<16xf32>
          %swap3A_300 = arith.index_cast %add3A_286 : i32 to index
          %swap3A_301 = arith.constant 16 : index
          %swap3A_302 = tpu.vector_load %arg11[%swap3A_300, %swap3A_301] {strides = array<i32>} : memref<40x128xf32, #tpu.memory_space<vmem>>, vector<16xf32>,
          tpu.vector_store %arg11[%swap3A_300, %swap3A_301], %mul3A_299 {strides = array<i32>} : memref<40x128xf32, #tpu.memory_space<vmem>>, vector<16xf32>,
          %get3A_303 = arith.index_cast %add3A_286 : i32 to index
          %get3A_304 = arith.constant 32 : index
          %get3A_305 = tpu.vector_load %arg11[%get3A_303, %get3A_304] {strides = array<i32>} : memref<40x128xf32, #tpu.memory_space<vmem>>, vector<16xf32>,
          %mul3A_306 = arith.mulf %get3A_305, %gather3A_288 : vector<16xf32>
          %swap3A_307 = arith.index_cast %add3A_286 : i32 to index
          %swap3A_308 = arith.constant 32 : index
          %swap3A_309 = tpu.vector_load %arg11[%swap3A_307, %swap3A_308] {strides = array<i32>} : memref<40x128xf32, #tpu.memory_space<vmem>>, vector<16xf32>,
          tpu.vector_store %arg11[%swap3A_307, %swap3A_308], %mul3A_306 {strides = array<i32>} : memref<40x128xf32, #tpu.memory_space<vmem>>, vector<16xf32>,
          %get3A_310 = arith.index_cast %add3A_286 : i32 to index
          %get3A_311 = arith.constant 48 : index
          %get3A_312 = tpu.vector_load %arg11[%get3A_310, %get3A_311] {strides = array<i32>} : memref<40x128xf32, #tpu.memory_space<vmem>>, vector<16xf32>,
          %mul3A_313 = arith.mulf %get3A_312, %gather3A_288 : vector<16xf32>
          %swap3A_314 = arith.index_cast %add3A_286 : i32 to index
          %swap3A_315 = arith.constant 48 : index
          %swap3A_316 = tpu.vector_load %arg11[%swap3A_314, %swap3A_315] {strides = array<i32>} : memref<40x128xf32, #tpu.memory_space<vmem>>, vector<16xf32>,
          tpu.vector_store %arg11[%swap3A_314, %swap3A_315], %mul3A_313 {strides = array<i32>} : memref<40x128xf32, #tpu.memory_space<vmem>>, vector<16xf32>,
          %get3A_317 = arith.index_cast %add3A_286 : i32 to index
          %get3A_318 = arith.constant 64 : index
          %get3A_319 = tpu.vector_load %arg11[%get3A_317, %get3A_318] {strides = array<i32>} : memref<40x128xf32, #tpu.memory_space<vmem>>, vector<16xf32>,
          %mul3A_320 = arith.mulf %get3A_319, %gather3A_288 : vector<16xf32>
          %swap3A_321 = arith.index_cast %add3A_286 : i32 to index
          %swap3A_322 = arith.constant 64 : index
          %swap3A_323 = tpu.vector_load %arg11[%swap3A_321, %swap3A_322] {strides = array<i32>} : memref<40x128xf32, #tpu.memory_space<vmem>>, vector<16xf32>,
          tpu.vector_store %arg11[%swap3A_321, %swap3A_322], %mul3A_320 {strides = array<i32>} : memref<40x128xf32, #tpu.memory_space<vmem>>, vector<16xf32>,
          %get3A_324 = arith.index_cast %add3A_286 : i32 to index
          %get3A_325 = arith.constant 80 : index
          %get3A_326 = tpu.vector_load %arg11[%get3A_324, %get3A_325] {strides = array<i32>} : memref<40x128xf32, #tpu.memory_space<vmem>>, vector<16xf32>,
          %mul3A_327 = arith.mulf %get3A_326, %gather3A_288 : vector<16xf32>
          %swap3A_328 = arith.index_cast %add3A_286 : i32 to index
          %swap3A_329 = arith.constant 80 : index
          %swap3A_330 = tpu.vector_load %arg11[%swap3A_328, %swap3A_329] {strides = array<i32>} : memref<40x128xf32, #tpu.memory_space<vmem>>, vector<16xf32>,
          tpu.vector_store %arg11[%swap3A_328, %swap3A_329], %mul3A_327 {strides = array<i32>} : memref<40x128xf32, #tpu.memory_space<vmem>>, vector<16xf32>,
          %get3A_331 = arith.index_cast %add3A_286 : i32 to index
          %get3A_332 = arith.constant 96 : index
          %get3A_333 = tpu.vector_load %arg11[%get3A_331, %get3A_332] {strides = array<i32>} : memref<40x128xf32, #tpu.memory_space<vmem>>, vector<16xf32>,
          %mul3A_334 = arith.mulf %get3A_333, %gather3A_288 : vector<16xf32>
          %swap3A_335 = arith.index_cast %add3A_286 : i32 to index
          %swap3A_336 = arith.constant 96 : index
          %swap3A_337 = tpu.vector_load %arg11[%swap3A_335, %swap3A_336] {strides = array<i32>} : memref<40x128xf32, #tpu.memory_space<vmem>>, vector<16xf32>,
          tpu.vector_store %arg11[%swap3A_335, %swap3A_336], %mul3A_334 {strides = array<i32>} : memref<40x128xf32, #tpu.memory_space<vmem>>, vector<16xf32>,
          %get3A_338 = arith.index_cast %add3A_286 : i32 to index
          %get3A_339 = arith.constant 112 : index
          %get3A_340 = tpu.vector_load %arg11[%get3A_338, %get3A_339] {strides = array<i32>} : memref<40x128xf32, #tpu.memory_space<vmem>>, vector<16xf32>,
          %mul3A_341 = arith.mulf %get3A_340, %gather3A_288 : vector<16xf32>
          %swap3A_342 = arith.index_cast %add3A_286 : i32 to index
          %swap3A_343 = arith.constant 112 : index
          %swap3A_344 = tpu.vector_load %arg11[%swap3A_342, %swap3A_343] {strides = array<i32>} : memref<40x128xf32, #tpu.memory_space<vmem>>, vector<16xf32>,
          tpu.vector_store %arg11[%swap3A_342, %swap3A_343], %mul3A_341 {strides = array<i32>} : memref<40x128xf32, #tpu.memory_space<vmem>>, vector<16xf32>,
        }
        %scan3A_90 = arith.constant 40 : i32
        %dma_start3A_91 = arith.constant 0 : i32
        %dma_start3A_92 = arith.constant 0 : i32
        %dma_start3A_93 = tpu.memref_slice %arg10[%dma_start3A_91, %dma_start3A_92] : memref<10000x128xf32, #tpu.memory_space<vmem_shared>> -> memref<10000x128xf32, #tpu.memory_space<vmem_shared>>
        tpu.enqueue_indirect_dma source(%arg11 : memref<40x128xf32, #tpu.memory_space<vmem>>) target(%dma_start3A_93 : memref<10000x128xf32, #tpu.memory_space<vmem_shared>>) offsets(%arg16 : memref<40xi32, #tpu.memory_space<vmem>>) semaphore(%arg41 : memref<!tpu.dma_semaphore, #tpu.memory_space<semaphore_mem>>) {add = true}
        %add3A_94 = arith.constant 1 : i32
        %add3A_95 = arith.addi %add3A_63, %add3A_94 : i32
        %ge3A_96 = arith.constant 3 : i32
        %ge3A_97 = arith.cmpi sge, %add3A_95, %ge3A_96 : i32
        %convert_element_type3A_98 = arith.extui %ge3A_97 : i1 to i32
        %cond3A_99 = arith.constant 0 : i32
        %cond3A_100 = arith.cmpi ne, %convert_element_type3A_98, %cond3A_99 : i32
        scf.if %cond3A_100 {
          %sub3A = arith.constant 3 : i32
          %sub3A_222 = arith.subi %add3A_95, %sub3A : i32
          %dma_wait3A_223 = arith.constant 0 : i32
          %dma_wait3A_224 = arith.constant 0 : i32
          %dma_wait3A_225 = tpu.memref_slice %arg10[%dma_wait3A_223, %dma_wait3A_224] : memref<10000x128xf32, #tpu.memory_space<vmem_shared>> -> memref<10000x128xf32, #tpu.memory_space<vmem_shared>>
          tpu.wait_indirect_dma semaphore(%arg44 : memref<!tpu.dma_semaphore, #tpu.memory_space<semaphore_mem>>) src(%arg14 : memref<40x128xf32, #tpu.memory_space<vmem>>) dst(%dma_wait3A_225 : memref<10000x128xf32, #tpu.memory_space<vmem_shared>>)
        } else {
        }
        %add3A_101 = arith.constant 2 : i32
        %add3A_102 = arith.addi %add3A_95, %add3A_101 : i32
        %lt3A_103 = arith.constant 500 : i32
        %lt3A_104 = arith.cmpi slt, %add3A_102, %lt3A_103 : i32
        %convert_element_type3A_105 = arith.extui %lt3A_104 : i1 to i32
        %cond3A_106 = arith.constant 0 : i32
        %cond3A_107 = arith.cmpi ne, %convert_element_type3A_105, %cond3A_106 : i32
        scf.if %cond3A_107 {
          %add3A_222 = arith.constant 2 : i32
          %add3A_223 = arith.addi %add3A_95, %add3A_222 : i32
          %mul3A_224 = arith.constant 40 : i32
          %mul3A_225 = arith.muli %add3A_223, %mul3A_224 : i32
          %add3A_226 = arith.addi %mul3A_2, %mul3A_225 : i32
          %dma_start3A_227 = tpu.memref_slice %arg4[%add3A_226] : memref<320000xi32, #tpu.memory_space<hbm>> -> memref<40xi32, #tpu.memory_space<hbm>>
          %dma_start3A_228 = tpu.memref_slice %arg4[%add3A_226] : memref<320000xi32, #tpu.memory_space<hbm>> -> memref<40xi32, #tpu.memory_space<hbm>>
          tpu.enqueue_dma source(%dma_start3A_228 : memref<40xi32, #tpu.memory_space<hbm>>) target(%arg19 : memref<40xi32, #tpu.memory_space<vmem>>) target_semaphore(%arg39 : memref<!tpu.dma_semaphore, #tpu.memory_space<semaphore_mem>>)
          %dma_start3A_229 = tpu.memref_slice %arg5[%add3A_226] : memref<320000xi32, #tpu.memory_space<hbm>> -> memref<40xi32, #tpu.memory_space<hbm>>
          %dma_start3A_230 = tpu.memref_slice %arg5[%add3A_226] : memref<320000xi32, #tpu.memory_space<hbm>> -> memref<40xi32, #tpu.memory_space<hbm>>
          tpu.enqueue_dma source(%dma_start3A_230 : memref<40xi32, #tpu.memory_space<hbm>>) target(%arg24 : memref<40xi32, #tpu.memory_space<vmem>>) target_semaphore(%arg39 : memref<!tpu.dma_semaphore, #tpu.memory_space<semaphore_mem>>)
          %dma_start3A_231 = tpu.memref_slice %arg6[%add3A_226] : memref<320000xf32, #tpu.memory_space<hbm>> -> memref<40xf32, #tpu.memory_space<hbm>>
          %dma_start3A_232 = tpu.memref_slice %arg6[%add3A_226] : memref<320000xf32, #tpu.memory_space<hbm>> -> memref<40xf32, #tpu.memory_space<hbm>>
          tpu.enqueue_dma source(%dma_start3A_232 : memref<40xf32, #tpu.memory_space<hbm>>) target(%arg29 : memref<40xf32, #tpu.memory_space<vmem>>) target_semaphore(%arg39 : memref<!tpu.dma_semaphore, #tpu.memory_space<semaphore_mem>>)
        } else {
        }
        %add3A_108 = arith.constant 1 : i32
        %add3A_109 = arith.addi %add3A_95, %add3A_108 : i32
        %lt3A_110 = arith.constant 500 : i32
        %lt3A_111 = arith.cmpi slt, %add3A_109, %lt3A_110 : i32
        %convert_element_type3A_112 = arith.extui %lt3A_111 : i1 to i32
        %cond3A_113 = arith.constant 0 : i32
        %cond3A_114 = arith.cmpi ne, %convert_element_type3A_112, %cond3A_113 : i32
        scf.if %cond3A_114 {
          %add3A_222 = arith.constant 1 : i32
          %add3A_223 = arith.addi %add3A_95, %add3A_222 : i32
          %mul3A_224 = arith.constant 40 : i32
          %mul3A_225 = arith.muli %add3A_223, %mul3A_224 : i32
          %add3A_226 = arith.addi %mul3A_2, %mul3A_225 : i32
          %dma_wait3A_227 = tpu.memref_slice %arg4[%add3A_226] : memref<320000xi32, #tpu.memory_space<hbm>> -> memref<40xi32, #tpu.memory_space<hbm>>
          %dma_wait3A_228 = tpu.memref_slice %arg4[%add3A_226] : memref<320000xi32, #tpu.memory_space<hbm>> -> memref<40xi32, #tpu.memory_space<hbm>>
          tpu.wait_dma2 semaphore(%arg38 : memref<!tpu.dma_semaphore, #tpu.memory_space<semaphore_mem>>) src(%dma_wait3A_228 : memref<40xi32, #tpu.memory_space<hbm>>) dst(%arg18 : memref<40xi32, #tpu.memory_space<vmem>>)
          %dma_wait3A_229 = tpu.memref_slice %arg5[%add3A_226] : memref<320000xi32, #tpu.memory_space<hbm>> -> memref<40xi32, #tpu.memory_space<hbm>>
          %dma_wait3A_230 = tpu.memref_slice %arg5[%add3A_226] : memref<320000xi32, #tpu.memory_space<hbm>> -> memref<40xi32, #tpu.memory_space<hbm>>
          tpu.wait_dma2 semaphore(%arg38 : memref<!tpu.dma_semaphore, #tpu.memory_space<semaphore_mem>>) src(%dma_wait3A_230 : memref<40xi32, #tpu.memory_space<hbm>>) dst(%arg23 : memref<40xi32, #tpu.memory_space<vmem>>)
          %dma_wait3A_231 = tpu.memref_slice %arg6[%add3A_226] : memref<320000xf32, #tpu.memory_space<hbm>> -> memref<40xf32, #tpu.memory_space<hbm>>
          %dma_wait3A_232 = tpu.memref_slice %arg6[%add3A_226] : memref<320000xf32, #tpu.memory_space<hbm>> -> memref<40xf32, #tpu.memory_space<hbm>>
          tpu.wait_dma2 semaphore(%arg38 : memref<!tpu.dma_semaphore, #tpu.memory_space<semaphore_mem>>) src(%dma_wait3A_232 : memref<40xf32, #tpu.memory_space<hbm>>) dst(%arg28 : memref<40xf32, #tpu.memory_space<vmem>>)
          %add3A_233 = arith.constant 1 : i32
          %add3A_234 = arith.addi %add3A_95, %add3A_233 : i32
          %dma_start3A_235 = arith.constant 0 : i32
          %dma_start3A_236 = arith.constant 0 : i32
          %dma_start3A_237 = tpu.memref_slice %arg3[%dma_start3A_235, %dma_start3A_236] : memref<10000x128xf32, #tpu.memory_space<hbm>> -> memref<10000x128xf32, #tpu.memory_space<hbm>>
          tpu.enqueue_indirect_dma source(%dma_start3A_237 : memref<10000x128xf32, #tpu.memory_space<hbm>>) target(%arg13 : memref<40x128xf32, #tpu.memory_space<vmem>>) offsets(%arg23 : memref<40xi32, #tpu.memory_space<vmem>>) semaphore(%arg33 : memref<!tpu.dma_semaphore, #tpu.memory_space<semaphore_mem>>)
        } else {
        }
        %dma_wait3A_115 = arith.constant 0 : i32
        %dma_wait3A_116 = arith.constant 0 : i32
        %dma_wait3A_117 = tpu.memref_slice %arg3[%dma_wait3A_115, %dma_wait3A_116] : memref<10000x128xf32, #tpu.memory_space<hbm>> -> memref<10000x128xf32, #tpu.memory_space<hbm>>
        tpu.wait_indirect_dma semaphore(%arg32 : memref<!tpu.dma_semaphore, #tpu.memory_space<semaphore_mem>>) src(%dma_wait3A_117 : memref<10000x128xf32, #tpu.memory_space<hbm>>) dst(%arg12 : memref<40x128xf32, #tpu.memory_space<vmem>>)
        %scan3A_118 = arith.constant 0 : i32
        %scan3A_119 = arith.constant 40 : i32
        %scan3A_120 = arith.addi %scan3A_118, %scan3A_119 : i32
        %scan3A_121 = arith.constant 2 : i32
        scf.for %scan3A_222 = %scan3A_118 to %scan3A_120 step %scan3A_121  : i32 {
          %mul3A_223 = arith.constant 1 : i32
          %mul3A_224 = arith.muli %scan3A_222, %mul3A_223 : i32
          %add3A_225 = arith.constant 0 : i32
          %add3A_226 = arith.addi %add3A_225, %mul3A_224 : i32
          %broadcast_in_dim3A = vector.broadcast %add3A_226 : i32 to vector<16xi32>
          %gather3A = tpu.vector_load_idx %arg27[%broadcast_in_dim3A] : memref<40xf32, #tpu.memory_space<vmem>>[vector<16xi32>], vector<16xf32>,
          %get3A = arith.index_cast %add3A_226 : i32 to index
          %get3A_227 = arith.constant 0 : index
          %get3A_228 = tpu.vector_load %arg12[%get3A, %get3A_227] {strides = array<i32>} : memref<40x128xf32, #tpu.memory_space<vmem>>, vector<16xf32>,
          %mul3A_229 = arith.mulf %get3A_228, %gather3A : vector<16xf32>
          %swap3A = arith.index_cast %add3A_226 : i32 to index
          %swap3A_230 = arith.constant 0 : index
          %swap3A_231 = tpu.vector_load %arg12[%swap3A, %swap3A_230] {strides = array<i32>} : memref<40x128xf32, #tpu.memory_space<vmem>>, vector<16xf32>,
          tpu.vector_store %arg12[%swap3A, %swap3A_230], %mul3A_229 {strides = array<i32>} : memref<40x128xf32, #tpu.memory_space<vmem>>, vector<16xf32>,
          %get3A_232 = arith.index_cast %add3A_226 : i32 to index
          %get3A_233 = arith.constant 16 : index
          %get3A_234 = tpu.vector_load %arg12[%get3A_232, %get3A_233] {strides = array<i32>} : memref<40x128xf32, #tpu.memory_space<vmem>>, vector<16xf32>,
          %mul3A_235 = arith.mulf %get3A_234, %gather3A : vector<16xf32>
          %swap3A_236 = arith.index_cast %add3A_226 : i32 to index
          %swap3A_237 = arith.constant 16 : index
          %swap3A_238 = tpu.vector_load %arg12[%swap3A_236, %swap3A_237] {strides = array<i32>} : memref<40x128xf32, #tpu.memory_space<vmem>>, vector<16xf32>,
          tpu.vector_store %arg12[%swap3A_236, %swap3A_237], %mul3A_235 {strides = array<i32>} : memref<40x128xf32, #tpu.memory_space<vmem>>, vector<16xf32>,
          %get3A_239 = arith.index_cast %add3A_226 : i32 to index
          %get3A_240 = arith.constant 32 : index
          %get3A_241 = tpu.vector_load %arg12[%get3A_239, %get3A_240] {strides = array<i32>} : memref<40x128xf32, #tpu.memory_space<vmem>>, vector<16xf32>,
          %mul3A_242 = arith.mulf %get3A_241, %gather3A : vector<16xf32>
          %swap3A_243 = arith.index_cast %add3A_226 : i32 to index
          %swap3A_244 = arith.constant 32 : index
          %swap3A_245 = tpu.vector_load %arg12[%swap3A_243, %swap3A_244] {strides = array<i32>} : memref<40x128xf32, #tpu.memory_space<vmem>>, vector<16xf32>,
          tpu.vector_store %arg12[%swap3A_243, %swap3A_244], %mul3A_242 {strides = array<i32>} : memref<40x128xf32, #tpu.memory_space<vmem>>, vector<16xf32>,
          %get3A_246 = arith.index_cast %add3A_226 : i32 to index
          %get3A_247 = arith.constant 48 : index
          %get3A_248 = tpu.vector_load %arg12[%get3A_246, %get3A_247] {strides = array<i32>} : memref<40x128xf32, #tpu.memory_space<vmem>>, vector<16xf32>,
          %mul3A_249 = arith.mulf %get3A_248, %gather3A : vector<16xf32>
          %swap3A_250 = arith.index_cast %add3A_226 : i32 to index
          %swap3A_251 = arith.constant 48 : index
          %swap3A_252 = tpu.vector_load %arg12[%swap3A_250, %swap3A_251] {strides = array<i32>} : memref<40x128xf32, #tpu.memory_space<vmem>>, vector<16xf32>,
          tpu.vector_store %arg12[%swap3A_250, %swap3A_251], %mul3A_249 {strides = array<i32>} : memref<40x128xf32, #tpu.memory_space<vmem>>, vector<16xf32>,
          %get3A_253 = arith.index_cast %add3A_226 : i32 to index
          %get3A_254 = arith.constant 64 : index
          %get3A_255 = tpu.vector_load %arg12[%get3A_253, %get3A_254] {strides = array<i32>} : memref<40x128xf32, #tpu.memory_space<vmem>>, vector<16xf32>,
          %mul3A_256 = arith.mulf %get3A_255, %gather3A : vector<16xf32>
          %swap3A_257 = arith.index_cast %add3A_226 : i32 to index
          %swap3A_258 = arith.constant 64 : index
          %swap3A_259 = tpu.vector_load %arg12[%swap3A_257, %swap3A_258] {strides = array<i32>} : memref<40x128xf32, #tpu.memory_space<vmem>>, vector<16xf32>,
          tpu.vector_store %arg12[%swap3A_257, %swap3A_258], %mul3A_256 {strides = array<i32>} : memref<40x128xf32, #tpu.memory_space<vmem>>, vector<16xf32>,
          %get3A_260 = arith.index_cast %add3A_226 : i32 to index
          %get3A_261 = arith.constant 80 : index
          %get3A_262 = tpu.vector_load %arg12[%get3A_260, %get3A_261] {strides = array<i32>} : memref<40x128xf32, #tpu.memory_space<vmem>>, vector<16xf32>,
          %mul3A_263 = arith.mulf %get3A_262, %gather3A : vector<16xf32>
          %swap3A_264 = arith.index_cast %add3A_226 : i32 to index
          %swap3A_265 = arith.constant 80 : index
          %swap3A_266 = tpu.vector_load %arg12[%swap3A_264, %swap3A_265] {strides = array<i32>} : memref<40x128xf32, #tpu.memory_space<vmem>>, vector<16xf32>,
          tpu.vector_store %arg12[%swap3A_264, %swap3A_265], %mul3A_263 {strides = array<i32>} : memref<40x128xf32, #tpu.memory_space<vmem>>, vector<16xf32>,
          %get3A_267 = arith.index_cast %add3A_226 : i32 to index
          %get3A_268 = arith.constant 96 : index
          %get3A_269 = tpu.vector_load %arg12[%get3A_267, %get3A_268] {strides = array<i32>} : memref<40x128xf32, #tpu.memory_space<vmem>>, vector<16xf32>,
          %mul3A_270 = arith.mulf %get3A_269, %gather3A : vector<16xf32>
          %swap3A_271 = arith.index_cast %add3A_226 : i32 to index
          %swap3A_272 = arith.constant 96 : index
          %swap3A_273 = tpu.vector_load %arg12[%swap3A_271, %swap3A_272] {strides = array<i32>} : memref<40x128xf32, #tpu.memory_space<vmem>>, vector<16xf32>,
          tpu.vector_store %arg12[%swap3A_271, %swap3A_272], %mul3A_270 {strides = array<i32>} : memref<40x128xf32, #tpu.memory_space<vmem>>, vector<16xf32>,
          %get3A_274 = arith.index_cast %add3A_226 : i32 to index
          %get3A_275 = arith.constant 112 : index
          %get3A_276 = tpu.vector_load %arg12[%get3A_274, %get3A_275] {strides = array<i32>} : memref<40x128xf32, #tpu.memory_space<vmem>>, vector<16xf32>,
          %mul3A_277 = arith.mulf %get3A_276, %gather3A : vector<16xf32>
          %swap3A_278 = arith.index_cast %add3A_226 : i32 to index
          %swap3A_279 = arith.constant 112 : index
          %swap3A_280 = tpu.vector_load %arg12[%swap3A_278, %swap3A_279] {strides = array<i32>} : memref<40x128xf32, #tpu.memory_space<vmem>>, vector<16xf32>,
          tpu.vector_store %arg12[%swap3A_278, %swap3A_279], %mul3A_277 {strides = array<i32>} : memref<40x128xf32, #tpu.memory_space<vmem>>, vector<16xf32>,
          %scan3A_281 = arith.constant 1 : i32
          %scan3A_282 = arith.addi %scan3A_222, %scan3A_281 : i32
          %mul3A_283 = arith.constant 1 : i32
          %mul3A_284 = arith.muli %scan3A_282, %mul3A_283 : i32
          %add3A_285 = arith.constant 0 : i32
          %add3A_286 = arith.addi %add3A_285, %mul3A_284 : i32
          %broadcast_in_dim3A_287 = vector.broadcast %add3A_286 : i32 to vector<16xi32>
          %gather3A_288 = tpu.vector_load_idx %arg27[%broadcast_in_dim3A_287] : memref<40xf32, #tpu.memory_space<vmem>>[vector<16xi32>], vector<16xf32>,
          %get3A_289 = arith.index_cast %add3A_286 : i32 to index
          %get3A_290 = arith.constant 0 : index
          %get3A_291 = tpu.vector_load %arg12[%get3A_289, %get3A_290] {strides = array<i32>} : memref<40x128xf32, #tpu.memory_space<vmem>>, vector<16xf32>,
          %mul3A_292 = arith.mulf %get3A_291, %gather3A_288 : vector<16xf32>
          %swap3A_293 = arith.index_cast %add3A_286 : i32 to index
          %swap3A_294 = arith.constant 0 : index
          %swap3A_295 = tpu.vector_load %arg12[%swap3A_293, %swap3A_294] {strides = array<i32>} : memref<40x128xf32, #tpu.memory_space<vmem>>, vector<16xf32>,
          tpu.vector_store %arg12[%swap3A_293, %swap3A_294], %mul3A_292 {strides = array<i32>} : memref<40x128xf32, #tpu.memory_space<vmem>>, vector<16xf32>,
          %get3A_296 = arith.index_cast %add3A_286 : i32 to index
          %get3A_297 = arith.constant 16 : index
          %get3A_298 = tpu.vector_load %arg12[%get3A_296, %get3A_297] {strides = array<i32>} : memref<40x128xf32, #tpu.memory_space<vmem>>, vector<16xf32>,
          %mul3A_299 = arith.mulf %get3A_298, %gather3A_288 : vector<16xf32>
          %swap3A_300 = arith.index_cast %add3A_286 : i32 to index
          %swap3A_301 = arith.constant 16 : index
          %swap3A_302 = tpu.vector_load %arg12[%swap3A_300, %swap3A_301] {strides = array<i32>} : memref<40x128xf32, #tpu.memory_space<vmem>>, vector<16xf32>,
          tpu.vector_store %arg12[%swap3A_300, %swap3A_301], %mul3A_299 {strides = array<i32>} : memref<40x128xf32, #tpu.memory_space<vmem>>, vector<16xf32>,
          %get3A_303 = arith.index_cast %add3A_286 : i32 to index
          %get3A_304 = arith.constant 32 : index
          %get3A_305 = tpu.vector_load %arg12[%get3A_303, %get3A_304] {strides = array<i32>} : memref<40x128xf32, #tpu.memory_space<vmem>>, vector<16xf32>,
          %mul3A_306 = arith.mulf %get3A_305, %gather3A_288 : vector<16xf32>
          %swap3A_307 = arith.index_cast %add3A_286 : i32 to index
          %swap3A_308 = arith.constant 32 : index
          %swap3A_309 = tpu.vector_load %arg12[%swap3A_307, %swap3A_308] {strides = array<i32>} : memref<40x128xf32, #tpu.memory_space<vmem>>, vector<16xf32>,
          tpu.vector_store %arg12[%swap3A_307, %swap3A_308], %mul3A_306 {strides = array<i32>} : memref<40x128xf32, #tpu.memory_space<vmem>>, vector<16xf32>,
          %get3A_310 = arith.index_cast %add3A_286 : i32 to index
          %get3A_311 = arith.constant 48 : index
          %get3A_312 = tpu.vector_load %arg12[%get3A_310, %get3A_311] {strides = array<i32>} : memref<40x128xf32, #tpu.memory_space<vmem>>, vector<16xf32>,
          %mul3A_313 = arith.mulf %get3A_312, %gather3A_288 : vector<16xf32>
          %swap3A_314 = arith.index_cast %add3A_286 : i32 to index
          %swap3A_315 = arith.constant 48 : index
          %swap3A_316 = tpu.vector_load %arg12[%swap3A_314, %swap3A_315] {strides = array<i32>} : memref<40x128xf32, #tpu.memory_space<vmem>>, vector<16xf32>,
          tpu.vector_store %arg12[%swap3A_314, %swap3A_315], %mul3A_313 {strides = array<i32>} : memref<40x128xf32, #tpu.memory_space<vmem>>, vector<16xf32>,
          %get3A_317 = arith.index_cast %add3A_286 : i32 to index
          %get3A_318 = arith.constant 64 : index
          %get3A_319 = tpu.vector_load %arg12[%get3A_317, %get3A_318] {strides = array<i32>} : memref<40x128xf32, #tpu.memory_space<vmem>>, vector<16xf32>,
          %mul3A_320 = arith.mulf %get3A_319, %gather3A_288 : vector<16xf32>
          %swap3A_321 = arith.index_cast %add3A_286 : i32 to index
          %swap3A_322 = arith.constant 64 : index
          %swap3A_323 = tpu.vector_load %arg12[%swap3A_321, %swap3A_322] {strides = array<i32>} : memref<40x128xf32, #tpu.memory_space<vmem>>, vector<16xf32>,
          tpu.vector_store %arg12[%swap3A_321, %swap3A_322], %mul3A_320 {strides = array<i32>} : memref<40x128xf32, #tpu.memory_space<vmem>>, vector<16xf32>,
          %get3A_324 = arith.index_cast %add3A_286 : i32 to index
          %get3A_325 = arith.constant 80 : index
          %get3A_326 = tpu.vector_load %arg12[%get3A_324, %get3A_325] {strides = array<i32>} : memref<40x128xf32, #tpu.memory_space<vmem>>, vector<16xf32>,
          %mul3A_327 = arith.mulf %get3A_326, %gather3A_288 : vector<16xf32>
          %swap3A_328 = arith.index_cast %add3A_286 : i32 to index
          %swap3A_329 = arith.constant 80 : index
          %swap3A_330 = tpu.vector_load %arg12[%swap3A_328, %swap3A_329] {strides = array<i32>} : memref<40x128xf32, #tpu.memory_space<vmem>>, vector<16xf32>,
          tpu.vector_store %arg12[%swap3A_328, %swap3A_329], %mul3A_327 {strides = array<i32>} : memref<40x128xf32, #tpu.memory_space<vmem>>, vector<16xf32>,
          %get3A_331 = arith.index_cast %add3A_286 : i32 to index
          %get3A_332 = arith.constant 96 : index
          %get3A_333 = tpu.vector_load %arg12[%get3A_331, %get3A_332] {strides = array<i32>} : memref<40x128xf32, #tpu.memory_space<vmem>>, vector<16xf32>,
          %mul3A_334 = arith.mulf %get3A_333, %gather3A_288 : vector<16xf32>
          %swap3A_335 = arith.index_cast %add3A_286 : i32 to index
          %swap3A_336 = arith.constant 96 : index
          %swap3A_337 = tpu.vector_load %arg12[%swap3A_335, %swap3A_336] {strides = array<i32>} : memref<40x128xf32, #tpu.memory_space<vmem>>, vector<16xf32>,
          tpu.vector_store %arg12[%swap3A_335, %swap3A_336], %mul3A_334 {strides = array<i32>} : memref<40x128xf32, #tpu.memory_space<vmem>>, vector<16xf32>,
          %get3A_338 = arith.index_cast %add3A_286 : i32 to index
          %get3A_339 = arith.constant 112 : index
          %get3A_340 = tpu.vector_load %arg12[%get3A_338, %get3A_339] {strides = array<i32>} : memref<40x128xf32, #tpu.memory_space<vmem>>, vector<16xf32>,
          %mul3A_341 = arith.mulf %get3A_340, %gather3A_288 : vector<16xf32>
          %swap3A_342 = arith.index_cast %add3A_286 : i32 to index
          %swap3A_343 = arith.constant 112 : index
          %swap3A_344 = tpu.vector_load %arg12[%swap3A_342, %swap3A_343] {strides = array<i32>} : memref<40x128xf32, #tpu.memory_space<vmem>>, vector<16xf32>,
          tpu.vector_store %arg12[%swap3A_342, %swap3A_343], %mul3A_341 {strides = array<i32>} : memref<40x128xf32, #tpu.memory_space<vmem>>, vector<16xf32>,
        }
        %scan3A_122 = arith.constant 40 : i32
        %dma_start3A_123 = arith.constant 0 : i32
        %dma_start3A_124 = arith.constant 0 : i32
        %dma_start3A_125 = tpu.memref_slice %arg10[%dma_start3A_123, %dma_start3A_124] : memref<10000x128xf32, #tpu.memory_space<vmem_shared>> -> memref<10000x128xf32, #tpu.memory_space<vmem_shared>>
        tpu.enqueue_indirect_dma source(%arg12 : memref<40x128xf32, #tpu.memory_space<vmem>>) target(%dma_start3A_125 : memref<10000x128xf32, #tpu.memory_space<vmem_shared>>) offsets(%arg17 : memref<40xi32, #tpu.memory_space<vmem>>) semaphore(%arg42 : memref<!tpu.dma_semaphore, #tpu.memory_space<semaphore_mem>>) {add = true}
        %add3A_126 = arith.constant 2 : i32
        %add3A_127 = arith.addi %add3A_63, %add3A_126 : i32
        %ge3A_128 = arith.constant 3 : i32
        %ge3A_129 = arith.cmpi sge, %add3A_127, %ge3A_128 : i32
        %convert_element_type3A_130 = arith.extui %ge3A_129 : i1 to i32
        %cond3A_131 = arith.constant 0 : i32
        %cond3A_132 = arith.cmpi ne, %convert_element_type3A_130, %cond3A_131 : i32
        scf.if %cond3A_132 {
          %sub3A = arith.constant 3 : i32
          %sub3A_222 = arith.subi %add3A_127, %sub3A : i32
          %dma_wait3A_223 = arith.constant 0 : i32
          %dma_wait3A_224 = arith.constant 0 : i32
          %dma_wait3A_225 = tpu.memref_slice %arg10[%dma_wait3A_223, %dma_wait3A_224] : memref<10000x128xf32, #tpu.memory_space<vmem_shared>> -> memref<10000x128xf32, #tpu.memory_space<vmem_shared>>
          tpu.wait_indirect_dma semaphore(%arg45 : memref<!tpu.dma_semaphore, #tpu.memory_space<semaphore_mem>>) src(%arg15 : memref<40x128xf32, #tpu.memory_space<vmem>>) dst(%dma_wait3A_225 : memref<10000x128xf32, #tpu.memory_space<vmem_shared>>)
        } else {
        }
        %add3A_133 = arith.constant 2 : i32
        %add3A_134 = arith.addi %add3A_127, %add3A_133 : i32
        %lt3A_135 = arith.constant 500 : i32
        %lt3A_136 = arith.cmpi slt, %add3A_134, %lt3A_135 : i32
        %convert_element_type3A_137 = arith.extui %lt3A_136 : i1 to i32
        %cond3A_138 = arith.constant 0 : i32
        %cond3A_139 = arith.cmpi ne, %convert_element_type3A_137, %cond3A_138 : i32
        scf.if %cond3A_139 {
          %add3A_222 = arith.constant 2 : i32
          %add3A_223 = arith.addi %add3A_127, %add3A_222 : i32
          %mul3A_224 = arith.constant 40 : i32
          %mul3A_225 = arith.muli %add3A_223, %mul3A_224 : i32
          %add3A_226 = arith.addi %mul3A_2, %mul3A_225 : i32
          %dma_start3A_227 = tpu.memref_slice %arg4[%add3A_226] : memref<320000xi32, #tpu.memory_space<hbm>> -> memref<40xi32, #tpu.memory_space<hbm>>
          %dma_start3A_228 = tpu.memref_slice %arg4[%add3A_226] : memref<320000xi32, #tpu.memory_space<hbm>> -> memref<40xi32, #tpu.memory_space<hbm>>
          tpu.enqueue_dma source(%dma_start3A_228 : memref<40xi32, #tpu.memory_space<hbm>>) target(%arg20 : memref<40xi32, #tpu.memory_space<vmem>>) target_semaphore(%arg40 : memref<!tpu.dma_semaphore, #tpu.memory_space<semaphore_mem>>)
          %dma_start3A_229 = tpu.memref_slice %arg5[%add3A_226] : memref<320000xi32, #tpu.memory_space<hbm>> -> memref<40xi32, #tpu.memory_space<hbm>>
          %dma_start3A_230 = tpu.memref_slice %arg5[%add3A_226] : memref<320000xi32, #tpu.memory_space<hbm>> -> memref<40xi32, #tpu.memory_space<hbm>>
          tpu.enqueue_dma source(%dma_start3A_230 : memref<40xi32, #tpu.memory_space<hbm>>) target(%arg25 : memref<40xi32, #tpu.memory_space<vmem>>) target_semaphore(%arg40 : memref<!tpu.dma_semaphore, #tpu.memory_space<semaphore_mem>>)
          %dma_start3A_231 = tpu.memref_slice %arg6[%add3A_226] : memref<320000xf32, #tpu.memory_space<hbm>> -> memref<40xf32, #tpu.memory_space<hbm>>
          %dma_start3A_232 = tpu.memref_slice %arg6[%add3A_226] : memref<320000xf32, #tpu.memory_space<hbm>> -> memref<40xf32, #tpu.memory_space<hbm>>
          tpu.enqueue_dma source(%dma_start3A_232 : memref<40xf32, #tpu.memory_space<hbm>>) target(%arg30 : memref<40xf32, #tpu.memory_space<vmem>>) target_semaphore(%arg40 : memref<!tpu.dma_semaphore, #tpu.memory_space<semaphore_mem>>)
        } else {
        }
        %add3A_140 = arith.constant 1 : i32
        %add3A_141 = arith.addi %add3A_127, %add3A_140 : i32
        %lt3A_142 = arith.constant 500 : i32
        %lt3A_143 = arith.cmpi slt, %add3A_141, %lt3A_142 : i32
        %convert_element_type3A_144 = arith.extui %lt3A_143 : i1 to i32
        %cond3A_145 = arith.constant 0 : i32
        %cond3A_146 = arith.cmpi ne, %convert_element_type3A_144, %cond3A_145 : i32
        scf.if %cond3A_146 {
          %add3A_222 = arith.constant 1 : i32
          %add3A_223 = arith.addi %add3A_127, %add3A_222 : i32
          %mul3A_224 = arith.constant 40 : i32
          %mul3A_225 = arith.muli %add3A_223, %mul3A_224 : i32
          %add3A_226 = arith.addi %mul3A_2, %mul3A_225 : i32
          %dma_wait3A_227 = tpu.memref_slice %arg4[%add3A_226] : memref<320000xi32, #tpu.memory_space<hbm>> -> memref<40xi32, #tpu.memory_space<hbm>>
          %dma_wait3A_228 = tpu.memref_slice %arg4[%add3A_226] : memref<320000xi32, #tpu.memory_space<hbm>> -> memref<40xi32, #tpu.memory_space<hbm>>
          tpu.wait_dma2 semaphore(%arg39 : memref<!tpu.dma_semaphore, #tpu.memory_space<semaphore_mem>>) src(%dma_wait3A_228 : memref<40xi32, #tpu.memory_space<hbm>>) dst(%arg19 : memref<40xi32, #tpu.memory_space<vmem>>)
          %dma_wait3A_229 = tpu.memref_slice %arg5[%add3A_226] : memref<320000xi32, #tpu.memory_space<hbm>> -> memref<40xi32, #tpu.memory_space<hbm>>
          %dma_wait3A_230 = tpu.memref_slice %arg5[%add3A_226] : memref<320000xi32, #tpu.memory_space<hbm>> -> memref<40xi32, #tpu.memory_space<hbm>>
          tpu.wait_dma2 semaphore(%arg39 : memref<!tpu.dma_semaphore, #tpu.memory_space<semaphore_mem>>) src(%dma_wait3A_230 : memref<40xi32, #tpu.memory_space<hbm>>) dst(%arg24 : memref<40xi32, #tpu.memory_space<vmem>>)
          %dma_wait3A_231 = tpu.memref_slice %arg6[%add3A_226] : memref<320000xf32, #tpu.memory_space<hbm>> -> memref<40xf32, #tpu.memory_space<hbm>>
          %dma_wait3A_232 = tpu.memref_slice %arg6[%add3A_226] : memref<320000xf32, #tpu.memory_space<hbm>> -> memref<40xf32, #tpu.memory_space<hbm>>
          tpu.wait_dma2 semaphore(%arg39 : memref<!tpu.dma_semaphore, #tpu.memory_space<semaphore_mem>>) src(%dma_wait3A_232 : memref<40xf32, #tpu.memory_space<hbm>>) dst(%arg29 : memref<40xf32, #tpu.memory_space<vmem>>)
          %add3A_233 = arith.constant 1 : i32
          %add3A_234 = arith.addi %add3A_127, %add3A_233 : i32
          %dma_start3A_235 = arith.constant 0 : i32
          %dma_start3A_236 = arith.constant 0 : i32
          %dma_start3A_237 = tpu.memref_slice %arg3[%dma_start3A_235, %dma_start3A_236] : memref<10000x128xf32, #tpu.memory_space<hbm>> -> memref<10000x128xf32, #tpu.memory_space<hbm>>
          tpu.enqueue_indirect_dma source(%dma_start3A_237 : memref<10000x128xf32, #tpu.memory_space<hbm>>) target(%arg14 : memref<40x128xf32, #tpu.memory_space<vmem>>) offsets(%arg24 : memref<40xi32, #tpu.memory_space<vmem>>) semaphore(%arg34 : memref<!tpu.dma_semaphore, #tpu.memory_space<semaphore_mem>>)
        } else {
        }
        %dma_wait3A_147 = arith.constant 0 : i32
        %dma_wait3A_148 = arith.constant 0 : i32
        %dma_wait3A_149 = tpu.memref_slice %arg3[%dma_wait3A_147, %dma_wait3A_148] : memref<10000x128xf32, #tpu.memory_space<hbm>> -> memref<10000x128xf32, #tpu.memory_space<hbm>>
        tpu.wait_indirect_dma semaphore(%arg33 : memref<!tpu.dma_semaphore, #tpu.memory_space<semaphore_mem>>) src(%dma_wait3A_149 : memref<10000x128xf32, #tpu.memory_space<hbm>>) dst(%arg13 : memref<40x128xf32, #tpu.memory_space<vmem>>)
        %scan3A_150 = arith.constant 0 : i32
        %scan3A_151 = arith.constant 40 : i32
        %scan3A_152 = arith.addi %scan3A_150, %scan3A_151 : i32
        %scan3A_153 = arith.constant 2 : i32
        scf.for %scan3A_222 = %scan3A_150 to %scan3A_152 step %scan3A_153  : i32 {
          %mul3A_223 = arith.constant 1 : i32
          %mul3A_224 = arith.muli %scan3A_222, %mul3A_223 : i32
          %add3A_225 = arith.constant 0 : i32
          %add3A_226 = arith.addi %add3A_225, %mul3A_224 : i32
          %broadcast_in_dim3A = vector.broadcast %add3A_226 : i32 to vector<16xi32>
          %gather3A = tpu.vector_load_idx %arg28[%broadcast_in_dim3A] : memref<40xf32, #tpu.memory_space<vmem>>[vector<16xi32>], vector<16xf32>,
          %get3A = arith.index_cast %add3A_226 : i32 to index
          %get3A_227 = arith.constant 0 : index
          %get3A_228 = tpu.vector_load %arg13[%get3A, %get3A_227] {strides = array<i32>} : memref<40x128xf32, #tpu.memory_space<vmem>>, vector<16xf32>,
          %mul3A_229 = arith.mulf %get3A_228, %gather3A : vector<16xf32>
          %swap3A = arith.index_cast %add3A_226 : i32 to index
          %swap3A_230 = arith.constant 0 : index
          %swap3A_231 = tpu.vector_load %arg13[%swap3A, %swap3A_230] {strides = array<i32>} : memref<40x128xf32, #tpu.memory_space<vmem>>, vector<16xf32>,
          tpu.vector_store %arg13[%swap3A, %swap3A_230], %mul3A_229 {strides = array<i32>} : memref<40x128xf32, #tpu.memory_space<vmem>>, vector<16xf32>,
          %get3A_232 = arith.index_cast %add3A_226 : i32 to index
          %get3A_233 = arith.constant 16 : index
          %get3A_234 = tpu.vector_load %arg13[%get3A_232, %get3A_233] {strides = array<i32>} : memref<40x128xf32, #tpu.memory_space<vmem>>, vector<16xf32>,
          %mul3A_235 = arith.mulf %get3A_234, %gather3A : vector<16xf32>
          %swap3A_236 = arith.index_cast %add3A_226 : i32 to index
          %swap3A_237 = arith.constant 16 : index
          %swap3A_238 = tpu.vector_load %arg13[%swap3A_236, %swap3A_237] {strides = array<i32>} : memref<40x128xf32, #tpu.memory_space<vmem>>, vector<16xf32>,
          tpu.vector_store %arg13[%swap3A_236, %swap3A_237], %mul3A_235 {strides = array<i32>} : memref<40x128xf32, #tpu.memory_space<vmem>>, vector<16xf32>,
          %get3A_239 = arith.index_cast %add3A_226 : i32 to index
          %get3A_240 = arith.constant 32 : index
          %get3A_241 = tpu.vector_load %arg13[%get3A_239, %get3A_240] {strides = array<i32>} : memref<40x128xf32, #tpu.memory_space<vmem>>, vector<16xf32>,
          %mul3A_242 = arith.mulf %get3A_241, %gather3A : vector<16xf32>
          %swap3A_243 = arith.index_cast %add3A_226 : i32 to index
          %swap3A_244 = arith.constant 32 : index
          %swap3A_245 = tpu.vector_load %arg13[%swap3A_243, %swap3A_244] {strides = array<i32>} : memref<40x128xf32, #tpu.memory_space<vmem>>, vector<16xf32>,
          tpu.vector_store %arg13[%swap3A_243, %swap3A_244], %mul3A_242 {strides = array<i32>} : memref<40x128xf32, #tpu.memory_space<vmem>>, vector<16xf32>,
          %get3A_246 = arith.index_cast %add3A_226 : i32 to index
          %get3A_247 = arith.constant 48 : index
          %get3A_248 = tpu.vector_load %arg13[%get3A_246, %get3A_247] {strides = array<i32>} : memref<40x128xf32, #tpu.memory_space<vmem>>, vector<16xf32>,
          %mul3A_249 = arith.mulf %get3A_248, %gather3A : vector<16xf32>
          %swap3A_250 = arith.index_cast %add3A_226 : i32 to index
          %swap3A_251 = arith.constant 48 : index
          %swap3A_252 = tpu.vector_load %arg13[%swap3A_250, %swap3A_251] {strides = array<i32>} : memref<40x128xf32, #tpu.memory_space<vmem>>, vector<16xf32>,
          tpu.vector_store %arg13[%swap3A_250, %swap3A_251], %mul3A_249 {strides = array<i32>} : memref<40x128xf32, #tpu.memory_space<vmem>>, vector<16xf32>,
          %get3A_253 = arith.index_cast %add3A_226 : i32 to index
          %get3A_254 = arith.constant 64 : index
          %get3A_255 = tpu.vector_load %arg13[%get3A_253, %get3A_254] {strides = array<i32>} : memref<40x128xf32, #tpu.memory_space<vmem>>, vector<16xf32>,
          %mul3A_256 = arith.mulf %get3A_255, %gather3A : vector<16xf32>
          %swap3A_257 = arith.index_cast %add3A_226 : i32 to index
          %swap3A_258 = arith.constant 64 : index
          %swap3A_259 = tpu.vector_load %arg13[%swap3A_257, %swap3A_258] {strides = array<i32>} : memref<40x128xf32, #tpu.memory_space<vmem>>, vector<16xf32>,
          tpu.vector_store %arg13[%swap3A_257, %swap3A_258], %mul3A_256 {strides = array<i32>} : memref<40x128xf32, #tpu.memory_space<vmem>>, vector<16xf32>,
          %get3A_260 = arith.index_cast %add3A_226 : i32 to index
          %get3A_261 = arith.constant 80 : index
          %get3A_262 = tpu.vector_load %arg13[%get3A_260, %get3A_261] {strides = array<i32>} : memref<40x128xf32, #tpu.memory_space<vmem>>, vector<16xf32>,
          %mul3A_263 = arith.mulf %get3A_262, %gather3A : vector<16xf32>
          %swap3A_264 = arith.index_cast %add3A_226 : i32 to index
          %swap3A_265 = arith.constant 80 : index
          %swap3A_266 = tpu.vector_load %arg13[%swap3A_264, %swap3A_265] {strides = array<i32>} : memref<40x128xf32, #tpu.memory_space<vmem>>, vector<16xf32>,
          tpu.vector_store %arg13[%swap3A_264, %swap3A_265], %mul3A_263 {strides = array<i32>} : memref<40x128xf32, #tpu.memory_space<vmem>>, vector<16xf32>,
          %get3A_267 = arith.index_cast %add3A_226 : i32 to index
          %get3A_268 = arith.constant 96 : index
          %get3A_269 = tpu.vector_load %arg13[%get3A_267, %get3A_268] {strides = array<i32>} : memref<40x128xf32, #tpu.memory_space<vmem>>, vector<16xf32>,
          %mul3A_270 = arith.mulf %get3A_269, %gather3A : vector<16xf32>
          %swap3A_271 = arith.index_cast %add3A_226 : i32 to index
          %swap3A_272 = arith.constant 96 : index
          %swap3A_273 = tpu.vector_load %arg13[%swap3A_271, %swap3A_272] {strides = array<i32>} : memref<40x128xf32, #tpu.memory_space<vmem>>, vector<16xf32>,
          tpu.vector_store %arg13[%swap3A_271, %swap3A_272], %mul3A_270 {strides = array<i32>} : memref<40x128xf32, #tpu.memory_space<vmem>>, vector<16xf32>,
          %get3A_274 = arith.index_cast %add3A_226 : i32 to index
          %get3A_275 = arith.constant 112 : index
          %get3A_276 = tpu.vector_load %arg13[%get3A_274, %get3A_275] {strides = array<i32>} : memref<40x128xf32, #tpu.memory_space<vmem>>, vector<16xf32>,
          %mul3A_277 = arith.mulf %get3A_276, %gather3A : vector<16xf32>
          %swap3A_278 = arith.index_cast %add3A_226 : i32 to index
          %swap3A_279 = arith.constant 112 : index
          %swap3A_280 = tpu.vector_load %arg13[%swap3A_278, %swap3A_279] {strides = array<i32>} : memref<40x128xf32, #tpu.memory_space<vmem>>, vector<16xf32>,
          tpu.vector_store %arg13[%swap3A_278, %swap3A_279], %mul3A_277 {strides = array<i32>} : memref<40x128xf32, #tpu.memory_space<vmem>>, vector<16xf32>,
          %scan3A_281 = arith.constant 1 : i32
          %scan3A_282 = arith.addi %scan3A_222, %scan3A_281 : i32
          %mul3A_283 = arith.constant 1 : i32
          %mul3A_284 = arith.muli %scan3A_282, %mul3A_283 : i32
          %add3A_285 = arith.constant 0 : i32
          %add3A_286 = arith.addi %add3A_285, %mul3A_284 : i32
          %broadcast_in_dim3A_287 = vector.broadcast %add3A_286 : i32 to vector<16xi32>
          %gather3A_288 = tpu.vector_load_idx %arg28[%broadcast_in_dim3A_287] : memref<40xf32, #tpu.memory_space<vmem>>[vector<16xi32>], vector<16xf32>,
          %get3A_289 = arith.index_cast %add3A_286 : i32 to index
          %get3A_290 = arith.constant 0 : index
          %get3A_291 = tpu.vector_load %arg13[%get3A_289, %get3A_290] {strides = array<i32>} : memref<40x128xf32, #tpu.memory_space<vmem>>, vector<16xf32>,
          %mul3A_292 = arith.mulf %get3A_291, %gather3A_288 : vector<16xf32>
          %swap3A_293 = arith.index_cast %add3A_286 : i32 to index
          %swap3A_294 = arith.constant 0 : index
          %swap3A_295 = tpu.vector_load %arg13[%swap3A_293, %swap3A_294] {strides = array<i32>} : memref<40x128xf32, #tpu.memory_space<vmem>>, vector<16xf32>,
          tpu.vector_store %arg13[%swap3A_293, %swap3A_294], %mul3A_292 {strides = array<i32>} : memref<40x128xf32, #tpu.memory_space<vmem>>, vector<16xf32>,
          %get3A_296 = arith.index_cast %add3A_286 : i32 to index
          %get3A_297 = arith.constant 16 : index
          %get3A_298 = tpu.vector_load %arg13[%get3A_296, %get3A_297] {strides = array<i32>} : memref<40x128xf32, #tpu.memory_space<vmem>>, vector<16xf32>,
          %mul3A_299 = arith.mulf %get3A_298, %gather3A_288 : vector<16xf32>
          %swap3A_300 = arith.index_cast %add3A_286 : i32 to index
          %swap3A_301 = arith.constant 16 : index
          %swap3A_302 = tpu.vector_load %arg13[%swap3A_300, %swap3A_301] {strides = array<i32>} : memref<40x128xf32, #tpu.memory_space<vmem>>, vector<16xf32>,
          tpu.vector_store %arg13[%swap3A_300, %swap3A_301], %mul3A_299 {strides = array<i32>} : memref<40x128xf32, #tpu.memory_space<vmem>>, vector<16xf32>,
          %get3A_303 = arith.index_cast %add3A_286 : i32 to index
          %get3A_304 = arith.constant 32 : index
          %get3A_305 = tpu.vector_load %arg13[%get3A_303, %get3A_304] {strides = array<i32>} : memref<40x128xf32, #tpu.memory_space<vmem>>, vector<16xf32>,
          %mul3A_306 = arith.mulf %get3A_305, %gather3A_288 : vector<16xf32>
          %swap3A_307 = arith.index_cast %add3A_286 : i32 to index
          %swap3A_308 = arith.constant 32 : index
          %swap3A_309 = tpu.vector_load %arg13[%swap3A_307, %swap3A_308] {strides = array<i32>} : memref<40x128xf32, #tpu.memory_space<vmem>>, vector<16xf32>,
          tpu.vector_store %arg13[%swap3A_307, %swap3A_308], %mul3A_306 {strides = array<i32>} : memref<40x128xf32, #tpu.memory_space<vmem>>, vector<16xf32>,
          %get3A_310 = arith.index_cast %add3A_286 : i32 to index
          %get3A_311 = arith.constant 48 : index
          %get3A_312 = tpu.vector_load %arg13[%get3A_310, %get3A_311] {strides = array<i32>} : memref<40x128xf32, #tpu.memory_space<vmem>>, vector<16xf32>,
          %mul3A_313 = arith.mulf %get3A_312, %gather3A_288 : vector<16xf32>
          %swap3A_314 = arith.index_cast %add3A_286 : i32 to index
          %swap3A_315 = arith.constant 48 : index
          %swap3A_316 = tpu.vector_load %arg13[%swap3A_314, %swap3A_315] {strides = array<i32>} : memref<40x128xf32, #tpu.memory_space<vmem>>, vector<16xf32>,
          tpu.vector_store %arg13[%swap3A_314, %swap3A_315], %mul3A_313 {strides = array<i32>} : memref<40x128xf32, #tpu.memory_space<vmem>>, vector<16xf32>,
          %get3A_317 = arith.index_cast %add3A_286 : i32 to index
          %get3A_318 = arith.constant 64 : index
          %get3A_319 = tpu.vector_load %arg13[%get3A_317, %get3A_318] {strides = array<i32>} : memref<40x128xf32, #tpu.memory_space<vmem>>, vector<16xf32>,
          %mul3A_320 = arith.mulf %get3A_319, %gather3A_288 : vector<16xf32>
          %swap3A_321 = arith.index_cast %add3A_286 : i32 to index
          %swap3A_322 = arith.constant 64 : index
          %swap3A_323 = tpu.vector_load %arg13[%swap3A_321, %swap3A_322] {strides = array<i32>} : memref<40x128xf32, #tpu.memory_space<vmem>>, vector<16xf32>,
          tpu.vector_store %arg13[%swap3A_321, %swap3A_322], %mul3A_320 {strides = array<i32>} : memref<40x128xf32, #tpu.memory_space<vmem>>, vector<16xf32>,
          %get3A_324 = arith.index_cast %add3A_286 : i32 to index
          %get3A_325 = arith.constant 80 : index
          %get3A_326 = tpu.vector_load %arg13[%get3A_324, %get3A_325] {strides = array<i32>} : memref<40x128xf32, #tpu.memory_space<vmem>>, vector<16xf32>,
          %mul3A_327 = arith.mulf %get3A_326, %gather3A_288 : vector<16xf32>
          %swap3A_328 = arith.index_cast %add3A_286 : i32 to index
          %swap3A_329 = arith.constant 80 : index
          %swap3A_330 = tpu.vector_load %arg13[%swap3A_328, %swap3A_329] {strides = array<i32>} : memref<40x128xf32, #tpu.memory_space<vmem>>, vector<16xf32>,
          tpu.vector_store %arg13[%swap3A_328, %swap3A_329], %mul3A_327 {strides = array<i32>} : memref<40x128xf32, #tpu.memory_space<vmem>>, vector<16xf32>,
          %get3A_331 = arith.index_cast %add3A_286 : i32 to index
          %get3A_332 = arith.constant 96 : index
          %get3A_333 = tpu.vector_load %arg13[%get3A_331, %get3A_332] {strides = array<i32>} : memref<40x128xf32, #tpu.memory_space<vmem>>, vector<16xf32>,
          %mul3A_334 = arith.mulf %get3A_333, %gather3A_288 : vector<16xf32>
          %swap3A_335 = arith.index_cast %add3A_286 : i32 to index
          %swap3A_336 = arith.constant 96 : index
          %swap3A_337 = tpu.vector_load %arg13[%swap3A_335, %swap3A_336] {strides = array<i32>} : memref<40x128xf32, #tpu.memory_space<vmem>>, vector<16xf32>,
          tpu.vector_store %arg13[%swap3A_335, %swap3A_336], %mul3A_334 {strides = array<i32>} : memref<40x128xf32, #tpu.memory_space<vmem>>, vector<16xf32>,
          %get3A_338 = arith.index_cast %add3A_286 : i32 to index
          %get3A_339 = arith.constant 112 : index
          %get3A_340 = tpu.vector_load %arg13[%get3A_338, %get3A_339] {strides = array<i32>} : memref<40x128xf32, #tpu.memory_space<vmem>>, vector<16xf32>,
          %mul3A_341 = arith.mulf %get3A_340, %gather3A_288 : vector<16xf32>
          %swap3A_342 = arith.index_cast %add3A_286 : i32 to index
          %swap3A_343 = arith.constant 112 : index
          %swap3A_344 = tpu.vector_load %arg13[%swap3A_342, %swap3A_343] {strides = array<i32>} : memref<40x128xf32, #tpu.memory_space<vmem>>, vector<16xf32>,
          tpu.vector_store %arg13[%swap3A_342, %swap3A_343], %mul3A_341 {strides = array<i32>} : memref<40x128xf32, #tpu.memory_space<vmem>>, vector<16xf32>,
        }
        %scan3A_154 = arith.constant 40 : i32
        %dma_start3A_155 = arith.constant 0 : i32
        %dma_start3A_156 = arith.constant 0 : i32
        %dma_start3A_157 = tpu.memref_slice %arg10[%dma_start3A_155, %dma_start3A_156] : memref<10000x128xf32, #tpu.memory_space<vmem_shared>> -> memref<10000x128xf32, #tpu.memory_space<vmem_shared>>
        tpu.enqueue_indirect_dma source(%arg13 : memref<40x128xf32, #tpu.memory_space<vmem>>) target(%dma_start3A_157 : memref<10000x128xf32, #tpu.memory_space<vmem_shared>>) offsets(%arg18 : memref<40xi32, #tpu.memory_space<vmem>>) semaphore(%arg43 : memref<!tpu.dma_semaphore, #tpu.memory_space<semaphore_mem>>) {add = true}
        %add3A_158 = arith.constant 3 : i32
        %add3A_159 = arith.addi %add3A_63, %add3A_158 : i32
        %ge3A_160 = arith.constant 3 : i32
        %ge3A_161 = arith.cmpi sge, %add3A_159, %ge3A_160 : i32
        %convert_element_type3A_162 = arith.extui %ge3A_161 : i1 to i32
        %cond3A_163 = arith.constant 0 : i32
        %cond3A_164 = arith.cmpi ne, %convert_element_type3A_162, %cond3A_163 : i32
        scf.if %cond3A_164 {
          %sub3A = arith.constant 3 : i32
          %sub3A_222 = arith.subi %add3A_159, %sub3A : i32
          %dma_wait3A_223 = arith.constant 0 : i32
          %dma_wait3A_224 = arith.constant 0 : i32
          %dma_wait3A_225 = tpu.memref_slice %arg10[%dma_wait3A_223, %dma_wait3A_224] : memref<10000x128xf32, #tpu.memory_space<vmem_shared>> -> memref<10000x128xf32, #tpu.memory_space<vmem_shared>>
          tpu.wait_indirect_dma semaphore(%arg41 : memref<!tpu.dma_semaphore, #tpu.memory_space<semaphore_mem>>) src(%arg11 : memref<40x128xf32, #tpu.memory_space<vmem>>) dst(%dma_wait3A_225 : memref<10000x128xf32, #tpu.memory_space<vmem_shared>>)
        } else {
        }
        %add3A_165 = arith.constant 2 : i32
        %add3A_166 = arith.addi %add3A_159, %add3A_165 : i32
        %lt3A_167 = arith.constant 500 : i32
        %lt3A_168 = arith.cmpi slt, %add3A_166, %lt3A_167 : i32
        %convert_element_type3A_169 = arith.extui %lt3A_168 : i1 to i32
        %cond3A_170 = arith.constant 0 : i32
        %cond3A_171 = arith.cmpi ne, %convert_element_type3A_169, %cond3A_170 : i32
        scf.if %cond3A_171 {
          %add3A_222 = arith.constant 2 : i32
          %add3A_223 = arith.addi %add3A_159, %add3A_222 : i32
          %mul3A_224 = arith.constant 40 : i32
          %mul3A_225 = arith.muli %add3A_223, %mul3A_224 : i32
          %add3A_226 = arith.addi %mul3A_2, %mul3A_225 : i32
          %dma_start3A_227 = tpu.memref_slice %arg4[%add3A_226] : memref<320000xi32, #tpu.memory_space<hbm>> -> memref<40xi32, #tpu.memory_space<hbm>>
          %dma_start3A_228 = tpu.memref_slice %arg4[%add3A_226] : memref<320000xi32, #tpu.memory_space<hbm>> -> memref<40xi32, #tpu.memory_space<hbm>>
          tpu.enqueue_dma source(%dma_start3A_228 : memref<40xi32, #tpu.memory_space<hbm>>) target(%arg16 : memref<40xi32, #tpu.memory_space<vmem>>) target_semaphore(%arg36 : memref<!tpu.dma_semaphore, #tpu.memory_space<semaphore_mem>>)
          %dma_start3A_229 = tpu.memref_slice %arg5[%add3A_226] : memref<320000xi32, #tpu.memory_space<hbm>> -> memref<40xi32, #tpu.memory_space<hbm>>
          %dma_start3A_230 = tpu.memref_slice %arg5[%add3A_226] : memref<320000xi32, #tpu.memory_space<hbm>> -> memref<40xi32, #tpu.memory_space<hbm>>
          tpu.enqueue_dma source(%dma_start3A_230 : memref<40xi32, #tpu.memory_space<hbm>>) target(%arg21 : memref<40xi32, #tpu.memory_space<vmem>>) target_semaphore(%arg36 : memref<!tpu.dma_semaphore, #tpu.memory_space<semaphore_mem>>)
          %dma_start3A_231 = tpu.memref_slice %arg6[%add3A_226] : memref<320000xf32, #tpu.memory_space<hbm>> -> memref<40xf32, #tpu.memory_space<hbm>>
          %dma_start3A_232 = tpu.memref_slice %arg6[%add3A_226] : memref<320000xf32, #tpu.memory_space<hbm>> -> memref<40xf32, #tpu.memory_space<hbm>>
          tpu.enqueue_dma source(%dma_start3A_232 : memref<40xf32, #tpu.memory_space<hbm>>) target(%arg26 : memref<40xf32, #tpu.memory_space<vmem>>) target_semaphore(%arg36 : memref<!tpu.dma_semaphore, #tpu.memory_space<semaphore_mem>>)
        } else {
        }
        %add3A_172 = arith.constant 1 : i32
        %add3A_173 = arith.addi %add3A_159, %add3A_172 : i32
        %lt3A_174 = arith.constant 500 : i32
        %lt3A_175 = arith.cmpi slt, %add3A_173, %lt3A_174 : i32
        %convert_element_type3A_176 = arith.extui %lt3A_175 : i1 to i32
        %cond3A_177 = arith.constant 0 : i32
        %cond3A_178 = arith.cmpi ne, %convert_element_type3A_176, %cond3A_177 : i32
        scf.if %cond3A_178 {
          %add3A_222 = arith.constant 1 : i32
          %add3A_223 = arith.addi %add3A_159, %add3A_222 : i32
          %mul3A_224 = arith.constant 40 : i32
          %mul3A_225 = arith.muli %add3A_223, %mul3A_224 : i32
          %add3A_226 = arith.addi %mul3A_2, %mul3A_225 : i32
          %dma_wait3A_227 = tpu.memref_slice %arg4[%add3A_226] : memref<320000xi32, #tpu.memory_space<hbm>> -> memref<40xi32, #tpu.memory_space<hbm>>
          %dma_wait3A_228 = tpu.memref_slice %arg4[%add3A_226] : memref<320000xi32, #tpu.memory_space<hbm>> -> memref<40xi32, #tpu.memory_space<hbm>>
          tpu.wait_dma2 semaphore(%arg40 : memref<!tpu.dma_semaphore, #tpu.memory_space<semaphore_mem>>) src(%dma_wait3A_228 : memref<40xi32, #tpu.memory_space<hbm>>) dst(%arg20 : memref<40xi32, #tpu.memory_space<vmem>>)
          %dma_wait3A_229 = tpu.memref_slice %arg5[%add3A_226] : memref<320000xi32, #tpu.memory_space<hbm>> -> memref<40xi32, #tpu.memory_space<hbm>>
          %dma_wait3A_230 = tpu.memref_slice %arg5[%add3A_226] : memref<320000xi32, #tpu.memory_space<hbm>> -> memref<40xi32, #tpu.memory_space<hbm>>
          tpu.wait_dma2 semaphore(%arg40 : memref<!tpu.dma_semaphore, #tpu.memory_space<semaphore_mem>>) src(%dma_wait3A_230 : memref<40xi32, #tpu.memory_space<hbm>>) dst(%arg25 : memref<40xi32, #tpu.memory_space<vmem>>)
          %dma_wait3A_231 = tpu.memref_slice %arg6[%add3A_226] : memref<320000xf32, #tpu.memory_space<hbm>> -> memref<40xf32, #tpu.memory_space<hbm>>
          %dma_wait3A_232 = tpu.memref_slice %arg6[%add3A_226] : memref<320000xf32, #tpu.memory_space<hbm>> -> memref<40xf32, #tpu.memory_space<hbm>>
          tpu.wait_dma2 semaphore(%arg40 : memref<!tpu.dma_semaphore, #tpu.memory_space<semaphore_mem>>) src(%dma_wait3A_232 : memref<40xf32, #tpu.memory_space<hbm>>) dst(%arg30 : memref<40xf32, #tpu.memory_space<vmem>>)
          %add3A_233 = arith.constant 1 : i32
          %add3A_234 = arith.addi %add3A_159, %add3A_233 : i32
          %dma_start3A_235 = arith.constant 0 : i32
          %dma_start3A_236 = arith.constant 0 : i32
          %dma_start3A_237 = tpu.memref_slice %arg3[%dma_start3A_235, %dma_start3A_236] : memref<10000x128xf32, #tpu.memory_space<hbm>> -> memref<10000x128xf32, #tpu.memory_space<hbm>>
          tpu.enqueue_indirect_dma source(%dma_start3A_237 : memref<10000x128xf32, #tpu.memory_space<hbm>>) target(%arg15 : memref<40x128xf32, #tpu.memory_space<vmem>>) offsets(%arg25 : memref<40xi32, #tpu.memory_space<vmem>>) semaphore(%arg35 : memref<!tpu.dma_semaphore, #tpu.memory_space<semaphore_mem>>)
        } else {
        }
        %dma_wait3A_179 = arith.constant 0 : i32
        %dma_wait3A_180 = arith.constant 0 : i32
        %dma_wait3A_181 = tpu.memref_slice %arg3[%dma_wait3A_179, %dma_wait3A_180] : memref<10000x128xf32, #tpu.memory_space<hbm>> -> memref<10000x128xf32, #tpu.memory_space<hbm>>
        tpu.wait_indirect_dma semaphore(%arg34 : memref<!tpu.dma_semaphore, #tpu.memory_space<semaphore_mem>>) src(%dma_wait3A_181 : memref<10000x128xf32, #tpu.memory_space<hbm>>) dst(%arg14 : memref<40x128xf32, #tpu.memory_space<vmem>>)
        %scan3A_182 = arith.constant 0 : i32
        %scan3A_183 = arith.constant 40 : i32
        %scan3A_184 = arith.addi %scan3A_182, %scan3A_183 : i32
        %scan3A_185 = arith.constant 2 : i32
        scf.for %scan3A_222 = %scan3A_182 to %scan3A_184 step %scan3A_185  : i32 {
          %mul3A_223 = arith.constant 1 : i32
          %mul3A_224 = arith.muli %scan3A_222, %mul3A_223 : i32
          %add3A_225 = arith.constant 0 : i32
          %add3A_226 = arith.addi %add3A_225, %mul3A_224 : i32
          %broadcast_in_dim3A = vector.broadcast %add3A_226 : i32 to vector<16xi32>
          %gather3A = tpu.vector_load_idx %arg29[%broadcast_in_dim3A] : memref<40xf32, #tpu.memory_space<vmem>>[vector<16xi32>], vector<16xf32>,
          %get3A = arith.index_cast %add3A_226 : i32 to index
          %get3A_227 = arith.constant 0 : index
          %get3A_228 = tpu.vector_load %arg14[%get3A, %get3A_227] {strides = array<i32>} : memref<40x128xf32, #tpu.memory_space<vmem>>, vector<16xf32>,
          %mul3A_229 = arith.mulf %get3A_228, %gather3A : vector<16xf32>
          %swap3A = arith.index_cast %add3A_226 : i32 to index
          %swap3A_230 = arith.constant 0 : index
          %swap3A_231 = tpu.vector_load %arg14[%swap3A, %swap3A_230] {strides = array<i32>} : memref<40x128xf32, #tpu.memory_space<vmem>>, vector<16xf32>,
          tpu.vector_store %arg14[%swap3A, %swap3A_230], %mul3A_229 {strides = array<i32>} : memref<40x128xf32, #tpu.memory_space<vmem>>, vector<16xf32>,
          %get3A_232 = arith.index_cast %add3A_226 : i32 to index
          %get3A_233 = arith.constant 16 : index
          %get3A_234 = tpu.vector_load %arg14[%get3A_232, %get3A_233] {strides = array<i32>} : memref<40x128xf32, #tpu.memory_space<vmem>>, vector<16xf32>,
          %mul3A_235 = arith.mulf %get3A_234, %gather3A : vector<16xf32>
          %swap3A_236 = arith.index_cast %add3A_226 : i32 to index
          %swap3A_237 = arith.constant 16 : index
          %swap3A_238 = tpu.vector_load %arg14[%swap3A_236, %swap3A_237] {strides = array<i32>} : memref<40x128xf32, #tpu.memory_space<vmem>>, vector<16xf32>,
          tpu.vector_store %arg14[%swap3A_236, %swap3A_237], %mul3A_235 {strides = array<i32>} : memref<40x128xf32, #tpu.memory_space<vmem>>, vector<16xf32>,
          %get3A_239 = arith.index_cast %add3A_226 : i32 to index
          %get3A_240 = arith.constant 32 : index
          %get3A_241 = tpu.vector_load %arg14[%get3A_239, %get3A_240] {strides = array<i32>} : memref<40x128xf32, #tpu.memory_space<vmem>>, vector<16xf32>,
          %mul3A_242 = arith.mulf %get3A_241, %gather3A : vector<16xf32>
          %swap3A_243 = arith.index_cast %add3A_226 : i32 to index
          %swap3A_244 = arith.constant 32 : index
          %swap3A_245 = tpu.vector_load %arg14[%swap3A_243, %swap3A_244] {strides = array<i32>} : memref<40x128xf32, #tpu.memory_space<vmem>>, vector<16xf32>,
          tpu.vector_store %arg14[%swap3A_243, %swap3A_244], %mul3A_242 {strides = array<i32>} : memref<40x128xf32, #tpu.memory_space<vmem>>, vector<16xf32>,
          %get3A_246 = arith.index_cast %add3A_226 : i32 to index
          %get3A_247 = arith.constant 48 : index
          %get3A_248 = tpu.vector_load %arg14[%get3A_246, %get3A_247] {strides = array<i32>} : memref<40x128xf32, #tpu.memory_space<vmem>>, vector<16xf32>,
          %mul3A_249 = arith.mulf %get3A_248, %gather3A : vector<16xf32>
          %swap3A_250 = arith.index_cast %add3A_226 : i32 to index
          %swap3A_251 = arith.constant 48 : index
          %swap3A_252 = tpu.vector_load %arg14[%swap3A_250, %swap3A_251] {strides = array<i32>} : memref<40x128xf32, #tpu.memory_space<vmem>>, vector<16xf32>,
          tpu.vector_store %arg14[%swap3A_250, %swap3A_251], %mul3A_249 {strides = array<i32>} : memref<40x128xf32, #tpu.memory_space<vmem>>, vector<16xf32>,
          %get3A_253 = arith.index_cast %add3A_226 : i32 to index
          %get3A_254 = arith.constant 64 : index
          %get3A_255 = tpu.vector_load %arg14[%get3A_253, %get3A_254] {strides = array<i32>} : memref<40x128xf32, #tpu.memory_space<vmem>>, vector<16xf32>,
          %mul3A_256 = arith.mulf %get3A_255, %gather3A : vector<16xf32>
          %swap3A_257 = arith.index_cast %add3A_226 : i32 to index
          %swap3A_258 = arith.constant 64 : index
          %swap3A_259 = tpu.vector_load %arg14[%swap3A_257, %swap3A_258] {strides = array<i32>} : memref<40x128xf32, #tpu.memory_space<vmem>>, vector<16xf32>,
          tpu.vector_store %arg14[%swap3A_257, %swap3A_258], %mul3A_256 {strides = array<i32>} : memref<40x128xf32, #tpu.memory_space<vmem>>, vector<16xf32>,
          %get3A_260 = arith.index_cast %add3A_226 : i32 to index
          %get3A_261 = arith.constant 80 : index
          %get3A_262 = tpu.vector_load %arg14[%get3A_260, %get3A_261] {strides = array<i32>} : memref<40x128xf32, #tpu.memory_space<vmem>>, vector<16xf32>,
          %mul3A_263 = arith.mulf %get3A_262, %gather3A : vector<16xf32>
          %swap3A_264 = arith.index_cast %add3A_226 : i32 to index
          %swap3A_265 = arith.constant 80 : index
          %swap3A_266 = tpu.vector_load %arg14[%swap3A_264, %swap3A_265] {strides = array<i32>} : memref<40x128xf32, #tpu.memory_space<vmem>>, vector<16xf32>,
          tpu.vector_store %arg14[%swap3A_264, %swap3A_265], %mul3A_263 {strides = array<i32>} : memref<40x128xf32, #tpu.memory_space<vmem>>, vector<16xf32>,
          %get3A_267 = arith.index_cast %add3A_226 : i32 to index
          %get3A_268 = arith.constant 96 : index
          %get3A_269 = tpu.vector_load %arg14[%get3A_267, %get3A_268] {strides = array<i32>} : memref<40x128xf32, #tpu.memory_space<vmem>>, vector<16xf32>,
          %mul3A_270 = arith.mulf %get3A_269, %gather3A : vector<16xf32>
          %swap3A_271 = arith.index_cast %add3A_226 : i32 to index
          %swap3A_272 = arith.constant 96 : index
          %swap3A_273 = tpu.vector_load %arg14[%swap3A_271, %swap3A_272] {strides = array<i32>} : memref<40x128xf32, #tpu.memory_space<vmem>>, vector<16xf32>,
          tpu.vector_store %arg14[%swap3A_271, %swap3A_272], %mul3A_270 {strides = array<i32>} : memref<40x128xf32, #tpu.memory_space<vmem>>, vector<16xf32>,
          %get3A_274 = arith.index_cast %add3A_226 : i32 to index
          %get3A_275 = arith.constant 112 : index
          %get3A_276 = tpu.vector_load %arg14[%get3A_274, %get3A_275] {strides = array<i32>} : memref<40x128xf32, #tpu.memory_space<vmem>>, vector<16xf32>,
          %mul3A_277 = arith.mulf %get3A_276, %gather3A : vector<16xf32>
          %swap3A_278 = arith.index_cast %add3A_226 : i32 to index
          %swap3A_279 = arith.constant 112 : index
          %swap3A_280 = tpu.vector_load %arg14[%swap3A_278, %swap3A_279] {strides = array<i32>} : memref<40x128xf32, #tpu.memory_space<vmem>>, vector<16xf32>,
          tpu.vector_store %arg14[%swap3A_278, %swap3A_279], %mul3A_277 {strides = array<i32>} : memref<40x128xf32, #tpu.memory_space<vmem>>, vector<16xf32>,
          %scan3A_281 = arith.constant 1 : i32
          %scan3A_282 = arith.addi %scan3A_222, %scan3A_281 : i32
          %mul3A_283 = arith.constant 1 : i32
          %mul3A_284 = arith.muli %scan3A_282, %mul3A_283 : i32
          %add3A_285 = arith.constant 0 : i32
          %add3A_286 = arith.addi %add3A_285, %mul3A_284 : i32
          %broadcast_in_dim3A_287 = vector.broadcast %add3A_286 : i32 to vector<16xi32>
          %gather3A_288 = tpu.vector_load_idx %arg29[%broadcast_in_dim3A_287] : memref<40xf32, #tpu.memory_space<vmem>>[vector<16xi32>], vector<16xf32>,
          %get3A_289 = arith.index_cast %add3A_286 : i32 to index
          %get3A_290 = arith.constant 0 : index
          %get3A_291 = tpu.vector_load %arg14[%get3A_289, %get3A_290] {strides = array<i32>} : memref<40x128xf32, #tpu.memory_space<vmem>>, vector<16xf32>,
          %mul3A_292 = arith.mulf %get3A_291, %gather3A_288 : vector<16xf32>
          %swap3A_293 = arith.index_cast %add3A_286 : i32 to index
          %swap3A_294 = arith.constant 0 : index
          %swap3A_295 = tpu.vector_load %arg14[%swap3A_293, %swap3A_294] {strides = array<i32>} : memref<40x128xf32, #tpu.memory_space<vmem>>, vector<16xf32>,
          tpu.vector_store %arg14[%swap3A_293, %swap3A_294], %mul3A_292 {strides = array<i32>} : memref<40x128xf32, #tpu.memory_space<vmem>>, vector<16xf32>,
          %get3A_296 = arith.index_cast %add3A_286 : i32 to index
          %get3A_297 = arith.constant 16 : index
          %get3A_298 = tpu.vector_load %arg14[%get3A_296, %get3A_297] {strides = array<i32>} : memref<40x128xf32, #tpu.memory_space<vmem>>, vector<16xf32>,
          %mul3A_299 = arith.mulf %get3A_298, %gather3A_288 : vector<16xf32>
          %swap3A_300 = arith.index_cast %add3A_286 : i32 to index
          %swap3A_301 = arith.constant 16 : index
          %swap3A_302 = tpu.vector_load %arg14[%swap3A_300, %swap3A_301] {strides = array<i32>} : memref<40x128xf32, #tpu.memory_space<vmem>>, vector<16xf32>,
          tpu.vector_store %arg14[%swap3A_300, %swap3A_301], %mul3A_299 {strides = array<i32>} : memref<40x128xf32, #tpu.memory_space<vmem>>, vector<16xf32>,
          %get3A_303 = arith.index_cast %add3A_286 : i32 to index
          %get3A_304 = arith.constant 32 : index
          %get3A_305 = tpu.vector_load %arg14[%get3A_303, %get3A_304] {strides = array<i32>} : memref<40x128xf32, #tpu.memory_space<vmem>>, vector<16xf32>,
          %mul3A_306 = arith.mulf %get3A_305, %gather3A_288 : vector<16xf32>
          %swap3A_307 = arith.index_cast %add3A_286 : i32 to index
          %swap3A_308 = arith.constant 32 : index
          %swap3A_309 = tpu.vector_load %arg14[%swap3A_307, %swap3A_308] {strides = array<i32>} : memref<40x128xf32, #tpu.memory_space<vmem>>, vector<16xf32>,
          tpu.vector_store %arg14[%swap3A_307, %swap3A_308], %mul3A_306 {strides = array<i32>} : memref<40x128xf32, #tpu.memory_space<vmem>>, vector<16xf32>,
          %get3A_310 = arith.index_cast %add3A_286 : i32 to index
          %get3A_311 = arith.constant 48 : index
          %get3A_312 = tpu.vector_load %arg14[%get3A_310, %get3A_311] {strides = array<i32>} : memref<40x128xf32, #tpu.memory_space<vmem>>, vector<16xf32>,
          %mul3A_313 = arith.mulf %get3A_312, %gather3A_288 : vector<16xf32>
          %swap3A_314 = arith.index_cast %add3A_286 : i32 to index
          %swap3A_315 = arith.constant 48 : index
          %swap3A_316 = tpu.vector_load %arg14[%swap3A_314, %swap3A_315] {strides = array<i32>} : memref<40x128xf32, #tpu.memory_space<vmem>>, vector<16xf32>,
          tpu.vector_store %arg14[%swap3A_314, %swap3A_315], %mul3A_313 {strides = array<i32>} : memref<40x128xf32, #tpu.memory_space<vmem>>, vector<16xf32>,
          %get3A_317 = arith.index_cast %add3A_286 : i32 to index
          %get3A_318 = arith.constant 64 : index
          %get3A_319 = tpu.vector_load %arg14[%get3A_317, %get3A_318] {strides = array<i32>} : memref<40x128xf32, #tpu.memory_space<vmem>>, vector<16xf32>,
          %mul3A_320 = arith.mulf %get3A_319, %gather3A_288 : vector<16xf32>
          %swap3A_321 = arith.index_cast %add3A_286 : i32 to index
          %swap3A_322 = arith.constant 64 : index
          %swap3A_323 = tpu.vector_load %arg14[%swap3A_321, %swap3A_322] {strides = array<i32>} : memref<40x128xf32, #tpu.memory_space<vmem>>, vector<16xf32>,
          tpu.vector_store %arg14[%swap3A_321, %swap3A_322], %mul3A_320 {strides = array<i32>} : memref<40x128xf32, #tpu.memory_space<vmem>>, vector<16xf32>,
          %get3A_324 = arith.index_cast %add3A_286 : i32 to index
          %get3A_325 = arith.constant 80 : index
          %get3A_326 = tpu.vector_load %arg14[%get3A_324, %get3A_325] {strides = array<i32>} : memref<40x128xf32, #tpu.memory_space<vmem>>, vector<16xf32>,
          %mul3A_327 = arith.mulf %get3A_326, %gather3A_288 : vector<16xf32>
          %swap3A_328 = arith.index_cast %add3A_286 : i32 to index
          %swap3A_329 = arith.constant 80 : index
          %swap3A_330 = tpu.vector_load %arg14[%swap3A_328, %swap3A_329] {strides = array<i32>} : memref<40x128xf32, #tpu.memory_space<vmem>>, vector<16xf32>,
          tpu.vector_store %arg14[%swap3A_328, %swap3A_329], %mul3A_327 {strides = array<i32>} : memref<40x128xf32, #tpu.memory_space<vmem>>, vector<16xf32>,
          %get3A_331 = arith.index_cast %add3A_286 : i32 to index
          %get3A_332 = arith.constant 96 : index
          %get3A_333 = tpu.vector_load %arg14[%get3A_331, %get3A_332] {strides = array<i32>} : memref<40x128xf32, #tpu.memory_space<vmem>>, vector<16xf32>,
          %mul3A_334 = arith.mulf %get3A_333, %gather3A_288 : vector<16xf32>
          %swap3A_335 = arith.index_cast %add3A_286 : i32 to index
          %swap3A_336 = arith.constant 96 : index
          %swap3A_337 = tpu.vector_load %arg14[%swap3A_335, %swap3A_336] {strides = array<i32>} : memref<40x128xf32, #tpu.memory_space<vmem>>, vector<16xf32>,
          tpu.vector_store %arg14[%swap3A_335, %swap3A_336], %mul3A_334 {strides = array<i32>} : memref<40x128xf32, #tpu.memory_space<vmem>>, vector<16xf32>,
          %get3A_338 = arith.index_cast %add3A_286 : i32 to index
          %get3A_339 = arith.constant 112 : index
          %get3A_340 = tpu.vector_load %arg14[%get3A_338, %get3A_339] {strides = array<i32>} : memref<40x128xf32, #tpu.memory_space<vmem>>, vector<16xf32>,
          %mul3A_341 = arith.mulf %get3A_340, %gather3A_288 : vector<16xf32>
          %swap3A_342 = arith.index_cast %add3A_286 : i32 to index
          %swap3A_343 = arith.constant 112 : index
          %swap3A_344 = tpu.vector_load %arg14[%swap3A_342, %swap3A_343] {strides = array<i32>} : memref<40x128xf32, #tpu.memory_space<vmem>>, vector<16xf32>,
          tpu.vector_store %arg14[%swap3A_342, %swap3A_343], %mul3A_341 {strides = array<i32>} : memref<40x128xf32, #tpu.memory_space<vmem>>, vector<16xf32>,
        }
        %scan3A_186 = arith.constant 40 : i32
        %dma_start3A_187 = arith.constant 0 : i32
        %dma_start3A_188 = arith.constant 0 : i32
        %dma_start3A_189 = tpu.memref_slice %arg10[%dma_start3A_187, %dma_start3A_188] : memref<10000x128xf32, #tpu.memory_space<vmem_shared>> -> memref<10000x128xf32, #tpu.memory_space<vmem_shared>>
        tpu.enqueue_indirect_dma source(%arg14 : memref<40x128xf32, #tpu.memory_space<vmem>>) target(%dma_start3A_189 : memref<10000x128xf32, #tpu.memory_space<vmem_shared>>) offsets(%arg19 : memref<40xi32, #tpu.memory_space<vmem>>) semaphore(%arg44 : memref<!tpu.dma_semaphore, #tpu.memory_space<semaphore_mem>>) {add = true}
        %add3A_190 = arith.constant 4 : i32
        %add3A_191 = arith.addi %add3A_63, %add3A_190 : i32
        %ge3A_192 = arith.constant 3 : i32
        %ge3A_193 = arith.cmpi sge, %add3A_191, %ge3A_192 : i32
        %convert_element_type3A_194 = arith.extui %ge3A_193 : i1 to i32
        %cond3A_195 = arith.constant 0 : i32
        %cond3A_196 = arith.cmpi ne, %convert_element_type3A_194, %cond3A_195 : i32
        scf.if %cond3A_196 {
          %sub3A = arith.constant 3 : i32
          %sub3A_222 = arith.subi %add3A_191, %sub3A : i32
          %dma_wait3A_223 = arith.constant 0 : i32
          %dma_wait3A_224 = arith.constant 0 : i32
          %dma_wait3A_225 = tpu.memref_slice %arg10[%dma_wait3A_223, %dma_wait3A_224] : memref<10000x128xf32, #tpu.memory_space<vmem_shared>> -> memref<10000x128xf32, #tpu.memory_space<vmem_shared>>
          tpu.wait_indirect_dma semaphore(%arg42 : memref<!tpu.dma_semaphore, #tpu.memory_space<semaphore_mem>>) src(%arg12 : memref<40x128xf32, #tpu.memory_space<vmem>>) dst(%dma_wait3A_225 : memref<10000x128xf32, #tpu.memory_space<vmem_shared>>)
        } else {
        }
        %add3A_197 = arith.constant 2 : i32
        %add3A_198 = arith.addi %add3A_191, %add3A_197 : i32
        %lt3A_199 = arith.constant 500 : i32
        %lt3A_200 = arith.cmpi slt, %add3A_198, %lt3A_199 : i32
        %convert_element_type3A_201 = arith.extui %lt3A_200 : i1 to i32
        %cond3A_202 = arith.constant 0 : i32
        %cond3A_203 = arith.cmpi ne, %convert_element_type3A_201, %cond3A_202 : i32
        scf.if %cond3A_203 {
          %add3A_222 = arith.constant 2 : i32
          %add3A_223 = arith.addi %add3A_191, %add3A_222 : i32
          %mul3A_224 = arith.constant 40 : i32
          %mul3A_225 = arith.muli %add3A_223, %mul3A_224 : i32
          %add3A_226 = arith.addi %mul3A_2, %mul3A_225 : i32
          %dma_start3A_227 = tpu.memref_slice %arg4[%add3A_226] : memref<320000xi32, #tpu.memory_space<hbm>> -> memref<40xi32, #tpu.memory_space<hbm>>
          %dma_start3A_228 = tpu.memref_slice %arg4[%add3A_226] : memref<320000xi32, #tpu.memory_space<hbm>> -> memref<40xi32, #tpu.memory_space<hbm>>
          tpu.enqueue_dma source(%dma_start3A_228 : memref<40xi32, #tpu.memory_space<hbm>>) target(%arg17 : memref<40xi32, #tpu.memory_space<vmem>>) target_semaphore(%arg37 : memref<!tpu.dma_semaphore, #tpu.memory_space<semaphore_mem>>)
          %dma_start3A_229 = tpu.memref_slice %arg5[%add3A_226] : memref<320000xi32, #tpu.memory_space<hbm>> -> memref<40xi32, #tpu.memory_space<hbm>>
          %dma_start3A_230 = tpu.memref_slice %arg5[%add3A_226] : memref<320000xi32, #tpu.memory_space<hbm>> -> memref<40xi32, #tpu.memory_space<hbm>>
          tpu.enqueue_dma source(%dma_start3A_230 : memref<40xi32, #tpu.memory_space<hbm>>) target(%arg22 : memref<40xi32, #tpu.memory_space<vmem>>) target_semaphore(%arg37 : memref<!tpu.dma_semaphore, #tpu.memory_space<semaphore_mem>>)
          %dma_start3A_231 = tpu.memref_slice %arg6[%add3A_226] : memref<320000xf32, #tpu.memory_space<hbm>> -> memref<40xf32, #tpu.memory_space<hbm>>
          %dma_start3A_232 = tpu.memref_slice %arg6[%add3A_226] : memref<320000xf32, #tpu.memory_space<hbm>> -> memref<40xf32, #tpu.memory_space<hbm>>
          tpu.enqueue_dma source(%dma_start3A_232 : memref<40xf32, #tpu.memory_space<hbm>>) target(%arg27 : memref<40xf32, #tpu.memory_space<vmem>>) target_semaphore(%arg37 : memref<!tpu.dma_semaphore, #tpu.memory_space<semaphore_mem>>)
        } else {
        }
        %add3A_204 = arith.constant 1 : i32
        %add3A_205 = arith.addi %add3A_191, %add3A_204 : i32
        %lt3A_206 = arith.constant 500 : i32
        %lt3A_207 = arith.cmpi slt, %add3A_205, %lt3A_206 : i32
        %convert_element_type3A_208 = arith.extui %lt3A_207 : i1 to i32
        %cond3A_209 = arith.constant 0 : i32
        %cond3A_210 = arith.cmpi ne, %convert_element_type3A_208, %cond3A_209 : i32
        scf.if %cond3A_210 {
          %add3A_222 = arith.constant 1 : i32
          %add3A_223 = arith.addi %add3A_191, %add3A_222 : i32
          %mul3A_224 = arith.constant 40 : i32
          %mul3A_225 = arith.muli %add3A_223, %mul3A_224 : i32
          %add3A_226 = arith.addi %mul3A_2, %mul3A_225 : i32
          %dma_wait3A_227 = tpu.memref_slice %arg4[%add3A_226] : memref<320000xi32, #tpu.memory_space<hbm>> -> memref<40xi32, #tpu.memory_space<hbm>>
          %dma_wait3A_228 = tpu.memref_slice %arg4[%add3A_226] : memref<320000xi32, #tpu.memory_space<hbm>> -> memref<40xi32, #tpu.memory_space<hbm>>
          tpu.wait_dma2 semaphore(%arg36 : memref<!tpu.dma_semaphore, #tpu.memory_space<semaphore_mem>>) src(%dma_wait3A_228 : memref<40xi32, #tpu.memory_space<hbm>>) dst(%arg16 : memref<40xi32, #tpu.memory_space<vmem>>)
          %dma_wait3A_229 = tpu.memref_slice %arg5[%add3A_226] : memref<320000xi32, #tpu.memory_space<hbm>> -> memref<40xi32, #tpu.memory_space<hbm>>
          %dma_wait3A_230 = tpu.memref_slice %arg5[%add3A_226] : memref<320000xi32, #tpu.memory_space<hbm>> -> memref<40xi32, #tpu.memory_space<hbm>>
          tpu.wait_dma2 semaphore(%arg36 : memref<!tpu.dma_semaphore, #tpu.memory_space<semaphore_mem>>) src(%dma_wait3A_230 : memref<40xi32, #tpu.memory_space<hbm>>) dst(%arg21 : memref<40xi32, #tpu.memory_space<vmem>>)
          %dma_wait3A_231 = tpu.memref_slice %arg6[%add3A_226] : memref<320000xf32, #tpu.memory_space<hbm>> -> memref<40xf32, #tpu.memory_space<hbm>>
          %dma_wait3A_232 = tpu.memref_slice %arg6[%add3A_226] : memref<320000xf32, #tpu.memory_space<hbm>> -> memref<40xf32, #tpu.memory_space<hbm>>
          tpu.wait_dma2 semaphore(%arg36 : memref<!tpu.dma_semaphore, #tpu.memory_space<semaphore_mem>>) src(%dma_wait3A_232 : memref<40xf32, #tpu.memory_space<hbm>>) dst(%arg26 : memref<40xf32, #tpu.memory_space<vmem>>)
          %add3A_233 = arith.constant 1 : i32
          %add3A_234 = arith.addi %add3A_191, %add3A_233 : i32
          %dma_start3A_235 = arith.constant 0 : i32
          %dma_start3A_236 = arith.constant 0 : i32
          %dma_start3A_237 = tpu.memref_slice %arg3[%dma_start3A_235, %dma_start3A_236] : memref<10000x128xf32, #tpu.memory_space<hbm>> -> memref<10000x128xf32, #tpu.memory_space<hbm>>
          tpu.enqueue_indirect_dma source(%dma_start3A_237 : memref<10000x128xf32, #tpu.memory_space<hbm>>) target(%arg11 : memref<40x128xf32, #tpu.memory_space<vmem>>) offsets(%arg21 : memref<40xi32, #tpu.memory_space<vmem>>) semaphore(%arg31 : memref<!tpu.dma_semaphore, #tpu.memory_space<semaphore_mem>>)
        } else {
        }
        %dma_wait3A_211 = arith.constant 0 : i32
        %dma_wait3A_212 = arith.constant 0 : i32
        %dma_wait3A_213 = tpu.memref_slice %arg3[%dma_wait3A_211, %dma_wait3A_212] : memref<10000x128xf32, #tpu.memory_space<hbm>> -> memref<10000x128xf32, #tpu.memory_space<hbm>>
        tpu.wait_indirect_dma semaphore(%arg35 : memref<!tpu.dma_semaphore, #tpu.memory_space<semaphore_mem>>) src(%dma_wait3A_213 : memref<10000x128xf32, #tpu.memory_space<hbm>>) dst(%arg15 : memref<40x128xf32, #tpu.memory_space<vmem>>)
        %scan3A_214 = arith.constant 0 : i32
        %scan3A_215 = arith.constant 40 : i32
        %scan3A_216 = arith.addi %scan3A_214, %scan3A_215 : i32
        %scan3A_217 = arith.constant 2 : i32
        scf.for %scan3A_222 = %scan3A_214 to %scan3A_216 step %scan3A_217  : i32 {
          %mul3A_223 = arith.constant 1 : i32
          %mul3A_224 = arith.muli %scan3A_222, %mul3A_223 : i32
          %add3A_225 = arith.constant 0 : i32
          %add3A_226 = arith.addi %add3A_225, %mul3A_224 : i32
          %broadcast_in_dim3A = vector.broadcast %add3A_226 : i32 to vector<16xi32>
          %gather3A = tpu.vector_load_idx %arg30[%broadcast_in_dim3A] : memref<40xf32, #tpu.memory_space<vmem>>[vector<16xi32>], vector<16xf32>,
          %get3A = arith.index_cast %add3A_226 : i32 to index
          %get3A_227 = arith.constant 0 : index
          %get3A_228 = tpu.vector_load %arg15[%get3A, %get3A_227] {strides = array<i32>} : memref<40x128xf32, #tpu.memory_space<vmem>>, vector<16xf32>,
          %mul3A_229 = arith.mulf %get3A_228, %gather3A : vector<16xf32>
          %swap3A = arith.index_cast %add3A_226 : i32 to index
          %swap3A_230 = arith.constant 0 : index
          %swap3A_231 = tpu.vector_load %arg15[%swap3A, %swap3A_230] {strides = array<i32>} : memref<40x128xf32, #tpu.memory_space<vmem>>, vector<16xf32>,
          tpu.vector_store %arg15[%swap3A, %swap3A_230], %mul3A_229 {strides = array<i32>} : memref<40x128xf32, #tpu.memory_space<vmem>>, vector<16xf32>,
          %get3A_232 = arith.index_cast %add3A_226 : i32 to index
          %get3A_233 = arith.constant 16 : index
          %get3A_234 = tpu.vector_load %arg15[%get3A_232, %get3A_233] {strides = array<i32>} : memref<40x128xf32, #tpu.memory_space<vmem>>, vector<16xf32>,
          %mul3A_235 = arith.mulf %get3A_234, %gather3A : vector<16xf32>
          %swap3A_236 = arith.index_cast %add3A_226 : i32 to index
          %swap3A_237 = arith.constant 16 : index
          %swap3A_238 = tpu.vector_load %arg15[%swap3A_236, %swap3A_237] {strides = array<i32>} : memref<40x128xf32, #tpu.memory_space<vmem>>, vector<16xf32>,
          tpu.vector_store %arg15[%swap3A_236, %swap3A_237], %mul3A_235 {strides = array<i32>} : memref<40x128xf32, #tpu.memory_space<vmem>>, vector<16xf32>,
          %get3A_239 = arith.index_cast %add3A_226 : i32 to index
          %get3A_240 = arith.constant 32 : index
          %get3A_241 = tpu.vector_load %arg15[%get3A_239, %get3A_240] {strides = array<i32>} : memref<40x128xf32, #tpu.memory_space<vmem>>, vector<16xf32>,
          %mul3A_242 = arith.mulf %get3A_241, %gather3A : vector<16xf32>
          %swap3A_243 = arith.index_cast %add3A_226 : i32 to index
          %swap3A_244 = arith.constant 32 : index
          %swap3A_245 = tpu.vector_load %arg15[%swap3A_243, %swap3A_244] {strides = array<i32>} : memref<40x128xf32, #tpu.memory_space<vmem>>, vector<16xf32>,
          tpu.vector_store %arg15[%swap3A_243, %swap3A_244], %mul3A_242 {strides = array<i32>} : memref<40x128xf32, #tpu.memory_space<vmem>>, vector<16xf32>,
          %get3A_246 = arith.index_cast %add3A_226 : i32 to index
          %get3A_247 = arith.constant 48 : index
          %get3A_248 = tpu.vector_load %arg15[%get3A_246, %get3A_247] {strides = array<i32>} : memref<40x128xf32, #tpu.memory_space<vmem>>, vector<16xf32>,
          %mul3A_249 = arith.mulf %get3A_248, %gather3A : vector<16xf32>
          %swap3A_250 = arith.index_cast %add3A_226 : i32 to index
          %swap3A_251 = arith.constant 48 : index
          %swap3A_252 = tpu.vector_load %arg15[%swap3A_250, %swap3A_251] {strides = array<i32>} : memref<40x128xf32, #tpu.memory_space<vmem>>, vector<16xf32>,
          tpu.vector_store %arg15[%swap3A_250, %swap3A_251], %mul3A_249 {strides = array<i32>} : memref<40x128xf32, #tpu.memory_space<vmem>>, vector<16xf32>,
          %get3A_253 = arith.index_cast %add3A_226 : i32 to index
          %get3A_254 = arith.constant 64 : index
          %get3A_255 = tpu.vector_load %arg15[%get3A_253, %get3A_254] {strides = array<i32>} : memref<40x128xf32, #tpu.memory_space<vmem>>, vector<16xf32>,
          %mul3A_256 = arith.mulf %get3A_255, %gather3A : vector<16xf32>
          %swap3A_257 = arith.index_cast %add3A_226 : i32 to index
          %swap3A_258 = arith.constant 64 : index
          %swap3A_259 = tpu.vector_load %arg15[%swap3A_257, %swap3A_258] {strides = array<i32>} : memref<40x128xf32, #tpu.memory_space<vmem>>, vector<16xf32>,
          tpu.vector_store %arg15[%swap3A_257, %swap3A_258], %mul3A_256 {strides = array<i32>} : memref<40x128xf32, #tpu.memory_space<vmem>>, vector<16xf32>,
          %get3A_260 = arith.index_cast %add3A_226 : i32 to index
          %get3A_261 = arith.constant 80 : index
          %get3A_262 = tpu.vector_load %arg15[%get3A_260, %get3A_261] {strides = array<i32>} : memref<40x128xf32, #tpu.memory_space<vmem>>, vector<16xf32>,
          %mul3A_263 = arith.mulf %get3A_262, %gather3A : vector<16xf32>
          %swap3A_264 = arith.index_cast %add3A_226 : i32 to index
          %swap3A_265 = arith.constant 80 : index
          %swap3A_266 = tpu.vector_load %arg15[%swap3A_264, %swap3A_265] {strides = array<i32>} : memref<40x128xf32, #tpu.memory_space<vmem>>, vector<16xf32>,
          tpu.vector_store %arg15[%swap3A_264, %swap3A_265], %mul3A_263 {strides = array<i32>} : memref<40x128xf32, #tpu.memory_space<vmem>>, vector<16xf32>,
          %get3A_267 = arith.index_cast %add3A_226 : i32 to index
          %get3A_268 = arith.constant 96 : index
          %get3A_269 = tpu.vector_load %arg15[%get3A_267, %get3A_268] {strides = array<i32>} : memref<40x128xf32, #tpu.memory_space<vmem>>, vector<16xf32>,
          %mul3A_270 = arith.mulf %get3A_269, %gather3A : vector<16xf32>
          %swap3A_271 = arith.index_cast %add3A_226 : i32 to index
          %swap3A_272 = arith.constant 96 : index
          %swap3A_273 = tpu.vector_load %arg15[%swap3A_271, %swap3A_272] {strides = array<i32>} : memref<40x128xf32, #tpu.memory_space<vmem>>, vector<16xf32>,
          tpu.vector_store %arg15[%swap3A_271, %swap3A_272], %mul3A_270 {strides = array<i32>} : memref<40x128xf32, #tpu.memory_space<vmem>>, vector<16xf32>,
          %get3A_274 = arith.index_cast %add3A_226 : i32 to index
          %get3A_275 = arith.constant 112 : index
          %get3A_276 = tpu.vector_load %arg15[%get3A_274, %get3A_275] {strides = array<i32>} : memref<40x128xf32, #tpu.memory_space<vmem>>, vector<16xf32>,
          %mul3A_277 = arith.mulf %get3A_276, %gather3A : vector<16xf32>
          %swap3A_278 = arith.index_cast %add3A_226 : i32 to index
          %swap3A_279 = arith.constant 112 : index
          %swap3A_280 = tpu.vector_load %arg15[%swap3A_278, %swap3A_279] {strides = array<i32>} : memref<40x128xf32, #tpu.memory_space<vmem>>, vector<16xf32>,
          tpu.vector_store %arg15[%swap3A_278, %swap3A_279], %mul3A_277 {strides = array<i32>} : memref<40x128xf32, #tpu.memory_space<vmem>>, vector<16xf32>,
          %scan3A_281 = arith.constant 1 : i32
          %scan3A_282 = arith.addi %scan3A_222, %scan3A_281 : i32
          %mul3A_283 = arith.constant 1 : i32
          %mul3A_284 = arith.muli %scan3A_282, %mul3A_283 : i32
          %add3A_285 = arith.constant 0 : i32
          %add3A_286 = arith.addi %add3A_285, %mul3A_284 : i32
          %broadcast_in_dim3A_287 = vector.broadcast %add3A_286 : i32 to vector<16xi32>
          %gather3A_288 = tpu.vector_load_idx %arg30[%broadcast_in_dim3A_287] : memref<40xf32, #tpu.memory_space<vmem>>[vector<16xi32>], vector<16xf32>,
          %get3A_289 = arith.index_cast %add3A_286 : i32 to index
          %get3A_290 = arith.constant 0 : index
          %get3A_291 = tpu.vector_load %arg15[%get3A_289, %get3A_290] {strides = array<i32>} : memref<40x128xf32, #tpu.memory_space<vmem>>, vector<16xf32>,
          %mul3A_292 = arith.mulf %get3A_291, %gather3A_288 : vector<16xf32>
          %swap3A_293 = arith.index_cast %add3A_286 : i32 to index
          %swap3A_294 = arith.constant 0 : index
          %swap3A_295 = tpu.vector_load %arg15[%swap3A_293, %swap3A_294] {strides = array<i32>} : memref<40x128xf32, #tpu.memory_space<vmem>>, vector<16xf32>,
          tpu.vector_store %arg15[%swap3A_293, %swap3A_294], %mul3A_292 {strides = array<i32>} : memref<40x128xf32, #tpu.memory_space<vmem>>, vector<16xf32>,
          %get3A_296 = arith.index_cast %add3A_286 : i32 to index
          %get3A_297 = arith.constant 16 : index
          %get3A_298 = tpu.vector_load %arg15[%get3A_296, %get3A_297] {strides = array<i32>} : memref<40x128xf32, #tpu.memory_space<vmem>>, vector<16xf32>,
          %mul3A_299 = arith.mulf %get3A_298, %gather3A_288 : vector<16xf32>
          %swap3A_300 = arith.index_cast %add3A_286 : i32 to index
          %swap3A_301 = arith.constant 16 : index
          %swap3A_302 = tpu.vector_load %arg15[%swap3A_300, %swap3A_301] {strides = array<i32>} : memref<40x128xf32, #tpu.memory_space<vmem>>, vector<16xf32>,
          tpu.vector_store %arg15[%swap3A_300, %swap3A_301], %mul3A_299 {strides = array<i32>} : memref<40x128xf32, #tpu.memory_space<vmem>>, vector<16xf32>,
          %get3A_303 = arith.index_cast %add3A_286 : i32 to index
          %get3A_304 = arith.constant 32 : index
          %get3A_305 = tpu.vector_load %arg15[%get3A_303, %get3A_304] {strides = array<i32>} : memref<40x128xf32, #tpu.memory_space<vmem>>, vector<16xf32>,
          %mul3A_306 = arith.mulf %get3A_305, %gather3A_288 : vector<16xf32>
          %swap3A_307 = arith.index_cast %add3A_286 : i32 to index
          %swap3A_308 = arith.constant 32 : index
          %swap3A_309 = tpu.vector_load %arg15[%swap3A_307, %swap3A_308] {strides = array<i32>} : memref<40x128xf32, #tpu.memory_space<vmem>>, vector<16xf32>,
          tpu.vector_store %arg15[%swap3A_307, %swap3A_308], %mul3A_306 {strides = array<i32>} : memref<40x128xf32, #tpu.memory_space<vmem>>, vector<16xf32>,
          %get3A_310 = arith.index_cast %add3A_286 : i32 to index
          %get3A_311 = arith.constant 48 : index
          %get3A_312 = tpu.vector_load %arg15[%get3A_310, %get3A_311] {strides = array<i32>} : memref<40x128xf32, #tpu.memory_space<vmem>>, vector<16xf32>,
          %mul3A_313 = arith.mulf %get3A_312, %gather3A_288 : vector<16xf32>
          %swap3A_314 = arith.index_cast %add3A_286 : i32 to index
          %swap3A_315 = arith.constant 48 : index
          %swap3A_316 = tpu.vector_load %arg15[%swap3A_314, %swap3A_315] {strides = array<i32>} : memref<40x128xf32, #tpu.memory_space<vmem>>, vector<16xf32>,
          tpu.vector_store %arg15[%swap3A_314, %swap3A_315], %mul3A_313 {strides = array<i32>} : memref<40x128xf32, #tpu.memory_space<vmem>>, vector<16xf32>,
          %get3A_317 = arith.index_cast %add3A_286 : i32 to index
          %get3A_318 = arith.constant 64 : index
          %get3A_319 = tpu.vector_load %arg15[%get3A_317, %get3A_318] {strides = array<i32>} : memref<40x128xf32, #tpu.memory_space<vmem>>, vector<16xf32>,
          %mul3A_320 = arith.mulf %get3A_319, %gather3A_288 : vector<16xf32>
          %swap3A_321 = arith.index_cast %add3A_286 : i32 to index
          %swap3A_322 = arith.constant 64 : index
          %swap3A_323 = tpu.vector_load %arg15[%swap3A_321, %swap3A_322] {strides = array<i32>} : memref<40x128xf32, #tpu.memory_space<vmem>>, vector<16xf32>,
          tpu.vector_store %arg15[%swap3A_321, %swap3A_322], %mul3A_320 {strides = array<i32>} : memref<40x128xf32, #tpu.memory_space<vmem>>, vector<16xf32>,
          %get3A_324 = arith.index_cast %add3A_286 : i32 to index
          %get3A_325 = arith.constant 80 : index
          %get3A_326 = tpu.vector_load %arg15[%get3A_324, %get3A_325] {strides = array<i32>} : memref<40x128xf32, #tpu.memory_space<vmem>>, vector<16xf32>,
          %mul3A_327 = arith.mulf %get3A_326, %gather3A_288 : vector<16xf32>
          %swap3A_328 = arith.index_cast %add3A_286 : i32 to index
          %swap3A_329 = arith.constant 80 : index
          %swap3A_330 = tpu.vector_load %arg15[%swap3A_328, %swap3A_329] {strides = array<i32>} : memref<40x128xf32, #tpu.memory_space<vmem>>, vector<16xf32>,
          tpu.vector_store %arg15[%swap3A_328, %swap3A_329], %mul3A_327 {strides = array<i32>} : memref<40x128xf32, #tpu.memory_space<vmem>>, vector<16xf32>,
          %get3A_331 = arith.index_cast %add3A_286 : i32 to index
          %get3A_332 = arith.constant 96 : index
          %get3A_333 = tpu.vector_load %arg15[%get3A_331, %get3A_332] {strides = array<i32>} : memref<40x128xf32, #tpu.memory_space<vmem>>, vector<16xf32>,
          %mul3A_334 = arith.mulf %get3A_333, %gather3A_288 : vector<16xf32>
          %swap3A_335 = arith.index_cast %add3A_286 : i32 to index
          %swap3A_336 = arith.constant 96 : index
          %swap3A_337 = tpu.vector_load %arg15[%swap3A_335, %swap3A_336] {strides = array<i32>} : memref<40x128xf32, #tpu.memory_space<vmem>>, vector<16xf32>,
          tpu.vector_store %arg15[%swap3A_335, %swap3A_336], %mul3A_334 {strides = array<i32>} : memref<40x128xf32, #tpu.memory_space<vmem>>, vector<16xf32>,
          %get3A_338 = arith.index_cast %add3A_286 : i32 to index
          %get3A_339 = arith.constant 112 : index
          %get3A_340 = tpu.vector_load %arg15[%get3A_338, %get3A_339] {strides = array<i32>} : memref<40x128xf32, #tpu.memory_space<vmem>>, vector<16xf32>,
          %mul3A_341 = arith.mulf %get3A_340, %gather3A_288 : vector<16xf32>
          %swap3A_342 = arith.index_cast %add3A_286 : i32 to index
          %swap3A_343 = arith.constant 112 : index
          %swap3A_344 = tpu.vector_load %arg15[%swap3A_342, %swap3A_343] {strides = array<i32>} : memref<40x128xf32, #tpu.memory_space<vmem>>, vector<16xf32>,
          tpu.vector_store %arg15[%swap3A_342, %swap3A_343], %mul3A_341 {strides = array<i32>} : memref<40x128xf32, #tpu.memory_space<vmem>>, vector<16xf32>,
        }
        %scan3A_218 = arith.constant 40 : i32
        %dma_start3A_219 = arith.constant 0 : i32
        %dma_start3A_220 = arith.constant 0 : i32
        %dma_start3A_221 = tpu.memref_slice %arg10[%dma_start3A_219, %dma_start3A_220] : memref<10000x128xf32, #tpu.memory_space<vmem_shared>> -> memref<10000x128xf32, #tpu.memory_space<vmem_shared>>
        tpu.enqueue_indirect_dma source(%arg15 : memref<40x128xf32, #tpu.memory_space<vmem>>) target(%dma_start3A_221 : memref<10000x128xf32, #tpu.memory_space<vmem_shared>>) offsets(%arg20 : memref<40xi32, #tpu.memory_space<vmem>>) semaphore(%arg45 : memref<!tpu.dma_semaphore, #tpu.memory_space<semaphore_mem>>) {add = true}
      }
      %scan3A_43 = arith.constant 100 : i32
      %dma_wait3A_44 = arith.constant 0 : i32
      %dma_wait3A_45 = arith.constant 0 : i32
      %dma_wait3A_46 = tpu.memref_slice %arg10[%dma_wait3A_44, %dma_wait3A_45] : memref<10000x128xf32, #tpu.memory_space<vmem_shared>> -> memref<10000x128xf32, #tpu.memory_space<vmem_shared>>
      tpu.wait_indirect_dma semaphore(%arg43 : memref<!tpu.dma_semaphore, #tpu.memory_space<semaphore_mem>>) src(%arg13 : memref<40x128xf32, #tpu.memory_space<vmem>>) dst(%dma_wait3A_46 : memref<10000x128xf32, #tpu.memory_space<vmem_shared>>)
      %dma_wait3A_47 = arith.constant 0 : i32
      %dma_wait3A_48 = arith.constant 0 : i32
      %dma_wait3A_49 = tpu.memref_slice %arg10[%dma_wait3A_47, %dma_wait3A_48] : memref<10000x128xf32, #tpu.memory_space<vmem_shared>> -> memref<10000x128xf32, #tpu.memory_space<vmem_shared>>
      tpu.wait_indirect_dma semaphore(%arg44 : memref<!tpu.dma_semaphore, #tpu.memory_space<semaphore_mem>>) src(%arg14 : memref<40x128xf32, #tpu.memory_space<vmem>>) dst(%dma_wait3A_49 : memref<10000x128xf32, #tpu.memory_space<vmem_shared>>)
      %dma_wait3A_50 = arith.constant 0 : i32
      %dma_wait3A_51 = arith.constant 0 : i32
      %dma_wait3A_52 = tpu.memref_slice %arg10[%dma_wait3A_50, %dma_wait3A_51] : memref<10000x128xf32, #tpu.memory_space<vmem_shared>> -> memref<10000x128xf32, #tpu.memory_space<vmem_shared>>
      tpu.wait_indirect_dma semaphore(%arg45 : memref<!tpu.dma_semaphore, #tpu.memory_space<semaphore_mem>>) src(%arg15 : memref<40x128xf32, #tpu.memory_space<vmem>>) dst(%dma_wait3A_52 : memref<10000x128xf32, #tpu.memory_space<vmem_shared>>)
      %barrier3A_53 = arith.constant 0 : index
      tpu.barrier barrier_id(%barrier3A_53)
      %eq3A_54 = arith.constant 0 : i32
      %eq3A_55 = arith.cmpi eq, %arg1, %eq3A_54 : i32
      %convert_element_type3A_56 = arith.extui %eq3A_55 : i1 to i32
      %cond3A_57 = arith.constant 0 : i32
      %cond3A_58 = arith.cmpi ne, %convert_element_type3A_56, %cond3A_57 : i32
      scf.if %cond3A_58 {
        "tpu.region"() ({
          %run_scoped3A = tpu.sem_alloc : memref<!tpu.dma_semaphore, #tpu.memory_space<semaphore_mem>>
          tpu.enqueue_dma source(%arg10 : memref<10000x128xf32, #tpu.memory_space<vmem_shared>>) target(%arg9 : memref<10000x128xf32, #tpu.memory_space<hbm>>) target_semaphore(%run_scoped3A : memref<!tpu.dma_semaphore, #tpu.memory_space<semaphore_mem>>)
          tpu.wait_dma2 semaphore(%run_scoped3A : memref<!tpu.dma_semaphore, #tpu.memory_space<semaphore_mem>>) src(%arg10 : memref<10000x128xf32, #tpu.memory_space<vmem_shared>>) dst(%arg9 : memref<10000x128xf32, #tpu.memory_space<hbm>>)
          tpu.yield
        }) : () -> ()
      } else {
      }
    } else {
    }
    return
  }
}

module attributes {stable_mosaic.version = 14 : i64} {
  func.func @body(%arg0: i32, %arg1: memref<1000x128xf32, #tpu.memory_space<vmem>>, %arg2: memref<128x256xf32, #tpu.memory_space<vmem>>, %arg3: memref<1000x128xf32, #tpu.memory_space<vmem>>, %arg4: memref<128x256xf32, #tpu.memory_space<vmem>>, %arg5: memref<1x256xf32, #tpu.memory_space<vmem>>, %arg6: memref<1000x128xf32, #tpu.memory_space<vmem>>, %arg7: memref<1000x128xf32, #tpu.memory_space<vmem>>) attributes {dimension_semantics = [#tpu.dimension_semantics<arbitrary>], iteration_bounds = array<i64: 10>, scalar_prefetch = 0 : i64, scratch_operands = 0 : i64, tpu.core_type = #tpu.core_type<tc>, window_params = [{transform_indices = @transform_0, window_bounds = array<i64: 1000, 128>}, {pipeline_mode = #tpu.pipeline_mode<synchronous>, transform_indices = @transform_1, window_bounds = array<i64: 128, 256>}, {transform_indices = @transform_2, window_bounds = array<i64: 1000, 128>}, {pipeline_mode = #tpu.pipeline_mode<synchronous>, transform_indices = @transform_3, window_bounds = array<i64: 128, 256>}, {pipeline_mode = #tpu.pipeline_mode<synchronous>, transform_indices = @transform_4, window_bounds = array<i64: 1, 256>}, {transform_indices = @transform_5, window_bounds = array<i64: 1000, 128>}, {transform_indices = @transform_6, window_bounds = array<i64: 1000, 128>}]} {
    %get3A = arith.constant 0 : index
    %get3A_0 = arith.constant 0 : index
    %get3A_1 = vector.load %arg1[%get3A, %get3A_0] : memref<1000x128xf32, #tpu.memory_space<vmem>>, vector<1000x128xf32>
    %get3A_2 = arith.constant 0 : index
    %get3A_3 = arith.constant 0 : index
    %get3A_4 = vector.load %arg2[%get3A_2, %get3A_3] : memref<128x256xf32, #tpu.memory_space<vmem>>, vector<128x256xf32>
    %dot_general3A = arith.constant dense<0.000000e+00> : vector<1000x256xf32>
    %dot_general3A_5 = tpu.matmul %get3A_1, %get3A_4, %dot_general3A {dimension_numbers = #tpu.dot_dimension_numbers<[1], [0], [0], [1], [0, 0, 1, 1], [], []>, transpose_lhs_hint = false} : vector<1000x128xf32>, vector<128x256xf32>, vector<1000x256xf32> -> vector<1000x256xf32>
    %get3A_6 = arith.constant 0 : index
    %get3A_7 = arith.constant 0 : index
    %get3A_8 = vector.load %arg3[%get3A_6, %get3A_7] : memref<1000x128xf32, #tpu.memory_space<vmem>>, vector<1000x128xf32>
    %get3A_9 = arith.constant 0 : index
    %get3A_10 = arith.constant 0 : index
    %get3A_11 = vector.load %arg4[%get3A_9, %get3A_10] : memref<128x256xf32, #tpu.memory_space<vmem>>, vector<128x256xf32>
    %dot_general3A_12 = arith.constant dense<0.000000e+00> : vector<1000x256xf32>
    %dot_general3A_13 = tpu.matmul %get3A_8, %get3A_11, %dot_general3A_12 {dimension_numbers = #tpu.dot_dimension_numbers<[1], [0], [0], [1], [0, 0, 1, 1], [], []>, transpose_lhs_hint = false} : vector<1000x128xf32>, vector<128x256xf32>, vector<1000x256xf32> -> vector<1000x256xf32>
    %add3A = arith.addf %dot_general3A_5, %dot_general3A_13 : vector<1000x256xf32>
    %get3A_14 = arith.constant 0 : index
    %get3A_15 = arith.constant 0 : index
    %get3A_16 = vector.load %arg5[%get3A_14, %get3A_15] : memref<1x256xf32, #tpu.memory_space<vmem>>, vector<1x256xf32>
    %add3A_17 = vector.broadcast %get3A_16 : vector<1x256xf32> to vector<1000x256xf32>
    %add3A_18 = arith.addf %add3A, %add3A_17 : vector<1000x256xf32>
    %max3A = arith.constant 0.000000e+00 : f32
    %max3A_19 = vector.broadcast %max3A : f32 to vector<1000x256xf32>
    %max3A_20 = arith.maximumf %add3A_18, %max3A_19 : vector<1000x256xf32>
    %slice3A = vector.extract_strided_slice %max3A_20 {offsets = [0, 0], sizes = [1000, 128], strides = [1, 1]} : vector<1000x256xf32> to vector<1000x128xf32>
    %swap3A = arith.constant 0 : index
    %swap3A_21 = arith.constant 0 : index
    %swap3A_22 = vector.load %arg6[%swap3A, %swap3A_21] : memref<1000x128xf32, #tpu.memory_space<vmem>>, vector<1000x128xf32>
    tpu.vector_store %arg6[%swap3A, %swap3A_21], %slice3A {strides = array<i32>} : memref<1000x128xf32, #tpu.memory_space<vmem>>, vector<1000x128xf32>,
    %slice3A_23 = vector.extract_strided_slice %max3A_20 {offsets = [0, 128], sizes = [1000, 128], strides = [1, 1]} : vector<1000x256xf32> to vector<1000x128xf32>
    %swap3A_24 = arith.constant 0 : index
    %swap3A_25 = arith.constant 0 : index
    %swap3A_26 = vector.load %arg7[%swap3A_24, %swap3A_25] : memref<1000x128xf32, #tpu.memory_space<vmem>>, vector<1000x128xf32>
    tpu.vector_store %arg7[%swap3A_24, %swap3A_25], %slice3A_23 {strides = array<i32>} : memref<1000x128xf32, #tpu.memory_space<vmem>>, vector<1000x128xf32>,
    return
  }
  func.func @transform_0(%arg0: i32) -> (i32, i32) {
    %c0_i32 = arith.constant 0 : i32
    %c0_i32_0 = arith.constant 0 : i32
    return %arg0, %c0_i32 : i32, i32
  }
  func.func @transform_1(%arg0: i32) -> (i32, i32) {
    %c0_i32 = arith.constant 0 : i32
    %c0_i32_0 = arith.constant 0 : i32
    %c0_i32_1 = arith.constant 0 : i32
    return %c0_i32, %c0_i32_0 : i32, i32
  }
  func.func @transform_2(%arg0: i32) -> (i32, i32) {
    %c0_i32 = arith.constant 0 : i32
    %c0_i32_0 = arith.constant 0 : i32
    return %arg0, %c0_i32 : i32, i32
  }
  func.func @transform_3(%arg0: i32) -> (i32, i32) {
    %c0_i32 = arith.constant 0 : i32
    %c0_i32_0 = arith.constant 0 : i32
    %c0_i32_1 = arith.constant 0 : i32
    return %c0_i32, %c0_i32_0 : i32, i32
  }
  func.func @transform_4(%arg0: i32) -> (i32, i32) {
    %c0_i32 = arith.constant 0 : i32
    %c0_i32_0 = arith.constant 0 : i32
    %c0_i32_1 = arith.constant 0 : i32
    return %c0_i32, %c0_i32_0 : i32, i32
  }
  func.func @transform_5(%arg0: i32) -> (i32, i32) {
    %c0_i32 = arith.constant 0 : i32
    %c0_i32_0 = arith.constant 0 : i32
    return %arg0, %c0_i32 : i32, i32
  }
  func.func @transform_6(%arg0: i32) -> (i32, i32) {
    %c0_i32 = arith.constant 0 : i32
    %c0_i32_0 = arith.constant 0 : i32
    return %arg0, %c0_i32 : i32, i32
  }
}

module attributes {stable_mosaic.version = 14 : i64} {
  func.func @body(%arg0: i32, %arg1: memref<1000x128xf32, #tpu.memory_space<vmem>>, %arg2: memref<128x256xf32, #tpu.memory_space<vmem>>, %arg3: memref<1000x128xf32, #tpu.memory_space<vmem>>, %arg4: memref<128x256xf32, #tpu.memory_space<vmem>>, %arg5: memref<1x256xf32, #tpu.memory_space<vmem>>, %arg6: memref<1000x256xf32, #tpu.memory_space<vmem>>) attributes {dimension_semantics = [#tpu.dimension_semantics<arbitrary>], iteration_bounds = array<i64: 10>, scalar_prefetch = 0 : i64, scratch_operands = 0 : i64, tpu.core_type = #tpu.core_type<tc>, window_params = [{transform_indices = @transform_0, window_bounds = array<i64: 1000, 128>}, {pipeline_mode = #tpu.pipeline_mode<synchronous>, transform_indices = @transform_1, window_bounds = array<i64: 128, 256>}, {transform_indices = @transform_2, window_bounds = array<i64: 1000, 128>}, {pipeline_mode = #tpu.pipeline_mode<synchronous>, transform_indices = @transform_3, window_bounds = array<i64: 128, 256>}, {pipeline_mode = #tpu.pipeline_mode<synchronous>, transform_indices = @transform_4, window_bounds = array<i64: 1, 256>}, {transform_indices = @transform_5, window_bounds = array<i64: 1000, 256>}]} {
    %get3A = arith.constant 0 : index
    %get3A_0 = arith.constant 0 : index
    %get3A_1 = vector.load %arg1[%get3A, %get3A_0] : memref<1000x128xf32, #tpu.memory_space<vmem>>, vector<1000x128xf32>
    %get3A_2 = arith.constant 0 : index
    %get3A_3 = arith.constant 0 : index
    %get3A_4 = vector.load %arg2[%get3A_2, %get3A_3] : memref<128x256xf32, #tpu.memory_space<vmem>>, vector<128x256xf32>
    %dot_general3A = arith.constant dense<0.000000e+00> : vector<1000x256xf32>
    %dot_general3A_5 = tpu.matmul %get3A_1, %get3A_4, %dot_general3A {dimension_numbers = #tpu.dot_dimension_numbers<[1], [0], [0], [1], [0, 0, 1, 1], [], []>, transpose_lhs_hint = false} : vector<1000x128xf32>, vector<128x256xf32>, vector<1000x256xf32> -> vector<1000x256xf32>
    %get3A_6 = arith.constant 0 : index
    %get3A_7 = arith.constant 0 : index
    %get3A_8 = vector.load %arg3[%get3A_6, %get3A_7] : memref<1000x128xf32, #tpu.memory_space<vmem>>, vector<1000x128xf32>
    %get3A_9 = arith.constant 0 : index
    %get3A_10 = arith.constant 0 : index
    %get3A_11 = vector.load %arg4[%get3A_9, %get3A_10] : memref<128x256xf32, #tpu.memory_space<vmem>>, vector<128x256xf32>
    %dot_general3A_12 = arith.constant dense<0.000000e+00> : vector<1000x256xf32>
    %dot_general3A_13 = tpu.matmul %get3A_8, %get3A_11, %dot_general3A_12 {dimension_numbers = #tpu.dot_dimension_numbers<[1], [0], [0], [1], [0, 0, 1, 1], [], []>, transpose_lhs_hint = false} : vector<1000x128xf32>, vector<128x256xf32>, vector<1000x256xf32> -> vector<1000x256xf32>
    %add3A = arith.addf %dot_general3A_5, %dot_general3A_13 : vector<1000x256xf32>
    %get3A_14 = arith.constant 0 : index
    %get3A_15 = arith.constant 0 : index
    %get3A_16 = vector.load %arg5[%get3A_14, %get3A_15] : memref<1x256xf32, #tpu.memory_space<vmem>>, vector<1x256xf32>
    %add3A_17 = vector.broadcast %get3A_16 : vector<1x256xf32> to vector<1000x256xf32>
    %add3A_18 = arith.addf %add3A, %add3A_17 : vector<1000x256xf32>
    %swap3A = arith.constant 0 : index
    %swap3A_19 = arith.constant 0 : index
    %swap3A_20 = vector.load %arg6[%swap3A, %swap3A_19] : memref<1000x256xf32, #tpu.memory_space<vmem>>, vector<1000x256xf32>
    tpu.vector_store %arg6[%swap3A, %swap3A_19], %add3A_18 {strides = array<i32>} : memref<1000x256xf32, #tpu.memory_space<vmem>>, vector<1000x256xf32>,
    return
  }
  func.func @transform_0(%arg0: i32) -> (i32, i32) {
    %c0_i32 = arith.constant 0 : i32
    %c0_i32_0 = arith.constant 0 : i32
    return %arg0, %c0_i32 : i32, i32
  }
  func.func @transform_1(%arg0: i32) -> (i32, i32) {
    %c0_i32 = arith.constant 0 : i32
    %c0_i32_0 = arith.constant 0 : i32
    %c0_i32_1 = arith.constant 0 : i32
    return %c0_i32, %c0_i32_0 : i32, i32
  }
  func.func @transform_2(%arg0: i32) -> (i32, i32) {
    %c0_i32 = arith.constant 0 : i32
    %c0_i32_0 = arith.constant 0 : i32
    return %arg0, %c0_i32 : i32, i32
  }
  func.func @transform_3(%arg0: i32) -> (i32, i32) {
    %c0_i32 = arith.constant 0 : i32
    %c0_i32_0 = arith.constant 0 : i32
    %c0_i32_1 = arith.constant 0 : i32
    return %c0_i32, %c0_i32_0 : i32, i32
  }
  func.func @transform_4(%arg0: i32) -> (i32, i32) {
    %c0_i32 = arith.constant 0 : i32
    %c0_i32_0 = arith.constant 0 : i32
    %c0_i32_1 = arith.constant 0 : i32
    return %c0_i32, %c0_i32_0 : i32, i32
  }
  func.func @transform_5(%arg0: i32) -> (i32, i32) {
    %c0_i32 = arith.constant 0 : i32
    %c0_i32_0 = arith.constant 0 : i32
    return %arg0, %c0_i32 : i32, i32
  }
}

module attributes {stable_mosaic.version = 14 : i64} {
  func.func @body(%arg0: i32, %arg1: memref<1000x128xf32, #tpu.memory_space<vmem>>, %arg2: memref<128x256xf32, #tpu.memory_space<vmem>>, %arg3: memref<1000x128xf32, #tpu.memory_space<vmem>>, %arg4: memref<128x256xf32, #tpu.memory_space<vmem>>, %arg5: memref<1000x256xf32, #tpu.memory_space<vmem>>, %arg6: memref<1000x128xf32, #tpu.memory_space<vmem>>, %arg7: memref<1000x128xf32, #tpu.memory_space<vmem>>) attributes {dimension_semantics = [#tpu.dimension_semantics<arbitrary>], iteration_bounds = array<i64: 10>, scalar_prefetch = 0 : i64, scratch_operands = 0 : i64, tpu.core_type = #tpu.core_type<tc>, window_params = [{transform_indices = @transform_0, window_bounds = array<i64: 1000, 128>}, {pipeline_mode = #tpu.pipeline_mode<synchronous>, transform_indices = @transform_1, window_bounds = array<i64: 128, 256>}, {transform_indices = @transform_2, window_bounds = array<i64: 1000, 128>}, {pipeline_mode = #tpu.pipeline_mode<synchronous>, transform_indices = @transform_3, window_bounds = array<i64: 128, 256>}, {transform_indices = @transform_4, window_bounds = array<i64: 1000, 256>}, {transform_indices = @transform_5, window_bounds = array<i64: 1000, 128>}, {transform_indices = @transform_6, window_bounds = array<i64: 1000, 128>}]} {
    %get3A = arith.constant 0 : index
    %get3A_0 = arith.constant 0 : index
    %get3A_1 = vector.load %arg1[%get3A, %get3A_0] : memref<1000x128xf32, #tpu.memory_space<vmem>>, vector<1000x128xf32>
    %get3A_2 = arith.constant 0 : index
    %get3A_3 = arith.constant 0 : index
    %get3A_4 = vector.load %arg2[%get3A_2, %get3A_3] : memref<128x256xf32, #tpu.memory_space<vmem>>, vector<128x256xf32>
    %dot_general3A = arith.constant dense<0.000000e+00> : vector<1000x256xf32>
    %dot_general3A_5 = tpu.matmul %get3A_1, %get3A_4, %dot_general3A {dimension_numbers = #tpu.dot_dimension_numbers<[1], [0], [0], [1], [0, 0, 1, 1], [], []>, transpose_lhs_hint = false} : vector<1000x128xf32>, vector<128x256xf32>, vector<1000x256xf32> -> vector<1000x256xf32>
    %get3A_6 = arith.constant 0 : index
    %get3A_7 = arith.constant 0 : index
    %get3A_8 = vector.load %arg3[%get3A_6, %get3A_7] : memref<1000x128xf32, #tpu.memory_space<vmem>>, vector<1000x128xf32>
    %get3A_9 = arith.constant 0 : index
    %get3A_10 = arith.constant 0 : index
    %get3A_11 = vector.load %arg4[%get3A_9, %get3A_10] : memref<128x256xf32, #tpu.memory_space<vmem>>, vector<128x256xf32>
    %dot_general3A_12 = arith.constant dense<0.000000e+00> : vector<1000x256xf32>
    %dot_general3A_13 = tpu.matmul %get3A_8, %get3A_11, %dot_general3A_12 {dimension_numbers = #tpu.dot_dimension_numbers<[1], [0], [0], [1], [0, 0, 1, 1], [], []>, transpose_lhs_hint = false} : vector<1000x128xf32>, vector<128x256xf32>, vector<1000x256xf32> -> vector<1000x256xf32>
    %add3A = arith.addf %dot_general3A_5, %dot_general3A_13 : vector<1000x256xf32>
    %get3A_14 = arith.constant 0 : index
    %get3A_15 = arith.constant 0 : index
    %get3A_16 = vector.load %arg5[%get3A_14, %get3A_15] : memref<1000x256xf32, #tpu.memory_space<vmem>>, vector<1000x256xf32>
    %add3A_17 = arith.addf %add3A, %get3A_16 : vector<1000x256xf32>
    %max3A = arith.constant 0.000000e+00 : f32
    %max3A_18 = vector.broadcast %max3A : f32 to vector<1000x256xf32>
    %max3A_19 = arith.maximumf %add3A_17, %max3A_18 : vector<1000x256xf32>
    %slice3A = vector.extract_strided_slice %max3A_19 {offsets = [0, 0], sizes = [1000, 128], strides = [1, 1]} : vector<1000x256xf32> to vector<1000x128xf32>
    %swap3A = arith.constant 0 : index
    %swap3A_20 = arith.constant 0 : index
    %swap3A_21 = vector.load %arg6[%swap3A, %swap3A_20] : memref<1000x128xf32, #tpu.memory_space<vmem>>, vector<1000x128xf32>
    tpu.vector_store %arg6[%swap3A, %swap3A_20], %slice3A {strides = array<i32>} : memref<1000x128xf32, #tpu.memory_space<vmem>>, vector<1000x128xf32>,
    %slice3A_22 = vector.extract_strided_slice %max3A_19 {offsets = [0, 128], sizes = [1000, 128], strides = [1, 1]} : vector<1000x256xf32> to vector<1000x128xf32>
    %swap3A_23 = arith.constant 0 : index
    %swap3A_24 = arith.constant 0 : index
    %swap3A_25 = vector.load %arg7[%swap3A_23, %swap3A_24] : memref<1000x128xf32, #tpu.memory_space<vmem>>, vector<1000x128xf32>
    tpu.vector_store %arg7[%swap3A_23, %swap3A_24], %slice3A_22 {strides = array<i32>} : memref<1000x128xf32, #tpu.memory_space<vmem>>, vector<1000x128xf32>,
    return
  }
  func.func @transform_0(%arg0: i32) -> (i32, i32) {
    %c0_i32 = arith.constant 0 : i32
    %c0_i32_0 = arith.constant 0 : i32
    return %arg0, %c0_i32 : i32, i32
  }
  func.func @transform_1(%arg0: i32) -> (i32, i32) {
    %c0_i32 = arith.constant 0 : i32
    %c0_i32_0 = arith.constant 0 : i32
    %c0_i32_1 = arith.constant 0 : i32
    return %c0_i32, %c0_i32_0 : i32, i32
  }
  func.func @transform_2(%arg0: i32) -> (i32, i32) {
    %c0_i32 = arith.constant 0 : i32
    %c0_i32_0 = arith.constant 0 : i32
    return %arg0, %c0_i32 : i32, i32
  }
  func.func @transform_3(%arg0: i32) -> (i32, i32) {
    %c0_i32 = arith.constant 0 : i32
    %c0_i32_0 = arith.constant 0 : i32
    %c0_i32_1 = arith.constant 0 : i32
    return %c0_i32, %c0_i32_0 : i32, i32
  }
  func.func @transform_4(%arg0: i32) -> (i32, i32) {
    %c0_i32 = arith.constant 0 : i32
    %c0_i32_0 = arith.constant 0 : i32
    return %arg0, %c0_i32 : i32, i32
  }
  func.func @transform_5(%arg0: i32) -> (i32, i32) {
    %c0_i32 = arith.constant 0 : i32
    %c0_i32_0 = arith.constant 0 : i32
    return %arg0, %c0_i32 : i32, i32
  }
  func.func @transform_6(%arg0: i32) -> (i32, i32) {
    %c0_i32 = arith.constant 0 : i32
    %c0_i32_0 = arith.constant 0 : i32
    return %arg0, %c0_i32 : i32, i32
  }
}

module attributes {stable_mosaic.version = 14 : i64} {
  func.func @body(%arg0: i32, %arg1: memref<1000x128xf32, #tpu.memory_space<vmem>>, %arg2: memref<128x512xf32, #tpu.memory_space<vmem>>, %arg3: memref<1000x128xf32, #tpu.memory_space<vmem>>, %arg4: memref<128x512xf32, #tpu.memory_space<vmem>>, %arg5: memref<1x512xf32, #tpu.memory_space<vmem>>, %arg6: memref<1000x256xf32, #tpu.memory_space<vmem>>, %arg7: memref<1000x256xf32, #tpu.memory_space<vmem>>) attributes {dimension_semantics = [#tpu.dimension_semantics<arbitrary>], iteration_bounds = array<i64: 10>, scalar_prefetch = 0 : i64, scratch_operands = 0 : i64, tpu.core_type = #tpu.core_type<tc>, window_params = [{transform_indices = @transform_0, window_bounds = array<i64: 1000, 128>}, {pipeline_mode = #tpu.pipeline_mode<synchronous>, transform_indices = @transform_1, window_bounds = array<i64: 128, 512>}, {transform_indices = @transform_2, window_bounds = array<i64: 1000, 128>}, {pipeline_mode = #tpu.pipeline_mode<synchronous>, transform_indices = @transform_3, window_bounds = array<i64: 128, 512>}, {pipeline_mode = #tpu.pipeline_mode<synchronous>, transform_indices = @transform_4, window_bounds = array<i64: 1, 512>}, {transform_indices = @transform_5, window_bounds = array<i64: 1000, 256>}, {transform_indices = @transform_6, window_bounds = array<i64: 1000, 256>}]} {
    %get3A = arith.constant 0 : index
    %get3A_0 = arith.constant 0 : index
    %get3A_1 = vector.load %arg1[%get3A, %get3A_0] : memref<1000x128xf32, #tpu.memory_space<vmem>>, vector<1000x128xf32>
    %get3A_2 = arith.constant 0 : index
    %get3A_3 = arith.constant 0 : index
    %get3A_4 = vector.load %arg2[%get3A_2, %get3A_3] : memref<128x512xf32, #tpu.memory_space<vmem>>, vector<128x512xf32>
    %dot_general3A = arith.constant dense<0.000000e+00> : vector<1000x512xf32>
    %dot_general3A_5 = tpu.matmul %get3A_1, %get3A_4, %dot_general3A {dimension_numbers = #tpu.dot_dimension_numbers<[1], [0], [0], [1], [0, 0, 1, 1], [], []>, transpose_lhs_hint = false} : vector<1000x128xf32>, vector<128x512xf32>, vector<1000x512xf32> -> vector<1000x512xf32>
    %get3A_6 = arith.constant 0 : index
    %get3A_7 = arith.constant 0 : index
    %get3A_8 = vector.load %arg3[%get3A_6, %get3A_7] : memref<1000x128xf32, #tpu.memory_space<vmem>>, vector<1000x128xf32>
    %get3A_9 = arith.constant 0 : index
    %get3A_10 = arith.constant 0 : index
    %get3A_11 = vector.load %arg4[%get3A_9, %get3A_10] : memref<128x512xf32, #tpu.memory_space<vmem>>, vector<128x512xf32>
    %dot_general3A_12 = arith.constant dense<0.000000e+00> : vector<1000x512xf32>
    %dot_general3A_13 = tpu.matmul %get3A_8, %get3A_11, %dot_general3A_12 {dimension_numbers = #tpu.dot_dimension_numbers<[1], [0], [0], [1], [0, 0, 1, 1], [], []>, transpose_lhs_hint = false} : vector<1000x128xf32>, vector<128x512xf32>, vector<1000x512xf32> -> vector<1000x512xf32>
    %add3A = arith.addf %dot_general3A_5, %dot_general3A_13 : vector<1000x512xf32>
    %get3A_14 = arith.constant 0 : index
    %get3A_15 = arith.constant 0 : index
    %get3A_16 = vector.load %arg5[%get3A_14, %get3A_15] : memref<1x512xf32, #tpu.memory_space<vmem>>, vector<1x512xf32>
    %add3A_17 = vector.broadcast %get3A_16 : vector<1x512xf32> to vector<1000x512xf32>
    %add3A_18 = arith.addf %add3A, %add3A_17 : vector<1000x512xf32>
    %slice3A = vector.extract_strided_slice %add3A_18 {offsets = [0, 0], sizes = [1000, 256], strides = [1, 1]} : vector<1000x512xf32> to vector<1000x256xf32>
    %swap3A = arith.constant 0 : index
    %swap3A_19 = arith.constant 0 : index
    %swap3A_20 = vector.load %arg6[%swap3A, %swap3A_19] : memref<1000x256xf32, #tpu.memory_space<vmem>>, vector<1000x256xf32>
    tpu.vector_store %arg6[%swap3A, %swap3A_19], %slice3A {strides = array<i32>} : memref<1000x256xf32, #tpu.memory_space<vmem>>, vector<1000x256xf32>,
    %slice3A_21 = vector.extract_strided_slice %add3A_18 {offsets = [0, 256], sizes = [1000, 256], strides = [1, 1]} : vector<1000x512xf32> to vector<1000x256xf32>
    %swap3A_22 = arith.constant 0 : index
    %swap3A_23 = arith.constant 0 : index
    %swap3A_24 = vector.load %arg7[%swap3A_22, %swap3A_23] : memref<1000x256xf32, #tpu.memory_space<vmem>>, vector<1000x256xf32>
    tpu.vector_store %arg7[%swap3A_22, %swap3A_23], %slice3A_21 {strides = array<i32>} : memref<1000x256xf32, #tpu.memory_space<vmem>>, vector<1000x256xf32>,
    return
  }
  func.func @transform_0(%arg0: i32) -> (i32, i32) {
    %c0_i32 = arith.constant 0 : i32
    %c0_i32_0 = arith.constant 0 : i32
    return %arg0, %c0_i32 : i32, i32
  }
  func.func @transform_1(%arg0: i32) -> (i32, i32) {
    %c0_i32 = arith.constant 0 : i32
    %c0_i32_0 = arith.constant 0 : i32
    %c0_i32_1 = arith.constant 0 : i32
    return %c0_i32, %c0_i32_0 : i32, i32
  }
  func.func @transform_2(%arg0: i32) -> (i32, i32) {
    %c0_i32 = arith.constant 0 : i32
    %c0_i32_0 = arith.constant 0 : i32
    return %arg0, %c0_i32 : i32, i32
  }
  func.func @transform_3(%arg0: i32) -> (i32, i32) {
    %c0_i32 = arith.constant 0 : i32
    %c0_i32_0 = arith.constant 0 : i32
    %c0_i32_1 = arith.constant 0 : i32
    return %c0_i32, %c0_i32_0 : i32, i32
  }
  func.func @transform_4(%arg0: i32) -> (i32, i32) {
    %c0_i32 = arith.constant 0 : i32
    %c0_i32_0 = arith.constant 0 : i32
    %c0_i32_1 = arith.constant 0 : i32
    return %c0_i32, %c0_i32_0 : i32, i32
  }
  func.func @transform_5(%arg0: i32) -> (i32, i32) {
    %c0_i32 = arith.constant 0 : i32
    %c0_i32_0 = arith.constant 0 : i32
    return %arg0, %c0_i32 : i32, i32
  }
  func.func @transform_6(%arg0: i32) -> (i32, i32) {
    %c0_i32 = arith.constant 0 : i32
    %c0_i32_0 = arith.constant 0 : i32
    return %arg0, %c0_i32 : i32, i32
  }
}

module attributes {stable_mosaic.version = 14 : i64} {
  func.func @body(%arg0: i32, %arg1: memref<512x256xf32, #tpu.memory_space<vmem>>, %arg2: memref<512x256xf32, #tpu.memory_space<vmem>>, %arg3: memref<1x256xf32, #tpu.memory_space<vmem>>, %arg4: memref<1x1xf32, #tpu.memory_space<vmem>>, %arg5: memref<512xf32, #tpu.memory_space<vmem>>) attributes {dimension_semantics = [#tpu.dimension_semantics<arbitrary>], iteration_bounds = array<i64: 625>, scalar_prefetch = 0 : i64, scratch_operands = 0 : i64, tpu.core_type = #tpu.core_type<tc>, window_params = [{transform_indices = @transform_0, window_bounds = array<i64: 512, 256>}, {transform_indices = @transform_1, window_bounds = array<i64: 512, 256>}, {pipeline_mode = #tpu.pipeline_mode<synchronous>, transform_indices = @transform_2, window_bounds = array<i64: 1, 256>}, {pipeline_mode = #tpu.pipeline_mode<synchronous>, transform_indices = @transform_3, window_bounds = array<i64: 1, 1>}, {transform_indices = @transform_4, window_bounds = array<i64: 512>}]} {
    %get3A = arith.constant 0 : index
    %get3A_0 = arith.constant 0 : index
    %get3A_1 = vector.load %arg1[%get3A, %get3A_0] : memref<512x256xf32, #tpu.memory_space<vmem>>, vector<512x256xf32>
    %get3A_2 = arith.constant 0 : index
    %get3A_3 = arith.constant 0 : index
    %get3A_4 = vector.load %arg2[%get3A_2, %get3A_3] : memref<512x256xf32, #tpu.memory_space<vmem>>, vector<512x256xf32>
    %add3A = arith.addf %get3A_1, %get3A_4 : vector<512x256xf32>
    %max3A = arith.constant 0.000000e+00 : f32
    %max3A_5 = vector.broadcast %max3A : f32 to vector<512x256xf32>
    %max3A_6 = arith.maximumf %add3A, %max3A_5 : vector<512x256xf32>
    %get3A_7 = arith.constant 0 : index
    %get3A_8 = arith.constant 0 : index
    %get3A_9 = vector.load %arg3[%get3A_7, %get3A_8] : memref<1x256xf32, #tpu.memory_space<vmem>>, vector<1x256xf32>
    %mul3A = vector.broadcast %get3A_9 : vector<1x256xf32> to vector<512x256xf32>
    %mul3A_10 = arith.mulf %max3A_6, %mul3A : vector<512x256xf32>
    %reduce_sum3A = arith.constant dense<0.000000e+00> : vector<512xf32>
    %reduce_sum3A_11 = vector.multi_reduction <add>, %mul3A_10, %reduce_sum3A [1] : vector<512x256xf32> to vector<512xf32>
    %get3A_12 = arith.constant 0 : index
    %get3A_13 = arith.constant 0 : index
    %get3A_14 = vector.load %arg4[%get3A_12, %get3A_13] : memref<1x1xf32, #tpu.memory_space<vmem>>, vector<1x1xf32>
    %get3A_15 = vector.extract %get3A_14[0, 0] : f32 from vector<1x1xf32>
    %add3A_16 = vector.broadcast %get3A_15 : f32 to vector<512xf32>
    %add3A_17 = arith.addf %reduce_sum3A_11, %add3A_16 : vector<512xf32>
    %logistic3A = arith.negf %add3A_17 : vector<512xf32>
    %logistic3A_18 = math.exp %logistic3A : vector<512xf32>
    %logistic3A_19 = arith.constant 1.000000e+00 : f32
    %logistic3A_20 = vector.broadcast %logistic3A_19 : f32 to vector<512xf32>
    %logistic3A_21 = arith.addf %logistic3A_20, %logistic3A_18 : vector<512xf32>
    %logistic3A_22 = arith.divf %logistic3A_20, %logistic3A_21 : vector<512xf32>
    %swap3A = arith.constant 0 : index
    %swap3A_23 = vector.load %arg5[%swap3A] : memref<512xf32, #tpu.memory_space<vmem>>, vector<512xf32>
    tpu.vector_store %arg5[%swap3A], %logistic3A_22 {strides = array<i32>} : memref<512xf32, #tpu.memory_space<vmem>>, vector<512xf32>,
    return
  }
  func.func @transform_0(%arg0: i32) -> (i32, i32) {
    %c0_i32 = arith.constant 0 : i32
    %c0_i32_0 = arith.constant 0 : i32
    return %arg0, %c0_i32 : i32, i32
  }
  func.func @transform_1(%arg0: i32) -> (i32, i32) {
    %c0_i32 = arith.constant 0 : i32
    %c0_i32_0 = arith.constant 0 : i32
    return %arg0, %c0_i32 : i32, i32
  }
  func.func @transform_2(%arg0: i32) -> (i32, i32) {
    %c0_i32 = arith.constant 0 : i32
    %c0_i32_0 = arith.constant 0 : i32
    %c0_i32_1 = arith.constant 0 : i32
    return %c0_i32, %c0_i32_0 : i32, i32
  }
  func.func @transform_3(%arg0: i32) -> (i32, i32) {
    %c0_i32 = arith.constant 0 : i32
    %c0_i32_0 = arith.constant 0 : i32
    %c0_i32_1 = arith.constant 0 : i32
    return %c0_i32, %c0_i32_0 : i32, i32
  }
  func.func @transform_4(%arg0: i32) -> i32 {
    %c0_i32 = arith.constant 0 : i32
    return %arg0 : i32
  }
}

</mosaic_0001>

<sc_bundles>
// kernel: kernel.8.cloned.1.call-start
scs
__scs_entry_jumppad:
0x0: {  	(pc) =	sbr.rel $0x88, $3  }
0x1: {  	(tag) =	ssettag $0x0;
	lr =	simm.s32 $0x1  }
0x2: {  	[smem:$0x3F92] =	sst lr;
	_ =	strace $0xD0000000  }
0x3: {  	_ = 	snop  }
0x4: {  	_ = 	snop  }
0x5: {  	_ = 	snop  }
0x6: {  	_ = 	snop  }
0x7: {  	_ = 	snop  }
__scs_overlays_trampoline_lowered:
0x8: {  	[smem:$0x3FA1] =	sst s0  }
0x9: {  	[smem:$0x3FA2] =	sst s1  }
0xa: {  	[smem:$0x3FA3] =	sst s2  }
0xb: {  	[smem:$0x3FA4] =	sst s3  }
0xc: {  	[smem:$0x3FA5] =	sst s4  }
0xd: {  	[smem:$0x3FA6] =	sst s5  }
0xe: {  	[smem:$0x3FA7] =	sst s6  }
0xf: {  	[smem:$0x3FA8] =	sst s7  }
0x10: {  	[smem:$0x3FA9] =	sst s8  }
0x11: {  	[smem:$0x3FAA] =	sst s9;
	s0 =	simm.s32 @!p0 $0x0  }
0x12: {  	s1 =	sld [smem:$0x3F90];
	s0 =	simm.s32 @p0 $0x1  }
0x13: {  	[smem:$0x3FAB] =	sst s0;
	s0 =	simm.s32 @!p1 $0x0  }
0x14: {  	s2 =	sld [smem:$0x3F8F];
	s0 =	simm.s32 @p1 $0x1  }
0x15: {  	[smem:$0x3FAC] =	sst s0;
	s0 =	simm.s32 @!p2 $0x0  }
0x16: {  	s3 =	sld [smem:$0x3FDB];
	s0 =	simm.s32 @p2 $0x1  }
0x17: {  	s4 =	simm.s32 $0x1BF5;
	[smem:$0x3FAE] =	sst s0  }
0x18: {  	s0 =	sld [smem:$0x3F91];
	_ =	swait.ge [sflag:s4], $0x0  }
0x19: {  	s7 =	sld [smem:$0x3F92]  }
0x1a: {  	s8 =	sadd.s32 $0xFFFFE003, lr  }
0x1b: {  	s9 =	sadd.s32 $0xFFFFFEF7, lr;
	s5 =	simm.s32 $0xFFFFFFFF;
	p2 =	slt.u32 s8, $0xFFFFF086  }
0x1c: {  	p1 =	slt.u32 s9, $0xF7A;
	s5 =	simm.s32 @!p2 $0x0  }
0x1d: {  	s5 =	simm.s32 @p1 $0x1;
	p0 =	seq.s32 s7, s2  }
0x1e: {  	s7 =	smul.u32 @!p0 $0xF7A, s2;
	p2 =	seq.s32 @!p0 s5, $0x0  }
0x1f: {  	s9 =	smul.u32 $0xF7A, s1;
	s8 =	simm.s32 @!p0 $0x1BF5;
	p2 =	por !p2, p0  }
0x20: {  	[sflag:s8] =	ssyncset.s32 @!p0 $0xFFFFF086;
	s6 =	sadd.s32 @!p0 s3, s7;
	s7 =	simm.s32 @!p0 $0x108  }
0x21: {  	s3 =	sadd.s32 s3, s9;
	s6 =	sadd.s32 @!p0 $0x88, s6;
	s7 =	simm.s32 @p2 $0x1082  }
0x22: {  	[simem:s7], [sflag:s8] =	dma.local @!p0 [hbm:s6], $0xF7A  }
0x23: {  	s9 =	sor.u32 $0xD0000000, s2;
	s6 =	simm.s32 $0x108;
	_ =	swait.ge @!p0 [sflag:s8], $0x0  }
0x24: {  	s3 =	sadd.s32 $0x88, s3;
	s6 =	simm.s32 @!p1 $0x1082;
	[sflag:s4] =	ssyncset.s32 $0xFFFFF086  }
0x25: {  	[simem:s6], [sflag:s4] =	dma.local [hbm:s3], $0xF7A  }
0x26: {  	[smem:$0x3F92] =	sst s1;
	(tag) =	ssettag s2;
	_ =	strace s9  }
0x27: {  	s1 =	sld [smem:$0x3FA2]  }
0x28: {  	s2 =	sld [smem:$0x3FA3]  }
0x29: {  	s4 =	sld [smem:$0x3FA5]  }
0x2a: {  	p0 =	seq.s32 s5, $0x0;
	s5 =	sld [smem:$0x3FA6]  }
0x2b: {  	s6 =	sld [smem:$0x3FA7]  }
0x2c: {  	s7 =	sld [smem:$0x3FA8]  }
0x2d: {  	s3 =	simm.s32 $0x108;
	s8 =	sld [smem:$0x3FA9]  }
0x2e: {  	s3 =	simm.s32 @!p0 $0x1082;
	s9 =	sld [smem:$0x3FAA]  }
0x2f: {  	lr =	sadd.s32 s0, s3;
	s0 =	sld [smem:$0x3FA1]  }
0x30: {  	s3 =	sld [smem:$0x3FA4]  }
0x31: {  	[smem:$0x3FAD] =	sst s10  }
0x32: {  	s10 =	sld [smem:$0x3FAB];
	_ =	sdelay $0x3  }
0x33: {  	p0 =	seq.s32 s10, $0x1;
	s10 =	sld [smem:$0x3FAD];
	_ =	sdelay $0x3  }
0x34: {  	[smem:$0x3FAD] =	sst s10  }
0x35: {  	s10 =	sld [smem:$0x3FAC];
	_ =	sdelay $0x3  }
0x36: {  	p1 =	seq.s32 s10, $0x1;
	s10 =	sld [smem:$0x3FAD];
	_ =	sdelay $0x3  }
0x37: {  	[smem:$0x3FAD] =	sst s10  }
0x38: {  	s10 =	sld [smem:$0x3FAE]  }
0x39: {  	_ = 	snop;
	(pc) =	sbr.ind lr, $3  }
0x3a: {  	_ = 	snop  }
0x3b: {  	_ = 	snop  }
0x3c: {  	p2 =	seq.s32 s10, $0x1;
	s10 =	sld [smem:$0x3FAD]  }
0x3d: {  	_ =	shalt  }
0x3e: {  	_ =	shalt  }
0x3f: {  	_ =	shalt  }
0x40: {  	_ =	shalt  }
0x41: {  	_ =	shalt  }
0x42: {  	_ =	shalt  }
0x43: {  	_ =	shalt  }
0x44: {  	_ =	shalt  }
0x45: {  	_ =	shalt  }
0x46: {  	_ =	shalt  }
0x47: {  	_ =	shalt  }
0x48: {  	_ =	shalt  }
0x49: {  	_ =	shalt  }
0x4a: {  	_ =	shalt  }
0x4b: {  	_ =	shalt  }
0x4c: {  	_ =	shalt  }
0x4d: {  	_ =	shalt  }
0x4e: {  	_ =	shalt  }
0x4f: {  	_ =	shalt  }
0x50: {  	_ =	shalt  }
0x51: {  	_ =	shalt  }
0x52: {  	_ =	shalt  }
0x53: {  	_ =	shalt  }
0x54: {  	_ =	shalt  }
0x55: {  	_ =	shalt  }
0x56: {  	_ =	shalt  }
0x57: {  	_ =	shalt  }
0x58: {  	_ =	shalt  }
0x59: {  	_ =	shalt  }
0x5a: {  	_ =	shalt  }
0x5b: {  	_ =	shalt  }
0x5c: {  	_ =	shalt  }
0x5d: {  	_ =	shalt  }
0x5e: {  	_ =	shalt  }
0x5f: {  	_ =	shalt  }
0x60: {  	_ =	shalt  }
0x61: {  	_ =	shalt  }
0x62: {  	_ =	shalt  }
0x63: {  	_ =	shalt  }
0x64: {  	_ =	shalt  }
0x65: {  	_ =	shalt  }
0x66: {  	_ =	shalt  }
0x67: {  	_ =	shalt  }
0x68: {  	_ =	shalt  }
0x69: {  	_ =	shalt  }
0x6a: {  	_ =	shalt  }
0x6b: {  	_ =	shalt  }
0x6c: {  	_ =	shalt  }
0x6d: {  	_ =	shalt  }
0x6e: {  	_ =	shalt  }
0x6f: {  	_ =	shalt  }
0x70: {  	_ =	shalt  }
0x71: {  	_ =	shalt  }
0x72: {  	_ =	shalt  }
0x73: {  	_ =	shalt  }
0x74: {  	_ =	shalt  }
0x75: {  	_ =	shalt  }
0x76: {  	_ =	shalt  }
0x77: {  	_ =	shalt  }
0x78: {  	_ =	shalt  }
0x79: {  	_ =	shalt  }
0x7a: {  	_ =	shalt  }
0x7b: {  	_ =	shalt  }
0x7c: {  	_ =	shalt  }
0x7d: {  	_ =	shalt  }
0x7e: {  	_ =	shalt  }
0x7f: {  	_ =	shalt  }
0x80: {  	_ =	shalt  }
0x81: {  	_ =	shalt  }
0x82: {  	_ =	shalt  }
0x83: {  	_ =	shalt  }
0x84: {  	_ =	shalt  }
0x85: {  	_ =	shalt  }
0x86: {  	_ =	shalt  }
0x87: {  	_ =	shalt  }
.Lfunc_end0:
.L_simem_size_0:
called_computation.1_lowered:
.L_overlay_start_0:
0x88: {  	s2 =	sld [smem:$0x3FD9]  }
0x89: {  	s3 =	sld [smem:$0x3FFE];
	_ =	sdelay $0x1  }
0x8a: {  	s1 =	srdreg.scid  }
0x8b: {  	s0 =	sand.u32 $0x1, s1  }
0x8c: {  	s17 =	sshll.u32 s0, $0xA;
	s2 =	sadd.s32 s3, s2  }
0x8d: {  	s2 =	sadd.s32 s2, s17  }
0x8e: {  	[smem:$0x3FB9] =	sst s2  }
0x8f: {  	_ = 	snop  }
0x90: {  	s2 =	sld [smem:$0x3FC7];
	(tm) =	ssettm $0x1  }
0x91: {  	s18 =	sld [smem:$0x3FFB];
	_ =	sdelay $0x3  }
0x92: {  	_ =	strace s18  }
0x93: {  	s3 =	sld [smem:$0x3FFC];
	_ =	sdelay $0x3  }
0x94: {  	_ =	strace s3  }
0x95: {  	s3 =	sld [smem:$0x3FFD];
	_ =	sdelay $0x3  }
0x96: {  	_ =	strace s3  }
0x97: {  	_ =	strace $0x8FFFFFFF  }
0x98: {  	s19 =	sld [smem:$0x3FDB];
	_ =	sdelay $0x1  }
0x99: {  	s4 =	simm.s32 $_scs_section_size  }
0x9a: {  	s5 =	simm.s32 $_size__tile_overlayer_lowered;
	s6 =	simm.s32 $_tile_overlayer_lowered  }
0x9b: {  	s22 =	simm.s32 $0x1BFF;
	s21 =	sshll.u32 s6, $0x1;
	s3 =	sadd.s32 s4, s19  }
0x9c: {  	s7 =	simm.s32 $0x0;
	s20 =	sshll.u32 s5, $0x1;
	s5 =	sadd.s32 s21, s3  }
0x9d: {  	[timem:s7], [sflag:s22] =	dma.local [hbm:s5], s20  }
0x9e: {  	_ =	swait.ge [sflag:s22], s20  }
0x9f: {  	s4 =	ssub.s32 $0x0, s20;
	[sflag:s22] =	ssyncset.done $0x0  }
0xa0: {  	[sflag:s22] =	ssyncadd.s32 s4;
	_ =	sdelay $0x1  }
0xa1: {  	s23 =	simm.s32 $0x1B8B  }
0xa2: {  	_ =	swait.ge [sflag:s23], $0x1  }
0xa3: {  	[sflag:s23] =	ssyncset.done $0x0  }
0xa4: {  	s25 =	simm.s32 $0x1B8E;
	s24 =	sld [smem:$0x3FFE];
	[sflag:s23] =	ssyncadd.s32 $0xFFFFFFFF  }
0xa5: {  	s26 =	simm.s32 $execute0_lowered;
	[smem:$0x3FD2] =	sst s25  }
0xa6: {  	s5 =	sshll.u32 s26, $0x1;
	_ =	strace $0x8000004C;
	[dreg:$0x1] =	wrdreg $0xFFFFFFFF  }
0xa7: {  	s28 =	simm.s32 $_size_execute0_lowered;
	s3 =	sadd.s32 s3, s5;
	[dreg:$0x0] =	wrdreg $0x0  }
0xa8: {  	s5 =	sshll.u32 s28, $0x1;
	[dreg:$0x2] =	wrdreg s3  }
0xa9: {  	[dreg:$0x3] =	wrdreg s5  }
0xaa: {  	[dreg:$0x4] =	wrdreg $0xC0  }
0xab: {  	_ =	task [dreg:s7], $0x5FFFF  }
0xac: {  	[dreg:$0x1] =	wrdreg $0xFFFFFFFF  }
0xad: {  	[dreg:$0x0] =	wrdreg $0x60  }
0xae: {  	[dreg:$0x2] =	wrdreg s24  }
0xaf: {  	[dreg:$0x3] =	wrdreg s2  }
0xb0: {  	[dreg:$0x4] =	wrdreg $0x0  }
0xb1: {  	[dreg:$0x5] =	wrdreg $0x9  }
0xb2: {  	_ =	task.clear_ibuf [dreg:s7], $0x6FFFF;
	_ =	strace $0x9000004C  }
0xb3: {  	s29 =	simm.s32 $0x9;
	_ =	strace $0x8000004E  }
0xb4: {  	_ =	swait.ge [sflag:s29], $0x1  }
0xb5: {  	[sflag:s29] =	ssyncadd.s32 $0xFFFFFFFF  }
0xb6: {  	_ =	strace $0x9000004E  }
0xb7: {  	_ =	sfence  }
0xb8: {  	s30 =	sld [smem:$0x0];
	_ =	sdelay $0x2  }
0xb9: {  	s31 =	sshll.u32 s1, $0xD;
	s1 =	sshrl.u32 s1, $0x2  }
0xba: {  	s3 =	sand.u32 $0x4000, s31;
	s1 =	sadd.s32 s1, s30  }
0xbb: {  	s0 =	sor.u32 s3, s0;
	s1 =	sshll.u32 s1, $0x11  }
0xbc: {  	s0 =	sor.u32 s1, s0  }
0xbd: {  	s0 =	sadd.s32 $0x8F2B, s0  }
0xbe: {  	[sflag:s0] =	ssyncadd.remote.s32 $0x1  }
0xbf: {  	_ =	sfence.sel $0xFFFF  }
0xc0: {  	[dreg:$0x0] =	wrdreg $0xFFFFFFFF;
	(pc) =	sbr.abs _section_cstart, $3  }
0xc1: {  	[dreg:$0x1] =	wrdreg $0xFFFFFFFF  }
0xc2: {  	_ =	task.clear_ibuf [dreg:s7], $0x2FFFF;
	_ =	strace $0x9FFFFFFF  }
0xc3: {  	(tm) =	ssettm $0x7FFFFFFF  }
tec
execute0_lowered:
.L_overlay_start_1:
0x0: {  	(tag) =	ssettag $0x1  }
0x1: {  	s0 =	rddreg [dreg:$0x0]  }
0x2: {  	s1 =	rddreg [dreg:$0x1]  }
0x3: {  	s2 =	rddreg [dreg:$0x2];
	s3 =	simm.s32 $0x0  }
0x4: {  	s13 =	srdreg.scid;
	s8 =	stileid.u32;
	s30 =	simm.s32 $0x1A200  }
0x5: {  	s28 =	simm.s32 $0x1A380;
	s29 =	simm.s32 $0x9;
	[smem:$0x7FF] =	sst s3  }
0x6: {  	s4 =	sadd.s32 $0x27000, s0;
	s5 =	sadd.s32 $0x4E200, s0;
	s6 =	sadd.s32 $0x4600, s0  }
0x7: {  	s3 =	sand.u32 $0x1, s13;
	s7 =	sadd.s32 $0xE400, s0;
	s10 =	smul.u32 $0x4E20, s8  }
0x8: {  	s11 =	sadd.s32 $0x509000, s0;
	s14 =	sadd.s32 $0x75400, s0;
	s0 =	sadd.s32 $0x9C600, s0  }
0x9: {  	p1 =	sne.s32 s8, $0x0;
	_ =	strace $0x8000004D;
	[dreg:$0x4] =	wrdreg s11  }
0xa: {  	p2 =	seq.s32 s8, $0x0;
	s8 =	simm.s32 $0x1A280;
	[dreg:$0x5] =	wrdreg s14  }
0xb: {  	s13 =	simm.s32 $0x1;
	s9 =	ssub.s32 $0x2, s3;
	[dreg:$0x6] =	wrdreg s0  }
0xc: {  	p0 =	seq.s32 s3, $0x1;
	s11 =	simm.s32 $0x7;
	s15 =	sshrl.u32 s9, $0x1  }
0xd: {  	s17 =	sshrl.u32 s10, $0x3;
	s19 =	sadd.s32 $0x28, s10;
	s23 =	sadd.s32 $0x50, s10  }
0xe: {  	s24 =	sadd.s32 $0x78, s10;
	s25 =	sadd.s32 $0xA0, s10;
	[dreg:$0xd] =	wrdreg s23  }
0xf: {  	s26 =	sadd.s32 $0xC8, s10;
	s31 =	sadd.s32 $0xF0, s10;
	[dreg:$0xe] =	wrdreg s24  }
0x10: {  	s10 =	simm.s32 $0xC;
	s16 =	ssub.s32 s9, s15;
	[dreg:$0xf] =	wrdreg s25  }
0x11: {  	s18 =	sadd.s32 s6, s17;
	s20 =	sadd.s32 s7, s17;
	[dreg:$0x10] =	wrdreg s26  }
0x12: {  	s9 =	sadd.s32 s1, s17;
	s3 =	sshrl.u32 s19, $0x3;
	[dreg:$0x11] =	wrdreg s31  }
0x13: {  	s15 =	simm.s32 $0x19F00;
	s26 =	simm.s32 $0x1A180;
	[dreg:$0x7] =	wrdreg s18  }
0x14: {  	s17 =	simm.s32 $0x3;
	s19 =	simm.s32 $0xA;
	[dreg:$0x8] =	wrdreg s20  }
0x15: {  	s25 =	simm.s32 $0x5;
	[dreg:$0x9] =	wrdreg s9;
	s21 =	sadd.s32 s6, s3  }
0x16: {  	s23 =	simm.s32 $0x0;
	s22 =	sadd.s32 s7, s3;
	[dreg:$0xa] =	wrdreg s21  }
.Ltmp0:
0x17: {  	s3 =	sadd.s32 s1, s3;
	[dreg:$0xb] =	wrdreg s22;
	(pc) =	sbr.rel .LBB2_1-.Ltmp0, $4  }
0x18: {  	s0 =	smax.u32 s16, $0x1;
	s16 =	simm.s32 $0x1A300;
	[dreg:$0xc] =	wrdreg s3  }
0x19: {  	s18 =	simm.s32 $0xB;
	s20 =	simm.s32 $0x18880;
	[dreg:$0x12] =	wrdreg s0  }
0x1a: {  	s0 =	sshrl.u32 @!p1 s2, $0x3;
	s22 =	simm.s32 $0x8;
	s3 =	simm.s32 $0x2  }
0x1b: {  	s21 =	simm.s32 $0x4;
	[dreg:$0x13] =	wrdreg s0;
	s0 =	simm.s32 $0x28  }
.LBB2_28:
0x1c: {  	s12 =	sshrl.u32 s2, $0x3;
	s14 =	simm.s32 $0x1C10;
	s31 =	simm.s32 $0x10  }
0x1d: {  	[hbm:s9], [sflag:s14] =	dma.local [spmem:s12], $0x27100  }
0x1e: {  	_ =	swait.ge [sflag:s31], $0x27100  }
0x1f: {  	[sflag:s31] =	ssyncset.done $0x0  }
0x20: {  	[sflag:s31] =	ssyncadd.s32 $0xFFFD8F00  }
.LBB2_29:
0x21: {  	s23 =	sadd.s32 $0x1, s23;
	s9 =	rddreg [dreg:$0x12]  }
0x22: {  	p3 =	sne.s32 s23, s9  }
.Ltmp1:
0x23: {  	_ = 	snop;
	(pc) =	sbr.rel @!p3 .LBB2_30-.Ltmp1, $2  }
0x24: {  	_ =	sdelay $0x2  }
0x25: {  	s15 =	simm.s32 $0x19F00  }
.LBB2_1:
0x26: {  	[dreg:$0x14] =	wrdreg s23  }
0x27: {  	s12 =	rddreg [dreg:$0x4]  }
0x28: {  	s9 =	simm.s32 @!p1 $0x1C10;
	s14 =	rddreg [dreg:$0x13]  }
0x29: {  	[spmem:s14], [sflag:s9] =	dma.local @!p1 [hbm:s12], $0x27100  }
0x2a: {  	s9 =	simm.s32 @!p1 $0x10  }
0x2b: {  	_ =	swait.ge @!p1 [sflag:s9], $0x27100  }
0x2c: {  	[sflag:s9] =	ssyncset.done @!p1 $0x0  }
0x2d: {  	[sflag:s9] =	ssyncadd.s32 @!p1 $0xFFFD8F00  }
0x2e: {  	[bflag:$0x0] =	sbarrier.arrive $0xFFFF  }
0x2f: {  	s31 =	simm.s32 $0x19C80;
	s9 =	simm.s32 $0x0;
	s24 =	rddreg [dreg:$0x7]  }
0x30: {  	[tilespmem:s31], [sflag:$0x6] =	stream.linear.gather [hbm4b:s24+s9], $0x28, $0x38;
	[tilespmem:$0x1A400] =	vst v63  }
0x31: {  	s14 =	rddreg [dreg:$0x8]  }
0x32: {  	[tilespmem:s15], [sflag:$0x6] =	stream.linear.gather [hbm4b:s14+s9], $0x28, $0x38;
	[tilespmem:$0x1A400] =	vst v63  }
0x33: {  	s23 =	rddreg [dreg:$0x9]  }
0x34: {  	[tilespmem:s26], [sflag:$0x6] =	stream.linear.gather [hbm4b:s23+s9], $0x28, $0x38;
	[tilespmem:$0x1A400] =	vst v63  }
0x35: {  	s24 =	rddreg [dreg:$0xa];
	s31 =	simm.s32 $0x19D00  }
0x36: {  	[tilespmem:s31], [sflag:$0x7] =	stream.linear.gather [hbm4b:s24+s9], $0x28, $0x38;
	[tilespmem:$0x1A400] =	vst v63  }
0x37: {  	s14 =	rddreg [dreg:$0xb];
	s23 =	simm.s32 $0x19F80  }
0x38: {  	[tilespmem:s23], [sflag:$0x7] =	stream.linear.gather [hbm4b:s14+s9], $0x28, $0x38;
	[tilespmem:$0x1A400] =	vst v63  }
0x39: {  	s24 =	rddreg [dreg:$0xc];
	s31 =	simm.s32 $0x6  }
0x3a: {  	[tilespmem:s30], [sflag:$0x7] =	stream.linear.gather [hbm4b:s24+s9], $0x28, $0x38;
	[tilespmem:$0x1A400] =	vst v63  }
0x3b: {  	_ =	swait.ge [sflag:s31], $0x28  }
0x3c: {  	[sflag:s31] =	ssyncset.done $0x0  }
0x3d: {  	[sflag:s31] =	ssyncadd.s32 $0xFFFFFFD8  }
0x3e: {  	_ =	swait.ge [sflag:s31], $0x28  }
.Ltmp2:
0x3f: {  	[sflag:s31] =	ssyncset.done $0x0;
	(pc) =	sbr.rel @!p0 .LBB2_2-.Ltmp2, $4  }
0x40: {  	[sflag:s31] =	ssyncadd.s32 $0xFFFFFFD8  }
0x41: {  	_ =	swait.ge [sflag:s31], $0x28  }
0x42: {  	[sflag:s31] =	ssyncset.done $0x0  }
0x43: {  	s9 =	simm.s32 $0x13880;
	[sflag:s31] =	ssyncadd.s32 $0xFFFFFFD8  }
0x44: {  	[tilespmem:s9], [sflag:$0x1] =	stream.indirect.gather [hbm4b:s5+s0], $0x80, s15, s0, $0xb8;
	[tilespmem:$0x1A400] =	vst v63  }
0x45: {  	s12 =	simm.s32 $0x0;
	s14 =	simm.s32 $0x0  }
.LBB2_16:
0x46: {  	p3 =	seq.s32 s14, $0x0  }
0x47: {  	s9 =	simm.s32 @!p3 $0xD  }
0x48: {  	s15 =	smul.u32 $0xC8, s14;
	_ =	swait.ge @!p3 [sflag:s9], $0x1400  }
0x49: {  	s23 =	rddreg [dreg:$0xd]  }
0x4a: {  	s23 =	sadd.s32 s15, s23  }
0x4b: {  	[sflag:s9] =	ssyncset.done @!p3 $0x0;
	s23 =	sshrl.u32 s23, $0x3  }
0x4c: {  	s24 =	simm.s32 $0x19D80;
	[sflag:s9] =	ssyncadd.s32 @!p3 $0xFFFFEC00;
	s9 =	sadd.s32 s6, s23  }
0x4d: {  	[tilespmem:s24], [sflag:$0x8] =	stream.linear.gather [hbm4b:s9+s12], $0x28, $0x38;
	[tilespmem:$0x1A400] =	vst v63  }
0x4e: {  	s9 =	sadd.s32 s7, s23;
	s24 =	simm.s32 $0x1A000  }
0x4f: {  	[tilespmem:s24], [sflag:$0x8] =	stream.linear.gather [hbm4b:s9+s12], $0x28, $0x38;
	[tilespmem:$0x1A400] =	vst v63  }
0x50: {  	s24 =	sadd.s32 s1, s23  }
0x51: {  	[tilespmem:s8], [sflag:$0x8] =	stream.linear.gather [hbm4b:s24+s12], $0x28, $0x38;
	[tilespmem:$0x1A400] =	vst v63  }
0x52: {  	_ =	swait.ge [sflag:s11], $0x28  }
0x53: {  	[sflag:s11] =	ssyncset.done $0x0  }
0x54: {  	[sflag:s11] =	ssyncadd.s32 $0xFFFFFFD8  }
0x55: {  	_ =	swait.ge [sflag:s11], $0x28  }
0x56: {  	[sflag:s11] =	ssyncset.done $0x0  }
0x57: {  	[sflag:s11] =	ssyncadd.s32 $0xFFFFFFD8  }
0x58: {  	v0 =	vmov s12;
	_ =	swait.ge [sflag:s11], $0x28  }
0x59: {  	v0 =	vand.u32 $0xFFFFFFFE, v0;
	[sflag:s11] =	ssyncset.done $0x0  }
0x5a: {  	v1 =	vbroadcast v0, $0x0;
	s23 =	simm.s32 $0x19F80;
	s24 =	simm.s32 $0x14C80;
	[sflag:s11] =	ssyncadd.s32 $0xFFFFFFD8  }
0x5b: {  	[tilespmem:s24], [sflag:$0x2] =	stream.indirect.gather [hbm4b:s5+s0], $0x80, s23, s0, $0xb8;
	[tilespmem:$0x1A400] =	vst v63  }
0x5c: {  	_ =	swait.ge [sflag:s13], $0x1400  }
0x5d: {  	[sflag:s13] =	ssyncset.done $0x0  }
0x5e: {  	s23 =	simm.s32 $0x13900;
	[sflag:s13] =	ssyncadd.s32 $0xFFFFEC00  }
0x5f: {  	v4 =	vld [tilespmem:s23+$0xFFFFFFF0]  }
0x60: {  	v5 =	vld.idx.msk [tilespmem:v1+s26+$0x0], $0xffff  }
0x61: {  	v6 =	vld [tilespmem:s23+$0xFFFFFF80]  }
0x62: {  	v7 =	vld [tilespmem:s23+$0xFFFFFFA0]  }
0x63: {  	v3 =	vld [tilespmem:s23+$0xFFFFFFB0]  }
0x64: {  	v2 =	vld [tilespmem:s23+$0xFFFFFFD0]  }
0x65: {  	v9 =	vld [tilespmem:s23+$0xFFFFFF90];
	v4 =	vmul.f32 v4, v5  }
0x66: {  	v8 =	vld [tilespmem:s23+$0xFFFFFFE0];
	v6 =	vmul.f32 v6, v5  }
0x67: {  	v10 =	vld [tilespmem:s23+$0xFFFFFFC0];
	v7 =	vmul.f32 v7, v5;
	[tilespmem:s23+$0xFFFFFFF0] =	vst v4  }
0x68: {  	v3 =	vmul.f32 v3, v5;
	[tilespmem:s23+$0xFFFFFF80] =	vst v6  }
0x69: {  	s24 =	simm.s32 $0x1;
	v2 =	vmul.f32 v2, v5;
	[tilespmem:s23+$0xFFFFFFA0] =	vst v7  }
0x6a: {  	v4 =	vmul.f32 v9, v5;
	[tilespmem:s23+$0xFFFFFFB0] =	vst v3;
	v6 =	vmov s24  }
0x6b: {  	v0 =	vld [tilespmem:s23+$0x0];
	v3 =	vmul.f32 v8, v5;
	[tilespmem:s23+$0xFFFFFFD0] =	vst v2  }
0x6c: {  	v1 =	vld [tilespmem:s23+$0x10];
	v2 =	vmul.f32 v10, v5;
	[tilespmem:s23+$0xFFFFFF90] =	vst v4  }
0x6d: {  	[tilespmem:s23+$0xFFFFFFE0] =	vst v3;
	v4 =	vld [tilespmem:s23+$0x30]  }
0x6e: {  	[tilespmem:s23+$0xFFFFFFC0] =	vst v2;
	v3 =	vld [tilespmem:s23+$0x70]  }
0x6f: {  	s31 =	simm.s32 $0x2;
	s24 =	simm.s32 $0x13900;
	v2 =	vld.idx.msk [tilespmem:v6+s26+$0x0], $0xffff  }
.LBB2_17:
0x70: {  	p4 =	slt.u32 s31, $0x26  }
0x71: {  	v5 =	vld [tilespmem:s23+$0x20];
	s24 =	sadd.s32 $0x100, s24;
	s9 =	smov.u32 s31;
	s31 =	sadd.s32 $0x2, s31  }
0x72: {  	v6 =	vld [tilespmem:s23+$0x40]  }
0x73: {  	v7 =	vld [tilespmem:s23+$0x50]  }
0x74: {  	v8 =	vld [tilespmem:s23+$0x60];
	_ =	sdelay $0x1  }
0x75: {  	v0 =	vmul.f32 v0, v2;
	v1 =	vmul.f32 v1, v2  }
0x76: {  	v4 =	vmul.f32 v4, v2;
	v5 =	vmul.f32 v5, v2  }
0x77: {  	v9 =	vmov s9;
	v6 =	vmul.f32 v6, v2;
	[tilespmem:s23+$0x0] =	vst v0;
	v7 =	vmul.f32 v7, v2  }
0x78: {  	v9 =	vand.u32 $0xFFFFFFFE, v9;
	v0 =	vld [tilespmem:s24+$0x0];
	[tilespmem:s23+$0x30] =	vst v4;
	v4 =	vmul.f32 v8, v2;
	v2 =	vmul.f32 v3, v2  }
0x79: {  	v3 =	vbroadcast v9, $0x0;
	[tilespmem:s23+$0x10] =	vst v1  }
0x7a: {  	[tilespmem:s23+$0x70] =	vst v2  }
0x7b: {  	v2 =	vld [tilespmem:s24+$0xFFFFFFD0];
	[tilespmem:s23+$0x20] =	vst v5  }
0x7c: {  	v5 =	vld [tilespmem:s24+$0xFFFFFFB0];
	[tilespmem:s23+$0x60] =	vst v4  }
0x7d: {  	v4 =	vld [tilespmem:s24+$0xFFFFFFE0];
	[tilespmem:s23+$0x40] =	vst v6  }
0x7e: {  	v6 =	vld [tilespmem:s24+$0xFFFFFFF0];
	[tilespmem:s23+$0x50] =	vst v7;
	s23 =	smov.u32 s24  }
0x7f: {  	v3 =	vld.idx.msk [tilespmem:v3+s26+$0x0], $0xffff  }
0x80: {  	v7 =	vld [tilespmem:s24+$0xFFFFFF80]  }
0x81: {  	v8 =	vld [tilespmem:s24+$0xFFFFFFA0]  }
0x82: {  	v9 =	vld [tilespmem:s24+$0xFFFFFF90]  }
0x83: {  	v10 =	vld [tilespmem:s24+$0xFFFFFFC0]  }
0x84: {  	v1 =	vld [tilespmem:s24+$0x10]  }
0x85: {  	v6 =	vmul.f32 v6, v3;
	v7 =	vmul.f32 v7, v3  }
0x86: {  	v4 =	vmul.f32 v4, v3;
	v8 =	vmul.f32 v8, v3  }
0x87: {  	v5 =	vmul.f32 v5, v3;
	v9 =	vmul.f32 v9, v3;
	[tilespmem:s24+$0xFFFFFFF0] =	vst v6  }
0x88: {  	v2 =	vmul.f32 v2, v3;
	[tilespmem:s24+$0xFFFFFF80] =	vst v7;
	v6 =	vmul.f32 v10, v3  }
0x89: {  	s9 =	sadd.s32 $0x1, s9;
	[tilespmem:s24+$0xFFFFFFA0] =	vst v8  }
0x8a: {  	[tilespmem:s24+$0xFFFFFFB0] =	vst v5;
	v5 =	vmov s9  }
.Ltmp3:
0x8b: {  	[tilespmem:s24+$0xFFFFFFD0] =	vst v2;
	(pc) =	sbr.rel @p4 .LBB2_17-.Ltmp3, $4  }
0x8c: {  	[tilespmem:s24+$0xFFFFFF90] =	vst v9  }
0x8d: {  	[tilespmem:s24+$0xFFFFFFE0] =	vst v4;
	v4 =	vld [tilespmem:s24+$0x30]  }
0x8e: {  	[tilespmem:s24+$0xFFFFFFC0] =	vst v6;
	v3 =	vld [tilespmem:s24+$0x70]  }
0x8f: {  	v2 =	vld.idx.msk [tilespmem:v5+s26+$0x0], $0xffff  }
0x90: {  	_ =	sdelay $0x2  }
0x91: {  	v5 =	vld [tilespmem:s23+$0x20]  }
0x92: {  	v6 =	vld [tilespmem:s23+$0x60];
	v0 =	vmul.f32 v0, v2  }
0x93: {  	v7 =	vld [tilespmem:s23+$0x40];
	v4 =	vmul.f32 v4, v2  }
0x94: {  	v8 =	vld [tilespmem:s23+$0x50];
	v1 =	vmul.f32 v1, v2;
	[tilespmem:s23+$0x0] =	vst v0  }
0x95: {  	[tilespmem:s23+$0x30] =	vst v4;
	v0 =	vmul.f32 v3, v2  }
0x96: {  	v3 =	vmul.f32 v5, v2;
	[tilespmem:s23+$0x10] =	vst v1  }
0x97: {  	v1 =	vmul.f32 v6, v2;
	[tilespmem:s23+$0x70] =	vst v0  }
0x98: {  	v0 =	vmul.f32 v7, v2;
	[tilespmem:s23+$0x20] =	vst v3  }
0x99: {  	v2 =	vmul.f32 v8, v2;
	[tilespmem:s23+$0x60] =	vst v1  }
0x9a: {  	[tilespmem:s23+$0x40] =	vst v0  }
0x9b: {  	s9 =	simm.s32 $0x19C80;
	s24 =	simm.s32 $0x13880;
	[tilespmem:s23+$0x50] =	vst v2  }
0x9c: {  	[spmem:s2] =	stream.indirect.scatter.add.f32 [tilespmem:s24], [sflag:$0xB], $0x80, s9, s0, $0xb8;
	[tilespmem:$0x1A400] =	vst v63  }
0x9d: {  	s9 =	simm.s32 @!p3 $0xE  }
0x9e: {  	_ =	swait.ge @!p3 [sflag:s9], $0x1400  }
0x9f: {  	s24 =	rddreg [dreg:$0xe]  }
0xa0: {  	s23 =	sadd.s32 s15, s24  }
0xa1: {  	s31 =	simm.s32 $0x19E00;
	[sflag:s9] =	ssyncset.done @!p3 $0x0;
	s23 =	sshrl.u32 s23, $0x3  }
0xa2: {  	[sflag:s9] =	ssyncadd.s32 @!p3 $0xFFFFEC00;
	s24 =	simm.s32 $0x0;
	s9 =	sadd.s32 s6, s23  }
0xa3: {  	[tilespmem:s31], [sflag:$0x9] =	stream.linear.gather [hbm4b:s9+s24], $0x28, $0x38;
	[tilespmem:$0x1A400] =	vst v63  }
0xa4: {  	s9 =	sadd.s32 s7, s23;
	s31 =	simm.s32 $0x1A080  }
0xa5: {  	[tilespmem:s31], [sflag:$0x9] =	stream.linear.gather [hbm4b:s9+s24], $0x28, $0x38;
	[tilespmem:$0x1A400] =	vst v63  }
0xa6: {  	s23 =	sadd.s32 s1, s23  }
0xa7: {  	[tilespmem:s16], [sflag:$0x9] =	stream.linear.gather [hbm4b:s23+s24], $0x28, $0x38;
	[tilespmem:$0x1A400] =	vst v63  }
0xa8: {  	_ =	swait.ge [sflag:s22], $0x28  }
0xa9: {  	[sflag:s22] =	ssyncset.done $0x0  }
0xaa: {  	[sflag:s22] =	ssyncadd.s32 $0xFFFFFFD8  }
0xab: {  	_ =	swait.ge [sflag:s22], $0x28  }
0xac: {  	[sflag:s22] =	ssyncset.done $0x0  }
0xad: {  	[sflag:s22] =	ssyncadd.s32 $0xFFFFFFD8  }
0xae: {  	v0 =	vmov s24;
	_ =	swait.ge [sflag:s22], $0x28  }
0xaf: {  	v0 =	vand.u32 $0xFFFFFFFE, v0;
	[sflag:s22] =	ssyncset.done $0x0  }
0xb0: {  	v1 =	vbroadcast v0, $0x0;
	s9 =	simm.s32 $0x1A000;
	s23 =	simm.s32 $0x16080;
	[sflag:s22] =	ssyncadd.s32 $0xFFFFFFD8  }
0xb1: {  	[tilespmem:s23], [sflag:$0x3] =	stream.indirect.gather [hbm4b:s5+s0], $0x80, s9, s0, $0xb8;
	[tilespmem:$0x1A400] =	vst v63  }
0xb2: {  	_ =	swait.ge [sflag:s3], $0x1400  }
0xb3: {  	[sflag:s3] =	ssyncset.done $0x0  }
0xb4: {  	s23 =	simm.s32 $0x14D00;
	[sflag:s3] =	ssyncadd.s32 $0xFFFFEC00  }
0xb5: {  	v4 =	vld [tilespmem:s23+$0xFFFFFFF0]  }
0xb6: {  	v5 =	vld.idx.msk [tilespmem:v1+s30+$0x0], $0xffff  }
0xb7: {  	v6 =	vld [tilespmem:s23+$0xFFFFFF80]  }
0xb8: {  	v7 =	vld [tilespmem:s23+$0xFFFFFFA0]  }
0xb9: {  	v3 =	vld [tilespmem:s23+$0xFFFFFFB0]  }
0xba: {  	v2 =	vld [tilespmem:s23+$0xFFFFFFD0]  }
0xbb: {  	v9 =	vld [tilespmem:s23+$0xFFFFFF90];
	v4 =	vmul.f32 v4, v5  }
0xbc: {  	v63 =	vld [tilespmem:s23+$0xFFFFFFE0];
	v6 =	vmul.f32 v6, v5  }
0xbd: {  	v10 =	vld [tilespmem:s23+$0xFFFFFFC0];
	v7 =	vmul.f32 v7, v5;
	[tilespmem:s23+$0xFFFFFFF0] =	vst v4  }
0xbe: {  	v3 =	vmul.f32 v3, v5;
	[tilespmem:s23+$0xFFFFFF80] =	vst v6  }
0xbf: {  	s24 =	simm.s32 $0x1;
	v2 =	vmul.f32 v2, v5;
	[tilespmem:s23+$0xFFFFFFA0] =	vst v7  }
0xc0: {  	v4 =	vmul.f32 v9, v5;
	[tilespmem:s23+$0xFFFFFFB0] =	vst v3;
	v6 =	vmov s24  }
0xc1: {  	v0 =	vld [tilespmem:s23+$0x0];
	v3 =	vmul.f32 v63, v5;
	[tilespmem:s23+$0xFFFFFFD0] =	vst v2  }
0xc2: {  	v1 =	vld [tilespmem:s23+$0x10];
	v2 =	vmul.f32 v10, v5;
	[tilespmem:s23+$0xFFFFFF90] =	vst v4  }
0xc3: {  	[tilespmem:s23+$0xFFFFFFE0] =	vst v3;
	v4 =	vld [tilespmem:s23+$0x30]  }
0xc4: {  	[tilespmem:s23+$0xFFFFFFC0] =	vst v2;
	v3 =	vld [tilespmem:s23+$0x70]  }
0xc5: {  	s31 =	simm.s32 $0x2;
	s24 =	simm.s32 $0x14D00;
	v2 =	vld.idx.msk [tilespmem:v6+s30+$0x0], $0xffff  }
.LBB2_19:
0xc6: {  	p4 =	slt.u32 s31, $0x26  }
0xc7: {  	v5 =	vld [tilespmem:s23+$0x20];
	s24 =	sadd.s32 $0x100, s24;
	s9 =	smov.u32 s31;
	s31 =	sadd.s32 $0x2, s31  }
0xc8: {  	v6 =	vld [tilespmem:s23+$0x40]  }
0xc9: {  	v7 =	vld [tilespmem:s23+$0x50]  }
0xca: {  	v8 =	vld [tilespmem:s23+$0x60];
	_ =	sdelay $0x1  }
0xcb: {  	v0 =	vmul.f32 v0, v2;
	v1 =	vmul.f32 v1, v2  }
0xcc: {  	v4 =	vmul.f32 v4, v2;
	v5 =	vmul.f32 v5, v2  }
0xcd: {  	v9 =	vmov s9;
	v6 =	vmul.f32 v6, v2;
	[tilespmem:s23+$0x0] =	vst v0;
	v7 =	vmul.f32 v7, v2  }
0xce: {  	v9 =	vand.u32 $0xFFFFFFFE, v9;
	v0 =	vld [tilespmem:s24+$0x0];
	[tilespmem:s23+$0x30] =	vst v4;
	v4 =	vmul.f32 v8, v2;
	v2 =	vmul.f32 v3, v2  }
0xcf: {  	v3 =	vbroadcast v9, $0x0;
	[tilespmem:s23+$0x10] =	vst v1  }
0xd0: {  	[tilespmem:s23+$0x70] =	vst v2  }
0xd1: {  	v2 =	vld [tilespmem:s24+$0xFFFFFFD0];
	[tilespmem:s23+$0x20] =	vst v5  }
0xd2: {  	v5 =	vld [tilespmem:s24+$0xFFFFFFB0];
	[tilespmem:s23+$0x60] =	vst v4  }
0xd3: {  	v4 =	vld [tilespmem:s24+$0xFFFFFFE0];
	[tilespmem:s23+$0x40] =	vst v6  }
0xd4: {  	v6 =	vld [tilespmem:s24+$0xFFFFFFF0];
	[tilespmem:s23+$0x50] =	vst v7;
	s23 =	smov.u32 s24  }
0xd5: {  	v3 =	vld.idx.msk [tilespmem:v3+s30+$0x0], $0xffff  }
0xd6: {  	v7 =	vld [tilespmem:s24+$0xFFFFFF80]  }
0xd7: {  	v8 =	vld [tilespmem:s24+$0xFFFFFFA0]  }
0xd8: {  	v9 =	vld [tilespmem:s24+$0xFFFFFF90]  }
0xd9: {  	v10 =	vld [tilespmem:s24+$0xFFFFFFC0]  }
0xda: {  	v1 =	vld [tilespmem:s24+$0x10]  }
0xdb: {  	v6 =	vmul.f32 v6, v3;
	v7 =	vmul.f32 v7, v3  }
0xdc: {  	v4 =	vmul.f32 v4, v3;
	v8 =	vmul.f32 v8, v3  }
0xdd: {  	v5 =	vmul.f32 v5, v3;
	v9 =	vmul.f32 v9, v3;
	[tilespmem:s24+$0xFFFFFFF0] =	vst v6  }
0xde: {  	v2 =	vmul.f32 v2, v3;
	[tilespmem:s24+$0xFFFFFF80] =	vst v7;
	v6 =	vmul.f32 v10, v3  }
0xdf: {  	s9 =	sadd.s32 $0x1, s9;
	[tilespmem:s24+$0xFFFFFFA0] =	vst v8  }
0xe0: {  	[tilespmem:s24+$0xFFFFFFB0] =	vst v5;
	v5 =	vmov s9  }
.Ltmp4:
0xe1: {  	[tilespmem:s24+$0xFFFFFFD0] =	vst v2;
	(pc) =	sbr.rel @p4 .LBB2_19-.Ltmp4, $4  }
0xe2: {  	[tilespmem:s24+$0xFFFFFF90] =	vst v9  }
0xe3: {  	[tilespmem:s24+$0xFFFFFFE0] =	vst v4;
	v4 =	vld [tilespmem:s24+$0x30]  }
0xe4: {  	[tilespmem:s24+$0xFFFFFFC0] =	vst v6;
	v3 =	vld [tilespmem:s24+$0x70]  }
0xe5: {  	v2 =	vld.idx.msk [tilespmem:v5+s30+$0x0], $0xffff  }
0xe6: {  	_ =	sdelay $0x2  }
0xe7: {  	v5 =	vld [tilespmem:s23+$0x20]  }
0xe8: {  	v6 =	vld [tilespmem:s23+$0x60];
	v0 =	vmul.f32 v0, v2  }
0xe9: {  	v7 =	vld [tilespmem:s23+$0x40];
	v4 =	vmul.f32 v4, v2  }
0xea: {  	v8 =	vld [tilespmem:s23+$0x50];
	v1 =	vmul.f32 v1, v2;
	[tilespmem:s23+$0x0] =	vst v0  }
0xeb: {  	[tilespmem:s23+$0x30] =	vst v4;
	v0 =	vmul.f32 v3, v2  }
0xec: {  	v3 =	vmul.f32 v5, v2;
	[tilespmem:s23+$0x10] =	vst v1  }
0xed: {  	v1 =	vmul.f32 v6, v2;
	[tilespmem:s23+$0x70] =	vst v0  }
0xee: {  	v0 =	vmul.f32 v7, v2;
	[tilespmem:s23+$0x20] =	vst v3  }
0xef: {  	v2 =	vmul.f32 v8, v2;
	[tilespmem:s23+$0x60] =	vst v1  }
0xf0: {  	[tilespmem:s23+$0x40] =	vst v0  }
0xf1: {  	s9 =	simm.s32 $0x19D00;
	s24 =	simm.s32 $0x14C80;
	[tilespmem:s23+$0x50] =	vst v2  }
0xf2: {  	[spmem:s2] =	stream.indirect.scatter.add.f32 [tilespmem:s24], [sflag:$0xC], $0x80, s9, s0, $0xb8;
	[tilespmem:$0x1A400] =	vst v63  }
0xf3: {  	s9 =	simm.s32 @!p3 $0xF  }
0xf4: {  	_ =	swait.ge @!p3 [sflag:s9], $0x1400  }
0xf5: {  	s24 =	rddreg [dreg:$0xf]  }
0xf6: {  	s23 =	sadd.s32 s15, s24  }
0xf7: {  	s31 =	simm.s32 $0x19E80;
	[sflag:s9] =	ssyncset.done @!p3 $0x0;
	s23 =	sshrl.u32 s23, $0x3  }
0xf8: {  	[sflag:s9] =	ssyncadd.s32 @!p3 $0xFFFFEC00;
	s24 =	simm.s32 $0x0;
	s9 =	sadd.s32 s6, s23  }
0xf9: {  	[tilespmem:s31], [sflag:$0xA] =	stream.linear.gather [hbm4b:s9+s24], $0x28, $0x38;
	[tilespmem:$0x1A400] =	vst v63  }
0xfa: {  	s9 =	sadd.s32 s7, s23;
	s31 =	simm.s32 $0x1A100  }
0xfb: {  	[tilespmem:s31], [sflag:$0xA] =	stream.linear.gather [hbm4b:s9+s24], $0x28, $0x38;
	[tilespmem:$0x1A400] =	vst v63  }
0xfc: {  	s23 =	sadd.s32 s1, s23  }
0xfd: {  	[tilespmem:s28], [sflag:$0xA] =	stream.linear.gather [hbm4b:s23+s24], $0x28, $0x38;
	[tilespmem:$0x1A400] =	vst v63  }
0xfe: {  	_ =	swait.ge [sflag:s29], $0x28  }
0xff: {  	[sflag:s29] =	ssyncset.done $0x0  }
0x100: {  	[sflag:s29] =	ssyncadd.s32 $0xFFFFFFD8  }
0x101: {  	_ =	swait.ge [sflag:s29], $0x28  }
0x102: {  	[sflag:s29] =	ssyncset.done $0x0  }
0x103: {  	[sflag:s29] =	ssyncadd.s32 $0xFFFFFFD8  }
0x104: {  	v0 =	vmov s24;
	_ =	swait.ge [sflag:s29], $0x28  }
0x105: {  	v0 =	vand.u32 $0xFFFFFFFE, v0;
	[sflag:s29] =	ssyncset.done $0x0  }
0x106: {  	v1 =	vbroadcast v0, $0x0;
	s9 =	simm.s32 $0x1A080;
	s23 =	simm.s32 $0x17480;
	[sflag:s29] =	ssyncadd.s32 $0xFFFFFFD8  }
0x107: {  	[tilespmem:s23], [sflag:$0x4] =	stream.indirect.gather [hbm4b:s5+s0], $0x80, s9, s0, $0xb8;
	[tilespmem:$0x1A400] =	vst v63  }
0x108: {  	_ =	swait.ge [sflag:s17], $0x1400  }
0x109: {  	[sflag:s17] =	ssyncset.done $0x0  }
0x10a: {  	s23 =	simm.s32 $0x16100;
	[sflag:s17] =	ssyncadd.s32 $0xFFFFEC00  }
0x10b: {  	v4 =	vld [tilespmem:s23+$0xFFFFFFF0]  }
0x10c: {  	v5 =	vld.idx.msk [tilespmem:v1+s8+$0x0], $0xffff  }
0x10d: {  	v6 =	vld [tilespmem:s23+$0xFFFFFF80]  }
0x10e: {  	v7 =	vld [tilespmem:s23+$0xFFFFFFA0]  }
0x10f: {  	v3 =	vld [tilespmem:s23+$0xFFFFFFB0]  }
0x110: {  	v2 =	vld [tilespmem:s23+$0xFFFFFFD0]  }
0x111: {  	v9 =	vld [tilespmem:s23+$0xFFFFFF90];
	v4 =	vmul.f32 v4, v5  }
0x112: {  	v63 =	vld [tilespmem:s23+$0xFFFFFFE0];
	v6 =	vmul.f32 v6, v5  }
0x113: {  	v10 =	vld [tilespmem:s23+$0xFFFFFFC0];
	v7 =	vmul.f32 v7, v5;
	[tilespmem:s23+$0xFFFFFFF0] =	vst v4  }
0x114: {  	v3 =	vmul.f32 v3, v5;
	[tilespmem:s23+$0xFFFFFF80] =	vst v6  }
0x115: {  	s24 =	simm.s32 $0x1;
	v2 =	vmul.f32 v2, v5;
	[tilespmem:s23+$0xFFFFFFA0] =	vst v7  }
0x116: {  	v4 =	vmul.f32 v9, v5;
	[tilespmem:s23+$0xFFFFFFB0] =	vst v3;
	v6 =	vmov s24  }
0x117: {  	v0 =	vld [tilespmem:s23+$0x0];
	v3 =	vmul.f32 v63, v5;
	[tilespmem:s23+$0xFFFFFFD0] =	vst v2  }
0x118: {  	v1 =	vld [tilespmem:s23+$0x10];
	v2 =	vmul.f32 v10, v5;
	[tilespmem:s23+$0xFFFFFF90] =	vst v4  }
0x119: {  	[tilespmem:s23+$0xFFFFFFE0] =	vst v3;
	v4 =	vld [tilespmem:s23+$0x30]  }
0x11a: {  	[tilespmem:s23+$0xFFFFFFC0] =	vst v2;
	v3 =	vld [tilespmem:s23+$0x70]  }
0x11b: {  	s31 =	simm.s32 $0x2;
	s24 =	simm.s32 $0x16100;
	v2 =	vld.idx.msk [tilespmem:v6+s8+$0x0], $0xffff  }
.LBB2_21:
0x11c: {  	p3 =	slt.u32 s31, $0x26  }
0x11d: {  	v5 =	vld [tilespmem:s23+$0x20];
	s24 =	sadd.s32 $0x100, s24;
	s9 =	smov.u32 s31;
	s31 =	sadd.s32 $0x2, s31  }
0x11e: {  	v6 =	vld [tilespmem:s23+$0x40]  }
0x11f: {  	v7 =	vld [tilespmem:s23+$0x50]  }
0x120: {  	v8 =	vld [tilespmem:s23+$0x60];
	_ =	sdelay $0x1  }
0x121: {  	v0 =	vmul.f32 v0, v2;
	v1 =	vmul.f32 v1, v2  }
0x122: {  	v4 =	vmul.f32 v4, v2;
	v5 =	vmul.f32 v5, v2  }
0x123: {  	v9 =	vmov s9;
	v6 =	vmul.f32 v6, v2;
	[tilespmem:s23+$0x0] =	vst v0;
	v7 =	vmul.f32 v7, v2  }
0x124: {  	v9 =	vand.u32 $0xFFFFFFFE, v9;
	v0 =	vld [tilespmem:s24+$0x0];
	[tilespmem:s23+$0x30] =	vst v4;
	v4 =	vmul.f32 v8, v2;
	v2 =	vmul.f32 v3, v2  }
0x125: {  	v3 =	vbroadcast v9, $0x0;
	[tilespmem:s23+$0x10] =	vst v1  }
0x126: {  	[tilespmem:s23+$0x70] =	vst v2  }
0x127: {  	v2 =	vld [tilespmem:s24+$0xFFFFFFD0];
	[tilespmem:s23+$0x20] =	vst v5  }
0x128: {  	v5 =	vld [tilespmem:s24+$0xFFFFFFB0];
	[tilespmem:s23+$0x60] =	vst v4  }
0x129: {  	v4 =	vld [tilespmem:s24+$0xFFFFFFE0];
	[tilespmem:s23+$0x40] =	vst v6  }
0x12a: {  	v6 =	vld [tilespmem:s24+$0xFFFFFFF0];
	[tilespmem:s23+$0x50] =	vst v7;
	s23 =	smov.u32 s24  }
0x12b: {  	v3 =	vld.idx.msk [tilespmem:v3+s8+$0x0], $0xffff  }
0x12c: {  	v7 =	vld [tilespmem:s24+$0xFFFFFF80]  }
0x12d: {  	v8 =	vld [tilespmem:s24+$0xFFFFFFA0]  }
0x12e: {  	v9 =	vld [tilespmem:s24+$0xFFFFFF90]  }
0x12f: {  	v10 =	vld [tilespmem:s24+$0xFFFFFFC0]  }
0x130: {  	v1 =	vld [tilespmem:s24+$0x10]  }
0x131: {  	v6 =	vmul.f32 v6, v3;
	v7 =	vmul.f32 v7, v3  }
0x132: {  	v4 =	vmul.f32 v4, v3;
	v8 =	vmul.f32 v8, v3  }
0x133: {  	v5 =	vmul.f32 v5, v3;
	v9 =	vmul.f32 v9, v3;
	[tilespmem:s24+$0xFFFFFFF0] =	vst v6  }
0x134: {  	v2 =	vmul.f32 v2, v3;
	[tilespmem:s24+$0xFFFFFF80] =	vst v7;
	v6 =	vmul.f32 v10, v3  }
0x135: {  	s9 =	sadd.s32 $0x1, s9;
	[tilespmem:s24+$0xFFFFFFA0] =	vst v8  }
0x136: {  	[tilespmem:s24+$0xFFFFFFB0] =	vst v5;
	v5 =	vmov s9  }
.Ltmp5:
0x137: {  	[tilespmem:s24+$0xFFFFFFD0] =	vst v2;
	(pc) =	sbr.rel @p3 .LBB2_21-.Ltmp5, $4  }
0x138: {  	[tilespmem:s24+$0xFFFFFF90] =	vst v9  }
0x139: {  	[tilespmem:s24+$0xFFFFFFE0] =	vst v4;
	v4 =	vld [tilespmem:s24+$0x30]  }
0x13a: {  	[tilespmem:s24+$0xFFFFFFC0] =	vst v6;
	v3 =	vld [tilespmem:s24+$0x70]  }
0x13b: {  	v2 =	vld.idx.msk [tilespmem:v5+s8+$0x0], $0xffff  }
0x13c: {  	_ =	sdelay $0x2  }
0x13d: {  	v5 =	vld [tilespmem:s23+$0x20]  }
0x13e: {  	v6 =	vld [tilespmem:s23+$0x60];
	v0 =	vmul.f32 v0, v2  }
0x13f: {  	v7 =	vld [tilespmem:s23+$0x40];
	v4 =	vmul.f32 v4, v2  }
0x140: {  	v8 =	vld [tilespmem:s23+$0x50];
	v1 =	vmul.f32 v1, v2;
	[tilespmem:s23+$0x0] =	vst v0  }
0x141: {  	[tilespmem:s23+$0x30] =	vst v4;
	v0 =	vmul.f32 v3, v2  }
0x142: {  	v3 =	vmul.f32 v5, v2;
	[tilespmem:s23+$0x10] =	vst v1  }
0x143: {  	v1 =	vmul.f32 v6, v2;
	[tilespmem:s23+$0x70] =	vst v0  }
0x144: {  	v0 =	vmul.f32 v7, v2;
	[tilespmem:s23+$0x20] =	vst v3  }
0x145: {  	v2 =	vmul.f32 v8, v2;
	[tilespmem:s23+$0x60] =	vst v1  }
0x146: {  	[tilespmem:s23+$0x40] =	vst v0  }
0x147: {  	s9 =	simm.s32 $0x19D80;
	s24 =	simm.s32 $0x16080;
	[tilespmem:s23+$0x50] =	vst v2  }
0x148: {  	[spmem:s2] =	stream.indirect.scatter.add.f32 [tilespmem:s24], [sflag:$0xD], $0x80, s9, s0, $0xb8;
	[tilespmem:$0x1A400] =	vst v63  }
0x149: {  	_ =	swait.ge [sflag:s18], $0x1400  }
0x14a: {  	p3 =	seq.s32 s14, $0x63;
	s9 =	rddreg [dreg:$0x10]  }
0x14b: {  	s9 =	sadd.s32 @!p3 s15, s9  }
0x14c: {  	s31 =	simm.s32 @!p3 $0x19C80;
	[sflag:s18] =	ssyncset.done $0x0;
	s9 =	sshrl.u32 @!p3 s9, $0x3  }
0x14d: {  	s24 =	simm.s32 @!p3 $0x0;
	[sflag:s18] =	ssyncadd.s32 $0xFFFFEC00;
	s23 =	sadd.s32 @!p3 s6, s9  }
0x14e: {  	[tilespmem:s31], [sflag:$0x6] =	stream.linear.gather @!p3 [hbm4b:s23+s24], $0x28, $0x38;
	[tilespmem:$0x1A400] =	vst v63  }
0x14f: {  	s23 =	sadd.s32 @!p3 s7, s9;
	s31 =	simm.s32 @!p3 $0x19F00  }
0x150: {  	[tilespmem:s31], [sflag:$0x6] =	stream.linear.gather @!p3 [hbm4b:s23+s24], $0x28, $0x38;
	[tilespmem:$0x1A400] =	vst v63  }
0x151: {  	s9 =	sadd.s32 @!p3 s1, s9;
	s23 =	simm.s32 @!p3 $0x1A180  }
0x152: {  	[tilespmem:s23], [sflag:$0x6] =	stream.linear.gather @!p3 [hbm4b:s9+s24], $0x28, $0x38;
	[tilespmem:$0x1A400] =	vst v63  }
0x153: {  	_ =	swait.ge [sflag:s19], $0x28  }
0x154: {  	[sflag:s19] =	ssyncset.done $0x0  }
0x155: {  	[sflag:s19] =	ssyncadd.s32 $0xFFFFFFD8  }
0x156: {  	_ =	swait.ge [sflag:s19], $0x28  }
0x157: {  	[sflag:s19] =	ssyncset.done $0x0  }
0x158: {  	s9 =	simm.s32 $0x0;
	[sflag:s19] =	ssyncadd.s32 $0xFFFFFFD8  }
0x159: {  	v0 =	vmov s9;
	_ =	swait.ge [sflag:s19], $0x28  }
0x15a: {  	v0 =	vand.u32 $0xFFFFFFFE, v0;
	[sflag:s19] =	ssyncset.done $0x0  }
0x15b: {  	s24 =	simm.s32 $0x1A100;
	v1 =	vbroadcast v0, $0x0;
	[sflag:s19] =	ssyncadd.s32 $0xFFFFFFD8  }
0x15c: {  	[tilespmem:s20], [sflag:$0x5] =	stream.indirect.gather [hbm4b:s5+s0], $0x80, s24, s0, $0xb8;
	[tilespmem:$0x1A400] =	vst v63  }
0x15d: {  	_ =	swait.ge [sflag:s21], $0x1400  }
0x15e: {  	[sflag:s21] =	ssyncset.done $0x0  }
0x15f: {  	s23 =	simm.s32 $0x17500;
	[sflag:s21] =	ssyncadd.s32 $0xFFFFEC00  }
0x160: {  	v4 =	vld [tilespmem:s23+$0xFFFFFFF0]  }
0x161: {  	v5 =	vld.idx.msk [tilespmem:v1+s16+$0x0], $0xffff  }
0x162: {  	v6 =	vld [tilespmem:s23+$0xFFFFFF80]  }
0x163: {  	v7 =	vld [tilespmem:s23+$0xFFFFFFA0]  }
0x164: {  	v3 =	vld [tilespmem:s23+$0xFFFFFFB0]  }
0x165: {  	v2 =	vld [tilespmem:s23+$0xFFFFFFD0]  }
0x166: {  	v9 =	vld [tilespmem:s23+$0xFFFFFF90];
	v4 =	vmul.f32 v4, v5  }
0x167: {  	v63 =	vld [tilespmem:s23+$0xFFFFFFE0];
	v6 =	vmul.f32 v6, v5  }
0x168: {  	v10 =	vld [tilespmem:s23+$0xFFFFFFC0];
	v7 =	vmul.f32 v7, v5;
	[tilespmem:s23+$0xFFFFFFF0] =	vst v4  }
0x169: {  	v3 =	vmul.f32 v3, v5;
	[tilespmem:s23+$0xFFFFFF80] =	vst v6  }
0x16a: {  	s24 =	simm.s32 $0x1;
	v2 =	vmul.f32 v2, v5;
	[tilespmem:s23+$0xFFFFFFA0] =	vst v7  }
0x16b: {  	v4 =	vmul.f32 v9, v5;
	[tilespmem:s23+$0xFFFFFFB0] =	vst v3;
	v6 =	vmov s24  }
0x16c: {  	v0 =	vld [tilespmem:s23+$0x0];
	v3 =	vmul.f32 v63, v5;
	[tilespmem:s23+$0xFFFFFFD0] =	vst v2  }
0x16d: {  	v1 =	vld [tilespmem:s23+$0x10];
	v2 =	vmul.f32 v10, v5;
	[tilespmem:s23+$0xFFFFFF90] =	vst v4  }
0x16e: {  	[tilespmem:s23+$0xFFFFFFE0] =	vst v3;
	v4 =	vld [tilespmem:s23+$0x30]  }
0x16f: {  	[tilespmem:s23+$0xFFFFFFC0] =	vst v2;
	v3 =	vld [tilespmem:s23+$0x70]  }
0x170: {  	s31 =	simm.s32 $0x2;
	s24 =	simm.s32 $0x17500;
	v2 =	vld.idx.msk [tilespmem:v6+s16+$0x0], $0xffff  }
.LBB2_23:
0x171: {  	p4 =	slt.u32 s31, $0x26  }
0x172: {  	v5 =	vld [tilespmem:s23+$0x20];
	s24 =	sadd.s32 $0x100, s24;
	s9 =	smov.u32 s31;
	s31 =	sadd.s32 $0x2, s31  }
0x173: {  	v6 =	vld [tilespmem:s23+$0x40]  }
0x174: {  	v7 =	vld [tilespmem:s23+$0x50]  }
0x175: {  	v8 =	vld [tilespmem:s23+$0x60];
	_ =	sdelay $0x1  }
0x176: {  	v0 =	vmul.f32 v0, v2;
	v1 =	vmul.f32 v1, v2  }
0x177: {  	v4 =	vmul.f32 v4, v2;
	v5 =	vmul.f32 v5, v2  }
0x178: {  	v9 =	vmov s9;
	v6 =	vmul.f32 v6, v2;
	[tilespmem:s23+$0x0] =	vst v0;
	v7 =	vmul.f32 v7, v2  }
0x179: {  	v9 =	vand.u32 $0xFFFFFFFE, v9;
	v0 =	vld [tilespmem:s24+$0x0];
	[tilespmem:s23+$0x30] =	vst v4;
	v4 =	vmul.f32 v8, v2;
	v2 =	vmul.f32 v3, v2  }
0x17a: {  	v3 =	vbroadcast v9, $0x0;
	[tilespmem:s23+$0x10] =	vst v1  }
0x17b: {  	[tilespmem:s23+$0x70] =	vst v2  }
0x17c: {  	v2 =	vld [tilespmem:s24+$0xFFFFFFD0];
	[tilespmem:s23+$0x20] =	vst v5  }
0x17d: {  	v5 =	vld [tilespmem:s24+$0xFFFFFFB0];
	[tilespmem:s23+$0x60] =	vst v4  }
0x17e: {  	v4 =	vld [tilespmem:s24+$0xFFFFFFE0];
	[tilespmem:s23+$0x40] =	vst v6  }
0x17f: {  	v6 =	vld [tilespmem:s24+$0xFFFFFFF0];
	[tilespmem:s23+$0x50] =	vst v7;
	s23 =	smov.u32 s24  }
0x180: {  	v3 =	vld.idx.msk [tilespmem:v3+s16+$0x0], $0xffff  }
0x181: {  	v7 =	vld [tilespmem:s24+$0xFFFFFF80]  }
0x182: {  	v8 =	vld [tilespmem:s24+$0xFFFFFFA0]  }
0x183: {  	v9 =	vld [tilespmem:s24+$0xFFFFFF90]  }
0x184: {  	v10 =	vld [tilespmem:s24+$0xFFFFFFC0]  }
0x185: {  	v1 =	vld [tilespmem:s24+$0x10]  }
0x186: {  	v6 =	vmul.f32 v6, v3;
	v7 =	vmul.f32 v7, v3  }
0x187: {  	v4 =	vmul.f32 v4, v3;
	v8 =	vmul.f32 v8, v3  }
0x188: {  	v5 =	vmul.f32 v5, v3;
	v9 =	vmul.f32 v9, v3;
	[tilespmem:s24+$0xFFFFFFF0] =	vst v6  }
0x189: {  	v2 =	vmul.f32 v2, v3;
	[tilespmem:s24+$0xFFFFFF80] =	vst v7;
	v6 =	vmul.f32 v10, v3  }
0x18a: {  	s9 =	sadd.s32 $0x1, s9;
	[tilespmem:s24+$0xFFFFFFA0] =	vst v8  }
0x18b: {  	[tilespmem:s24+$0xFFFFFFB0] =	vst v5;
	v5 =	vmov s9  }
.Ltmp6:
0x18c: {  	[tilespmem:s24+$0xFFFFFFD0] =	vst v2;
	(pc) =	sbr.rel @p4 .LBB2_23-.Ltmp6, $4  }
0x18d: {  	[tilespmem:s24+$0xFFFFFF90] =	vst v9  }
0x18e: {  	[tilespmem:s24+$0xFFFFFFE0] =	vst v4;
	v4 =	vld [tilespmem:s24+$0x30]  }
0x18f: {  	[tilespmem:s24+$0xFFFFFFC0] =	vst v6;
	v3 =	vld [tilespmem:s24+$0x70]  }
0x190: {  	v2 =	vld.idx.msk [tilespmem:v5+s16+$0x0], $0xffff  }
0x191: {  	_ =	sdelay $0x2  }
0x192: {  	v5 =	vld [tilespmem:s23+$0x20]  }
0x193: {  	v6 =	vld [tilespmem:s23+$0x60];
	v0 =	vmul.f32 v0, v2  }
0x194: {  	v7 =	vld [tilespmem:s23+$0x40];
	v4 =	vmul.f32 v4, v2  }
0x195: {  	v8 =	vld [tilespmem:s23+$0x50];
	v1 =	vmul.f32 v1, v2;
	[tilespmem:s23+$0x0] =	vst v0  }
0x196: {  	[tilespmem:s23+$0x30] =	vst v4;
	v0 =	vmul.f32 v3, v2  }
0x197: {  	v3 =	vmul.f32 v5, v2;
	[tilespmem:s23+$0x10] =	vst v1  }
0x198: {  	v1 =	vmul.f32 v6, v2;
	[tilespmem:s23+$0x70] =	vst v0  }
0x199: {  	v0 =	vmul.f32 v7, v2;
	[tilespmem:s23+$0x20] =	vst v3  }
0x19a: {  	v2 =	vmul.f32 v8, v2;
	[tilespmem:s23+$0x60] =	vst v1  }
0x19b: {  	[tilespmem:s23+$0x40] =	vst v0  }
0x19c: {  	s9 =	simm.s32 $0x19E00;
	s24 =	simm.s32 $0x17480;
	[tilespmem:s23+$0x50] =	vst v2  }
0x19d: {  	[spmem:s2] =	stream.indirect.scatter.add.f32 [tilespmem:s24], [sflag:$0xE], $0x80, s9, s0, $0xb8;
	[tilespmem:$0x1A400] =	vst v63  }
0x19e: {  	_ =	swait.ge [sflag:s10], $0x1400  }
0x19f: {  	s9 =	rddreg [dreg:$0x11]  }
0x1a0: {  	s9 =	sadd.s32 @!p3 s15, s9  }
0x1a1: {  	s23 =	simm.s32 @!p3 $0x0;
	[sflag:s10] =	ssyncset.done $0x0;
	s9 =	sshrl.u32 @!p3 s9, $0x3  }
0x1a2: {  	s24 =	simm.s32 @!p3 $0x19D00;
	[sflag:s10] =	ssyncadd.s32 $0xFFFFEC00;
	s15 =	sadd.s32 @!p3 s6, s9  }
0x1a3: {  	[tilespmem:s24], [sflag:$0x7] =	stream.linear.gather @!p3 [hbm4b:s15+s23], $0x28, $0x38;
	[tilespmem:$0x1A400] =	vst v63  }
0x1a4: {  	s15 =	sadd.s32 @!p3 s7, s9;
	s24 =	simm.s32 @!p3 $0x19F80  }
0x1a5: {  	[tilespmem:s24], [sflag:$0x7] =	stream.linear.gather @!p3 [hbm4b:s15+s23], $0x28, $0x38;
	[tilespmem:$0x1A400] =	vst v63  }
0x1a6: {  	s9 =	sadd.s32 @!p3 s1, s9;
	s15 =	simm.s32 @!p3 $0x1A200  }
0x1a7: {  	[tilespmem:s15], [sflag:$0x7] =	stream.linear.gather @!p3 [hbm4b:s9+s23], $0x28, $0x38;
	[tilespmem:$0x1A400] =	vst v63  }
0x1a8: {  	s9 =	simm.s32 @!p3 $0x6  }
0x1a9: {  	_ =	swait.ge @!p3 [sflag:s9], $0x28  }
0x1aa: {  	[sflag:s9] =	ssyncset.done @!p3 $0x0  }
0x1ab: {  	[sflag:s9] =	ssyncadd.s32 @!p3 $0xFFFFFFD8  }
0x1ac: {  	_ =	swait.ge @!p3 [sflag:s9], $0x28  }
0x1ad: {  	[sflag:s9] =	ssyncset.done @!p3 $0x0  }
0x1ae: {  	s31 =	simm.s32 $0x0;
	[sflag:s9] =	ssyncadd.s32 @!p3 $0xFFFFFFD8  }
0x1af: {  	v0 =	vmov s31;
	_ =	swait.ge @!p3 [sflag:s9], $0x28  }
0x1b0: {  	v0 =	vand.u32 $0xFFFFFFFE, v0;
	s15 =	simm.s32 @!p3 $0x19F00;
	[sflag:s9] =	ssyncset.done @!p3 $0x0  }
0x1b1: {  	v1 =	vbroadcast v0, $0x0;
	s23 =	simm.s32 @!p3 $0x13880;
	[sflag:s9] =	ssyncadd.s32 @!p3 $0xFFFFFFD8;
	s9 =	simm.s32 @!p3 $0x28  }
0x1b2: {  	[tilespmem:s23], [sflag:$0x1] =	stream.indirect.gather @!p3 [hbm4b:s5+s9], $0x80, s15, s9, $0xb8;
	[tilespmem:$0x1A400] =	vst v63  }
0x1b3: {  	_ =	swait.ge [sflag:s25], $0x1400  }
0x1b4: {  	[sflag:s25] =	ssyncset.done $0x0  }
0x1b5: {  	s15 =	simm.s32 $0x18900;
	[sflag:s25] =	ssyncadd.s32 $0xFFFFEC00  }
0x1b6: {  	v4 =	vld [tilespmem:s15+$0xFFFFFFF0]  }
0x1b7: {  	v5 =	vld.idx.msk [tilespmem:v1+s28+$0x0], $0xffff  }
0x1b8: {  	v6 =	vld [tilespmem:s15+$0xFFFFFF80]  }
0x1b9: {  	v7 =	vld [tilespmem:s15+$0xFFFFFFA0]  }
0x1ba: {  	v3 =	vld [tilespmem:s15+$0xFFFFFFB0]  }
0x1bb: {  	v2 =	vld [tilespmem:s15+$0xFFFFFFD0]  }
0x1bc: {  	v9 =	vld [tilespmem:s15+$0xFFFFFF90];
	v4 =	vmul.f32 v4, v5  }
0x1bd: {  	v63 =	vld [tilespmem:s15+$0xFFFFFFE0];
	v6 =	vmul.f32 v6, v5  }
0x1be: {  	v10 =	vld [tilespmem:s15+$0xFFFFFFC0];
	v7 =	vmul.f32 v7, v5;
	[tilespmem:s15+$0xFFFFFFF0] =	vst v4  }
0x1bf: {  	v3 =	vmul.f32 v3, v5;
	[tilespmem:s15+$0xFFFFFF80] =	vst v6  }
0x1c0: {  	s31 =	simm.s32 $0x1;
	v2 =	vmul.f32 v2, v5;
	[tilespmem:s15+$0xFFFFFFA0] =	vst v7  }
0x1c1: {  	v4 =	vmul.f32 v9, v5;
	[tilespmem:s15+$0xFFFFFFB0] =	vst v3;
	v6 =	vmov s31  }
0x1c2: {  	v0 =	vld [tilespmem:s15+$0x0];
	v3 =	vmul.f32 v63, v5;
	[tilespmem:s15+$0xFFFFFFD0] =	vst v2  }
0x1c3: {  	v1 =	vld [tilespmem:s15+$0x10];
	v2 =	vmul.f32 v10, v5;
	[tilespmem:s15+$0xFFFFFF90] =	vst v4  }
0x1c4: {  	[tilespmem:s15+$0xFFFFFFE0] =	vst v3;
	v4 =	vld [tilespmem:s15+$0x30]  }
0x1c5: {  	[tilespmem:s15+$0xFFFFFFC0] =	vst v2;
	v3 =	vld [tilespmem:s15+$0x70]  }
0x1c6: {  	s24 =	simm.s32 $0x18900;
	s23 =	simm.s32 $0x2;
	v2 =	vld.idx.msk [tilespmem:v6+s28+$0x0], $0xffff  }
.LBB2_25:
0x1c7: {  	p3 =	slt.u32 s23, $0x26  }
0x1c8: {  	v5 =	vld [tilespmem:s15+$0x20];
	s24 =	sadd.s32 $0x100, s24;
	s9 =	smov.u32 s23;
	s23 =	sadd.s32 $0x2, s23  }
0x1c9: {  	v6 =	vld [tilespmem:s15+$0x40]  }
0x1ca: {  	v7 =	vld [tilespmem:s15+$0x50]  }
0x1cb: {  	v8 =	vld [tilespmem:s15+$0x60];
	_ =	sdelay $0x1  }
0x1cc: {  	v0 =	vmul.f32 v0, v2;
	v1 =	vmul.f32 v1, v2  }
0x1cd: {  	v4 =	vmul.f32 v4, v2;
	v5 =	vmul.f32 v5, v2  }
0x1ce: {  	v9 =	vmov s9;
	v6 =	vmul.f32 v6, v2;
	[tilespmem:s15+$0x0] =	vst v0;
	v7 =	vmul.f32 v7, v2  }
0x1cf: {  	v9 =	vand.u32 $0xFFFFFFFE, v9;
	v0 =	vld [tilespmem:s24+$0x0];
	[tilespmem:s15+$0x30] =	vst v4;
	v4 =	vmul.f32 v8, v2;
	v2 =	vmul.f32 v3, v2  }
0x1d0: {  	v3 =	vbroadcast v9, $0x0;
	[tilespmem:s15+$0x10] =	vst v1  }
0x1d1: {  	[tilespmem:s15+$0x70] =	vst v2  }
0x1d2: {  	v2 =	vld [tilespmem:s24+$0xFFFFFFD0];
	[tilespmem:s15+$0x20] =	vst v5  }
0x1d3: {  	v5 =	vld [tilespmem:s24+$0xFFFFFFB0];
	[tilespmem:s15+$0x60] =	vst v4  }
0x1d4: {  	v4 =	vld [tilespmem:s24+$0xFFFFFFE0];
	[tilespmem:s15+$0x40] =	vst v6  }
0x1d5: {  	v6 =	vld [tilespmem:s24+$0xFFFFFFF0];
	[tilespmem:s15+$0x50] =	vst v7;
	s15 =	smov.u32 s24  }
0x1d6: {  	v3 =	vld.idx.msk [tilespmem:v3+s28+$0x0], $0xffff  }
0x1d7: {  	v7 =	vld [tilespmem:s24+$0xFFFFFF80]  }
0x1d8: {  	v8 =	vld [tilespmem:s24+$0xFFFFFFA0]  }
0x1d9: {  	v9 =	vld [tilespmem:s24+$0xFFFFFF90]  }
0x1da: {  	v10 =	vld [tilespmem:s24+$0xFFFFFFC0]  }
0x1db: {  	v1 =	vld [tilespmem:s24+$0x10]  }
0x1dc: {  	v6 =	vmul.f32 v6, v3;
	v7 =	vmul.f32 v7, v3  }
0x1dd: {  	v4 =	vmul.f32 v4, v3;
	v8 =	vmul.f32 v8, v3  }
0x1de: {  	v5 =	vmul.f32 v5, v3;
	v9 =	vmul.f32 v9, v3;
	[tilespmem:s24+$0xFFFFFFF0] =	vst v6  }
0x1df: {  	v2 =	vmul.f32 v2, v3;
	[tilespmem:s24+$0xFFFFFF80] =	vst v7;
	v6 =	vmul.f32 v10, v3  }
0x1e0: {  	s9 =	sadd.s32 $0x1, s9;
	[tilespmem:s24+$0xFFFFFFA0] =	vst v8  }
0x1e1: {  	[tilespmem:s24+$0xFFFFFFB0] =	vst v5;
	v5 =	vmov s9  }
.Ltmp7:
0x1e2: {  	[tilespmem:s24+$0xFFFFFFD0] =	vst v2;
	(pc) =	sbr.rel @p3 .LBB2_25-.Ltmp7, $4  }
0x1e3: {  	[tilespmem:s24+$0xFFFFFF90] =	vst v9  }
0x1e4: {  	[tilespmem:s24+$0xFFFFFFE0] =	vst v4;
	v4 =	vld [tilespmem:s24+$0x30]  }
0x1e5: {  	[tilespmem:s24+$0xFFFFFFC0] =	vst v6;
	v3 =	vld [tilespmem:s24+$0x70]  }
0x1e6: {  	v2 =	vld.idx.msk [tilespmem:v5+s28+$0x0], $0xffff  }
0x1e7: {  	_ =	sdelay $0x2  }
0x1e8: {  	v5 =	vld [tilespmem:s15+$0x20]  }
0x1e9: {  	v6 =	vld [tilespmem:s15+$0x60];
	v0 =	vmul.f32 v0, v2  }
0x1ea: {  	v7 =	vld [tilespmem:s15+$0x40];
	v4 =	vmul.f32 v4, v2  }
0x1eb: {  	v8 =	vld [tilespmem:s15+$0x50];
	v1 =	vmul.f32 v1, v2;
	[tilespmem:s15+$0x0] =	vst v0  }
0x1ec: {  	v59 =	vmul.f32 v3, v2;
	[tilespmem:s15+$0x30] =	vst v4  }
0x1ed: {  	s14 =	sadd.s32 $0x1, s14;
	v60 =	vmul.f32 v5, v2;
	[tilespmem:s15+$0x10] =	vst v1  }
0x1ee: {  	p3 =	sne.s32 s14, $0x64;
	v61 =	vmul.f32 v6, v2;
	[tilespmem:s15+$0x70] =	vst v59  }
.Ltmp8:
0x1ef: {  	v62 =	vmul.f32 v7, v2;
	[tilespmem:s15+$0x20] =	vst v60;
	(pc) =	sbr.rel @p3 .LBB2_16-.Ltmp8, $4  }
0x1f0: {  	v63 =	vmul.f32 v8, v2;
	[tilespmem:s15+$0x60] =	vst v61  }
0x1f1: {  	[tilespmem:s15+$0x40] =	vst v62  }
0x1f2: {  	s9 =	simm.s32 $0x19E80;
	[tilespmem:s15+$0x50] =	vst v63  }
0x1f3: {  	[spmem:s2] =	stream.indirect.scatter.add.f32 [tilespmem:s20], [sflag:$0xF], $0x80, s9, s0, $0xb8;
	[tilespmem:$0x1A400] =	vst v63  }
0x1f4: {  	s9 =	simm.s32 $0xD  }
0x1f5: {  	_ =	swait.ge [sflag:s9], $0x1400  }
0x1f6: {  	[sflag:s9] =	ssyncset.done $0x0  }
0x1f7: {  	s24 =	simm.s32 $0xE;
	[sflag:s9] =	ssyncadd.s32 $0xFFFFEC00  }
0x1f8: {  	_ =	swait.ge [sflag:s24], $0x1400  }
0x1f9: {  	[sflag:s24] =	ssyncset.done $0x0  }
0x1fa: {  	s31 =	simm.s32 $0xF;
	[sflag:s24] =	ssyncadd.s32 $0xFFFFEC00  }
0x1fb: {  	_ =	swait.ge [sflag:s31], $0x1400  }
.Ltmp9:
0x1fc: {  	[sflag:s31] =	ssyncset.done $0x0;
	(pc) =	sbr.rel @p1 .LBB2_29-.Ltmp9, $4  }
.Ltmp10:
0x1fd: {  	[sflag:s31] =	ssyncadd.s32 $0xFFFFEC00;
	(pc) =	sbr.rel @!p1 .LBB2_28-.Ltmp10, $4  }
0x1fe: {  	[bflag:$0x0] =	sbarrier.arrive $0xFFFF  }
0x1ff: {  	s9 =	rddreg [dreg:$0x6]  }
0x200: {  	s23 =	rddreg [dreg:$0x14]  }
0x201: {  	_ = 	snop  }
.LBB2_2:
0x202: {  	[tilespmem:s9], [sflag:$0x1] =	stream.indirect.gather [hbm4b:s4+s0], $0x80, s15, s0, $0xb8;
	[tilespmem:$0x1A400] =	vst v63  }
0x203: {  	s12 =	simm.s32 $0x0;
	s14 =	simm.s32 $0x0  }
.LBB2_3:
0x204: {  	p3 =	seq.s32 s14, $0x0  }
0x205: {  	s9 =	simm.s32 @!p3 $0xD  }
0x206: {  	s15 =	smul.u32 $0xC8, s14;
	_ =	swait.ge @!p3 [sflag:s9], $0x1400  }
0x207: {  	s23 =	rddreg [dreg:$0xd]  }
0x208: {  	s23 =	sadd.s32 s15, s23  }
0x209: {  	[sflag:s9] =	ssyncset.done @!p3 $0x0;
	s23 =	sshrl.u32 s23, $0x3  }
0x20a: {  	s24 =	simm.s32 $0x19D80;
	[sflag:s9] =	ssyncadd.s32 @!p3 $0xFFFFEC00;
	s9 =	sadd.s32 s6, s23  }
0x20b: {  	[tilespmem:s24], [sflag:$0x8] =	stream.linear.gather [hbm4b:s9+s12], $0x28, $0x38;
	[tilespmem:$0x1A400] =	vst v63  }
0x20c: {  	s9 =	sadd.s32 s7, s23;
	s24 =	simm.s32 $0x1A000  }
0x20d: {  	[tilespmem:s24], [sflag:$0x8] =	stream.linear.gather [hbm4b:s9+s12], $0x28, $0x38;
	[tilespmem:$0x1A400] =	vst v63  }
0x20e: {  	s24 =	sadd.s32 s1, s23  }
0x20f: {  	[tilespmem:s8], [sflag:$0x8] =	stream.linear.gather [hbm4b:s24+s12], $0x28, $0x38;
	[tilespmem:$0x1A400] =	vst v63  }
0x210: {  	_ =	swait.ge [sflag:s11], $0x28  }
0x211: {  	[sflag:s11] =	ssyncset.done $0x0  }
0x212: {  	[sflag:s11] =	ssyncadd.s32 $0xFFFFFFD8  }
0x213: {  	_ =	swait.ge [sflag:s11], $0x28  }
0x214: {  	[sflag:s11] =	ssyncset.done $0x0  }
0x215: {  	[sflag:s11] =	ssyncadd.s32 $0xFFFFFFD8  }
0x216: {  	v0 =	vmov s12;
	_ =	swait.ge [sflag:s11], $0x28  }
0x217: {  	v0 =	vand.u32 $0xFFFFFFFE, v0;
	[sflag:s11] =	ssyncset.done $0x0  }
0x218: {  	v1 =	vbroadcast v0, $0x0;
	s23 =	simm.s32 $0x19F80;
	s24 =	simm.s32 $0x14C80;
	[sflag:s11] =	ssyncadd.s32 $0xFFFFFFD8  }
0x219: {  	[tilespmem:s24], [sflag:$0x2] =	stream.indirect.gather [hbm4b:s4+s0], $0x80, s23, s0, $0xb8;
	[tilespmem:$0x1A400] =	vst v63  }
0x21a: {  	_ =	swait.ge [sflag:s13], $0x1400  }
0x21b: {  	[sflag:s13] =	ssyncset.done $0x0  }
0x21c: {  	s23 =	simm.s32 $0x13900;
	[sflag:s13] =	ssyncadd.s32 $0xFFFFEC00  }
0x21d: {  	v4 =	vld [tilespmem:s23+$0xFFFFFFF0]  }
0x21e: {  	v5 =	vld.idx.msk [tilespmem:v1+s26+$0x0], $0xffff  }
0x21f: {  	v6 =	vld [tilespmem:s23+$0xFFFFFF80]  }
0x220: {  	v7 =	vld [tilespmem:s23+$0xFFFFFFA0]  }
0x221: {  	v3 =	vld [tilespmem:s23+$0xFFFFFFB0]  }
0x222: {  	v2 =	vld [tilespmem:s23+$0xFFFFFFD0]  }
0x223: {  	v9 =	vld [tilespmem:s23+$0xFFFFFF90];
	v4 =	vmul.f32 v4, v5  }
0x224: {  	v8 =	vld [tilespmem:s23+$0xFFFFFFE0];
	v6 =	vmul.f32 v6, v5  }
0x225: {  	v10 =	vld [tilespmem:s23+$0xFFFFFFC0];
	v7 =	vmul.f32 v7, v5;
	[tilespmem:s23+$0xFFFFFFF0] =	vst v4  }
0x226: {  	v3 =	vmul.f32 v3, v5;
	[tilespmem:s23+$0xFFFFFF80] =	vst v6  }
0x227: {  	s24 =	simm.s32 $0x1;
	v2 =	vmul.f32 v2, v5;
	[tilespmem:s23+$0xFFFFFFA0] =	vst v7  }
0x228: {  	v4 =	vmul.f32 v9, v5;
	[tilespmem:s23+$0xFFFFFFB0] =	vst v3;
	v6 =	vmov s24  }
0x229: {  	v0 =	vld [tilespmem:s23+$0x0];
	v3 =	vmul.f32 v8, v5;
	[tilespmem:s23+$0xFFFFFFD0] =	vst v2  }
0x22a: {  	v1 =	vld [tilespmem:s23+$0x10];
	v2 =	vmul.f32 v10, v5;
	[tilespmem:s23+$0xFFFFFF90] =	vst v4  }
0x22b: {  	[tilespmem:s23+$0xFFFFFFE0] =	vst v3;
	v4 =	vld [tilespmem:s23+$0x30]  }
0x22c: {  	[tilespmem:s23+$0xFFFFFFC0] =	vst v2;
	v3 =	vld [tilespmem:s23+$0x70]  }
0x22d: {  	s31 =	simm.s32 $0x2;
	s24 =	simm.s32 $0x13900;
	v2 =	vld.idx.msk [tilespmem:v6+s26+$0x0], $0xffff  }
.LBB2_4:
0x22e: {  	p4 =	slt.u32 s31, $0x26  }
0x22f: {  	v5 =	vld [tilespmem:s23+$0x20];
	s24 =	sadd.s32 $0x100, s24;
	s9 =	smov.u32 s31;
	s31 =	sadd.s32 $0x2, s31  }
0x230: {  	v6 =	vld [tilespmem:s23+$0x40]  }
0x231: {  	v7 =	vld [tilespmem:s23+$0x50]  }
0x232: {  	v8 =	vld [tilespmem:s23+$0x60];
	_ =	sdelay $0x1  }
0x233: {  	v0 =	vmul.f32 v0, v2;
	v1 =	vmul.f32 v1, v2  }
0x234: {  	v4 =	vmul.f32 v4, v2;
	v5 =	vmul.f32 v5, v2  }
0x235: {  	v9 =	vmov s9;
	v6 =	vmul.f32 v6, v2;
	[tilespmem:s23+$0x0] =	vst v0;
	v7 =	vmul.f32 v7, v2  }
0x236: {  	v9 =	vand.u32 $0xFFFFFFFE, v9;
	v0 =	vld [tilespmem:s24+$0x0];
	[tilespmem:s23+$0x30] =	vst v4;
	v4 =	vmul.f32 v8, v2;
	v2 =	vmul.f32 v3, v2  }
0x237: {  	v3 =	vbroadcast v9, $0x0;
	[tilespmem:s23+$0x10] =	vst v1  }
0x238: {  	[tilespmem:s23+$0x70] =	vst v2  }
0x239: {  	v2 =	vld [tilespmem:s24+$0xFFFFFFD0];
	[tilespmem:s23+$0x20] =	vst v5  }
0x23a: {  	v5 =	vld [tilespmem:s24+$0xFFFFFFB0];
	[tilespmem:s23+$0x60] =	vst v4  }
0x23b: {  	v4 =	vld [tilespmem:s24+$0xFFFFFFE0];
	[tilespmem:s23+$0x40] =	vst v6  }
0x23c: {  	v6 =	vld [tilespmem:s24+$0xFFFFFFF0];
	[tilespmem:s23+$0x50] =	vst v7;
	s23 =	smov.u32 s24  }
0x23d: {  	v3 =	vld.idx.msk [tilespmem:v3+s26+$0x0], $0xffff  }
0x23e: {  	v7 =	vld [tilespmem:s24+$0xFFFFFF80]  }
0x23f: {  	v8 =	vld [tilespmem:s24+$0xFFFFFFA0]  }
0x240: {  	v9 =	vld [tilespmem:s24+$0xFFFFFF90]  }
0x241: {  	v10 =	vld [tilespmem:s24+$0xFFFFFFC0]  }
0x242: {  	v1 =	vld [tilespmem:s24+$0x10]  }
0x243: {  	v6 =	vmul.f32 v6, v3;
	v7 =	vmul.f32 v7, v3  }
0x244: {  	v4 =	vmul.f32 v4, v3;
	v8 =	vmul.f32 v8, v3  }
0x245: {  	v5 =	vmul.f32 v5, v3;
	v9 =	vmul.f32 v9, v3;
	[tilespmem:s24+$0xFFFFFFF0] =	vst v6  }
0x246: {  	v2 =	vmul.f32 v2, v3;
	[tilespmem:s24+$0xFFFFFF80] =	vst v7;
	v6 =	vmul.f32 v10, v3  }
0x247: {  	s9 =	sadd.s32 $0x1, s9;
	[tilespmem:s24+$0xFFFFFFA0] =	vst v8  }
0x248: {  	[tilespmem:s24+$0xFFFFFFB0] =	vst v5;
	v5 =	vmov s9  }
.Ltmp11:
0x249: {  	[tilespmem:s24+$0xFFFFFFD0] =	vst v2;
	(pc) =	sbr.rel @p4 .LBB2_4-.Ltmp11, $4  }
0x24a: {  	[tilespmem:s24+$0xFFFFFF90] =	vst v9  }
0x24b: {  	[tilespmem:s24+$0xFFFFFFE0] =	vst v4;
	v4 =	vld [tilespmem:s24+$0x30]  }
0x24c: {  	[tilespmem:s24+$0xFFFFFFC0] =	vst v6;
	v3 =	vld [tilespmem:s24+$0x70]  }
0x24d: {  	v2 =	vld.idx.msk [tilespmem:v5+s26+$0x0], $0xffff  }
0x24e: {  	_ =	sdelay $0x2  }
0x24f: {  	v5 =	vld [tilespmem:s23+$0x20]  }
0x250: {  	v6 =	vld [tilespmem:s23+$0x60];
	v0 =	vmul.f32 v0, v2  }
0x251: {  	v7 =	vld [tilespmem:s23+$0x40];
	v4 =	vmul.f32 v4, v2  }
0x252: {  	v8 =	vld [tilespmem:s23+$0x50];
	v1 =	vmul.f32 v1, v2;
	[tilespmem:s23+$0x0] =	vst v0  }
0x253: {  	[tilespmem:s23+$0x30] =	vst v4;
	v0 =	vmul.f32 v3, v2  }
0x254: {  	v3 =	vmul.f32 v5, v2;
	[tilespmem:s23+$0x10] =	vst v1  }
0x255: {  	v1 =	vmul.f32 v6, v2;
	[tilespmem:s23+$0x70] =	vst v0  }
0x256: {  	v0 =	vmul.f32 v7, v2;
	[tilespmem:s23+$0x20] =	vst v3  }
0x257: {  	v2 =	vmul.f32 v8, v2;
	[tilespmem:s23+$0x60] =	vst v1  }
0x258: {  	[tilespmem:s23+$0x40] =	vst v0  }
0x259: {  	s9 =	simm.s32 $0x19C80;
	s24 =	simm.s32 $0x13880;
	[tilespmem:s23+$0x50] =	vst v2  }
0x25a: {  	[spmem:s2] =	stream.indirect.scatter.add.f32 [tilespmem:s24], [sflag:$0xB], $0x80, s9, s0, $0xb8;
	[tilespmem:$0x1A400] =	vst v63  }
0x25b: {  	s9 =	simm.s32 @!p3 $0xE  }
0x25c: {  	_ =	swait.ge @!p3 [sflag:s9], $0x1400  }
0x25d: {  	s24 =	rddreg [dreg:$0xe]  }
0x25e: {  	s23 =	sadd.s32 s15, s24  }
0x25f: {  	s31 =	simm.s32 $0x19E00;
	[sflag:s9] =	ssyncset.done @!p3 $0x0;
	s23 =	sshrl.u32 s23, $0x3  }
0x260: {  	[sflag:s9] =	ssyncadd.s32 @!p3 $0xFFFFEC00;
	s24 =	simm.s32 $0x0;
	s9 =	sadd.s32 s6, s23  }
0x261: {  	[tilespmem:s31], [sflag:$0x9] =	stream.linear.gather [hbm4b:s9+s24], $0x28, $0x38;
	[tilespmem:$0x1A400] =	vst v63  }
0x262: {  	s9 =	sadd.s32 s7, s23;
	s31 =	simm.s32 $0x1A080  }
0x263: {  	[tilespmem:s31], [sflag:$0x9] =	stream.linear.gather [hbm4b:s9+s24], $0x28, $0x38;
	[tilespmem:$0x1A400] =	vst v63  }
0x264: {  	s23 =	sadd.s32 s1, s23  }
0x265: {  	[tilespmem:s16], [sflag:$0x9] =	stream.linear.gather [hbm4b:s23+s24], $0x28, $0x38;
	[tilespmem:$0x1A400] =	vst v63  }
0x266: {  	_ =	swait.ge [sflag:s22], $0x28  }
0x267: {  	[sflag:s22] =	ssyncset.done $0x0  }
0x268: {  	[sflag:s22] =	ssyncadd.s32 $0xFFFFFFD8  }
0x269: {  	_ =	swait.ge [sflag:s22], $0x28  }
0x26a: {  	[sflag:s22] =	ssyncset.done $0x0  }
0x26b: {  	[sflag:s22] =	ssyncadd.s32 $0xFFFFFFD8  }
0x26c: {  	v0 =	vmov s24;
	_ =	swait.ge [sflag:s22], $0x28  }
0x26d: {  	v0 =	vand.u32 $0xFFFFFFFE, v0;
	[sflag:s22] =	ssyncset.done $0x0  }
0x26e: {  	v1 =	vbroadcast v0, $0x0;
	s9 =	simm.s32 $0x1A000;
	s23 =	simm.s32 $0x16080;
	[sflag:s22] =	ssyncadd.s32 $0xFFFFFFD8  }
0x26f: {  	[tilespmem:s23], [sflag:$0x3] =	stream.indirect.gather [hbm4b:s4+s0], $0x80, s9, s0, $0xb8;
	[tilespmem:$0x1A400] =	vst v63  }
0x270: {  	_ =	swait.ge [sflag:s3], $0x1400  }
0x271: {  	[sflag:s3] =	ssyncset.done $0x0  }
0x272: {  	s23 =	simm.s32 $0x14D00;
	[sflag:s3] =	ssyncadd.s32 $0xFFFFEC00  }
0x273: {  	v4 =	vld [tilespmem:s23+$0xFFFFFFF0]  }
0x274: {  	v5 =	vld.idx.msk [tilespmem:v1+s30+$0x0], $0xffff  }
0x275: {  	v6 =	vld [tilespmem:s23+$0xFFFFFF80]  }
0x276: {  	v7 =	vld [tilespmem:s23+$0xFFFFFFA0]  }
0x277: {  	v3 =	vld [tilespmem:s23+$0xFFFFFFB0]  }
0x278: {  	v2 =	vld [tilespmem:s23+$0xFFFFFFD0]  }
0x279: {  	v9 =	vld [tilespmem:s23+$0xFFFFFF90];
	v4 =	vmul.f32 v4, v5  }
0x27a: {  	v63 =	vld [tilespmem:s23+$0xFFFFFFE0];
	v6 =	vmul.f32 v6, v5  }
0x27b: {  	v10 =	vld [tilespmem:s23+$0xFFFFFFC0];
	v7 =	vmul.f32 v7, v5;
	[tilespmem:s23+$0xFFFFFFF0] =	vst v4  }
0x27c: {  	v3 =	vmul.f32 v3, v5;
	[tilespmem:s23+$0xFFFFFF80] =	vst v6  }
0x27d: {  	s24 =	simm.s32 $0x1;
	v2 =	vmul.f32 v2, v5;
	[tilespmem:s23+$0xFFFFFFA0] =	vst v7  }
0x27e: {  	v4 =	vmul.f32 v9, v5;
	[tilespmem:s23+$0xFFFFFFB0] =	vst v3;
	v6 =	vmov s24  }
0x27f: {  	v0 =	vld [tilespmem:s23+$0x0];
	v3 =	vmul.f32 v63, v5;
	[tilespmem:s23+$0xFFFFFFD0] =	vst v2  }
0x280: {  	v1 =	vld [tilespmem:s23+$0x10];
	v2 =	vmul.f32 v10, v5;
	[tilespmem:s23+$0xFFFFFF90] =	vst v4  }
0x281: {  	[tilespmem:s23+$0xFFFFFFE0] =	vst v3;
	v4 =	vld [tilespmem:s23+$0x30]  }
0x282: {  	[tilespmem:s23+$0xFFFFFFC0] =	vst v2;
	v3 =	vld [tilespmem:s23+$0x70]  }
0x283: {  	s31 =	simm.s32 $0x2;
	s24 =	simm.s32 $0x14D00;
	v2 =	vld.idx.msk [tilespmem:v6+s30+$0x0], $0xffff  }
.LBB2_6:
0x284: {  	p4 =	slt.u32 s31, $0x26  }
0x285: {  	v5 =	vld [tilespmem:s23+$0x20];
	s24 =	sadd.s32 $0x100, s24;
	s9 =	smov.u32 s31;
	s31 =	sadd.s32 $0x2, s31  }
0x286: {  	v6 =	vld [tilespmem:s23+$0x40]  }
0x287: {  	v7 =	vld [tilespmem:s23+$0x50]  }
0x288: {  	v8 =	vld [tilespmem:s23+$0x60];
	_ =	sdelay $0x1  }
0x289: {  	v0 =	vmul.f32 v0, v2;
	v1 =	vmul.f32 v1, v2  }
0x28a: {  	v4 =	vmul.f32 v4, v2;
	v5 =	vmul.f32 v5, v2  }
0x28b: {  	v9 =	vmov s9;
	v6 =	vmul.f32 v6, v2;
	[tilespmem:s23+$0x0] =	vst v0;
	v7 =	vmul.f32 v7, v2  }
0x28c: {  	v9 =	vand.u32 $0xFFFFFFFE, v9;
	v0 =	vld [tilespmem:s24+$0x0];
	[tilespmem:s23+$0x30] =	vst v4;
	v4 =	vmul.f32 v8, v2;
	v2 =	vmul.f32 v3, v2  }
0x28d: {  	v3 =	vbroadcast v9, $0x0;
	[tilespmem:s23+$0x10] =	vst v1  }
0x28e: {  	[tilespmem:s23+$0x70] =	vst v2  }
0x28f: {  	v2 =	vld [tilespmem:s24+$0xFFFFFFD0];
	[tilespmem:s23+$0x20] =	vst v5  }
0x290: {  	v5 =	vld [tilespmem:s24+$0xFFFFFFB0];
	[tilespmem:s23+$0x60] =	vst v4  }
0x291: {  	v4 =	vld [tilespmem:s24+$0xFFFFFFE0];
	[tilespmem:s23+$0x40] =	vst v6  }
0x292: {  	v6 =	vld [tilespmem:s24+$0xFFFFFFF0];
	[tilespmem:s23+$0x50] =	vst v7;
	s23 =	smov.u32 s24  }
0x293: {  	v3 =	vld.idx.msk [tilespmem:v3+s30+$0x0], $0xffff  }
0x294: {  	v7 =	vld [tilespmem:s24+$0xFFFFFF80]  }
0x295: {  	v8 =	vld [tilespmem:s24+$0xFFFFFFA0]  }
0x296: {  	v9 =	vld [tilespmem:s24+$0xFFFFFF90]  }
0x297: {  	v10 =	vld [tilespmem:s24+$0xFFFFFFC0]  }
0x298: {  	v1 =	vld [tilespmem:s24+$0x10]  }
0x299: {  	v6 =	vmul.f32 v6, v3;
	v7 =	vmul.f32 v7, v3  }
0x29a: {  	v4 =	vmul.f32 v4, v3;
	v8 =	vmul.f32 v8, v3  }
0x29b: {  	v5 =	vmul.f32 v5, v3;
	v9 =	vmul.f32 v9, v3;
	[tilespmem:s24+$0xFFFFFFF0] =	vst v6  }
0x29c: {  	v2 =	vmul.f32 v2, v3;
	[tilespmem:s24+$0xFFFFFF80] =	vst v7;
	v6 =	vmul.f32 v10, v3  }
0x29d: {  	s9 =	sadd.s32 $0x1, s9;
	[tilespmem:s24+$0xFFFFFFA0] =	vst v8  }
0x29e: {  	[tilespmem:s24+$0xFFFFFFB0] =	vst v5;
	v5 =	vmov s9  }
.Ltmp12:
0x29f: {  	[tilespmem:s24+$0xFFFFFFD0] =	vst v2;
	(pc) =	sbr.rel @p4 .LBB2_6-.Ltmp12, $4  }
0x2a0: {  	[tilespmem:s24+$0xFFFFFF90] =	vst v9  }
0x2a1: {  	[tilespmem:s24+$0xFFFFFFE0] =	vst v4;
	v4 =	vld [tilespmem:s24+$0x30]  }
0x2a2: {  	[tilespmem:s24+$0xFFFFFFC0] =	vst v6;
	v3 =	vld [tilespmem:s24+$0x70]  }
0x2a3: {  	v2 =	vld.idx.msk [tilespmem:v5+s30+$0x0], $0xffff  }
0x2a4: {  	_ =	sdelay $0x2  }
0x2a5: {  	v5 =	vld [tilespmem:s23+$0x20]  }
0x2a6: {  	v6 =	vld [tilespmem:s23+$0x60];
	v0 =	vmul.f32 v0, v2  }
0x2a7: {  	v7 =	vld [tilespmem:s23+$0x40];
	v4 =	vmul.f32 v4, v2  }
0x2a8: {  	v8 =	vld [tilespmem:s23+$0x50];
	v1 =	vmul.f32 v1, v2;
	[tilespmem:s23+$0x0] =	vst v0  }
0x2a9: {  	[tilespmem:s23+$0x30] =	vst v4;
	v0 =	vmul.f32 v3, v2  }
0x2aa: {  	v3 =	vmul.f32 v5, v2;
	[tilespmem:s23+$0x10] =	vst v1  }
0x2ab: {  	v1 =	vmul.f32 v6, v2;
	[tilespmem:s23+$0x70] =	vst v0  }
0x2ac: {  	v0 =	vmul.f32 v7, v2;
	[tilespmem:s23+$0x20] =	vst v3  }
0x2ad: {  	v2 =	vmul.f32 v8, v2;
	[tilespmem:s23+$0x60] =	vst v1  }
0x2ae: {  	[tilespmem:s23+$0x40] =	vst v0  }
0x2af: {  	s9 =	simm.s32 $0x19D00;
	s24 =	simm.s32 $0x14C80;
	[tilespmem:s23+$0x50] =	vst v2  }
0x2b0: {  	[spmem:s2] =	stream.indirect.scatter.add.f32 [tilespmem:s24], [sflag:$0xC], $0x80, s9, s0, $0xb8;
	[tilespmem:$0x1A400] =	vst v63  }
0x2b1: {  	s9 =	simm.s32 @!p3 $0xF  }
0x2b2: {  	_ =	swait.ge @!p3 [sflag:s9], $0x1400  }
0x2b3: {  	s24 =	rddreg [dreg:$0xf]  }
0x2b4: {  	s23 =	sadd.s32 s15, s24  }
0x2b5: {  	s31 =	simm.s32 $0x19E80;
	[sflag:s9] =	ssyncset.done @!p3 $0x0;
	s23 =	sshrl.u32 s23, $0x3  }
0x2b6: {  	[sflag:s9] =	ssyncadd.s32 @!p3 $0xFFFFEC00;
	s24 =	simm.s32 $0x0;
	s9 =	sadd.s32 s6, s23  }
0x2b7: {  	[tilespmem:s31], [sflag:$0xA] =	stream.linear.gather [hbm4b:s9+s24], $0x28, $0x38;
	[tilespmem:$0x1A400] =	vst v63  }
0x2b8: {  	s9 =	sadd.s32 s7, s23;
	s31 =	simm.s32 $0x1A100  }
0x2b9: {  	[tilespmem:s31], [sflag:$0xA] =	stream.linear.gather [hbm4b:s9+s24], $0x28, $0x38;
	[tilespmem:$0x1A400] =	vst v63  }
0x2ba: {  	s23 =	sadd.s32 s1, s23  }
0x2bb: {  	[tilespmem:s28], [sflag:$0xA] =	stream.linear.gather [hbm4b:s23+s24], $0x28, $0x38;
	[tilespmem:$0x1A400] =	vst v63  }
0x2bc: {  	_ =	swait.ge [sflag:s29], $0x28  }
0x2bd: {  	[sflag:s29] =	ssyncset.done $0x0  }
0x2be: {  	[sflag:s29] =	ssyncadd.s32 $0xFFFFFFD8  }
0x2bf: {  	_ =	swait.ge [sflag:s29], $0x28  }
0x2c0: {  	[sflag:s29] =	ssyncset.done $0x0  }
0x2c1: {  	[sflag:s29] =	ssyncadd.s32 $0xFFFFFFD8  }
0x2c2: {  	v0 =	vmov s24;
	_ =	swait.ge [sflag:s29], $0x28  }
0x2c3: {  	v0 =	vand.u32 $0xFFFFFFFE, v0;
	[sflag:s29] =	ssyncset.done $0x0  }
0x2c4: {  	v1 =	vbroadcast v0, $0x0;
	s9 =	simm.s32 $0x1A080;
	s23 =	simm.s32 $0x17480;
	[sflag:s29] =	ssyncadd.s32 $0xFFFFFFD8  }
0x2c5: {  	[tilespmem:s23], [sflag:$0x4] =	stream.indirect.gather [hbm4b:s4+s0], $0x80, s9, s0, $0xb8;
	[tilespmem:$0x1A400] =	vst v63  }
0x2c6: {  	_ =	swait.ge [sflag:s17], $0x1400  }
0x2c7: {  	[sflag:s17] =	ssyncset.done $0x0  }
0x2c8: {  	s23 =	simm.s32 $0x16100;
	[sflag:s17] =	ssyncadd.s32 $0xFFFFEC00  }
0x2c9: {  	v4 =	vld [tilespmem:s23+$0xFFFFFFF0]  }
0x2ca: {  	v5 =	vld.idx.msk [tilespmem:v1+s8+$0x0], $0xffff  }
0x2cb: {  	v6 =	vld [tilespmem:s23+$0xFFFFFF80]  }
0x2cc: {  	v7 =	vld [tilespmem:s23+$0xFFFFFFA0]  }
0x2cd: {  	v3 =	vld [tilespmem:s23+$0xFFFFFFB0]  }
0x2ce: {  	v2 =	vld [tilespmem:s23+$0xFFFFFFD0]  }
0x2cf: {  	v9 =	vld [tilespmem:s23+$0xFFFFFF90];
	v4 =	vmul.f32 v4, v5  }
0x2d0: {  	v63 =	vld [tilespmem:s23+$0xFFFFFFE0];
	v6 =	vmul.f32 v6, v5  }
0x2d1: {  	v10 =	vld [tilespmem:s23+$0xFFFFFFC0];
	v7 =	vmul.f32 v7, v5;
	[tilespmem:s23+$0xFFFFFFF0] =	vst v4  }
0x2d2: {  	v3 =	vmul.f32 v3, v5;
	[tilespmem:s23+$0xFFFFFF80] =	vst v6  }
0x2d3: {  	s24 =	simm.s32 $0x1;
	v2 =	vmul.f32 v2, v5;
	[tilespmem:s23+$0xFFFFFFA0] =	vst v7  }
0x2d4: {  	v4 =	vmul.f32 v9, v5;
	[tilespmem:s23+$0xFFFFFFB0] =	vst v3;
	v6 =	vmov s24  }
0x2d5: {  	v0 =	vld [tilespmem:s23+$0x0];
	v3 =	vmul.f32 v63, v5;
	[tilespmem:s23+$0xFFFFFFD0] =	vst v2  }
0x2d6: {  	v1 =	vld [tilespmem:s23+$0x10];
	v2 =	vmul.f32 v10, v5;
	[tilespmem:s23+$0xFFFFFF90] =	vst v4  }
0x2d7: {  	[tilespmem:s23+$0xFFFFFFE0] =	vst v3;
	v4 =	vld [tilespmem:s23+$0x30]  }
0x2d8: {  	[tilespmem:s23+$0xFFFFFFC0] =	vst v2;
	v3 =	vld [tilespmem:s23+$0x70]  }
0x2d9: {  	s31 =	simm.s32 $0x2;
	s24 =	simm.s32 $0x16100;
	v2 =	vld.idx.msk [tilespmem:v6+s8+$0x0], $0xffff  }
.LBB2_8:
0x2da: {  	p3 =	slt.u32 s31, $0x26  }
0x2db: {  	v5 =	vld [tilespmem:s23+$0x20];
	s24 =	sadd.s32 $0x100, s24;
	s9 =	smov.u32 s31;
	s31 =	sadd.s32 $0x2, s31  }
0x2dc: {  	v6 =	vld [tilespmem:s23+$0x40]  }
0x2dd: {  	v7 =	vld [tilespmem:s23+$0x50]  }
0x2de: {  	v8 =	vld [tilespmem:s23+$0x60];
	_ =	sdelay $0x1  }
0x2df: {  	v0 =	vmul.f32 v0, v2;
	v1 =	vmul.f32 v1, v2  }
0x2e0: {  	v4 =	vmul.f32 v4, v2;
	v5 =	vmul.f32 v5, v2  }
0x2e1: {  	v9 =	vmov s9;
	v6 =	vmul.f32 v6, v2;
	[tilespmem:s23+$0x0] =	vst v0;
	v7 =	vmul.f32 v7, v2  }
0x2e2: {  	v9 =	vand.u32 $0xFFFFFFFE, v9;
	v0 =	vld [tilespmem:s24+$0x0];
	[tilespmem:s23+$0x30] =	vst v4;
	v4 =	vmul.f32 v8, v2;
	v2 =	vmul.f32 v3, v2  }
0x2e3: {  	v3 =	vbroadcast v9, $0x0;
	[tilespmem:s23+$0x10] =	vst v1  }
0x2e4: {  	[tilespmem:s23+$0x70] =	vst v2  }
0x2e5: {  	v2 =	vld [tilespmem:s24+$0xFFFFFFD0];
	[tilespmem:s23+$0x20] =	vst v5  }
0x2e6: {  	v5 =	vld [tilespmem:s24+$0xFFFFFFB0];
	[tilespmem:s23+$0x60] =	vst v4  }
0x2e7: {  	v4 =	vld [tilespmem:s24+$0xFFFFFFE0];
	[tilespmem:s23+$0x40] =	vst v6  }
0x2e8: {  	v6 =	vld [tilespmem:s24+$0xFFFFFFF0];
	[tilespmem:s23+$0x50] =	vst v7;
	s23 =	smov.u32 s24  }
0x2e9: {  	v3 =	vld.idx.msk [tilespmem:v3+s8+$0x0], $0xffff  }
0x2ea: {  	v7 =	vld [tilespmem:s24+$0xFFFFFF80]  }
0x2eb: {  	v8 =	vld [tilespmem:s24+$0xFFFFFFA0]  }
0x2ec: {  	v9 =	vld [tilespmem:s24+$0xFFFFFF90]  }
0x2ed: {  	v10 =	vld [tilespmem:s24+$0xFFFFFFC0]  }
0x2ee: {  	v1 =	vld [tilespmem:s24+$0x10]  }
0x2ef: {  	v6 =	vmul.f32 v6, v3;
	v7 =	vmul.f32 v7, v3  }
0x2f0: {  	v4 =	vmul.f32 v4, v3;
	v8 =	vmul.f32 v8, v3  }
0x2f1: {  	v5 =	vmul.f32 v5, v3;
	v9 =	vmul.f32 v9, v3;
	[tilespmem:s24+$0xFFFFFFF0] =	vst v6  }
0x2f2: {  	v2 =	vmul.f32 v2, v3;
	[tilespmem:s24+$0xFFFFFF80] =	vst v7;
	v6 =	vmul.f32 v10, v3  }
0x2f3: {  	s9 =	sadd.s32 $0x1, s9;
	[tilespmem:s24+$0xFFFFFFA0] =	vst v8  }
0x2f4: {  	[tilespmem:s24+$0xFFFFFFB0] =	vst v5;
	v5 =	vmov s9  }
.Ltmp13:
0x2f5: {  	[tilespmem:s24+$0xFFFFFFD0] =	vst v2;
	(pc) =	sbr.rel @p3 .LBB2_8-.Ltmp13, $4  }
0x2f6: {  	[tilespmem:s24+$0xFFFFFF90] =	vst v9  }
0x2f7: {  	[tilespmem:s24+$0xFFFFFFE0] =	vst v4;
	v4 =	vld [tilespmem:s24+$0x30]  }
0x2f8: {  	[tilespmem:s24+$0xFFFFFFC0] =	vst v6;
	v3 =	vld [tilespmem:s24+$0x70]  }
0x2f9: {  	v2 =	vld.idx.msk [tilespmem:v5+s8+$0x0], $0xffff  }
0x2fa: {  	_ =	sdelay $0x2  }
0x2fb: {  	v5 =	vld [tilespmem:s23+$0x20]  }
0x2fc: {  	v6 =	vld [tilespmem:s23+$0x60];
	v0 =	vmul.f32 v0, v2  }
0x2fd: {  	v7 =	vld [tilespmem:s23+$0x40];
	v4 =	vmul.f32 v4, v2  }
0x2fe: {  	v8 =	vld [tilespmem:s23+$0x50];
	v1 =	vmul.f32 v1, v2;
	[tilespmem:s23+$0x0] =	vst v0  }
0x2ff: {  	[tilespmem:s23+$0x30] =	vst v4;
	v0 =	vmul.f32 v3, v2  }
0x300: {  	v3 =	vmul.f32 v5, v2;
	[tilespmem:s23+$0x10] =	vst v1  }
0x301: {  	v1 =	vmul.f32 v6, v2;
	[tilespmem:s23+$0x70] =	vst v0  }
0x302: {  	v0 =	vmul.f32 v7, v2;
	[tilespmem:s23+$0x20] =	vst v3  }
0x303: {  	v2 =	vmul.f32 v8, v2;
	[tilespmem:s23+$0x60] =	vst v1  }
0x304: {  	[tilespmem:s23+$0x40] =	vst v0  }
0x305: {  	s9 =	simm.s32 $0x19D80;
	s24 =	simm.s32 $0x16080;
	[tilespmem:s23+$0x50] =	vst v2  }
0x306: {  	[spmem:s2] =	stream.indirect.scatter.add.f32 [tilespmem:s24], [sflag:$0xD], $0x80, s9, s0, $0xb8;
	[tilespmem:$0x1A400] =	vst v63  }
0x307: {  	_ =	swait.ge [sflag:s18], $0x1400  }
0x308: {  	p3 =	seq.s32 s14, $0x63;
	s9 =	rddreg [dreg:$0x10]  }
0x309: {  	s9 =	sadd.s32 @!p3 s15, s9  }
0x30a: {  	s31 =	simm.s32 @!p3 $0x19C80;
	[sflag:s18] =	ssyncset.done $0x0;
	s9 =	sshrl.u32 @!p3 s9, $0x3  }
0x30b: {  	s24 =	simm.s32 @!p3 $0x0;
	[sflag:s18] =	ssyncadd.s32 $0xFFFFEC00;
	s23 =	sadd.s32 @!p3 s6, s9  }
0x30c: {  	[tilespmem:s31], [sflag:$0x6] =	stream.linear.gather @!p3 [hbm4b:s23+s24], $0x28, $0x38;
	[tilespmem:$0x1A400] =	vst v63  }
0x30d: {  	s23 =	sadd.s32 @!p3 s7, s9;
	s31 =	simm.s32 @!p3 $0x19F00  }
0x30e: {  	[tilespmem:s31], [sflag:$0x6] =	stream.linear.gather @!p3 [hbm4b:s23+s24], $0x28, $0x38;
	[tilespmem:$0x1A400] =	vst v63  }
0x30f: {  	s9 =	sadd.s32 @!p3 s1, s9;
	s23 =	simm.s32 @!p3 $0x1A180  }
0x310: {  	[tilespmem:s23], [sflag:$0x6] =	stream.linear.gather @!p3 [hbm4b:s9+s24], $0x28, $0x38;
	[tilespmem:$0x1A400] =	vst v63  }
0x311: {  	_ =	swait.ge [sflag:s19], $0x28  }
0x312: {  	[sflag:s19] =	ssyncset.done $0x0  }
0x313: {  	[sflag:s19] =	ssyncadd.s32 $0xFFFFFFD8  }
0x314: {  	_ =	swait.ge [sflag:s19], $0x28  }
0x315: {  	[sflag:s19] =	ssyncset.done $0x0  }
0x316: {  	s9 =	simm.s32 $0x0;
	[sflag:s19] =	ssyncadd.s32 $0xFFFFFFD8  }
0x317: {  	v0 =	vmov s9;
	_ =	swait.ge [sflag:s19], $0x28  }
0x318: {  	v0 =	vand.u32 $0xFFFFFFFE, v0;
	[sflag:s19] =	ssyncset.done $0x0  }
0x319: {  	s24 =	simm.s32 $0x1A100;
	v1 =	vbroadcast v0, $0x0;
	[sflag:s19] =	ssyncadd.s32 $0xFFFFFFD8  }
0x31a: {  	[tilespmem:s20], [sflag:$0x5] =	stream.indirect.gather [hbm4b:s4+s0], $0x80, s24, s0, $0xb8;
	[tilespmem:$0x1A400] =	vst v63  }
0x31b: {  	_ =	swait.ge [sflag:s21], $0x1400  }
0x31c: {  	[sflag:s21] =	ssyncset.done $0x0  }
0x31d: {  	s23 =	simm.s32 $0x17500;
	[sflag:s21] =	ssyncadd.s32 $0xFFFFEC00  }
0x31e: {  	v4 =	vld [tilespmem:s23+$0xFFFFFFF0]  }
0x31f: {  	v5 =	vld.idx.msk [tilespmem:v1+s16+$0x0], $0xffff  }
0x320: {  	v6 =	vld [tilespmem:s23+$0xFFFFFF80]  }
0x321: {  	v7 =	vld [tilespmem:s23+$0xFFFFFFA0]  }
0x322: {  	v3 =	vld [tilespmem:s23+$0xFFFFFFB0]  }
0x323: {  	v2 =	vld [tilespmem:s23+$0xFFFFFFD0]  }
0x324: {  	v9 =	vld [tilespmem:s23+$0xFFFFFF90];
	v4 =	vmul.f32 v4, v5  }
0x325: {  	v63 =	vld [tilespmem:s23+$0xFFFFFFE0];
	v6 =	vmul.f32 v6, v5  }
0x326: {  	v10 =	vld [tilespmem:s23+$0xFFFFFFC0];
	v7 =	vmul.f32 v7, v5;
	[tilespmem:s23+$0xFFFFFFF0] =	vst v4  }
0x327: {  	v3 =	vmul.f32 v3, v5;
	[tilespmem:s23+$0xFFFFFF80] =	vst v6  }
0x328: {  	s24 =	simm.s32 $0x1;
	v2 =	vmul.f32 v2, v5;
	[tilespmem:s23+$0xFFFFFFA0] =	vst v7  }
0x329: {  	v4 =	vmul.f32 v9, v5;
	[tilespmem:s23+$0xFFFFFFB0] =	vst v3;
	v6 =	vmov s24  }
0x32a: {  	v0 =	vld [tilespmem:s23+$0x0];
	v3 =	vmul.f32 v63, v5;
	[tilespmem:s23+$0xFFFFFFD0] =	vst v2  }
0x32b: {  	v1 =	vld [tilespmem:s23+$0x10];
	v2 =	vmul.f32 v10, v5;
	[tilespmem:s23+$0xFFFFFF90] =	vst v4  }
0x32c: {  	[tilespmem:s23+$0xFFFFFFE0] =	vst v3;
	v4 =	vld [tilespmem:s23+$0x30]  }
0x32d: {  	[tilespmem:s23+$0xFFFFFFC0] =	vst v2;
	v3 =	vld [tilespmem:s23+$0x70]  }
0x32e: {  	s31 =	simm.s32 $0x2;
	s24 =	simm.s32 $0x17500;
	v2 =	vld.idx.msk [tilespmem:v6+s16+$0x0], $0xffff  }
.LBB2_10:
0x32f: {  	p4 =	slt.u32 s31, $0x26  }
0x330: {  	v5 =	vld [tilespmem:s23+$0x20];
	s24 =	sadd.s32 $0x100, s24;
	s9 =	smov.u32 s31;
	s31 =	sadd.s32 $0x2, s31  }
0x331: {  	v6 =	vld [tilespmem:s23+$0x40]  }
0x332: {  	v7 =	vld [tilespmem:s23+$0x50]  }
0x333: {  	v8 =	vld [tilespmem:s23+$0x60];
	_ =	sdelay $0x1  }
0x334: {  	v0 =	vmul.f32 v0, v2;
	v1 =	vmul.f32 v1, v2  }
0x335: {  	v4 =	vmul.f32 v4, v2;
	v5 =	vmul.f32 v5, v2  }
0x336: {  	v9 =	vmov s9;
	v6 =	vmul.f32 v6, v2;
	[tilespmem:s23+$0x0] =	vst v0;
	v7 =	vmul.f32 v7, v2  }
0x337: {  	v9 =	vand.u32 $0xFFFFFFFE, v9;
	v0 =	vld [tilespmem:s24+$0x0];
	[tilespmem:s23+$0x30] =	vst v4;
	v4 =	vmul.f32 v8, v2;
	v2 =	vmul.f32 v3, v2  }
0x338: {  	v3 =	vbroadcast v9, $0x0;
	[tilespmem:s23+$0x10] =	vst v1  }
0x339: {  	[tilespmem:s23+$0x70] =	vst v2  }
0x33a: {  	v2 =	vld [tilespmem:s24+$0xFFFFFFD0];
	[tilespmem:s23+$0x20] =	vst v5  }
0x33b: {  	v5 =	vld [tilespmem:s24+$0xFFFFFFB0];
	[tilespmem:s23+$0x60] =	vst v4  }
0x33c: {  	v4 =	vld [tilespmem:s24+$0xFFFFFFE0];
	[tilespmem:s23+$0x40] =	vst v6  }
0x33d: {  	v6 =	vld [tilespmem:s24+$0xFFFFFFF0];
	[tilespmem:s23+$0x50] =	vst v7;
	s23 =	smov.u32 s24  }
0x33e: {  	v3 =	vld.idx.msk [tilespmem:v3+s16+$0x0], $0xffff  }
0x33f: {  	v7 =	vld [tilespmem:s24+$0xFFFFFF80]  }
0x340: {  	v8 =	vld [tilespmem:s24+$0xFFFFFFA0]  }
0x341: {  	v9 =	vld [tilespmem:s24+$0xFFFFFF90]  }
0x342: {  	v10 =	vld [tilespmem:s24+$0xFFFFFFC0]  }
0x343: {  	v1 =	vld [tilespmem:s24+$0x10]  }
0x344: {  	v6 =	vmul.f32 v6, v3;
	v7 =	vmul.f32 v7, v3  }
0x345: {  	v4 =	vmul.f32 v4, v3;
	v8 =	vmul.f32 v8, v3  }
0x346: {  	v5 =	vmul.f32 v5, v3;
	v9 =	vmul.f32 v9, v3;
	[tilespmem:s24+$0xFFFFFFF0] =	vst v6  }
0x347: {  	v2 =	vmul.f32 v2, v3;
	[tilespmem:s24+$0xFFFFFF80] =	vst v7;
	v6 =	vmul.f32 v10, v3  }
0x348: {  	s9 =	sadd.s32 $0x1, s9;
	[tilespmem:s24+$0xFFFFFFA0] =	vst v8  }
0x349: {  	[tilespmem:s24+$0xFFFFFFB0] =	vst v5;
	v5 =	vmov s9  }
.Ltmp14:
0x34a: {  	[tilespmem:s24+$0xFFFFFFD0] =	vst v2;
	(pc) =	sbr.rel @p4 .LBB2_10-.Ltmp14, $4  }
0x34b: {  	[tilespmem:s24+$0xFFFFFF90] =	vst v9  }
0x34c: {  	[tilespmem:s24+$0xFFFFFFE0] =	vst v4;
	v4 =	vld [tilespmem:s24+$0x30]  }
0x34d: {  	[tilespmem:s24+$0xFFFFFFC0] =	vst v6;
	v3 =	vld [tilespmem:s24+$0x70]  }
0x34e: {  	v2 =	vld.idx.msk [tilespmem:v5+s16+$0x0], $0xffff  }
0x34f: {  	_ =	sdelay $0x2  }
0x350: {  	v5 =	vld [tilespmem:s23+$0x20]  }
0x351: {  	v6 =	vld [tilespmem:s23+$0x60];
	v0 =	vmul.f32 v0, v2  }
0x352: {  	v7 =	vld [tilespmem:s23+$0x40];
	v4 =	vmul.f32 v4, v2  }
0x353: {  	v8 =	vld [tilespmem:s23+$0x50];
	v1 =	vmul.f32 v1, v2;
	[tilespmem:s23+$0x0] =	vst v0  }
0x354: {  	[tilespmem:s23+$0x30] =	vst v4;
	v0 =	vmul.f32 v3, v2  }
0x355: {  	v3 =	vmul.f32 v5, v2;
	[tilespmem:s23+$0x10] =	vst v1  }
0x356: {  	v1 =	vmul.f32 v6, v2;
	[tilespmem:s23+$0x70] =	vst v0  }
0x357: {  	v0 =	vmul.f32 v7, v2;
	[tilespmem:s23+$0x20] =	vst v3  }
0x358: {  	v2 =	vmul.f32 v8, v2;
	[tilespmem:s23+$0x60] =	vst v1  }
0x359: {  	[tilespmem:s23+$0x40] =	vst v0  }
0x35a: {  	s9 =	simm.s32 $0x19E00;
	s24 =	simm.s32 $0x17480;
	[tilespmem:s23+$0x50] =	vst v2  }
0x35b: {  	[spmem:s2] =	stream.indirect.scatter.add.f32 [tilespmem:s24], [sflag:$0xE], $0x80, s9, s0, $0xb8;
	[tilespmem:$0x1A400] =	vst v63  }
0x35c: {  	_ =	swait.ge [sflag:s10], $0x1400  }
0x35d: {  	s9 =	rddreg [dreg:$0x11]  }
0x35e: {  	s9 =	sadd.s32 @!p3 s15, s9  }
0x35f: {  	s23 =	simm.s32 @!p3 $0x0;
	[sflag:s10] =	ssyncset.done $0x0;
	s9 =	sshrl.u32 @!p3 s9, $0x3  }
0x360: {  	s24 =	simm.s32 @!p3 $0x19D00;
	[sflag:s10] =	ssyncadd.s32 $0xFFFFEC00;
	s15 =	sadd.s32 @!p3 s6, s9  }
0x361: {  	[tilespmem:s24], [sflag:$0x7] =	stream.linear.gather @!p3 [hbm4b:s15+s23], $0x28, $0x38;
	[tilespmem:$0x1A400] =	vst v63  }
0x362: {  	s15 =	sadd.s32 @!p3 s7, s9;
	s24 =	simm.s32 @!p3 $0x19F80  }
0x363: {  	[tilespmem:s24], [sflag:$0x7] =	stream.linear.gather @!p3 [hbm4b:s15+s23], $0x28, $0x38;
	[tilespmem:$0x1A400] =	vst v63  }
0x364: {  	s9 =	sadd.s32 @!p3 s1, s9;
	s15 =	simm.s32 @!p3 $0x1A200  }
0x365: {  	[tilespmem:s15], [sflag:$0x7] =	stream.linear.gather @!p3 [hbm4b:s9+s23], $0x28, $0x38;
	[tilespmem:$0x1A400] =	vst v63  }
0x366: {  	s9 =	simm.s32 @!p3 $0x6  }
0x367: {  	_ =	swait.ge @!p3 [sflag:s9], $0x28  }
0x368: {  	[sflag:s9] =	ssyncset.done @!p3 $0x0  }
0x369: {  	[sflag:s9] =	ssyncadd.s32 @!p3 $0xFFFFFFD8  }
0x36a: {  	_ =	swait.ge @!p3 [sflag:s9], $0x28  }
0x36b: {  	[sflag:s9] =	ssyncset.done @!p3 $0x0  }
0x36c: {  	s31 =	simm.s32 $0x0;
	[sflag:s9] =	ssyncadd.s32 @!p3 $0xFFFFFFD8  }
0x36d: {  	v0 =	vmov s31;
	_ =	swait.ge @!p3 [sflag:s9], $0x28  }
0x36e: {  	v0 =	vand.u32 $0xFFFFFFFE, v0;
	s15 =	simm.s32 @!p3 $0x19F00;
	[sflag:s9] =	ssyncset.done @!p3 $0x0  }
0x36f: {  	v1 =	vbroadcast v0, $0x0;
	s23 =	simm.s32 @!p3 $0x13880;
	[sflag:s9] =	ssyncadd.s32 @!p3 $0xFFFFFFD8;
	s9 =	simm.s32 @!p3 $0x28  }
0x370: {  	[tilespmem:s23], [sflag:$0x1] =	stream.indirect.gather @!p3 [hbm4b:s4+s9], $0x80, s15, s9, $0xb8;
	[tilespmem:$0x1A400] =	vst v63  }
0x371: {  	_ =	swait.ge [sflag:s25], $0x1400  }
0x372: {  	[sflag:s25] =	ssyncset.done $0x0  }
0x373: {  	s15 =	simm.s32 $0x18900;
	[sflag:s25] =	ssyncadd.s32 $0xFFFFEC00  }
0x374: {  	v4 =	vld [tilespmem:s15+$0xFFFFFFF0]  }
0x375: {  	v5 =	vld.idx.msk [tilespmem:v1+s28+$0x0], $0xffff  }
0x376: {  	v6 =	vld [tilespmem:s15+$0xFFFFFF80]  }
0x377: {  	v7 =	vld [tilespmem:s15+$0xFFFFFFA0]  }
0x378: {  	v3 =	vld [tilespmem:s15+$0xFFFFFFB0]  }
0x379: {  	v2 =	vld [tilespmem:s15+$0xFFFFFFD0]  }
0x37a: {  	v9 =	vld [tilespmem:s15+$0xFFFFFF90];
	v4 =	vmul.f32 v4, v5  }
0x37b: {  	v63 =	vld [tilespmem:s15+$0xFFFFFFE0];
	v6 =	vmul.f32 v6, v5  }
0x37c: {  	v10 =	vld [tilespmem:s15+$0xFFFFFFC0];
	v7 =	vmul.f32 v7, v5;
	[tilespmem:s15+$0xFFFFFFF0] =	vst v4  }
0x37d: {  	v3 =	vmul.f32 v3, v5;
	[tilespmem:s15+$0xFFFFFF80] =	vst v6  }
0x37e: {  	s31 =	simm.s32 $0x1;
	v2 =	vmul.f32 v2, v5;
	[tilespmem:s15+$0xFFFFFFA0] =	vst v7  }
0x37f: {  	v4 =	vmul.f32 v9, v5;
	[tilespmem:s15+$0xFFFFFFB0] =	vst v3;
	v6 =	vmov s31  }
0x380: {  	v0 =	vld [tilespmem:s15+$0x0];
	v3 =	vmul.f32 v63, v5;
	[tilespmem:s15+$0xFFFFFFD0] =	vst v2  }
0x381: {  	v1 =	vld [tilespmem:s15+$0x10];
	v2 =	vmul.f32 v10, v5;
	[tilespmem:s15+$0xFFFFFF90] =	vst v4  }
0x382: {  	[tilespmem:s15+$0xFFFFFFE0] =	vst v3;
	v4 =	vld [tilespmem:s15+$0x30]  }
0x383: {  	[tilespmem:s15+$0xFFFFFFC0] =	vst v2;
	v3 =	vld [tilespmem:s15+$0x70]  }
0x384: {  	s24 =	simm.s32 $0x18900;
	s23 =	simm.s32 $0x2;
	v2 =	vld.idx.msk [tilespmem:v6+s28+$0x0], $0xffff  }
.LBB2_12:
0x385: {  	p3 =	slt.u32 s23, $0x26  }
0x386: {  	v5 =	vld [tilespmem:s15+$0x20];
	s24 =	sadd.s32 $0x100, s24;
	s9 =	smov.u32 s23;
	s23 =	sadd.s32 $0x2, s23  }
0x387: {  	v6 =	vld [tilespmem:s15+$0x40]  }
0x388: {  	v7 =	vld [tilespmem:s15+$0x50]  }
0x389: {  	v8 =	vld [tilespmem:s15+$0x60];
	_ =	sdelay $0x1  }
0x38a: {  	v0 =	vmul.f32 v0, v2;
	v1 =	vmul.f32 v1, v2  }
0x38b: {  	v4 =	vmul.f32 v4, v2;
	v5 =	vmul.f32 v5, v2  }
0x38c: {  	v9 =	vmov s9;
	v6 =	vmul.f32 v6, v2;
	[tilespmem:s15+$0x0] =	vst v0;
	v7 =	vmul.f32 v7, v2  }
0x38d: {  	v9 =	vand.u32 $0xFFFFFFFE, v9;
	v0 =	vld [tilespmem:s24+$0x0];
	[tilespmem:s15+$0x30] =	vst v4;
	v4 =	vmul.f32 v8, v2;
	v2 =	vmul.f32 v3, v2  }
0x38e: {  	v3 =	vbroadcast v9, $0x0;
	[tilespmem:s15+$0x10] =	vst v1  }
0x38f: {  	[tilespmem:s15+$0x70] =	vst v2  }
0x390: {  	v2 =	vld [tilespmem:s24+$0xFFFFFFD0];
	[tilespmem:s15+$0x20] =	vst v5  }
0x391: {  	v5 =	vld [tilespmem:s24+$0xFFFFFFB0];
	[tilespmem:s15+$0x60] =	vst v4  }
0x392: {  	v4 =	vld [tilespmem:s24+$0xFFFFFFE0];
	[tilespmem:s15+$0x40] =	vst v6  }
0x393: {  	v6 =	vld [tilespmem:s24+$0xFFFFFFF0];
	[tilespmem:s15+$0x50] =	vst v7;
	s15 =	smov.u32 s24  }
0x394: {  	v3 =	vld.idx.msk [tilespmem:v3+s28+$0x0], $0xffff  }
0x395: {  	v7 =	vld [tilespmem:s24+$0xFFFFFF80]  }
0x396: {  	v8 =	vld [tilespmem:s24+$0xFFFFFFA0]  }
0x397: {  	v9 =	vld [tilespmem:s24+$0xFFFFFF90]  }
0x398: {  	v10 =	vld [tilespmem:s24+$0xFFFFFFC0]  }
0x399: {  	v1 =	vld [tilespmem:s24+$0x10]  }
0x39a: {  	v6 =	vmul.f32 v6, v3;
	v7 =	vmul.f32 v7, v3  }
0x39b: {  	v4 =	vmul.f32 v4, v3;
	v8 =	vmul.f32 v8, v3  }
0x39c: {  	v5 =	vmul.f32 v5, v3;
	v9 =	vmul.f32 v9, v3;
	[tilespmem:s24+$0xFFFFFFF0] =	vst v6  }
0x39d: {  	v2 =	vmul.f32 v2, v3;
	[tilespmem:s24+$0xFFFFFF80] =	vst v7;
	v6 =	vmul.f32 v10, v3  }
0x39e: {  	s9 =	sadd.s32 $0x1, s9;
	[tilespmem:s24+$0xFFFFFFA0] =	vst v8  }
0x39f: {  	[tilespmem:s24+$0xFFFFFFB0] =	vst v5;
	v5 =	vmov s9  }
.Ltmp15:
0x3a0: {  	[tilespmem:s24+$0xFFFFFFD0] =	vst v2;
	(pc) =	sbr.rel @p3 .LBB2_12-.Ltmp15, $4  }
0x3a1: {  	[tilespmem:s24+$0xFFFFFF90] =	vst v9  }
0x3a2: {  	[tilespmem:s24+$0xFFFFFFE0] =	vst v4;
	v4 =	vld [tilespmem:s24+$0x30]  }
0x3a3: {  	[tilespmem:s24+$0xFFFFFFC0] =	vst v6;
	v3 =	vld [tilespmem:s24+$0x70]  }
0x3a4: {  	v2 =	vld.idx.msk [tilespmem:v5+s28+$0x0], $0xffff  }
0x3a5: {  	_ =	sdelay $0x2  }
0x3a6: {  	v5 =	vld [tilespmem:s15+$0x20]  }
0x3a7: {  	v6 =	vld [tilespmem:s15+$0x60];
	v0 =	vmul.f32 v0, v2  }
0x3a8: {  	v7 =	vld [tilespmem:s15+$0x40];
	v4 =	vmul.f32 v4, v2  }
0x3a9: {  	v8 =	vld [tilespmem:s15+$0x50];
	v1 =	vmul.f32 v1, v2;
	[tilespmem:s15+$0x0] =	vst v0  }
0x3aa: {  	v59 =	vmul.f32 v3, v2;
	[tilespmem:s15+$0x30] =	vst v4  }
0x3ab: {  	s14 =	sadd.s32 $0x1, s14;
	v60 =	vmul.f32 v5, v2;
	[tilespmem:s15+$0x10] =	vst v1  }
0x3ac: {  	p3 =	sne.s32 s14, $0x64;
	v61 =	vmul.f32 v6, v2;
	[tilespmem:s15+$0x70] =	vst v59  }
.Ltmp16:
0x3ad: {  	v62 =	vmul.f32 v7, v2;
	[tilespmem:s15+$0x20] =	vst v60;
	(pc) =	sbr.rel @p3 .LBB2_3-.Ltmp16, $4  }
0x3ae: {  	v63 =	vmul.f32 v8, v2;
	[tilespmem:s15+$0x60] =	vst v61  }
0x3af: {  	[tilespmem:s15+$0x40] =	vst v62  }
0x3b0: {  	s9 =	simm.s32 $0x19E80;
	[tilespmem:s15+$0x50] =	vst v63  }
0x3b1: {  	[spmem:s2] =	stream.indirect.scatter.add.f32 [tilespmem:s20], [sflag:$0xF], $0x80, s9, s0, $0xb8;
	[tilespmem:$0x1A400] =	vst v63  }
0x3b2: {  	s9 =	simm.s32 $0xD  }
0x3b3: {  	_ =	swait.ge [sflag:s9], $0x1400  }
0x3b4: {  	[sflag:s9] =	ssyncset.done $0x0  }
0x3b5: {  	s24 =	simm.s32 $0xE;
	[sflag:s9] =	ssyncadd.s32 $0xFFFFEC00  }
0x3b6: {  	_ =	swait.ge [sflag:s24], $0x1400  }
0x3b7: {  	[sflag:s24] =	ssyncset.done $0x0  }
0x3b8: {  	s31 =	simm.s32 $0xF;
	[sflag:s24] =	ssyncadd.s32 $0xFFFFEC00  }
0x3b9: {  	_ =	swait.ge [sflag:s31], $0x1400  }
.Ltmp17:
0x3ba: {  	[sflag:s31] =	ssyncset.done $0x0;
	(pc) =	sbr.rel @!p2 .LBB2_29-.Ltmp17, $4  }
.Ltmp18:
0x3bb: {  	[sflag:s31] =	ssyncadd.s32 $0xFFFFEC00;
	(pc) =	sbr.rel @p2 .LBB2_28-.Ltmp18, $4  }
0x3bc: {  	[bflag:$0x0] =	sbarrier.arrive $0xFFFF  }
0x3bd: {  	s9 =	rddreg [dreg:$0x5]  }
0x3be: {  	s23 =	rddreg [dreg:$0x14]  }
0x3bf: {  	_ = 	snop  }
.LBB2_30:
0x3c0: {  	_ =	sfence.sel $0x180000  }
0x3c1: {  	[bflag:$0x0] =	sbarrier.arrive $0xFFFF  }
0x3c2: {  	_ =	strace $0x9000004D  }
0x3c3: {  	[bflag:$0x2] =	sbarrier.arrive $0xFFFF  }
0x3c4: {  	s0 =	rddreg [dreg:$0x3]  }
0x3c5: {  	s0 =	sadd.s32 @!p1 $0x100000, s0  }
0x3c6: {  	[sflag:s0] =	ssyncadd.tile.s32 @!p1 $0x1;
	_ =	shalt  }
.Lfunc_end2:
_tile_overlayer_lowered:
.L_overlay_start_2:
0x3c7: {  	(tag) =	ssettag $0x2  }
0x3c8: {  	s0 =	rddreg [dreg:$0x0];
	s2 =	stileid.u32  }
0x3c9: {  	s1 =	rddreg [dreg:$0x1];
	p0 =	sne.s32 s2, $0x0  }
0x3ca: {  	s3 =	rddreg [dreg:$0x2];
	[bflag:$0x3] =	sbarrier.arrive $0xFFFF;
	s2 =	simm.s32 @!p0 $0x1C10  }
0x3cb: {  	[timem:s3], [sflag:s2] =	dma.local @!p0 [hbm:s0], s1  }
0x3cc: {  	s0 =	simm.s32 @!p0 $0x10  }
0x3cd: {  	_ =	swait.ge @!p0 [sflag:s0], s1  }
0x3ce: {  	s1 =	ssub.s32 @!p0 $0x0, s1;
	[sflag:s0] =	ssyncset.done @!p0 $0x0  }
0x3cf: {  	[sflag:s0] =	ssyncadd.s32 @!p0 s1  }
0x3d0: {  	[bflag:$0x3] =	sbarrier.arrive $0xFFFF  }
0x3d1: {  	_ =	shalt  }

// kernel: scatter_offload_async_start
scs
__scs_entry_jumppad:
0x0: {  	(pc) =	sbr.rel $0x88, $3  }
0x1: {  	(tag) =	ssettag $0x0;
	lr =	simm.s32 $0x1  }
0x2: {  	[smem:$0x3F92] =	sst lr;
	_ =	strace $0xD0000000  }
0x3: {  	_ = 	snop  }
0x4: {  	_ = 	snop  }
0x5: {  	_ = 	snop  }
0x6: {  	_ = 	snop  }
0x7: {  	_ = 	snop  }
__scs_overlays_trampoline_lowered:
0x8: {  	[smem:$0x3FA1] =	sst s0  }
0x9: {  	[smem:$0x3FA2] =	sst s1  }
0xa: {  	[smem:$0x3FA3] =	sst s2  }
0xb: {  	[smem:$0x3FA4] =	sst s3  }
0xc: {  	[smem:$0x3FA5] =	sst s4  }
0xd: {  	[smem:$0x3FA6] =	sst s5  }
0xe: {  	[smem:$0x3FA7] =	sst s6  }
0xf: {  	[smem:$0x3FA8] =	sst s7  }
0x10: {  	[smem:$0x3FA9] =	sst s8  }
0x11: {  	[smem:$0x3FAA] =	sst s9;
	s0 =	simm.s32 @!p0 $0x0  }
0x12: {  	s1 =	sld [smem:$0x3F90];
	s0 =	simm.s32 @p0 $0x1  }
0x13: {  	[smem:$0x3FAB] =	sst s0;
	s0 =	simm.s32 @!p1 $0x0  }
0x14: {  	s2 =	sld [smem:$0x3F8F];
	s0 =	simm.s32 @p1 $0x1  }
0x15: {  	[smem:$0x3FAC] =	sst s0;
	s0 =	simm.s32 @!p2 $0x0  }
0x16: {  	s3 =	sld [smem:$0x3FDB];
	s0 =	simm.s32 @p2 $0x1  }
0x17: {  	s4 =	simm.s32 $0x1BF5;
	[smem:$0x3FAE] =	sst s0  }
0x18: {  	s0 =	sld [smem:$0x3F91];
	_ =	swait.ge [sflag:s4], $0x0  }
0x19: {  	s7 =	sld [smem:$0x3F92]  }
0x1a: {  	s8 =	sadd.s32 $0xFFFFE003, lr  }
0x1b: {  	s9 =	sadd.s32 $0xFFFFFEF7, lr;
	s5 =	simm.s32 $0xFFFFFFFF;
	p2 =	slt.u32 s8, $0xFFFFF086  }
0x1c: {  	p1 =	slt.u32 s9, $0xF7A;
	s5 =	simm.s32 @!p2 $0x0  }
0x1d: {  	s5 =	simm.s32 @p1 $0x1;
	p0 =	seq.s32 s7, s2  }
0x1e: {  	s7 =	smul.u32 @!p0 $0xF7A, s2;
	p2 =	seq.s32 @!p0 s5, $0x0  }
0x1f: {  	s9 =	smul.u32 $0xF7A, s1;
	s8 =	simm.s32 @!p0 $0x1BF5;
	p2 =	por !p2, p0  }
0x20: {  	[sflag:s8] =	ssyncset.s32 @!p0 $0xFFFFF086;
	s6 =	sadd.s32 @!p0 s3, s7;
	s7 =	simm.s32 @!p0 $0x108  }
0x21: {  	s3 =	sadd.s32 s3, s9;
	s6 =	sadd.s32 @!p0 $0x88, s6;
	s7 =	simm.s32 @p2 $0x1082  }
0x22: {  	[simem:s7], [sflag:s8] =	dma.local @!p0 [hbm:s6], $0xF7A  }
0x23: {  	s9 =	sor.u32 $0xD0000000, s2;
	s6 =	simm.s32 $0x108;
	_ =	swait.ge @!p0 [sflag:s8], $0x0  }
0x24: {  	s3 =	sadd.s32 $0x88, s3;
	s6 =	simm.s32 @!p1 $0x1082;
	[sflag:s4] =	ssyncset.s32 $0xFFFFF086  }
0x25: {  	[simem:s6], [sflag:s4] =	dma.local [hbm:s3], $0xF7A  }
0x26: {  	[smem:$0x3F92] =	sst s1;
	(tag) =	ssettag s2;
	_ =	strace s9  }
0x27: {  	s1 =	sld [smem:$0x3FA2]  }
0x28: {  	s2 =	sld [smem:$0x3FA3]  }
0x29: {  	s4 =	sld [smem:$0x3FA5]  }
0x2a: {  	p0 =	seq.s32 s5, $0x0;
	s5 =	sld [smem:$0x3FA6]  }
0x2b: {  	s6 =	sld [smem:$0x3FA7]  }
0x2c: {  	s7 =	sld [smem:$0x3FA8]  }
0x2d: {  	s3 =	simm.s32 $0x108;
	s8 =	sld [smem:$0x3FA9]  }
0x2e: {  	s3 =	simm.s32 @!p0 $0x1082;
	s9 =	sld [smem:$0x3FAA]  }
0x2f: {  	lr =	sadd.s32 s0, s3;
	s0 =	sld [smem:$0x3FA1]  }
0x30: {  	s3 =	sld [smem:$0x3FA4]  }
0x31: {  	[smem:$0x3FAD] =	sst s10  }
0x32: {  	s10 =	sld [smem:$0x3FAB];
	_ =	sdelay $0x3  }
0x33: {  	p0 =	seq.s32 s10, $0x1;
	s10 =	sld [smem:$0x3FAD];
	_ =	sdelay $0x3  }
0x34: {  	[smem:$0x3FAD] =	sst s10  }
0x35: {  	s10 =	sld [smem:$0x3FAC];
	_ =	sdelay $0x3  }
0x36: {  	p1 =	seq.s32 s10, $0x1;
	s10 =	sld [smem:$0x3FAD];
	_ =	sdelay $0x3  }
0x37: {  	[smem:$0x3FAD] =	sst s10  }
0x38: {  	s10 =	sld [smem:$0x3FAE]  }
0x39: {  	_ = 	snop;
	(pc) =	sbr.ind lr, $3  }
0x3a: {  	_ = 	snop  }
0x3b: {  	_ = 	snop  }
0x3c: {  	p2 =	seq.s32 s10, $0x1;
	s10 =	sld [smem:$0x3FAD]  }
0x3d: {  	_ =	shalt  }
0x3e: {  	_ =	shalt  }
0x3f: {  	_ =	shalt  }
0x40: {  	_ =	shalt  }
0x41: {  	_ =	shalt  }
0x42: {  	_ =	shalt  }
0x43: {  	_ =	shalt  }
0x44: {  	_ =	shalt  }
0x45: {  	_ =	shalt  }
0x46: {  	_ =	shalt  }
0x47: {  	_ =	shalt  }
0x48: {  	_ =	shalt  }
0x49: {  	_ =	shalt  }
0x4a: {  	_ =	shalt  }
0x4b: {  	_ =	shalt  }
0x4c: {  	_ =	shalt  }
0x4d: {  	_ =	shalt  }
0x4e: {  	_ =	shalt  }
0x4f: {  	_ =	shalt  }
0x50: {  	_ =	shalt  }
0x51: {  	_ =	shalt  }
0x52: {  	_ =	shalt  }
0x53: {  	_ =	shalt  }
0x54: {  	_ =	shalt  }
0x55: {  	_ =	shalt  }
0x56: {  	_ =	shalt  }
0x57: {  	_ =	shalt  }
0x58: {  	_ =	shalt  }
0x59: {  	_ =	shalt  }
0x5a: {  	_ =	shalt  }
0x5b: {  	_ =	shalt  }
0x5c: {  	_ =	shalt  }
0x5d: {  	_ =	shalt  }
0x5e: {  	_ =	shalt  }
0x5f: {  	_ =	shalt  }
0x60: {  	_ =	shalt  }
0x61: {  	_ =	shalt  }
0x62: {  	_ =	shalt  }
0x63: {  	_ =	shalt  }
0x64: {  	_ =	shalt  }
0x65: {  	_ =	shalt  }
0x66: {  	_ =	shalt  }
0x67: {  	_ =	shalt  }
0x68: {  	_ =	shalt  }
0x69: {  	_ =	shalt  }
0x6a: {  	_ =	shalt  }
0x6b: {  	_ =	shalt  }
0x6c: {  	_ =	shalt  }
0x6d: {  	_ =	shalt  }
0x6e: {  	_ =	shalt  }
0x6f: {  	_ =	shalt  }
0x70: {  	_ =	shalt  }
0x71: {  	_ =	shalt  }
0x72: {  	_ =	shalt  }
0x73: {  	_ =	shalt  }
0x74: {  	_ =	shalt  }
0x75: {  	_ =	shalt  }
0x76: {  	_ =	shalt  }
0x77: {  	_ =	shalt  }
0x78: {  	_ =	shalt  }
0x79: {  	_ =	shalt  }
0x7a: {  	_ =	shalt  }
0x7b: {  	_ =	shalt  }
0x7c: {  	_ =	shalt  }
0x7d: {  	_ =	shalt  }
0x7e: {  	_ =	shalt  }
0x7f: {  	_ =	shalt  }
0x80: {  	_ =	shalt  }
0x81: {  	_ =	shalt  }
0x82: {  	_ =	shalt  }
0x83: {  	_ =	shalt  }
0x84: {  	_ =	shalt  }
0x85: {  	_ =	shalt  }
0x86: {  	_ =	shalt  }
0x87: {  	_ =	shalt  }
.Lfunc_end0:
.L_simem_size_0:
called_computation_lowered:
.L_overlay_start_0:
0x88: {  	s2 =	sld [smem:$0x3FD9]  }
0x89: {  	s3 =	sld [smem:$0x3FFE];
	_ =	sdelay $0x1  }
0x8a: {  	s1 =	srdreg.scid  }
0x8b: {  	s0 =	sand.u32 $0x1, s1  }
0x8c: {  	s15 =	sshll.u32 s0, $0xA;
	s2 =	sadd.s32 s3, s2  }
0x8d: {  	s2 =	sadd.s32 s2, s15  }
0x8e: {  	[smem:$0x3FB9] =	sst s2  }
0x8f: {  	_ = 	snop  }
0x90: {  	s16 =	sld [smem:$0x3FD0];
	(tm) =	ssettm $0x1  }
0x91: {  	s17 =	sld [smem:$0x3FFB];
	_ =	sdelay $0x3  }
0x92: {  	_ =	strace s17  }
0x93: {  	s2 =	sld [smem:$0x3FFC];
	_ =	sdelay $0x3  }
0x94: {  	_ =	strace s2  }
0x95: {  	s2 =	sld [smem:$0x3FFD];
	_ =	sdelay $0x3  }
0x96: {  	_ =	strace s2  }
0x97: {  	_ =	strace $0x8FFFFFFF  }
0x98: {  	s18 =	sld [smem:$0x3FDB];
	_ =	sdelay $0x1  }
0x99: {  	s4 =	simm.s32 $_scs_section_size  }
0x9a: {  	s5 =	simm.s32 $_size__tile_overlayer_lowered;
	s6 =	simm.s32 $_tile_overlayer_lowered  }
0x9b: {  	s7 =	simm.s32 $0x1BFF;
	s19 =	sshll.u32 s6, $0x1;
	s4 =	sadd.s32 s4, s18  }
0x9c: {  	s20 =	simm.s32 $0x0;
	s5 =	sshll.u32 s5, $0x1;
	s6 =	sadd.s32 s19, s4  }
0x9d: {  	[timem:s20], [sflag:s7] =	dma.local [hbm:s6], s5  }
0x9e: {  	_ =	swait.ge [sflag:s7], s5  }
0x9f: {  	s5 =	ssub.s32 $0x0, s5;
	[sflag:s7] =	ssyncset.done $0x0  }
0xa0: {  	[sflag:s7] =	ssyncadd.s32 s5;
	_ =	sdelay $0x1  }
0xa1: {  	s21 =	simm.s32 $0x1B8B  }
0xa2: {  	_ =	swait.ge [sflag:s21], $0x1  }
0xa3: {  	[sflag:s21] =	ssyncset.done $0x0  }
0xa4: {  	s22 =	sld [smem:$0x3FFE];
	[sflag:s21] =	ssyncadd.s32 $0xFFFFFFFF  }
0xa5: {  	s24 =	simm.s32 $0x1B8E;
	s23 =	sld [smem:$0x0]  }
0xa6: {  	s25 =	simm.s32 $execute0_lowered;
	[smem:$0x3FD2] =	sst s24  }
0xa7: {  	s7 =	sshll.u32 s25, $0x1;
	_ =	strace $0x80000046;
	[dreg:$0x1] =	wrdreg $0xFFFFFFFF  }
0xa8: {  	s8 =	simm.s32 $_size_execute0_lowered;
	s7 =	sadd.s32 s4, s7;
	[dreg:$0x0] =	wrdreg $0x0  }
0xa9: {  	s8 =	sshll.u32 s8, $0x1;
	[dreg:$0x2] =	wrdreg s7  }
0xaa: {  	[dreg:$0x3] =	wrdreg s8  }
0xab: {  	[dreg:$0x4] =	wrdreg $0xC0  }
0xac: {  	s26 =	simm.s32 $execute1_lowered;
	_ =	task [dreg:s20], $0x5FFFF  }
0xad: {  	s7 =	sshll.u32 s26, $0x1;
	[dreg:$0x1] =	wrdreg $0xFFFFFFFF  }
0xae: {  	s4 =	sadd.s32 s4, s7;
	[dreg:$0x0] =	wrdreg $0x60  }
0xaf: {  	[dreg:$0x2] =	wrdreg s4  }
0xb0: {  	[dreg:$0x3] =	wrdreg s22  }
0xb1: {  	[dreg:$0x4] =	wrdreg $0x9  }
0xb2: {  	_ =	task.clear_ibuf [dreg:s20], $0x5FFFF;
	_ =	strace $0x90000046  }
0xb3: {  	s28 =	simm.s32 $0x9;
	_ =	strace $0x80000048  }
0xb4: {  	_ =	swait.ge [sflag:s28], $0x1  }
0xb5: {  	[sflag:s28] =	ssyncadd.s32 $0xFFFFFFFF  }
0xb6: {  	_ =	strace $0x90000048  }
0xb7: {  	s4 =	sld [smem:$0x0]  }
0xb8: {  	s7 =	sand.u32 $0xFFFFFFFE, s1  }
0xb9: {  	p0 =	sne.s32 s1, s7  }
0xba: {  	s7 =	sshll.u32 @p0 s7, $0xE  }
0xbb: {  	s7 =	sadd.s32 @p0 $0x11BF3, s7;
	s8 =	sshll.u32 @p0 s4, $0x11  }
0xbc: {  	s7 =	sor.u32 @p0 s8, s7  }
0xbd: {  	[sflag:s7] =	ssyncadd.remote.s32 @p0 $0x1;
	_ =	sdelay $0x1  }
0xbe: {  	s7 =	simm.s32 @p0 $0x1BF3  }
0xbf: {  	_ =	swait.eq @p0 [sflag:s7], $0x1  }
0xc0: {  	[sflag:s7] =	ssyncadd.s32 @p0 $0xFFFFFFFF  }
0xc1: {  	s8 =	sshll.u32 @!p0 s1, $0xE  }
0xc2: {  	s8 =	sor.u32 @!p0 $0x4000, s8;
	s7 =	simm.s32 @!p0 $0x1BF3  }
0xc3: {  	s4 =	sshll.u32 @!p0 s4, $0x11;
	s8 =	sadd.s32 @!p0 $0x11BF3, s8;
	_ =	swait.eq @!p0 [sflag:s7], $0x1  }
0xc4: {  	s4 =	sor.u32 @!p0 s4, s8;
	[sflag:s7] =	ssyncadd.s32 @!p0 $0xFFFFFFFF  }
0xc5: {  	[sflag:s4] =	ssyncadd.remote.s32 @!p0 $0x1  }
0xc6: {  	_ =	strace $0x80000049;
	[dreg:$0x1] =	wrdreg $0xFFFFFFFF  }
0xc7: {  	[dreg:$0x0] =	wrdreg $0x2030  }
0xc8: {  	[dreg:$0x2] =	wrdreg s22  }
0xc9: {  	[dreg:$0x3] =	wrdreg s16  }
0xca: {  	[dreg:$0x4] =	wrdreg s1  }
0xcb: {  	[dreg:$0x5] =	wrdreg s23  }
0xcc: {  	[dreg:$0x6] =	wrdreg $0xA  }
0xcd: {  	_ =	task.clear_ibuf [dreg:s20], $0x7FFFF;
	_ =	strace $0x90000049  }
0xce: {  	s29 =	simm.s32 $0xA;
	_ =	strace $0x8000004B  }
0xcf: {  	_ =	swait.ge [sflag:s29], $0x1  }
0xd0: {  	[sflag:s29] =	ssyncadd.s32 $0xFFFFFFFF  }
0xd1: {  	_ =	strace $0x9000004B  }
0xd2: {  	_ =	sfence  }
0xd3: {  	s30 =	sld [smem:$0x0];
	_ =	sdelay $0x2  }
0xd4: {  	s31 =	sshll.u32 s1, $0xD;
	s1 =	sshrl.u32 s1, $0x2  }
0xd5: {  	s4 =	sand.u32 $0x4000, s31;
	s1 =	sadd.s32 s1, s30  }
0xd6: {  	s0 =	sor.u32 s4, s0;
	s1 =	sshll.u32 s1, $0x11  }
0xd7: {  	s0 =	sor.u32 s1, s0  }
0xd8: {  	s0 =	sadd.s32 $0x8F2B, s0  }
0xd9: {  	[sflag:s0] =	ssyncadd.remote.s32 $0x1  }
0xda: {  	_ =	sfence.sel $0xFFFF  }
0xdb: {  	[dreg:$0x0] =	wrdreg $0xFFFFFFFF;
	(pc) =	sbr.abs _section_cstart, $3  }
0xdc: {  	[dreg:$0x1] =	wrdreg $0xFFFFFFFF  }
0xdd: {  	_ =	task.clear_ibuf [dreg:s20], $0x2FFFF;
	_ =	strace $0x9FFFFFFF  }
0xde: {  	(tm) =	ssettm $0x7FFFFFFF  }
0xdf: {  	_ =	shalt  }
tec
execute0_lowered:
.L_overlay_start_1:
0x0: {  	(tag) =	ssettag $0x1  }
0x1: {  	s2 =	rddreg [dreg:$0x0]  }
0x2: {  	s4 =	rddreg [dreg:$0x1]  }
0x3: {  	s0 =	rddreg [dreg:$0x2];
	s3 =	stileid.u32  }
0x4: {  	[bflag:$0x3] =	sbarrier.arrive $0xFFFF;
	s1 =	simm.s32 $_size_execute1_lowered;
	s29 =	srdreg.scid  }
0x5: {  	s7 =	simm.s32 $0x2;
	s8 =	simm.s32 $0x0;
	p0 =	sne.s32 s3, $0x0  }
0x6: {  	s1 =	sshll.u32 s1, $0x1;
	s5 =	simm.s32 @!p0 $0x1C3F;
	s6 =	simm.s32 @!p0 $0x4060  }
0x7: {  	[timem:s6], [sflag:s5] =	dma.local @!p0 [hbm:s2], s1  }
0x8: {  	s12 =	simm.s32 $0x0;
	s10 =	simm.s32 $0x0;
	s2 =	sshll.u32 s29, $0x7  }
.Ltmp0:
0x9: {  	s3 =	sshll.u32 s3, $0x8;
	s30 =	sand.u32 $0x80, s2;
	(pc) =	sbr.rel .LBB2_1-.Ltmp0, $4  }
0xa: {  	s11 =	simm.s32 $0x0;
	s5 =	simm.s32 $0x1;
	s3 =	sor.u32 s3, s30  }
0xb: {  	_ =	strace $0x80000047;
	s2 =	sadd.s32 $0x509000, s4;
	s31 =	ssub.s32 $0x2700, s3  }
0xc: {  	s4 =	sadd.s32 $0x530200, s4;
	[sflag:s5] =	ssyncpa.u1 $0x0;
	s6 =	sshrl.u32 s31, $0xC  }
0xd: {  	[sflag:s7] =	ssyncpa.u1 $0x0;
	s9 =	smov.u32 s3;
	s7 =	sadd.s32 $0x2, s6  }
.LBB2_4:
0xe: {  	_ = 	snop  }
.LBB2_7:
0xf: {  	_ =	sdelay $0x3  }
0x10: {  	[tilespmem:v0+s16+$0x0 ss:$0x1] =	vst.idx.msk @p1 $0xffff, v2  }
0x11: {  	v56 =	vld.idx.msk [tilespmem:v1+s15+$0x0 ss:$0x1], $0xffff;
	s24 =	sor.u32 $0x70, s15;
	[tilespmem:v0+s17+$0x0 ss:$0x1] =	vst.idx.msk @p1 $0xffff, v4  }
0x12: {  	s25 =	sor.u32 $0x10, s15;
	[tilespmem:v0+s18+$0x0 ss:$0x1] =	vst.idx.msk @p1 $0xffff, v3;
	v57 =	vld.idx.msk [tilespmem:v1+s24+$0x0 ss:$0x1], $0xffff  }
0x13: {  	s26 =	sor.u32 $0x20, s15;
	[tilespmem:v0+s19+$0x0 ss:$0x1] =	vst.idx.msk @p1 $0xffff, v5;
	v58 =	vld.idx.msk [tilespmem:v1+s25+$0x0 ss:$0x1], $0xffff  }
0x14: {  	s28 =	sor.u32 $0x30, s15;
	[tilespmem:v0+s20+$0x0 ss:$0x1] =	vst.idx.msk @p1 $0xffff, v6;
	v59 =	vld.idx.msk [tilespmem:v1+s26+$0x0 ss:$0x1], $0xffff  }
0x15: {  	s29 =	sor.u32 $0x40, s15;
	[tilespmem:v0+s21+$0x0 ss:$0x1] =	vst.idx.msk @p1 $0xffff, v7;
	v60 =	vld.idx.msk [tilespmem:v1+s28+$0x0 ss:$0x1], $0xffff  }
0x16: {  	s30 =	sor.u32 $0x50, s15;
	v61 =	vld.idx.msk [tilespmem:v1+s29+$0x0 ss:$0x1], $0xffff;
	[tilespmem:v0+s15+$0x0 ss:$0x1] =	vst.idx.msk $0xffff, v56  }
0x17: {  	s31 =	sor.u32 $0x60, s15;
	v62 =	vld.idx.msk [tilespmem:v1+s30+$0x0 ss:$0x1], $0xffff;
	[tilespmem:v0+s24+$0x0 ss:$0x1] =	vst.idx.msk $0xffff, v57  }
0x18: {  	v63 =	vld.idx.msk [tilespmem:v1+s31+$0x0 ss:$0x1], $0xffff;
	[tilespmem:v0+s25+$0x0 ss:$0x1] =	vst.idx.msk $0xffff, v58  }
0x19: {  	[tilespmem:v0+s26+$0x0 ss:$0x1] =	vst.idx.msk $0xffff, v59  }
0x1a: {  	[tilespmem:v0+s28+$0x0 ss:$0x1] =	vst.idx.msk $0xffff, v60  }
0x1b: {  	[tilespmem:v0+s29+$0x0 ss:$0x1] =	vst.idx.msk $0xffff, v61  }
0x1c: {  	[tilespmem:v0+s30+$0x0 ss:$0x1] =	vst.idx.msk $0xffff, v62  }
0x1d: {  	[tilespmem:v0+s31+$0x0 ss:$0x1] =	vst.idx.msk $0xffff, v63  }
.LBB2_8:
0x1e: {  	s15 =	sand.u32 $0x1FFFFFF, s10  }
0x1f: {  	s16 =	smulhi.u32 $0x1A36E2F, s15;
	_ =	sdelay $0x1  }
0x20: {  	s16 =	sshrl.u32 s16, $0x6  }
0x21: {  	s16 =	smul.u32 $0x2710, s16;
	_ =	sdelay $0x1  }
0x22: {  	s15 =	ssub.s32 s15, s16  }
0x23: {  	s15 =	sshll.u32 s15, $0x4  }
0x24: {  	s15 =	sadd.s32 s4, s15  }
0x25: {  	[hbm4b:s15+s8] =	stream.linear.scatter [tilespmem:s14], [sflag:$0x2], s13, $0x38;
	[tilespmem:$0x10000] =	vst v63  }
.LBB2_9:
0x26: {  	p1 =	slt.u32 s11, $0x2  }
0x27: {  	p2 =	sgt.s32 @!p1 s12, $0x2690  }
0x28: {  	s13 =	smov.u32 s12;
	s14 =	sshra.s32 @!p1 s12, $0x1F;
	p2 =	por !p2, p1  }
0x29: {  	s12 =	sand.u32 @!p1 s14, s12;
	s13 =	simm.s32 @p2 $0x2690  }
0x2a: {  	s12 =	ssub.s32 @!p1 s13, s12  }
0x2b: {  	s12 =	sadd.s32 @!p1 $0xFFFFD970, s12  }
0x2c: {  	s13 =	sshll.u32 @!p1 s12, $0x9  }
0x2d: {  	p2 =	sgt.s32 @!p1 s12, $0x7F;
	s12 =	ssub.s32 @!p1 $0x10000, s13  }
0x2e: {  	s14 =	sadd.s32 $0x1000, s9;
	p2 =	por !p2, p1;
	s12 =	sshrl.u32 @!p1 s12, $0x2  }
0x2f: {  	s12 =	simm.s32 @!p2 $0x0;
	p2 =	sgt.s32 s14, $0x270F  }
0x30: {  	s14 =	smov.u32 @p2 s3;
	p2 =	sne.s32 s11, s7  }
.Ltmp1:
0x31: {  	_ = 	snop;
	(pc) =	sbr.rel @!p2 .LBB2_10-.Ltmp1, $4  }
0x32: {  	s13 =	simm.s32 @!p1 $0x2  }
0x33: {  	_ =	swait.ge @!p1 [sflag:s13], s12;
	s15 =	ssub.s32 @!p1 $0x0, s12  }
0x34: {  	s12 =	smov.u32 s10;
	s11 =	sadd.s32 $0x1, s11;
	[sflag:s13] =	ssyncset.done @!p1 $0x0  }
0x35: {  	s10 =	smov.u32 s9;
	s9 =	smov.u32 s14;
	[sflag:s13] =	ssyncadd.s32 @!p1 s15  }
.LBB2_1:
0x36: {  	p1 =	sgt.u32 s11, s6  }
0x37: {  	s13 =	sand.u32 @!p1 $0x1FFFFFF, s9  }
0x38: {  	p2 =	sgt.s32 @!p1 s9, $0x2690;
	s14 =	smulhi.u32 @!p1 $0x1A36E2F, s13  }
0x39: {  	s15 =	smov.u32 s9;
	s16 =	sshra.s32 @!p1 s9, $0x1F;
	p2 =	por !p2, p1  }
0x3a: {  	s16 =	sand.u32 @!p1 s16, s9;
	s15 =	simm.s32 @p2 $0x2690;
	s14 =	sshrl.u32 @!p1 s14, $0x6  }
0x3b: {  	s15 =	ssub.s32 @!p1 s15, s16;
	s14 =	smul.u32 @!p1 $0x2710, s14  }
0x3c: {  	s16 =	sxor.u32 @!p1 $0xFFFFFFFF, s11;
	s15 =	sadd.s32 @!p1 $0xFFFFD970, s15  }
0x3d: {  	s16 =	sshll.u32 @!p1 s16, $0xE;
	s13 =	ssub.s32 @!p1 s13, s14;
	s14 =	sshll.u32 @!p1 s15, $0x9  }
0x3e: {  	s16 =	sand.u32 @!p1 $0x4000, s16;
	p2 =	sgt.s32 @!p1 s15, $0x7F;
	s14 =	ssub.s32 @!p1 $0x10000, s14  }
0x3f: {  	p2 =	por !p2, p1;
	s13 =	sshll.u32 @!p1 s13, $0x4;
	s14 =	sshrl.u32 @!p1 s14, $0x2  }
0x40: {  	s15 =	simm.s32 @!p1 $0x0;
	s13 =	sadd.s32 @!p1 s2, s13;
	s14 =	simm.s32 @!p2 $0x0  }
0x41: {  	[tilespmem:s16], [sflag:$0x1] =	stream.linear.gather @!p1 [hbm4b:s13+s15], s14, $0x38;
	[tilespmem:$0x10000] =	vst v63  }
0x42: {  	p1 =	seq.s32 s11, $0x0  }
0x43: {  	p2 =	sge.u32 @!p1 s11, s7  }
0x44: {  	p1 =	por p1, p2  }
.Ltmp2:
0x45: {  	_ = 	snop;
	(pc) =	sbr.rel @p1 .LBB2_9-.Ltmp2, $1  }
0x46: {  	_ =	sdelay $0x3  }
0x47: {  	p1 =	sgt.s32 s10, $0x2690;
	s13 =	smov.u32 s10;
	s14 =	sshra.s32 s10, $0x1F  }
0x48: {  	s13 =	simm.s32 @!p1 $0x2690;
	s14 =	sand.u32 s14, s10  }
0x49: {  	s13 =	ssub.s32 s13, s14  }
0x4a: {  	s13 =	sadd.s32 $0xFFFFD970, s13  }
0x4b: {  	s31 =	sshll.u32 s13, $0x9  }
0x4c: {  	s14 =	ssub.s32 $0x10000, s31  }
0x4d: {  	p1 =	sgt.s32 s13, $0x7F;
	s13 =	sshrl.u32 s14, $0x2;
	s14 =	sadd.s32 $0x80, s10  }
0x4e: {  	s13 =	simm.s32 @p1 $0x0;
	p1 =	slt.s32 s14, $0x2710  }
0x4f: {  	s14 =	simm.s32 @!p1 $0x2710  }
0x50: {  	s16 =	ssub.s32 s14, s10  }
0x51: {  	p1 =	slt.s32 s16, $0x1  }
.Ltmp3:
0x52: {  	_ = 	snop;
	(pc) =	sbr.rel @p1 .LBB2_8-.Ltmp3, $4  }
0x53: {  	_ = 	snop  }
0x54: {  	s15 =	sshll.u32 s11, $0xE;
	_ =	swait.ge [sflag:s5], s13  }
0x55: {  	s15 =	sand.u32 $0x4000, s15;
	s17 =	ssub.s32 $0x0, s13;
	[sflag:s5] =	ssyncset.done $0x0  }
0x56: {  	s14 =	sor.u32 $0x8000, s15;
	[sflag:s5] =	ssyncadd.s32 s17  }
0x57: {  	p2 =	sne.s32 s16, $0x1  }
.Ltmp4:
0x58: {  	v1 =	vmov s15;
	v0 =	vmov s14;
	(pc) =	sbr.rel @!p2 .LBB2_4-.Ltmp4, $3  }
0x59: {  	_ =	sdelay $0x1  }
0x5a: {  	s17 =	simm.s32 $0x0  }
0x5b: {  	s23 =	sadd.s32 $0xFFFFFFFF, s16;
	p1 =	por $0x0, $0x0;
	s15 =	sand.u32 $0x3F80, s17  }
0x5c: {  	_ =	sdelay $0x3  }
0x5d: {  	v6 =	vld.idx.msk [tilespmem:v1+s15+$0x0 ss:$0x1], $0xffff;
	s24 =	sor.u32 $0x70, s15  }
0x5e: {  	s16 =	sor.u32 $0x10, s15;
	v8 =	vld.idx.msk [tilespmem:v1+s24+$0x0 ss:$0x1], $0xffff  }
0x5f: {  	s17 =	sor.u32 $0x20, s15;
	p2 =	sne.s32 s23, $0x1;
	v2 =	vld.idx.msk [tilespmem:v1+s16+$0x0 ss:$0x1], $0xffff  }
.Ltmp5:
0x60: {  	s18 =	sor.u32 $0x30, s15;
	v4 =	vld.idx.msk [tilespmem:v1+s17+$0x0 ss:$0x1], $0xffff;
	(pc) =	sbr.rel @!p2 .LBB2_7-.Ltmp5, $4  }
0x61: {  	s19 =	sor.u32 $0x40, s15;
	v3 =	vld.idx.msk [tilespmem:v1+s18+$0x0 ss:$0x1], $0xffff  }
0x62: {  	s21 =	sor.u32 $0x60, s15;
	v5 =	vld.idx.msk [tilespmem:v1+s19+$0x0 ss:$0x1], $0xffff  }
0x63: {  	s20 =	sor.u32 $0x50, s15;
	s22 =	simm.s32 $0x80;
	v7 =	vld.idx.msk [tilespmem:v1+s21+$0x0 ss:$0x1], $0xffff;
	[tilespmem:v0+s15+$0x0 ss:$0x1] =	vst.idx.msk $0xffff, v6  }
0x64: {  	s23 =	sadd.s32 $0xFFFFFFFF, s23;
	p1 =	por $0x1, $0x1;
	v6 =	vld.idx.msk [tilespmem:v1+s20+$0x0 ss:$0x1], $0xffff;
	s15 =	sand.u32 $0x3F80, s22;
	[tilespmem:v0+s24+$0x0 ss:$0x1] =	vst.idx.msk $0xffff, v8  }
.LBB2_6:
0x65: {  	p2 =	sne.s32 s23, $0x1;
	v8 =	vld.idx.msk [tilespmem:v1+s15+$0x0 ss:$0x1], $0xffff;
	s24 =	sor.u32 $0x70, s15;
	[tilespmem:v0+s16+$0x0 ss:$0x1] =	vst.idx.msk $0xffff, v2;
	s16 =	sor.u32 $0x10, s15  }
0x66: {  	s25 =	sor.u32 $0x30, s15;
	s26 =	sor.u32 $0x40, s15;
	v9 =	vld.idx.msk [tilespmem:v1+s24+$0x0 ss:$0x1], $0xffff;
	[tilespmem:v0+s17+$0x0 ss:$0x1] =	vst.idx.msk $0xffff, v4;
	s17 =	sor.u32 $0x20, s15  }
0x67: {  	s28 =	sor.u32 $0x50, s15;
	s29 =	sor.u32 $0x60, s15;
	v2 =	vld.idx.msk [tilespmem:v1+s16+$0x0 ss:$0x1], $0xffff;
	[tilespmem:v0+s18+$0x0 ss:$0x1] =	vst.idx.msk $0xffff, v3;
	s18 =	smov.u32 s25  }
.Ltmp6:
0x68: {  	v4 =	vld.idx.msk [tilespmem:v1+s17+$0x0 ss:$0x1], $0xffff;
	[tilespmem:v0+s19+$0x0 ss:$0x1] =	vst.idx.msk $0xffff, v5;
	s19 =	smov.u32 s26;
	(pc) =	sbr.rel @p2 .LBB2_6-.Ltmp6, $4  }
0x69: {  	v3 =	vld.idx.msk [tilespmem:v1+s18+$0x0 ss:$0x1], $0xffff;
	[tilespmem:v0+s20+$0x0 ss:$0x1] =	vst.idx.msk $0xffff, v6;
	s20 =	smov.u32 s28  }
0x6a: {  	v5 =	vld.idx.msk [tilespmem:v1+s19+$0x0 ss:$0x1], $0xffff;
	[tilespmem:v0+s21+$0x0 ss:$0x1] =	vst.idx.msk $0xffff, v7;
	s21 =	smov.u32 s29  }
0x6b: {  	s22 =	sadd.s32 $0x80, s22;
	[tilespmem:v0+s15+$0x0 ss:$0x1] =	vst.idx.msk $0xffff, v8;
	v6 =	vld.idx.msk [tilespmem:v1+s20+$0x0 ss:$0x1], $0xffff  }
0x6c: {  	s23 =	sadd.s32 $0xFFFFFFFF, s23;
	s15 =	sand.u32 $0x3F80, s22;
	v7 =	vld.idx.msk [tilespmem:v1+s21+$0x0 ss:$0x1], $0xffff;
	[tilespmem:v0+s24+$0x0 ss:$0x1] =	vst.idx.msk $0xffff, v9  }
.Ltmp7:
0x6d: {  	_ = 	snop;
	(pc) =	sbr.rel .LBB2_7-.Ltmp7, $1  }
0x6e: {  	_ =	sdelay $0x3  }
.LBB2_10:
0x6f: {  	_ =	sfence.sel $0x180000  }
0x70: {  	s2 =	simm.s32 $0x1;
	[bflag:$0x0] =	sbarrier.arrive $0xFFFF  }
0x71: {  	s31 =	simm.s32 $0x2;
	[sflag:s2] =	ssyncpa.u1 $0x1  }
0x72: {  	[sflag:s31] =	ssyncpa.u1 $0x1  }
0x73: {  	_ =	strace $0x90000047  }
0x74: {  	s0 =	sadd.s32 @!p0 $0x100000, s0;
	[bflag:$0x2] =	sbarrier.arrive $0xFFFF  }
0x75: {  	[sflag:s0] =	ssyncadd.tile.s32 @!p0 $0x1;
	s0 =	simm.s32 @!p0 $0x3F  }
0x76: {  	_ =	swait.ge @!p0 [sflag:s0], s1  }
0x77: {  	s1 =	ssub.s32 @!p0 $0x0, s1;
	[sflag:s0] =	ssyncset.done @!p0 $0x0  }
0x78: {  	[sflag:s0] =	ssyncadd.s32 @!p0 s1  }
0x79: {  	[bflag:$0x3] =	sbarrier.arrive $0xFFFF  }
0x7a: {  	_ =	shalt  }
.Lfunc_end2:
execute1_lowered:
.L_overlay_start_2:
0x7b: {  	(tag) =	ssettag $0x2  }
0x7c: {  	s2 =	rddreg [dreg:$0x0]  }
0x7d: {  	s15 =	rddreg [dreg:$0x1]  }
0x7e: {  	s3 =	rddreg [dreg:$0x2];
	_ =	strace $0x8000004A;
	s0 =	simm.s32 $0x1  }
0x7f: {  	v0 =	vimm.s32 $0x0;
	[sflag:s0] =	ssyncpa.u1 $0x0;
	s0 =	simm.s32 $0x108  }
0x80: {  	[tilespmem:s0+$0x70] =	vst v0  }
0x81: {  	[tilespmem:s0+$0x60] =	vst v0  }
0x82: {  	[tilespmem:s0+$0x50] =	vst v0  }
0x83: {  	[tilespmem:s0+$0x40] =	vst v0  }
0x84: {  	[tilespmem:s0+$0x30] =	vst v0  }
0x85: {  	s1 =	sadd.s32 $0x530200, s2;
	s6 =	sadd.s32 $0x27000, s2;
	[tilespmem:s0+$0x20] =	vst v0  }
0x86: {  	s14 =	sadd.s32 $0x18200, s2;
	s5 =	sand.u32 $0x1, s3;
	s3 =	simm.s32 $0x40;
	[tilespmem:s0+$0x10] =	vst v0  }
.LBB3_1:
0x87: {  	s3 =	sadd.s32 $0x40, s3;
	[tilespmem:s0+$0x0] =	vst v0;
	s0 =	sadd.s32 $0x80, s0  }
0x88: {  	p0 =	slt.u32 s3, $0x3C40;
	[tilespmem:s0+$0x70] =	vst v0  }
0x89: {  	[tilespmem:s0+$0x60] =	vst v0  }
.Ltmp8:
0x8a: {  	[tilespmem:s0+$0x50] =	vst v0;
	(pc) =	sbr.rel @p0 .LBB3_1-.Ltmp8, $4  }
0x8b: {  	[tilespmem:s0+$0x40] =	vst v0  }
0x8c: {  	[tilespmem:s0+$0x30] =	vst v0  }
0x8d: {  	[tilespmem:s0+$0x20] =	vst v0  }
0x8e: {  	[tilespmem:s0+$0x10] =	vst v0  }
0x8f: {  	s9 =	stileid.u32  }
0x90: {  	s2 =	smul.u32 $0x29, s9  }
0x91: {  	s3 =	smin.u32 s9, $0xB  }
0x92: {  	s2 =	sadd.s32 s3, s2  }
0x93: {  	p0 =	slt.u32 s9, $0xB;
	s7 =	smul.u32 $0xF0, s2;
	s2 =	simm.s32 $0x2760  }
0x94: {  	s2 =	simm.s32 @!p0 $0x2670  }
0x95: {  	s2 =	sadd.s32 s2, s7  }
0x96: {  	s8 =	smin.u32 s2, $0x27100  }
0x97: {  	s2 =	ssub.s32 s8, s7  }
0x98: {  	p0 =	sgt.s32 s2, $0x0  }
0x99: {  	s29 =	simm.s32 $0x2;
	s10 =	simm.s32 $0x9;
	s2 =	simm.s32 @!p0 $0x0  }
0x9a: {  	s4 =	simm.s32 $0xA;
	s11 =	simm.s32 $0xB;
	s28 =	smulhi.u32 $0x88888889, s2  }
0x9b: {  	[dreg:$0x5] =	wrdreg s5;
	s31 =	smul.u32 $0x4E20, s5;
	s12 =	simm.s32 $0x1  }
0x9c: {  	s22 =	simm.s32 $0x0;
	s18 =	simm.s32 $0xC;
	s30 =	sshrl.u32 s28, $0x7  }
0x9d: {  	s20 =	simm.s32 $0x0;
	s21 =	simm.s32 $0x0;
	s3 =	smul.u32 $0xF0, s30  }
.Ltmp9:
0x9e: {  	[tilespmem:s0+$0x0] =	vst v0;
	v0 =	vimm.s32 $0xFFFFFFFF;
	[sflag:s29] =	ssyncpa.u1 $0x0;
	s16 =	sshll.u32 s9, $0x8;
	(pc) =	sbr.rel .LBB3_3-.Ltmp9, $4  }
0x9f: {  	[tilespmem:$0xF208] =	vst v0;
	[sflag:s10] =	ssyncpa.u1 $0x0;
	p0 =	sne.s32 s2, s3;
	s2 =	simm.s32 $0x1  }
0xa0: {  	s14 =	sadd.s32 s31, s14;
	[sflag:s4] =	ssyncpa.u1 $0x0;
	s2 =	simm.s32 @!p0 $0x0  }
0xa1: {  	s15 =	sadd.s32 s31, s15;
	[sflag:s11] =	ssyncpa.u1 $0x0;
	s13 =	sadd.s32 s2, s30  }
0xa2: {  	v0 =	vlaneseq.u32;
	s19 =	smov.u32 s7;
	p0 =	por $0x0, $0x0;
	s17 =	sadd.s32 $0x1, s13  }
.LBB3_18:
0xa3: {  	s0 =	sshrl.u32 s31, $0x2  }
.LBB3_20:
0xa4: {  	_ =	swait.ge [sflag:s18], s0  }
0xa5: {  	s31 =	ssub.s32 $0x0, s0;
	v1 =	vmov s24;
	vm0 =	veq.s32 v0, $0x0;
	[sflag:s18] =	ssyncset.done $0x0  }
0xa6: {  	vm15 =	veq.s32 v0, $0x2;
	v1 =	vsel vm0, s30, v1;
	[sflag:s18] =	ssyncadd.s32 s31  }
0xa7: {  	v1 =	vsel vm15, s22, v1;
	[sflag:s18] =	ssyncpa.u1 $0x1  }
0xa8: {  	[tilespmem:$0xF208] =	vst v1  }
.LBB3_21:
0xa9: {  	s0 =	sadd.s32 $0xF0, s19  }
0xaa: {  	s2 =	smov.u32 s7;
	p1 =	slt.s32 s0, s8  }
0xab: {  	s2 =	smov.u32 @p1 s0;
	p1 =	sne.s32 s21, s17  }
.Ltmp10:
0xac: {  	_ = 	snop;
	(pc) =	sbr.rel @!p1 .LBB3_22-.Ltmp10, $3  }
0xad: {  	_ =	sdelay $0x1  }
0xae: {  	s22 =	smov.u32 s20;
	s31 =	sadd.s32 $0x1, s21;
	s20 =	smov.u32 s19  }
0xaf: {  	p0 =	por !p0, !p0;
	s21 =	smov.u32 s31;
	s19 =	smov.u32 s2  }
.LBB3_3:
0xb0: {  	p1 =	sge.u32 s21, s13  }
0xb1: {  	s0 =	smulhi.u32 @!p1 $0xAAAAAAAB, s21  }
0xb2: {  	s2 =	smov.u32 s19;
	p2 =	sgt.s32 @!p1 s19, $0x27010  }
0xb3: {  	s3 =	sshra.s32 @!p1 s19, $0x1F;
	p2 =	por !p2, p1;
	s0 =	sshrl.u32 @!p1 s0, $0x1  }
0xb4: {  	s3 =	sand.u32 @!p1 s3, s19;
	s2 =	simm.s32 @p2 $0x27010;
	s0 =	smul.u32 @!p1 $0x3, s0  }
0xb5: {  	s2 =	ssub.s32 @!p1 s2, s3  }
0xb6: {  	s2 =	sadd.s32 @!p1 $0xFFFD8FF0, s2;
	s0 =	ssub.s32 @!p1 s21, s0  }
0xb7: {  	s3 =	sshll.u32 @!p1 s2, $0x2;
	p2 =	sgt.s32 @!p1 s2, $0xEF;
	s0 =	smul.u32 @!p1 $0x3C0, s0  }
0xb8: {  	s4 =	sand.u32 @!p1 $0x7, s19;
	s2 =	ssub.s32 @!p1 $0x3C0, s3;
	p2 =	por !p2, p1  }
0xb9: {  	s3 =	sshrl.u32 @!p1 s19, $0x3;
	s2 =	sshrl.u32 @!p1 s2, $0x2;
	s0 =	sshrl.u32 @!p1 s0, $0x2  }
0xba: {  	s3 =	sadd.s32 @!p1 s3, s14;
	s2 =	simm.s32 @!p2 $0x0;
	s0 =	sadd.s32 @!p1 $0x10248, s0  }
0xbb: {  	[tilespmem:s0], [sflag:$0xA] =	stream.linear.gather @!p1 [hbm4b:s3+s4], s2, $0x38;
	[tilespmem:$0x1F6F8] =	vst v63  }
0xbc: {  	s0 =	sadd.s32 $0xFFFFFFFF, s21  }
0xbd: {  	p1 =	sge.u32 s0, s13  }
0xbe: {  	p2 =	sgt.s32 @!p1 s20, $0x27010  }
0xbf: {  	s2 =	smov.u32 s20;
	s3 =	sshra.s32 @!p1 s20, $0x1F;
	p2 =	por !p2, p1  }
0xc0: {  	s3 =	sand.u32 @!p1 s3, s20;
	s2 =	simm.s32 @p2 $0x27010  }
0xc1: {  	s2 =	ssub.s32 @!p1 s2, s3  }
0xc2: {  	s2 =	sadd.s32 @!p1 $0xFFFD8FF0, s2  }
0xc3: {  	s4 =	sand.u32 @!p1 $0x1, s0;
	s3 =	sshll.u32 @!p1 s2, $0x2  }
0xc4: {  	p2 =	sgt.s32 @!p1 s2, $0xEF;
	s2 =	ssub.s32 @!p1 $0x3C0, s3;
	s3 =	smulhi.u32 @!p1 $0xAAAAAAAB, s0  }
0xc5: {  	s23 =	smul.u32 @!p1 $0x3C0, s4;
	p2 =	por !p2, p1;
	s2 =	sshrl.u32 @!p1 s2, $0x2  }
0xc6: {  	s5 =	simm.s32 @!p1 $0xA;
	s2 =	simm.s32 @!p2 $0x0;
	s3 =	sshrl.u32 @!p1 s3, $0x1  }
0xc7: {  	s23 =	sshrl.u32 @!p1 s23, $0x2;
	_ =	swait.ge @!p1 [sflag:s5], s2;
	s3 =	smul.u32 @!p1 $0x3, s3  }
0xc8: {  	s23 =	sadd.s32 @!p1 $0x10518, s23;
	s24 =	ssub.s32 @!p1 $0x0, s2;
	[sflag:s5] =	ssyncset.done @!p1 $0x0  }
0xc9: {  	[sflag:s5] =	ssyncadd.s32 @!p1 s24;
	s5 =	sshrl.u32 @!p1 s20, $0x3;
	s0 =	ssub.s32 @!p1 s0, s3  }
0xca: {  	s24 =	sand.u32 @!p1 $0x7, s20;
	s5 =	sadd.s32 @!p1 s5, s15;
	s0 =	smul.u32 @!p1 $0x3C0, s0  }
0xcb: {  	[tilespmem:s23], [sflag:$0xB] =	stream.linear.gather @!p1 [hbm4b:s5+s24], s2, $0x38;
	[tilespmem:$0x1F6F8] =	vst v63  }
0xcc: {  	s3 =	ssub.s32 @!p1 $0x27100, s20;
	s2 =	smul.u32 @!p1 $0x1E000, s4  }
0xcd: {  	p2 =	slt.s32 @!p1 s3, $0xF0  }
0xce: {  	p2 =	por !p2, p1;
	s0 =	sshrl.u32 @!p1 s0, $0x2;
	s2 =	sshrl.u32 @!p1 s2, $0x2  }
0xcf: {  	s3 =	simm.s32 @p2 $0xF0;
	s0 =	sadd.s32 @!p1 $0x10248, s0;
	s2 =	sor.u32 @!p1 $0x106F8, s2  }
0xd0: {  	[tilespmem:s2], [sflag:$0x9] =	stream.indirect.gather @!p1 [hbm4b:s6+s3], $0x80, s0, s3, $0xb8;
	[tilespmem:$0x1F6F8] =	vst v63  }
0xd1: {  	p1 =	slt.u32 s21, $0x2  }
.Ltmp11:
0xd2: {  	_ = 	snop;
	(pc) =	sbr.rel @p1 .LBB3_21-.Ltmp11, $1  }
0xd3: {  	_ =	sdelay $0x3  }
0xd4: {  	p1 =	sgt.s32 s22, $0x27010  }
0xd5: {  	s0 =	smov.u32 s22;
	s2 =	sshra.s32 s22, $0x1F;
	s3 =	ssub.s32 $0x27100, s22  }
0xd6: {  	s0 =	simm.s32 @!p1 $0x27010;
	s2 =	sand.u32 s2, s22;
	p1 =	slt.s32 s3, $0xF0  }
0xd7: {  	s0 =	ssub.s32 s0, s2;
	s3 =	simm.s32 @!p1 $0xF0  }
0xd8: {  	s0 =	sadd.s32 $0xFFFD8FF0, s0;
	s25 =	sshll.u32 s3, $0x7  }
0xd9: {  	s26 =	sshll.u32 s0, $0x2;
	s2 =	sand.u32 $0x3FFFFF80, s25  }
0xda: {  	p1 =	sgt.s32 s0, $0xEF;
	s29 =	ssub.s32 $0x3C0, s26;
	_ =	swait.ge [sflag:s10], s2  }
0xdb: {  	s2 =	ssub.s32 $0x0, s2;
	[sflag:s10] =	ssyncset.done $0x0;
	s0 =	sshrl.u32 s29, $0x2  }
0xdc: {  	[sflag:s10] =	ssyncadd.s32 s2;
	s0 =	simm.s32 @p1 $0x0  }
0xdd: {  	_ =	swait.ge [sflag:s11], s0  }
0xde: {  	s0 =	ssub.s32 $0x0, s0;
	[sflag:s11] =	ssyncset.done $0x0  }
0xdf: {  	[sflag:s11] =	ssyncadd.s32 s0  }
0xe0: {  	v1 =	vld [tilespmem:$0xF208];
	_ =	sdelay $0x4  }
0xe1: {  	(v2sf) =	vpush v1, $0x0  }
0xe2: {  	(v2sf) =	vpush v1, $0x1  }
0xe3: {  	(v2sf) =	vpush v1, $0x2;
	_ =	sdelay $0x3  }
0xe4: {  	s0 =	sadd.s32 $0xF0, s22  }
0xe5: {  	s2 =	ssub.s32 $0x4E200, s22;
	p1 =	slt.s32 s8, s0  }
0xe6: {  	s0 =	smov.u32 @p1 s8;
	p1 =	sgt.s32 s2, $0x0  }
0xe7: {  	s26 =	ssub.s32 s0, s22;
	s2 =	simm.s32 @!p1 $0x0  }
0xe8: {  	p1 =	slt.s32 s2, s26  }
0xe9: {  	s26 =	smov.u32 @p1 s2  }
0xea: {  	s25 =	simm.s32 $0x1;
	p1 =	slt.s32 s26, $0x1  }
.Ltmp12:
0xeb: {  	s25 =	simm.s32 @!p0 $0x0;
	(pc) =	sbr.rel @p1 .LBB3_8-.Ltmp12, $4  }
0xec: {  	s31 =	smul.u32 $0x3C0, s25  }
0xed: {  	s28 =	spop (v2sf)  }
0xee: {  	s0 =	sshrl.u32 s31, $0x2;
	s30 =	spop (v2sf)  }
0xef: {  	s23 =	sadd.s32 $0x10518, s0;
	s22 =	spop (v2sf)  }
0xf0: {  	s0 =	smin.u32 s26, $0x10  }
0xf1: {  	v1 =	vmov s0  }
0xf2: {  	p2 =	sgt.s32 s26, $0x10;
	vm1 =	vgt.u32 v1, v0  }
.Ltmp13:
0xf3: {  	_ = 	snop;
	(pc) =	sbr.rel @!p2 .LBB3_7-.Ltmp13, $2  }
0xf4: {  	_ =	sdelay $0x2  }
0xf5: {  	s4 =	simm.s32 $0x10;
	s24 =	sadd.s32 $0xFFFFFFF0, s26;
	s0 =	smov.u32 s23;
	vm0 =	vmmov vm1  }
.LBB3_6:
0xf6: {  	s2 =	smin.u32 s24, $0x10;
	s4 =	sadd.s32 $0x10, s4;
	v1 =	vld.msk [tilespmem:s0+$0x0 ss:$0x1], vm1  }
0xf7: {  	v2 =	vmov s2;
	p2 =	slt.s32 s4, s26  }
0xf8: {  	vm1 =	vgt.u32 v2, v0  }
.Ltmp14:
0xf9: {  	(pc) =	sbr.rel @p2 .LBB3_6-.Ltmp14, $3  }
0xfa: {  	_ =	sdelay $0x1  }
0xfb: {  	v1 =	vshll.u32 v1, $0x4  }
0xfc: {  	s24 =	sadd.s32 $0xFFFFFFF0, s24;
	[tilespmem:s0+$0x0] =	vst.msk vm0, v1;
	s0 =	sadd.s32 $0x10, s0;
	vm0 =	vmmov vm1  }
.LBB3_7:
0xfd: {  	_ =	sdelay $0x4  }
0xfe: {  	v1 =	vld.msk [tilespmem:s0+$0x0 ss:$0x1], vm1;
	_ =	sdelay $0x4  }
0xff: {  	v1 =	vshll.u32 v1, $0x4  }
0x100: {  	[tilespmem:s0+$0x0] =	vst.msk vm0, v1  }
.LBB3_8:
0x101: {  	s0 =	sand.u32 $0x1, s21  }
0x102: {  	s0 =	smul.u32 $0xF0, s0  }
0x103: {  	p2 =	sne.s32 s30, $0xFFFFFFFF  }
0x104: {  	v1 =	vld.msk @!p2 [tilespmem:s0+$0x10518], $0x1;
	_ =	sdelay $0x4  }
0x105: {  	(v2sf) =	vpush @!p2 v1, $0x0;
	_ =	sdelay $0xc  }
.Ltmp15:
0x106: {  	_ = 	snop;
	(pc) =	sbr.rel @p1 .LBB3_19-.Ltmp15, $4  }
0x107: {  	_ = 	snop  }
0x108: {  	s29 =	spop @!p2 (v2sf)  }
0x109: {  	s22 =	simm.s32 @!p2 $0x0;
	s24 =	smov.u32 s29  }
0x10a: {  	[sflag:s18] =	ssyncpa.u1 $0x0;
	s29 =	smov.u32 @p2 s28;
	s24 =	smov.u32 @p2 s30  }
0x10b: {  	v1 =	vld.msk [tilespmem:s23+$0x0], $0x1;
	_ =	sdelay $0x4  }
0x10c: {  	(v2sf) =	vpush v1, $0x0;
	_ =	sdelay $0xe  }
0x10d: {  	s2 =	smul.u32 $0x1E000, s25;
	s0 =	spop (v2sf)  }
0x10e: {  	s26 =	ssub.s32 $0x0, s26;
	p1 =	seq.s32 s29, s0  }
0x10f: {  	s30 =	sadd.s32 $0x1, s26;
	s2 =	sshrl.u32 s2, $0x2;
	p2 =	sgt.s32 @!p1 s29, $0x0  }
0x110: {  	s25 =	sor.u32 $0x10738, s2;
	s2 =	smov.u32 s29;
	p2 =	por !p2, p1  }
0x111: {  	s2 =	simm.s32 @p2 $0x0;
	p2 =	seq.s32 s30, $0x0  }
.Ltmp16:
0x112: {  	_ = 	snop;
	(pc) =	sbr.rel @p2 .LBB3_11-.Ltmp16, $4  }
0x113: {  	_ = 	snop  }
0x114: {  	s28 =	simm.s32 $0x0;
	s31 =	sadd.s32 $0x1, s23;
	s2 =	smin.u32 @!p1 s2, $0x270F0  }
0x115: {  	s4 =	simm.s32 @!p1 $0x1;
	s5 =	simm.s32 @!p1 $0x7988;
	s3 =	sand.u32 @!p1 $0x3FFF8, s2  }
0x116: {  	s4 =	smov.u32 @p1 s28;
	s2 =	sand.u32 @!p1 $0x7, s2;
	s3 =	sadd.s32 @!p1 s1, s3  }
.LBB3_10:
0x117: {  	s9 =	smov.u32 s4  }
0x118: {  	[tilespmem:s5], [sflag:$0x2] =	stream.linear.gather @!p1 [hbm4b:s3+s2], $0x80, $0x38;
	[tilespmem:$0x1F6F8] =	vst v63  }
0x119: {  	s30 =	sadd.s32 $0x1, s30;
	s2 =	smov.u32 s0;
	v1 =	vld.msk [tilespmem:s31+$0x0], $0x1  }
0x11a: {  	p2 =	seq.s32 s30, $0x0;
	_ =	sdelay $0x3  }
0x11b: {  	(v2sf) =	vpush v1, $0x0;
	_ =	sdelay $0xe  }
0x11c: {  	s0 =	spop (v2sf)  }
0x11d: {  	p1 =	seq.s32 s2, s0  }
0x11e: {  	p3 =	sgt.s32 @!p1 s2, $0x0;
	s3 =	sshll.u32 @!p1 s4, $0x9;
	s4 =	sadd.s32 @!p1 $0x1, s4  }
.Ltmp17:
0x11f: {  	p3 =	por !p3, p1;
	s3 =	sshra.s32 @!p1 s3, $0x2;
	(pc) =	sbr.rel @!p2 .LBB3_10-.Ltmp17, $4  }
0x120: {  	s4 =	smov.u32 @p1 s9;
	s2 =	simm.s32 @p3 $0x0;
	s5 =	sadd.s32 @!p1 $0x7988, s3  }
0x121: {  	s2 =	smin.u32 @!p1 s2, $0x270F0  }
0x122: {  	s3 =	sand.u32 @!p1 $0x3FFF8, s2;
	s2 =	sand.u32 @!p1 $0x7, s2  }
0x123: {  	s31 =	sadd.s32 $0x1, s31;
	s3 =	sadd.s32 @!p1 s1, s3  }
.LBB3_11:
0x124: {  	[tilespmem:s5], [sflag:$0x2] =	stream.linear.gather @!p1 [hbm4b:s3+s2], $0x80, $0x38;
	[tilespmem:$0x1F6F8] =	vst v63  }
.Ltmp18:
0x125: {  	s0 =	sshll.u32 s4, $0x7;
	(pc) =	sbr.rel .LBB3_12-.Ltmp18, $4  }
0x126: {  	s30 =	simm.s32 $0x2;
	s0 =	sand.u32 $0x3FFFFF80, s0  }
0x127: {  	_ =	swait.ge [sflag:s30], s0  }
0x128: {  	s0 =	ssub.s32 $0x0, s0;
	[sflag:s30] =	ssyncset.done $0x0  }
0x129: {  	s31 =	simm.s32 $0x0;
	[sflag:s30] =	ssyncadd.s32 s0  }
.LBB3_13:
0x12a: {  	v1 =	vld [tilespmem:s25+$0xFFFFFFC0];
	_ =	sdelay $0x3  }
0x12b: {  	s0 =	sshra.s32 s0, $0x2  }
0x12c: {  	[tilespmem:s0+$0x108] =	vst.add.f32.msk $0xffff, v1  }
0x12d: {  	v1 =	vld [tilespmem:s25+$0xFFFFFFD0];
	_ =	sdelay $0x4  }
0x12e: {  	[tilespmem:s0+$0x118] =	vst.add.f32.msk $0xffff, v1  }
0x12f: {  	v1 =	vld [tilespmem:s25+$0xFFFFFFE0];
	_ =	sdelay $0x4  }
0x130: {  	[tilespmem:s0+$0x128] =	vst.add.f32.msk $0xffff, v1  }
0x131: {  	v1 =	vld [tilespmem:s25+$0xFFFFFFF0];
	_ =	sdelay $0x4  }
0x132: {  	[tilespmem:s0+$0x138] =	vst.add.f32.msk $0xffff, v1  }
0x133: {  	v1 =	vld [tilespmem:s25+$0x0];
	_ =	sdelay $0x4  }
0x134: {  	[tilespmem:s0+$0x148] =	vst.add.f32.msk $0xffff, v1  }
0x135: {  	v1 =	vld [tilespmem:s25+$0x10];
	_ =	sdelay $0x4  }
0x136: {  	[tilespmem:s0+$0x158] =	vst.add.f32.msk $0xffff, v1  }
0x137: {  	v1 =	vld [tilespmem:s25+$0x20];
	_ =	sdelay $0x4  }
0x138: {  	[tilespmem:s0+$0x168] =	vst.add.f32.msk $0xffff, v1  }
0x139: {  	v1 =	vld [tilespmem:s25+$0x30];
	_ =	sdelay $0x4  }
0x13a: {  	[tilespmem:s0+$0x178] =	vst.add.f32.msk $0xffff, v1  }
.LBB3_17:
0x13b: {  	s26 =	sadd.s32 $0x1, s26  }
0x13c: {  	p1 =	seq.s32 s26, $0x0  }
.Ltmp19:
0x13d: {  	_ = 	snop;
	(pc) =	sbr.rel @p1 .LBB3_18-.Ltmp19, $2  }
0x13e: {  	_ =	sdelay $0x2  }
0x13f: {  	s23 =	sadd.s32 $0x1, s23;
	s25 =	sadd.s32 $0x80, s25;
	s29 =	smov.u32 s30  }
.LBB3_12:
0x140: {  	v1 =	vld.msk [tilespmem:s23+$0x0], $0x1;
	_ =	sdelay $0x4  }
0x141: {  	(v2sf) =	vpush v1, $0x0;
	_ =	sdelay $0xe  }
0x142: {  	s30 =	spop (v2sf)  }
0x143: {  	p1 =	sne.s32 s29, s30  }
.Ltmp20:
0x144: {  	_ = 	snop;
	(pc) =	sbr.rel @!p1 .LBB3_13-.Ltmp20, $2  }
0x145: {  	_ =	sdelay $0x2  }
0x146: {  	s0 =	sshll.u32 s22, $0x9  }
0x147: {  	p1 =	seq.s32 s29, s24  }
.Ltmp21:
0x148: {  	_ = 	snop;
	(pc) =	sbr.rel @!p1 .LBB3_15-.Ltmp21, $1  }
0x149: {  	_ =	sdelay $0x3  }
0x14a: {  	s0 =	sshra.s32 s0, $0x2  }
.Ltmp22:
0x14b: {  	s0 =	sadd.s32 $0x108, s0;
	(pc) =	sbr.rel .LBB3_16-.Ltmp22, $4  }
0x14c: {  	[spmem:s16] =	stream.linear.scatter [tilespmem:s0], [sflag:$0x1], $0x80, $0x38;
	[tilespmem:$0x1F6F8] =	vst v63  }
0x14d: {  	_ =	swait.ge [sflag:s12], $0x80  }
0x14e: {  	[sflag:s12] =	ssyncset.done $0x0  }
0x14f: {  	[sflag:s12] =	ssyncadd.s32 $0xFFFFFF80  }
.LBB3_15:
0x150: {  	s2 =	sshll.u32 s28, $0x9  }
0x151: {  	s2 =	sshra.s32 s2, $0x2  }
0x152: {  	v1 =	vld [tilespmem:s2+$0x7988];
	_ =	sdelay $0x3  }
0x153: {  	s0 =	sshra.s32 s0, $0x2  }
0x154: {  	[tilespmem:s0+$0x108] =	vst.add.f32.msk $0xffff, v1  }
0x155: {  	v1 =	vld [tilespmem:s2+$0x7998];
	_ =	sdelay $0x4  }
0x156: {  	[tilespmem:s0+$0x118] =	vst.add.f32.msk $0xffff, v1  }
0x157: {  	v1 =	vld [tilespmem:s2+$0x79A8];
	_ =	sdelay $0x4  }
0x158: {  	[tilespmem:s0+$0x128] =	vst.add.f32.msk $0xffff, v1  }
0x159: {  	v1 =	vld [tilespmem:s2+$0x79B8];
	_ =	sdelay $0x4  }
0x15a: {  	[tilespmem:s0+$0x138] =	vst.add.f32.msk $0xffff, v1  }
0x15b: {  	v1 =	vld [tilespmem:s2+$0x79C8];
	_ =	sdelay $0x4  }
0x15c: {  	[tilespmem:s0+$0x148] =	vst.add.f32.msk $0xffff, v1  }
0x15d: {  	v1 =	vld [tilespmem:s2+$0x79D8];
	_ =	sdelay $0x4  }
0x15e: {  	[tilespmem:s0+$0x158] =	vst.add.f32.msk $0xffff, v1  }
0x15f: {  	v1 =	vld [tilespmem:s2+$0x79E8];
	_ =	sdelay $0x4  }
0x160: {  	[tilespmem:s0+$0x168] =	vst.add.f32.msk $0xffff, v1  }
0x161: {  	v1 =	vld [tilespmem:s2+$0x79F8];
	_ =	sdelay $0x2  }
0x162: {  	p1 =	sgt.u32 s29, $0x270F0  }
0x163: {  	s2 =	sand.u32 @!p1 $0x3FFF8, s29  }
0x164: {  	s3 =	sadd.s32 $0x108, s0;
	[tilespmem:s0+$0x178] =	vst.add.f32.msk $0xffff, v1;
	s0 =	sadd.s32 @!p1 s1, s2;
	s2 =	sand.u32 @!p1 $0x7, s29  }
0x165: {  	[hbm4b:s0+s2] =	stream.linear.scatter @!p1 [tilespmem:s3], [sflag:$0xC], $0x80, $0x38;
	[tilespmem:$0x1F6F8] =	vst v63  }
0x166: {  	s0 =	simm.s32 $0x0  }
0x167: {  	s0 =	simm.s32 @!p1 $0x200  }
0x168: {  	s31 =	sadd.s32 s0, s31  }
.LBB3_16:
0x169: {  	s0 =	sadd.s32 $0x1, s22  }
0x16a: {  	s2 =	smulhi.u32 $0x88888889, s0;
	_ =	sdelay $0x1  }
0x16b: {  	v1 =	vld [tilespmem:s25+$0xFFFFFFC0];
	s2 =	sshrl.u32 s2, $0x7  }
0x16c: {  	s2 =	smul.u32 $0xF0, s2;
	_ =	sdelay $0x1  }
0x16d: {  	s22 =	ssub.s32 s0, s2  }
0x16e: {  	s0 =	sshll.u32 s22, $0x7  }
0x16f: {  	[tilespmem:s0+$0x108] =	vst v1  }
0x170: {  	v1 =	vld [tilespmem:s25+$0xFFFFFFD0];
	_ =	sdelay $0x4  }
0x171: {  	[tilespmem:s0+$0x118] =	vst v1  }
0x172: {  	v1 =	vld [tilespmem:s25+$0xFFFFFFE0];
	_ =	sdelay $0x4  }
0x173: {  	[tilespmem:s0+$0x128] =	vst v1  }
0x174: {  	v1 =	vld [tilespmem:s25+$0xFFFFFFF0];
	_ =	sdelay $0x4  }
0x175: {  	[tilespmem:s0+$0x138] =	vst v1  }
0x176: {  	v1 =	vld [tilespmem:s25+$0x0];
	_ =	sdelay $0x4  }
0x177: {  	[tilespmem:s0+$0x148] =	vst v1  }
0x178: {  	v1 =	vld [tilespmem:s25+$0x10];
	_ =	sdelay $0x4  }
0x179: {  	[tilespmem:s0+$0x158] =	vst v1  }
0x17a: {  	v1 =	vld [tilespmem:s25+$0x20];
	_ =	sdelay $0x4  }
0x17b: {  	[tilespmem:s0+$0x168] =	vst v1  }
0x17c: {  	v1 =	vld [tilespmem:s25+$0x30]  }
.Ltmp23:
0x17d: {  	_ = 	snop;
	(pc) =	sbr.rel .LBB3_17-.Ltmp23, $2  }
0x17e: {  	_ =	sdelay $0x2  }
0x17f: {  	s28 =	sadd.s32 $0x1, s28;
	[tilespmem:s0+$0x178] =	vst v1  }
.LBB3_19:
.Ltmp24:
0x180: {  	(pc) =	sbr.rel .LBB3_20-.Ltmp24, $4  }
0x181: {  	_ = 	snop  }
0x182: {  	s0 =	simm.s32 $0x2  }
0x183: {  	_ =	swait.ge [sflag:s0], $0x0  }
0x184: {  	s30 =	smov.u32 s29;
	[sflag:s0] =	ssyncset.done $0x0;
	s0 =	simm.s32 $0x0  }
.LBB3_22:
0x185: {  	_ =	sfence.sel $0x180000  }
0x186: {  	s0 =	simm.s32 $0x9;
	[bflag:$0x0] =	sbarrier.arrive $0xFFFF  }
0x187: {  	s24 =	simm.s32 $0xA;
	[sflag:s0] =	ssyncpa.u1 $0x1  }
0x188: {  	s25 =	simm.s32 $0xB;
	[sflag:s24] =	ssyncpa.u1 $0x1  }
0x189: {  	s26 =	simm.s32 $0x2;
	[sflag:s25] =	ssyncpa.u1 $0x1  }
0x18a: {  	[sflag:s26] =	ssyncpa.u1 $0x1  }
0x18b: {  	v0 =	vld [tilespmem:$0xF208];
	_ =	sdelay $0x4  }
0x18c: {  	(v2sf) =	vpush v0, $0x0  }
0x18d: {  	(v2sf) =	vpush v0, $0x1;
	_ =	sdelay $0x1  }
0x18e: {  	(v2sf) =	vpush v0, $0x2;
	_ =	sdelay $0xb  }
0x18f: {  	s0 =	spop (v2sf)  }
0x190: {  	s2 =	spop (v2sf)  }
0x191: {  	s3 =	smov.u32 s0;
	p0 =	sne.s32 s0, s2  }
0x192: {  	s4 =	spop (v2sf);
	s3 =	simm.s32 @!p0 $0xFFFFFFFF  }
0x193: {  	v2 =	vimm.s32 $0x1;
	v3 =	vlaneseq.u32;
	p0 =	seq.s32 s4, $0xFFFFFFFF;
	v1 =	vmov s3  }
0x194: {  	s16 =	stileid.u32;
	v0 =	vperm.xlane v0, v2;
	p1 =	sne.s32 @!p0 s0, s2;
	v1 =	vperm.xlane v1, v3  }
0x195: {  	vm0 =	vcmask $0x3F04;
	s6 =	simm.s32 $0xF208;
	s0 =	simm.s32 @!p0 $0x1;
	p1 =	por !p1, p0  }
0x196: {  	s3 =	sshll.u32 s16, $0x1;
	s2 =	sshll.u32 @!p0 s4, $0x9;
	s0 =	simm.s32 @p1 $0x0;
	v0 =	vsel vm0, v1, v0  }
0x197: {  	s5 =	sor.u32 $0x1000, s3;
	s2 =	sshra.s32 @!p0 s2, $0x2;
	s0 =	sor.u32 @!p0 s0, s3;
	[tilespmem:$0xF208] =	vst v0  }
0x198: {  	[spmem:s5] =	stream.linear.scatter [tilespmem:s6], [sflag:$0x1], $0x2, $0x38;
	[tilespmem:$0x1F6F8] =	vst v63  }
0x199: {  	s2 =	sadd.s32 @!p0 $0x108, s2;
	s0 =	sshll.u32 @!p0 s0, $0x7  }
0x19a: {  	[spmem:s0] =	stream.linear.scatter @!p0 [tilespmem:s2], [sflag:$0x1], $0x80, $0x38;
	[tilespmem:$0x1F6F8] =	vst v63  }
0x19b: {  	s0 =	simm.s32 @!p0 $0x82  }
0x19c: {  	s28 =	simm.s32 $0x1;
	s0 =	simm.s32 @p0 $0x2  }
0x19d: {  	_ =	swait.ge [sflag:s28], s0  }
0x19e: {  	s0 =	ssub.s32 $0x0, s0;
	[sflag:s28] =	ssyncset.done $0x0  }
0x19f: {  	p0 =	sne.s32 s16, $0x0;
	[sflag:s28] =	ssyncadd.s32 s0  }
.Ltmp25:
0x1a0: {  	_ =	sfence.stream.spmem;
	(pc) =	sbr.rel @p0 .LBB3_39-.Ltmp25, $4  }
0x1a1: {  	s29 =	simm.s32 $0x3;
	[bflag:$0x0] =	sbarrier.arrive $0xFFFF  }
0x1a2: {  	s30 =	simm.s32 $0x4;
	[sflag:s29] =	ssyncpa.u1 $0x1  }
0x1a3: {  	s31 =	simm.s32 $0x3C;
	[sflag:s30] =	ssyncpa.u1 $0x1  }
0x1a4: {  	s15 =	rddreg [dreg:$0x5];
	[sflag:s31] =	ssyncpa.u1 $0x1  }
0x1a5: {  	_ =	sfence.stream.spmem;
	s0 =	simm.s32 $0x5  }
0x1a6: {  	s2 =	simm.s32 $0x1000;
	s3 =	simm.s32 $0xF218;
	[sflag:s0] =	ssyncpa.u1 $0x0  }
0x1a7: {  	[tilespmem:s3], [sflag:$0x5] =	stream.linear.gather [spmem:s2], $0x20, $0x38;
	[tilespmem:$0x1F6F8] =	vst v63  }
0x1a8: {  	s26 =	simm.s32 $0x0;
	s28 =	simm.s32 $0xF238  }
0x1a9: {  	[tilespmem:s28], [sflag:$0x5] =	stream.linear.gather [spmem:s26], $0x1000, $0x38;
	[tilespmem:$0x1F6F8] =	vst v63  }
0x1aa: {  	_ =	swait.ge [sflag:s0], $0x1020  }
0x1ab: {  	[sflag:s0] =	ssyncset.done $0x0  }
0x1ac: {  	s29 =	simm.s32 $0x0;
	[sflag:s0] =	ssyncadd.s32 $0xFFFFEFE0  }
0x1ad: {  	v0 =	vld.msk [tilespmem:s29+$0xF218], $0x1;
	_ =	sdelay $0x1  }
0x1ae: {  	s30 =	simm.s32 $0x1  }
0x1af: {  	v1 =	vld.msk [tilespmem:s30+$0xF218], $0x1;
	_ =	sdelay $0x1  }
0x1b0: {  	(v2sf) =	vpush v0, $0x0;
	_ =	sdelay $0x2  }
0x1b1: {  	(v2sf) =	vpush v1, $0x0;
	_ =	sdelay $0x2  }
0x1b2: {  	s31 =	simm.s32 $0x2  }
0x1b3: {  	v0 =	vld.msk [tilespmem:s31+$0xF218], $0x1;
	_ =	sdelay $0x2  }
0x1b4: {  	s4 =	simm.s32 $0xFFFFFFFF;
	s5 =	simm.s32 $0xFFFFFFFF;
	s0 =	simm.s32 $0xC  }
.LBB3_24:
0x1b5: {  	s2 =	smov.u32 s5;
	s3 =	smov.u32 s4  }
0x1b6: {  	s4 =	sshra.s32 s0, $0x2;
	p1 =	sne.s32 s0, $0x7C;
	s0 =	sadd.s32 $0x4, s0;
	(v2sf) =	vpush v0, $0x0  }
0x1b7: {  	v0 =	vld.msk [tilespmem:s4+$0xF218], $0x1  }
.Ltmp26:
0x1b8: {  	(pc) =	sbr.rel @p1 .LBB3_24-.Ltmp26, $4  }
0x1b9: {  	s5 =	spop (v2sf)  }
0x1ba: {  	p2 =	sne.s32 s3, $0xFFFFFFFF;
	s4 =	smov.u32 s5  }
0x1bb: {  	p3 =	seq.s32 s5, $0xFFFFFFFF;
	s4 =	smov.u32 @p2 s3  }
0x1bc: {  	s5 =	smov.u32 @p3 s2;
	s4 =	smov.u32 @p3 s3  }
0x1bd: {  	(v2sf) =	vpush v0, $0x0;
	_ =	sdelay $0x8  }
0x1be: {  	s0 =	spop (v2sf)  }
0x1bf: {  	p1 =	sne.s32 s4, $0xFFFFFFFF;
	s2 =	smov.u32 s0  }
0x1c0: {  	s9 =	simm.s32 $0x6;
	p2 =	seq.s32 s0, $0xFFFFFFFF;
	s2 =	smov.u32 @p1 s4  }
0x1c1: {  	s6 =	simm.s32 $0x0;
	s2 =	smov.u32 @p2 s4;
	s3 =	spop (v2sf)  }
0x1c2: {  	s0 =	smov.u32 @p2 s5;
	p1 =	sne.s32 s2, $0xFFFFFFFF;
	s4 =	smov.u32 s3  }
.Ltmp27:
0x1c3: {  	p2 =	seq.s32 s3, $0xFFFFFFFF;
	s4 =	smov.u32 @p1 s2;
	(pc) =	sbr.rel .LBB3_26-.Ltmp27, $4  }
0x1c4: {  	s10 =	simm.s32 $0xF188;
	s4 =	smov.u32 @p2 s2;
	s7 =	spop (v2sf)  }
0x1c5: {  	s11 =	simm.s32 $0x0;
	p1 =	sne.s32 s4, $0xFFFFFFFF;
	s8 =	smov.u32 s7  }
0x1c6: {  	s3 =	smov.u32 @p2 s0;
	p2 =	seq.s32 s7, $0xFFFFFFFF;
	s8 =	smov.u32 @p1 s4  }
0x1c7: {  	[sflag:s9] =	ssyncpa.u1 $0x0;
	s7 =	smov.u32 @p2 s3;
	s8 =	smov.u32 @p2 s4  }
.LBB3_32:
0x1c8: {  	p1 =	sgt.u32 s12, $0x270F0  }
0x1c9: {  	p2 =	seq.s32 @!p1 s12, s8  }
0x1ca: {  	p1 =	por p1, p2  }
0x1cb: {  	p2 =	sne.s32 @!p1 s12, s7  }
0x1cc: {  	p1 =	por p1, !p2  }
0x1cd: {  	s0 =	sshll.u32 @p1 s11, $0x9  }
0x1ce: {  	s0 =	sand.u32 @!p1 $0x3FFF8, s12  }
0x1cf: {  	s2 =	sand.u32 @!p1 $0x7, s12;
	s0 =	sadd.s32 @!p1 s1, s0  }
0x1d0: {  	[tilespmem:s10], [sflag:$0x6] =	stream.linear.gather @!p1 [hbm4b:s0+s2], $0x80, $0x38;
	[tilespmem:$0x1F6F8] =	vst v63  }
0x1d1: {  	_ =	swait.ge @!p1 [sflag:s9], $0x80  }
0x1d2: {  	[sflag:s9] =	ssyncset.done @!p1 $0x0  }
0x1d3: {  	[sflag:s9] =	ssyncadd.s32 @!p1 $0xFFFFFF80  }
0x1d4: {  	v1 =	vld @!p1 [tilespmem:$0xF188];
	_ =	sdelay $0x2  }
0x1d5: {  	s0 =	sshll.u32 @!p1 s11, $0x9  }
0x1d6: {  	s2 =	sshrl.u32 @!p1 s0, $0x2  }
0x1d7: {  	[tilespmem:s2+$0xF238] =	vst.add.f32.msk @!p1 $0xffff, v1  }
0x1d8: {  	v1 =	vld @!p1 [tilespmem:$0xF198];
	_ =	sdelay $0x4  }
0x1d9: {  	[tilespmem:s2+$0xF248] =	vst.add.f32.msk @!p1 $0xffff, v1  }
0x1da: {  	v1 =	vld @!p1 [tilespmem:$0xF1A8];
	_ =	sdelay $0x4  }
0x1db: {  	[tilespmem:s2+$0xF258] =	vst.add.f32.msk @!p1 $0xffff, v1  }
0x1dc: {  	v1 =	vld @!p1 [tilespmem:$0xF1B8];
	_ =	sdelay $0x4  }
0x1dd: {  	[tilespmem:s2+$0xF268] =	vst.add.f32.msk @!p1 $0xffff, v1  }
0x1de: {  	v1 =	vld @!p1 [tilespmem:$0xF1C8];
	_ =	sdelay $0x4  }
0x1df: {  	[tilespmem:s2+$0xF278] =	vst.add.f32.msk @!p1 $0xffff, v1  }
0x1e0: {  	v1 =	vld @!p1 [tilespmem:$0xF1D8];
	_ =	sdelay $0x4  }
0x1e1: {  	[tilespmem:s2+$0xF288] =	vst.add.f32.msk @!p1 $0xffff, v1  }
0x1e2: {  	v1 =	vld @!p1 [tilespmem:$0xF1E8];
	_ =	sdelay $0x4  }
0x1e3: {  	[tilespmem:s2+$0xF298] =	vst.add.f32.msk @!p1 $0xffff, v1  }
0x1e4: {  	v1 =	vld @!p1 [tilespmem:$0xF1F8];
	_ =	sdelay $0x4  }
0x1e5: {  	[tilespmem:s2+$0xF2A8] =	vst.add.f32.msk @!p1 $0xffff, v1  }
0x1e6: {  	s0 =	sshrl.u32 s0, $0x2;
	[tilespmem:s6+$0xF218] =	vst.msk $0x1, v0  }
0x1e7: {  	v0 =	vld [tilespmem:s0+$0xF238];
	_ =	sdelay $0x2  }
0x1e8: {  	s31 =	sshll.u32 s6, $0x9  }
0x1e9: {  	s2 =	sshra.s32 s31, $0x2  }
0x1ea: {  	[tilespmem:s2+$0xF238] =	vst v0  }
0x1eb: {  	v0 =	vld [tilespmem:s0+$0xF248];
	_ =	sdelay $0x4  }
0x1ec: {  	[tilespmem:s2+$0xF248] =	vst v0  }
0x1ed: {  	v0 =	vld [tilespmem:s0+$0xF258];
	_ =	sdelay $0x4  }
0x1ee: {  	[tilespmem:s2+$0xF258] =	vst v0  }
0x1ef: {  	v0 =	vld [tilespmem:s0+$0xF268];
	_ =	sdelay $0x4  }
0x1f0: {  	[tilespmem:s2+$0xF268] =	vst v0  }
0x1f1: {  	v0 =	vld [tilespmem:s0+$0xF278];
	_ =	sdelay $0x4  }
0x1f2: {  	[tilespmem:s2+$0xF278] =	vst v0  }
0x1f3: {  	v0 =	vld [tilespmem:s0+$0xF288];
	_ =	sdelay $0x4  }
0x1f4: {  	[tilespmem:s2+$0xF288] =	vst v0  }
0x1f5: {  	v0 =	vld [tilespmem:s0+$0xF298];
	_ =	sdelay $0x4  }
0x1f6: {  	[tilespmem:s2+$0xF298] =	vst v0  }
0x1f7: {  	v0 =	vld [tilespmem:s0+$0xF2A8];
	_ =	sdelay $0x4  }
0x1f8: {  	s6 =	sadd.s32 $0x1, s6;
	[tilespmem:s2+$0xF2A8] =	vst v0  }
.LBB3_33:
0x1f9: {  	s11 =	sadd.s32 $0x1, s11  }
0x1fa: {  	p1 =	sne.s32 s11, $0x20  }
.Ltmp28:
0x1fb: {  	_ = 	snop;
	(pc) =	sbr.rel @!p1 .LBB3_34-.Ltmp28, $1  }
0x1fc: {  	_ =	sdelay $0x3  }
.LBB3_26:
0x1fd: {  	v0 =	vld.msk [tilespmem:s11+$0xF218], $0x1;
	_ =	sdelay $0x4  }
0x1fe: {  	(v2sf) =	vpush v0, $0x0;
	_ =	sdelay $0xe  }
0x1ff: {  	s12 =	spop (v2sf)  }
0x200: {  	p1 =	seq.s32 s12, $0xFFFFFFFF  }
.Ltmp29:
0x201: {  	_ = 	snop;
	(pc) =	sbr.rel @p1 .LBB3_33-.Ltmp29, $1  }
0x202: {  	_ =	sdelay $0x3  }
0x203: {  	p1 =	slt.s32 s6, $0x1  }
.Ltmp30:
0x204: {  	_ = 	snop;
	(pc) =	sbr.rel @p1 .LBB3_32-.Ltmp30, $1  }
0x205: {  	_ =	sdelay $0x3  }
0x206: {  	s13 =	simm.s32 $0xF218;
	p1 =	por $0x0, $0x0  }
0x207: {  	v1 =	vld.msk @!p1 [tilespmem:s13+$0x0], $0x1;
	_ =	sdelay $0x4  }
0x208: {  	(v2sf) =	vpush @!p1 v1, $0x0;
	_ =	sdelay $0xd  }
0x209: {  	p3 =	sne.s32 s6, $0x1  }
.Ltmp31:
0x20a: {  	s0 =	spop @!p1 (v2sf);
	(pc) =	sbr.rel @!p3 .LBB3_30-.Ltmp31, $4  }
0x20b: {  	p2 =	seq.s32 @!p1 s12, s0  }
0x20c: {  	s14 =	simm.s32 $0x0;
	p2 =	por !p2, p1  }
0x20d: {  	s2 =	simm.s32 $0xFFFFFFFF;
	s14 =	simm.s32 @p2 $0xFFFFFFFF  }
0x20e: {  	s0 =	simm.s32 $0x1;
	s14 =	smov.u32 @p1 s2  }
.LBB3_29:
0x20f: {  	s2 =	smov.u32 s14;
	p1 =	sne.s32 s14, $0xFFFFFFFF  }
0x210: {  	s13 =	sadd.s32 $0x1, s13;
	s14 =	smov.u32 s0;
	s0 =	sadd.s32 $0x1, s0  }
0x211: {  	p2 =	sne.s32 s6, s0;
	v1 =	vld.msk @!p1 [tilespmem:s13+$0x0], $0x1;
	_ =	sdelay $0x4  }
0x212: {  	(v2sf) =	vpush @!p1 v1, $0x0;
	_ =	sdelay $0xe  }
.Ltmp32:
0x213: {  	s3 =	spop @!p1 (v2sf);
	(pc) =	sbr.rel @p2 .LBB3_29-.Ltmp32, $4  }
0x214: {  	p3 =	seq.s32 @!p1 s12, s3  }
0x215: {  	p3 =	por !p3, p1  }
0x216: {  	s14 =	simm.s32 @p3 $0xFFFFFFFF  }
0x217: {  	s14 =	smov.u32 @p1 s2  }
.LBB3_30:
0x218: {  	p1 =	seq.s32 s14, $0xFFFFFFFF  }
.Ltmp33:
0x219: {  	_ = 	snop;
	(pc) =	sbr.rel @p1 .LBB3_32-.Ltmp33, $1  }
0x21a: {  	_ =	sdelay $0x3  }
0x21b: {  	s0 =	sshll.u32 s11, $0x7  }
0x21c: {  	s0 =	sand.u32 $0x3FFFFF80, s0  }
0x21d: {  	v0 =	vld [tilespmem:s0+$0xF238];
	_ =	sdelay $0x2  }
0x21e: {  	s2 =	sshll.u32 s14, $0x9  }
0x21f: {  	s2 =	sshra.s32 s2, $0x2  }
0x220: {  	[tilespmem:s2+$0xF238] =	vst.add.f32.msk $0xffff, v0  }
0x221: {  	v0 =	vld [tilespmem:s0+$0xF248];
	_ =	sdelay $0x4  }
0x222: {  	[tilespmem:s2+$0xF248] =	vst.add.f32.msk $0xffff, v0  }
0x223: {  	v0 =	vld [tilespmem:s0+$0xF258];
	_ =	sdelay $0x4  }
0x224: {  	[tilespmem:s2+$0xF258] =	vst.add.f32.msk $0xffff, v0  }
0x225: {  	v0 =	vld [tilespmem:s0+$0xF268];
	_ =	sdelay $0x4  }
0x226: {  	[tilespmem:s2+$0xF268] =	vst.add.f32.msk $0xffff, v0  }
0x227: {  	v0 =	vld [tilespmem:s0+$0xF278];
	_ =	sdelay $0x4  }
0x228: {  	[tilespmem:s2+$0xF278] =	vst.add.f32.msk $0xffff, v0  }
0x229: {  	v0 =	vld [tilespmem:s0+$0xF288];
	_ =	sdelay $0x4  }
0x22a: {  	[tilespmem:s2+$0xF288] =	vst.add.f32.msk $0xffff, v0  }
0x22b: {  	v0 =	vld [tilespmem:s0+$0xF298];
	_ =	sdelay $0x4  }
0x22c: {  	[tilespmem:s2+$0xF298] =	vst.add.f32.msk $0xffff, v0  }
0x22d: {  	v0 =	vld [tilespmem:s0+$0xF2A8]  }
.Ltmp34:
0x22e: {  	_ = 	snop;
	(pc) =	sbr.rel .LBB3_33-.Ltmp34, $2  }
0x22f: {  	_ =	sdelay $0x2  }
0x230: {  	[tilespmem:s2+$0xF2A8] =	vst.add.f32.msk $0xffff, v0  }
.LBB3_34:
0x231: {  	s0 =	simm.s32 $0x6;
	p1 =	seq.s32 s6, $0x0  }
0x232: {  	[sflag:s0] =	ssyncpa.u1 $0x1;
	v0 =	vimm.s32 @p1 $0xFFFFFFFF  }
0x233: {  	s9 =	sadd.s32 $0xFFFFFFFF, s6;
	[tilespmem:$0x10238] =	vst @p1 v0  }
0x234: {  	v0 =	vld.msk @!p1 [tilespmem:s9+$0xF218], $0x1;
	_ =	sdelay $0x1  }
0x235: {  	v1 =	vld.msk @!p1 [tilespmem:$0xF218], $0x1;
	_ =	sdelay $0x2  }
0x236: {  	p2 =	seq.s32 @!p1 s9, $0x0;
	v0 =	vbroadcast @!p1 v0, $0x0  }
0x237: {  	vm0 =	vmmov @!p1 $0x1;
	p2 =	por !p2, p1  }
0x238: {  	v1 =	vnsel @!p1 vm0, $0xFFFFFFFF, v1;
	vm0 =	vcmask @!p1 $0x308;
	v0 =	vpsel !p2, $0xFFFFFFFF, v0  }
0x239: {  	p2 =	sne.s32 @!p1 s8, s7;
	v0 =	vsel @!p1 vm0, v1, v0  }
0x23a: {  	s0 =	simm.s32 @!p1 $0xF238;
	s2 =	simm.s32 @!p1 $0x0;
	p3 =	por !p2, p1;
	[tilespmem:$0x10238] =	vst @!p1 v0  }
0x23b: {  	[spmem:s2] =	stream.linear.scatter @!p1 [tilespmem:s0], [sflag:$0x1], $0x80, $0x38;
	[tilespmem:$0x1F6F8] =	vst v63  }
0x23c: {  	s0 =	sshll.u32 @!p3 s9, $0x9  }
0x23d: {  	s0 =	sshra.s32 @!p3 s0, $0x2  }
0x23e: {  	s2 =	simm.s32 @!p3 $0x80;
	s0 =	sadd.s32 @!p3 $0xF238, s0  }
0x23f: {  	[spmem:s2] =	stream.linear.scatter @!p3 [tilespmem:s0], [sflag:$0x1], $0x80, $0x38;
	[tilespmem:$0x1F6F8] =	vst v63  }
0x240: {  	s0 =	simm.s32 @!p3 $0x1  }
0x241: {  	_ =	swait.ge @!p3 [sflag:s0], $0x100  }
0x242: {  	p1 =	por p2, p1;
	[sflag:s0] =	ssyncset.done @!p3 $0x0  }
0x243: {  	[sflag:s0] =	ssyncadd.s32 @!p3 $0xFFFFFF00;
	s0 =	simm.s32 @!p1 $0x1  }
0x244: {  	_ =	swait.ge @!p1 [sflag:s0], $0x80  }
0x245: {  	s29 =	simm.s32 $0x10238;
	[sflag:s0] =	ssyncset.done @!p1 $0x0  }
0x246: {  	s30 =	simm.s32 $0x1000;
	s31 =	simm.s32 $0x1;
	[sflag:s0] =	ssyncadd.s32 @!p1 $0xFFFFFF80  }
0x247: {  	[spmem:s30] =	stream.linear.scatter [tilespmem:s29], [sflag:$0x1], $0x10, $0x38;
	[tilespmem:$0x1F6F8] =	vst v63  }
0x248: {  	_ =	swait.ge [sflag:s31], $0x10  }
0x249: {  	[sflag:s31] =	ssyncset.done $0x0  }
0x24a: {  	p1 =	seq.s32 s15, $0x0;
	s8 =	rddreg [dreg:$0x2];
	[sflag:s31] =	ssyncadd.s32 $0xFFFFFFF0  }
0x24b: {  	s2 =	sshll.u32 @p1 s8, $0xE;
	s7 =	rddreg [dreg:$0x3]  }
0x24c: {  	s0 =	sadd.s32 @p1 $0x15C3C, s2;
	s2 =	sshll.u32 @p1 s7, $0x11  }
0x24d: {  	_ =	sfence.stream.spmem;
	s0 =	sor.u32 @p1 s2, s0  }
0x24e: {  	[sflag:s0] =	ssyncadd.remote.s32 @p1 $0x1;
	s0 =	simm.s32 @p1 $0x4  }
0x24f: {  	s3 =	simm.s32 @!p1 $0x3C;
	s2 =	sand.u32 $0xFFFFFFFE, s8;
	_ =	swait.ge @p1 [sflag:s0], $0x22  }
0x250: {  	s4 =	simm.s32 @!p1 $0x0;
	s2 =	sadd.s32 @!p1 $0x4, s2;
	[sflag:s0] =	ssyncset.done @p1 $0x0  }
0x251: {  	s5 =	simm.s32 @!p1 $0x100;
	[sflag:s0] =	ssyncadd.s32 @p1 $0xFFFFFFDE;
	s0 =	sshll.u32 @!p1 s2, $0x1A  }
0x252: {  	s2 =	sshll.u32 @!p1 s2, $0xD;
	s0 =	sor.u32 @!p1 s0, s7;
	_ =	swait.eq @!p1 [sflag:s3], $0x1  }
0x253: {  	s2 =	sor.u32 @!p1 $0x1C04, s2;
	s3 =	simm.s32 @!p1 $0x1C03;
	s0 =	sor.u32 @!p1 $0x80004000, s0  }
0x254: {  	[spmem:s5], [sflag:s2] =	dma.general @!p1 [spmem:s4], [sflag:s3], length:$0x20, [dreg:$0x0], stride_count:$0x0, ici_dest:s0, dma_misc:DstOpCode:WRITE  }
0x255: {  	p2 =	slt.s32 s9, $0x2;
	s4 =	simm.s32 @!p1 $0x200;
	s5 =	simm.s32 @!p1 $0x202  }
0x256: {  	[spmem:s5], [sflag:s2] =	dma.general @!p1 [spmem:s4], [sflag:s3], length:$0x2, [dreg:$0x0], stride_count:$0x0, ici_dest:s0, dma_misc:DstOpCode:WRITE  }
.Ltmp35:
0x257: {  	s0 =	simm.s32 @!p1 $0x3;
	(pc) =	sbr.rel @p2 .LBB3_38-.Ltmp35, $4  }
0x258: {  	s2 =	sshll.u32 @!p1 s8, $0xE;
	_ =	swait.ge @!p1 [sflag:s0], $0x22  }
0x259: {  	s3 =	sshll.u32 @!p1 s7, $0x11;
	s2 =	sadd.s32 @!p1 $0x11C3C, s2;
	[sflag:s0] =	ssyncset.done @!p1 $0x0  }
0x25a: {  	[sflag:s0] =	ssyncadd.s32 @!p1 $0xFFFFFFDE;
	s0 =	sor.u32 @!p1 s3, s2  }
0x25b: {  	[sflag:s0] =	ssyncadd.remote.s32 @!p1 $0xFFFFFFFF;
	s0 =	simm.s32 $0x0  }
0x25c: {  	s0 =	simm.s32 $0xF219  }
0x25d: {  	v0 =	vld.msk [tilespmem:s0+$0x0], $0x1;
	_ =	sdelay $0x4  }
0x25e: {  	(v2sf) =	vpush v0, $0x0;
	_ =	sdelay $0xb  }
0x25f: {  	s31 =	sadd.s32 $0xFFFFFFFE, s6  }
0x260: {  	s0 =	sadd.s32 $0xFFFFFFFF, s31  }
0x261: {  	p2 =	sne.s32 s0, $0x0  }
.Ltmp36:
0x262: {  	s2 =	spop (v2sf);
	(pc) =	sbr.rel @!p2 .LBB3_37-.Ltmp36, $4  }
0x263: {  	s4 =	simm.s32 $0xF2B8;
	s7 =	simm.s32 $0x0;
	p1 =	sgt.u32 s2, $0x270F0  }
0x264: {  	s5 =	simm.s32 $0x0;
	s6 =	simm.s32 $0xF21A;
	s3 =	sand.u32 @!p1 $0x3FFF8, s2  }
0x265: {  	s2 =	sand.u32 @!p1 $0x7, s2;
	s7 =	simm.s32 @!p1 $0x200;
	s3 =	sadd.s32 @!p1 s1, s3  }
0x266: {  	[hbm4b:s3+s2] =	stream.linear.scatter @!p1 [tilespmem:s4], [sflag:$0x5], $0x80, $0x38;
	[tilespmem:$0x1F6F8] =	vst v63  }
.LBB3_36:
0x267: {  	v0 =	vld.msk [tilespmem:s6+$0x0], $0x1;
	s0 =	sadd.s32 $0xFFFFFFFF, s0;
	s5 =	sadd.s32 s5, s7  }
0x268: {  	p1 =	sne.s32 s0, $0x0;
	_ =	sdelay $0x3  }
0x269: {  	(v2sf) =	vpush v0, $0x0;
	_ =	sdelay $0xe  }
.Ltmp37:
0x26a: {  	s2 =	spop (v2sf);
	(pc) =	sbr.rel @p1 .LBB3_36-.Ltmp37, $4  }
0x26b: {  	s7 =	simm.s32 $0x0;
	p2 =	sgt.u32 s2, $0x270F0  }
0x26c: {  	s4 =	sadd.s32 $0x80, s4;
	s7 =	simm.s32 @!p2 $0x200;
	s3 =	sand.u32 @!p2 $0x3FFF8, s2  }
0x26d: {  	s6 =	sadd.s32 $0x1, s6;
	s2 =	sand.u32 @!p2 $0x7, s2;
	s3 =	sadd.s32 @!p2 s1, s3  }
0x26e: {  	[hbm4b:s3+s2] =	stream.linear.scatter @!p2 [tilespmem:s4], [sflag:$0x5], $0x80, $0x38;
	[tilespmem:$0x1F6F8] =	vst v63  }
.LBB3_37:
0x26f: {  	s0 =	sadd.s32 s5, s7  }
0x270: {  	s0 =	sshrl.u32 s0, $0x2  }
.LBB3_38:
0x271: {  	s2 =	simm.s32 $0x5  }
0x272: {  	_ =	swait.ge [sflag:s2], s0  }
0x273: {  	s31 =	ssub.s32 $0x0, s0;
	[sflag:s2] =	ssyncset.done $0x0  }
0x274: {  	[sflag:s2] =	ssyncadd.s32 s31  }
0x275: {  	[sflag:s2] =	ssyncpa.u1 $0x1  }
.LBB3_39:
0x276: {  	s0 =	sor.u32 s15, s16  }
0x277: {  	p1 =	sne.s32 s0, $0x0  }
.Ltmp38:
0x278: {  	_ = 	snop;
	(pc) =	sbr.rel @p1 .LBB3_54-.Ltmp38, $3  }
0x279: {  	_ =	sdelay $0x1  }
0x27a: {  	[bflag:$0x0] =	sbarrier.arrive $0xFFFF  }
0x27b: {  	_ =	sfence  }
0x27c: {  	s0 =	simm.s32 $0x7  }
0x27d: {  	s2 =	simm.s32 $0x1000;
	s3 =	simm.s32 $0xF218;
	[sflag:s0] =	ssyncpa.u1 $0x0  }
0x27e: {  	[tilespmem:s3], [sflag:$0x7] =	stream.linear.gather [spmem:s2], $0x20, $0x38;
	[tilespmem:$0x1F6F8] =	vst v63  }
0x27f: {  	s30 =	simm.s32 $0xF238;
	s2 =	simm.s32 $0x0  }
0x280: {  	[tilespmem:s30], [sflag:$0x7] =	stream.linear.gather [spmem:s2], $0x1000, $0x38;
	[tilespmem:$0x1F6F8] =	vst v63  }
.Ltmp39:
0x281: {  	_ = 	snop;
	(pc) =	sbr.rel .LBB3_41-.Ltmp39, $4  }
0x282: {  	_ =	swait.ge [sflag:s0], $0x1020  }
0x283: {  	[sflag:s0] =	ssyncset.done $0x0  }
0x284: {  	s31 =	simm.s32 $0x8;
	[sflag:s0] =	ssyncadd.s32 $0xFFFFEFE0  }
0x285: {  	s3 =	simm.s32 $0x0;
	[sflag:s31] =	ssyncpa.u1 $0x0  }
.LBB3_47:
0x286: {  	p1 =	slt.u32 s4, $0x270F1  }
0x287: {  	s0 =	sand.u32 @p1 $0x3FFF8, s4  }
0x288: {  	s4 =	sand.u32 @p1 $0x7, s4;
	s5 =	simm.s32 @p1 $0xF188;
	s0 =	sadd.s32 @p1 s1, s0  }
0x289: {  	[tilespmem:s5], [sflag:$0x8] =	stream.linear.gather @p1 [hbm4b:s0+s4], $0x80, $0x38;
	[tilespmem:$0x1F6F8] =	vst v63  }
0x28a: {  	s0 =	simm.s32 @p1 $0x8  }
0x28b: {  	_ =	swait.ge @p1 [sflag:s0], $0x80  }
0x28c: {  	[sflag:s0] =	ssyncset.done @p1 $0x0  }
0x28d: {  	[sflag:s0] =	ssyncadd.s32 @p1 $0xFFFFFF80  }
0x28e: {  	v1 =	vld @p1 [tilespmem:$0xF188];
	_ =	sdelay $0x2  }
0x28f: {  	s0 =	sshll.u32 @p1 s3, $0x9  }
0x290: {  	s4 =	sshrl.u32 @p1 s0, $0x2  }
0x291: {  	[tilespmem:s4+$0xF238] =	vst.add.f32.msk @p1 $0xffff, v1  }
0x292: {  	v1 =	vld @p1 [tilespmem:$0xF198];
	_ =	sdelay $0x4  }
0x293: {  	[tilespmem:s4+$0xF248] =	vst.add.f32.msk @p1 $0xffff, v1  }
0x294: {  	v1 =	vld @p1 [tilespmem:$0xF1A8];
	_ =	sdelay $0x4  }
0x295: {  	[tilespmem:s4+$0xF258] =	vst.add.f32.msk @p1 $0xffff, v1  }
0x296: {  	v1 =	vld @p1 [tilespmem:$0xF1B8];
	_ =	sdelay $0x4  }
0x297: {  	[tilespmem:s4+$0xF268] =	vst.add.f32.msk @p1 $0xffff, v1  }
0x298: {  	v1 =	vld @p1 [tilespmem:$0xF1C8];
	_ =	sdelay $0x4  }
0x299: {  	[tilespmem:s4+$0xF278] =	vst.add.f32.msk @p1 $0xffff, v1  }
0x29a: {  	v1 =	vld @p1 [tilespmem:$0xF1D8];
	_ =	sdelay $0x4  }
0x29b: {  	[tilespmem:s4+$0xF288] =	vst.add.f32.msk @p1 $0xffff, v1  }
0x29c: {  	v1 =	vld @p1 [tilespmem:$0xF1E8];
	_ =	sdelay $0x4  }
0x29d: {  	[tilespmem:s4+$0xF298] =	vst.add.f32.msk @p1 $0xffff, v1  }
0x29e: {  	v1 =	vld @p1 [tilespmem:$0xF1F8];
	_ =	sdelay $0x3  }
0x29f: {  	s5 =	sshll.u32 @!p1 s3, $0x9  }
0x2a0: {  	s5 =	smov.u32 @p1 s0;
	[tilespmem:s4+$0xF2A8] =	vst.add.f32.msk @p1 $0xffff, v1  }
0x2a1: {  	s0 =	sshrl.u32 s5, $0x2;
	[tilespmem:s2+$0xF218] =	vst.msk $0x1, v0  }
0x2a2: {  	v0 =	vld [tilespmem:s0+$0xF238];
	_ =	sdelay $0x2  }
0x2a3: {  	s31 =	sshll.u32 s2, $0x9  }
0x2a4: {  	s4 =	sshra.s32 s31, $0x2  }
0x2a5: {  	[tilespmem:s4+$0xF238] =	vst v0  }
0x2a6: {  	v0 =	vld [tilespmem:s0+$0xF248];
	_ =	sdelay $0x4  }
0x2a7: {  	[tilespmem:s4+$0xF248] =	vst v0  }
0x2a8: {  	v0 =	vld [tilespmem:s0+$0xF258];
	_ =	sdelay $0x4  }
0x2a9: {  	[tilespmem:s4+$0xF258] =	vst v0  }
0x2aa: {  	v0 =	vld [tilespmem:s0+$0xF268];
	_ =	sdelay $0x4  }
0x2ab: {  	[tilespmem:s4+$0xF268] =	vst v0  }
0x2ac: {  	v0 =	vld [tilespmem:s0+$0xF278];
	_ =	sdelay $0x4  }
0x2ad: {  	[tilespmem:s4+$0xF278] =	vst v0  }
0x2ae: {  	v0 =	vld [tilespmem:s0+$0xF288];
	_ =	sdelay $0x4  }
0x2af: {  	[tilespmem:s4+$0xF288] =	vst v0  }
0x2b0: {  	v0 =	vld [tilespmem:s0+$0xF298];
	_ =	sdelay $0x4  }
0x2b1: {  	[tilespmem:s4+$0xF298] =	vst v0  }
0x2b2: {  	v0 =	vld [tilespmem:s0+$0xF2A8];
	_ =	sdelay $0x4  }
0x2b3: {  	s2 =	sadd.s32 $0x1, s2;
	[tilespmem:s4+$0xF2A8] =	vst v0  }
.LBB3_48:
0x2b4: {  	s3 =	sadd.s32 $0x1, s3  }
0x2b5: {  	p1 =	sne.s32 s3, $0x20  }
.Ltmp40:
0x2b6: {  	_ = 	snop;
	(pc) =	sbr.rel @!p1 .LBB3_49-.Ltmp40, $1  }
0x2b7: {  	_ =	sdelay $0x3  }
.LBB3_41:
0x2b8: {  	v0 =	vld.msk [tilespmem:s3+$0xF218], $0x1;
	_ =	sdelay $0x4  }
0x2b9: {  	(v2sf) =	vpush v0, $0x0;
	_ =	sdelay $0xe  }
0x2ba: {  	s4 =	spop (v2sf)  }
0x2bb: {  	p1 =	seq.s32 s4, $0xFFFFFFFF  }
.Ltmp41:
0x2bc: {  	_ = 	snop;
	(pc) =	sbr.rel @p1 .LBB3_48-.Ltmp41, $1  }
0x2bd: {  	_ =	sdelay $0x3  }
0x2be: {  	p1 =	slt.s32 s2, $0x1  }
.Ltmp42:
0x2bf: {  	_ = 	snop;
	(pc) =	sbr.rel @p1 .LBB3_47-.Ltmp42, $1  }
0x2c0: {  	_ =	sdelay $0x3  }
0x2c1: {  	s5 =	simm.s32 $0xF218;
	p1 =	por $0x0, $0x0  }
0x2c2: {  	v1 =	vld.msk @!p1 [tilespmem:s5+$0x0], $0x1;
	_ =	sdelay $0x4  }
0x2c3: {  	(v2sf) =	vpush @!p1 v1, $0x0;
	_ =	sdelay $0xd  }
0x2c4: {  	p3 =	sne.s32 s2, $0x1  }
.Ltmp43:
0x2c5: {  	s0 =	spop @!p1 (v2sf);
	(pc) =	sbr.rel @!p3 .LBB3_45-.Ltmp43, $4  }
0x2c6: {  	p2 =	seq.s32 @!p1 s4, s0  }
0x2c7: {  	s6 =	simm.s32 $0x0;
	p2 =	por !p2, p1  }
0x2c8: {  	s7 =	simm.s32 $0xFFFFFFFF;
	s6 =	simm.s32 @p2 $0xFFFFFFFF  }
0x2c9: {  	s0 =	simm.s32 $0x1;
	s6 =	smov.u32 @p1 s7  }
.LBB3_44:
0x2ca: {  	s7 =	smov.u32 s6;
	p1 =	sne.s32 s6, $0xFFFFFFFF  }
0x2cb: {  	s5 =	sadd.s32 $0x1, s5;
	s6 =	smov.u32 s0;
	s0 =	sadd.s32 $0x1, s0  }
0x2cc: {  	p2 =	sne.s32 s2, s0;
	v1 =	vld.msk @!p1 [tilespmem:s5+$0x0], $0x1;
	_ =	sdelay $0x4  }
0x2cd: {  	(v2sf) =	vpush @!p1 v1, $0x0;
	_ =	sdelay $0xe  }
.Ltmp44:
0x2ce: {  	s8 =	spop @!p1 (v2sf);
	(pc) =	sbr.rel @p2 .LBB3_44-.Ltmp44, $4  }
0x2cf: {  	p3 =	seq.s32 @!p1 s4, s8  }
0x2d0: {  	p3 =	por !p3, p1  }
0x2d1: {  	s6 =	simm.s32 @p3 $0xFFFFFFFF  }
0x2d2: {  	s6 =	smov.u32 @p1 s7  }
.LBB3_45:
0x2d3: {  	p1 =	seq.s32 s6, $0xFFFFFFFF  }
.Ltmp45:
0x2d4: {  	_ = 	snop;
	(pc) =	sbr.rel @p1 .LBB3_47-.Ltmp45, $1  }
0x2d5: {  	_ =	sdelay $0x3  }
0x2d6: {  	s0 =	sshll.u32 s3, $0x7  }
0x2d7: {  	s0 =	sand.u32 $0x3FFFFF80, s0  }
0x2d8: {  	v0 =	vld [tilespmem:s0+$0xF238];
	_ =	sdelay $0x2  }
0x2d9: {  	s4 =	sshll.u32 s6, $0x9  }
0x2da: {  	s4 =	sshra.s32 s4, $0x2  }
0x2db: {  	[tilespmem:s4+$0xF238] =	vst.add.f32.msk $0xffff, v0  }
0x2dc: {  	v0 =	vld [tilespmem:s0+$0xF248];
	_ =	sdelay $0x4  }
0x2dd: {  	[tilespmem:s4+$0xF248] =	vst.add.f32.msk $0xffff, v0  }
0x2de: {  	v0 =	vld [tilespmem:s0+$0xF258];
	_ =	sdelay $0x4  }
0x2df: {  	[tilespmem:s4+$0xF258] =	vst.add.f32.msk $0xffff, v0  }
0x2e0: {  	v0 =	vld [tilespmem:s0+$0xF268];
	_ =	sdelay $0x4  }
0x2e1: {  	[tilespmem:s4+$0xF268] =	vst.add.f32.msk $0xffff, v0  }
0x2e2: {  	v0 =	vld [tilespmem:s0+$0xF278];
	_ =	sdelay $0x4  }
0x2e3: {  	[tilespmem:s4+$0xF278] =	vst.add.f32.msk $0xffff, v0  }
0x2e4: {  	v0 =	vld [tilespmem:s0+$0xF288];
	_ =	sdelay $0x4  }
0x2e5: {  	[tilespmem:s4+$0xF288] =	vst.add.f32.msk $0xffff, v0  }
0x2e6: {  	v0 =	vld [tilespmem:s0+$0xF298];
	_ =	sdelay $0x4  }
0x2e7: {  	[tilespmem:s4+$0xF298] =	vst.add.f32.msk $0xffff, v0  }
0x2e8: {  	v0 =	vld [tilespmem:s0+$0xF2A8]  }
.Ltmp46:
0x2e9: {  	_ = 	snop;
	(pc) =	sbr.rel .LBB3_48-.Ltmp46, $2  }
0x2ea: {  	_ =	sdelay $0x2  }
0x2eb: {  	[tilespmem:s4+$0xF2A8] =	vst.add.f32.msk $0xffff, v0  }
.LBB3_49:
0x2ec: {  	p1 =	slt.s32 s2, $0x1  }
.Ltmp47:
0x2ed: {  	_ = 	snop;
	(pc) =	sbr.rel @p1 .LBB3_53-.Ltmp47, $3  }
0x2ee: {  	_ =	sdelay $0x1  }
0x2ef: {  	s0 =	simm.s32 $0x8  }
0x2f0: {  	s3 =	simm.s32 $0x0;
	[sflag:s0] =	ssyncpa.u1 $0x1  }
0x2f1: {  	s0 =	simm.s32 $0xF218  }
0x2f2: {  	v0 =	vld.msk [tilespmem:s0+$0x0], $0x1;
	_ =	sdelay $0x4  }
0x2f3: {  	(v2sf) =	vpush v0, $0x0;
	_ =	sdelay $0xe  }
0x2f4: {  	s0 =	sadd.s32 $0xFFFFFFFF, s2;
	s5 =	spop (v2sf)  }
0x2f5: {  	p2 =	sne.s32 s0, $0x0;
	p1 =	sgt.u32 s5, $0x270F0  }
.Ltmp48:
0x2f6: {  	s6 =	sand.u32 @!p1 $0x3FFF8, s5;
	(pc) =	sbr.rel @!p2 .LBB3_52-.Ltmp48, $4  }
0x2f7: {  	s4 =	simm.s32 $0xF238;
	s5 =	sand.u32 @!p1 $0x7, s5;
	s2 =	sadd.s32 @!p1 s1, s6  }
0x2f8: {  	[hbm4b:s2+s5] =	stream.linear.scatter @!p1 [tilespmem:s4], [sflag:$0x7], $0x80, $0x38;
	[tilespmem:$0x1F6F8] =	vst v63  }
0x2f9: {  	s5 =	simm.s32 $0x0  }
0x2fa: {  	s2 =	simm.s32 $0xF219;
	s5 =	simm.s32 @!p1 $0x200  }
.LBB3_51:
0x2fb: {  	v0 =	vld.msk [tilespmem:s2+$0x0], $0x1;
	s0 =	sadd.s32 $0xFFFFFFFF, s0;
	s3 =	sadd.s32 s3, s5  }
0x2fc: {  	p1 =	sne.s32 s0, $0x0;
	_ =	sdelay $0x3  }
0x2fd: {  	(v2sf) =	vpush v0, $0x0;
	_ =	sdelay $0xe  }
.Ltmp49:
0x2fe: {  	s6 =	spop (v2sf);
	(pc) =	sbr.rel @p1 .LBB3_51-.Ltmp49, $4  }
0x2ff: {  	s5 =	simm.s32 $0x0;
	p2 =	sgt.u32 s6, $0x270F0  }
0x300: {  	s4 =	sadd.s32 $0x80, s4;
	s5 =	simm.s32 @!p2 $0x200;
	s7 =	sand.u32 @!p2 $0x3FFF8, s6  }
0x301: {  	s2 =	sadd.s32 $0x1, s2;
	s6 =	sand.u32 @!p2 $0x7, s6;
	s7 =	sadd.s32 @!p2 s1, s7  }
0x302: {  	[hbm4b:s7+s6] =	stream.linear.scatter @!p2 [tilespmem:s4], [sflag:$0x7], $0x80, $0x38;
	[tilespmem:$0x1F6F8] =	vst v63  }
.LBB3_52:
0x303: {  	s0 =	sadd.s32 s3, s5  }
0x304: {  	s3 =	sshrl.u32 s0, $0x2  }
.LBB3_53:
0x305: {  	s0 =	simm.s32 $0x7  }
0x306: {  	_ =	swait.ge [sflag:s0], s3  }
0x307: {  	s1 =	ssub.s32 $0x0, s3;
	[sflag:s0] =	ssyncset.done $0x0  }
0x308: {  	[sflag:s0] =	ssyncadd.s32 s1  }
0x309: {  	[sflag:s0] =	ssyncpa.u1 $0x1  }
.LBB3_54:
0x30a: {  	_ =	sfence;
	s0 =	simm.s32 $0x1  }
0x30b: {  	[sflag:s0] =	ssyncpa.u1 $0x1  }
0x30c: {  	_ =	strace $0x9000004A  }
0x30d: {  	[bflag:$0x2] =	sbarrier.arrive $0xFFFF  }
0x30e: {  	s0 =	rddreg [dreg:$0x4]  }
0x30f: {  	s0 =	sadd.s32 @!p0 $0x100000, s0  }
0x310: {  	[sflag:s0] =	ssyncadd.tile.s32 @!p0 $0x1;
	_ =	shalt  }
.Lfunc_end3:
_tile_overlayer_lowered:
.L_overlay_start_3:
0x311: {  	(tag) =	ssettag $0x3  }
0x312: {  	s0 =	rddreg [dreg:$0x0];
	s2 =	stileid.u32  }
0x313: {  	s1 =	rddreg [dreg:$0x1];
	p0 =	sne.s32 s2, $0x0  }
0x314: {  	s3 =	rddreg [dreg:$0x2];
	[bflag:$0x3] =	sbarrier.arrive $0xFFFF;
	s2 =	simm.s32 @!p0 $0x1C01  }
0x315: {  	[timem:s3], [sflag:s2] =	dma.local @!p0 [hbm:s0], s1  }
0x316: {  	s0 =	simm.s32 @!p0 $0x1  }
0x317: {  	_ =	swait.ge @!p0 [sflag:s0], s1  }
0x318: {  	s1 =	ssub.s32 @!p0 $0x0, s1;
	[sflag:s0] =	ssyncset.done @!p0 $0x0  }
0x319: {  	[sflag:s0] =	ssyncadd.s32 @!p0 s1  }
0x31a: {  	[bflag:$0x3] =	sbarrier.arrive $0xFFFF  }
0x31b: {  	_ =	shalt  }

</sc_bundles>
